<compile_context>
chip_gen: v7x
topology: tpu7x:2x2x1
jax: 0.10.2.dev20260603
libtpu: 0.0.44.dev20260713+nightly
codegen_flags: <defaults>
</compile_context>

<pallas_src>
import jax
import jax.numpy as jnp
from jax import lax
from jax.experimental import pallas as pl
from jax.experimental.pallas import tpu as pltpu
from jax.experimental.pallas import tpu_sc as plsc

N = 10000
E = 320000
IN_FEAT = 128
OUT_FEAT = 128
NUM_RELS = 230
NUM_BASES = 16
SI = 8
SO = 8
R64 = NUM_RELS * SI * SO
R32 = NUM_RELS * SI * SO // 2

NC = 2
NS = 16
L = 16

E2 = E // NC
CH = 800
GR = CH // L
NCHUNK = E2 // CH
IDX_COLS = 80
IDX_ROWS = CH // IDX_COLS


def _sc_body(xb_h, wb_h, src_h, dst_h, et_h, en_h, agg_h,
             w_v, agg_v,
             src0, dst0, et0, en0, xg0,
             src1, dst1, et1, en1, xg1,
             sem_e, sem_x0, sem_x1):
  c = lax.axis_index("c")
  s = lax.axis_index("s")
  wid = c * NS + s

  bufs = ((src0, dst0, et0, en0, xg0),
          (src1, dst1, et1, en1, xg1))
  sem_xs = (sem_x0, sem_x1)

  pltpu.sync_copy(wb_h.at[pl.ds(s * R32, R32)], w_v)

  zero = jnp.zeros((L,), jnp.float32)

  @plsc.parallel_loop(0, (N * SO) // L, unroll=4)
  def zbody(i):
    agg_v[pl.ds(i * L, L)] = zero

  ivecs = [jnp.full((L,), i, jnp.int32) for i in range(SI)]

  def edge_copies(g, b):
    base = c * E2 + g * CH
    sv, dv, tv, nv = bufs[b][:4]
    return [
        pltpu.make_async_copy(src_h.at[pl.ds(base, CH)], sv, sem_e),
        pltpu.make_async_copy(dst_h.at[pl.ds(base, CH)], dv, sem_e),
        pltpu.make_async_copy(et_h.at[pl.ds(base, CH)], tv, sem_e),
        pltpu.make_async_copy(en_h.at[pl.ds(base, CH)], nv, sem_e),
    ]

  def make_idx(b):
    sv = bufs[b][0]

    @plsc.parallel_loop(0, GR, unroll=2)
    def ibody(k):
      sv[pl.ds(k * L, L)] = sv[pl.ds(k * L, L)] + s * N

  def gather_copies(b):
    iv, xg = bufs[b][0], bufs[b][4]
    return [
        pltpu.make_async_copy(
            xb_h.at[iv.at[pl.ds(j * IDX_COLS, IDX_COLS)]],
            xg.at[pl.ds(j * IDX_COLS, IDX_COLS)],
            sem_xs[b])
        for j in range(IDX_ROWS)
    ]

  def compute(b):
    _, dv, tv, nv, xg = bufs[b]

    @plsc.parallel_loop(0, GR, unroll=2)
    def grp(k):
      eid = k * L + lax.iota(jnp.int32, L)
      tvv = tv[pl.ds(k * L, L)]
      dvv = dv[pl.ds(k * L, L)]
      nvv = nv[pl.ds(k * L, L)]
      t32 = tvv * (SI * SO // 2)
      d8 = dvv * SO
      xi = [plsc.load_gather(xg, [eid, ivecs[i]]) for i in range(SI)]
      for op in range(SO // 2):
        ae = None
        ao = None
        for i in range(SI):
          wp = plsc.load_gather(w_v, [t32 + (i * (SO // 2) + op)])
          we, wo = plsc.unpack(
              plsc.bitcast(wp, jnp.bfloat16),
              format=plsc.PackFormat.INTERLEAVED,
              preferred_element_type=jnp.float32)
          pe = xi[i] * we
          po = xi[i] * wo
          ae = pe if ae is None else ae + pe
          ao = po if ao is None else ao + po
        plsc.addupdate_scatter(agg_v, [d8 + 2 * op], ae * nvv)
        plsc.addupdate_scatter(agg_v, [d8 + (2 * op + 1)], ao * nvv)

  for cp in edge_copies(0, 0):
    cp.start()
  for cp in edge_copies(0, 0):
    cp.wait()
  make_idx(0)
  for cp in gather_copies(0):
    cp.start()
  for cp in edge_copies(1, 1):
    cp.start()

  def pair(gg, _):
    for b in range(2):
      g = gg * 2 + b
      ob = 1 - b
      if b == 0:
        for cp in edge_copies(g + 1, ob):
          cp.wait()
        make_idx(ob)
        for cp in gather_copies(ob):
          cp.start()
      else:
        @pl.when(gg < (NCHUNK // 2) - 1)
        def _():
          for cp in edge_copies(g + 1, ob):
            cp.wait()
          make_idx(ob)
          for cp in gather_copies(ob):
            cp.start()
      for cp in gather_copies(b):
        cp.wait()
      compute(b)

      @pl.when(gg < (NCHUNK // 2) - 1)
      def _():
        for cp in edge_copies(g + 2, b):
          cp.start()
    return 0

  lax.fori_loop(0, NCHUNK // 2, pair, 0, unroll=False)

  pltpu.sync_copy(agg_v, agg_h.at[wid])


def _sc_aggregate(xb, wb, src, dst, et, en):
  mesh = plsc.VectorSubcoreMesh(
      core_axis_name="c", subcore_axis_name="s",
      num_cores=NC, num_subcores=NS)
  return pl.kernel(
      _sc_body,
      out_type=jax.ShapeDtypeStruct((NC * NS, N * SO), jnp.float32),
      mesh=mesh,
      scratch_types=[
          pltpu.VMEM((R32,), jnp.int32),
          pltpu.VMEM((N * SO,), jnp.float32),
          pltpu.VMEM((CH,), jnp.int32),
          pltpu.VMEM((CH,), jnp.int32),
          pltpu.VMEM((CH,), jnp.int32),
          pltpu.VMEM((CH,), jnp.float32),
          pltpu.VMEM((CH, SI), jnp.float32),
          pltpu.VMEM((CH,), jnp.int32),
          pltpu.VMEM((CH,), jnp.int32),
          pltpu.VMEM((CH,), jnp.int32),
          pltpu.VMEM((CH,), jnp.float32),
          pltpu.VMEM((CH, SI), jnp.float32),
          pltpu.SemaphoreType.DMA,
          pltpu.SemaphoreType.DMA,
          pltpu.SemaphoreType.DMA,
      ],
      compiler_params=pltpu.CompilerParams(
          needs_layout_passes=False, use_tc_tiling_on_sc=False),
  )(xb, wb, src, dst, et, en)


BN = 1000


def _tc_body(agg_ref, x_ref, nn_ref, lw_ref, hb_ref, te_ref, out_ref, te_out_ref):
  ssum = agg_ref[0] + agg_ref[1]
  loopm = jnp.dot(x_ref[...], lw_ref[...], preferred_element_type=jnp.float32)
  out_ref[...] = ssum * nn_ref[...] + hb_ref[...] + loopm
  te_out_ref[...] = jnp.broadcast_to(te_ref[...], (BN, IN_FEAT))


def _tc_combine(agg2, x, node_norm, loop_weight, h_bias2, te_row):
  return pl.pallas_call(
      _tc_body,
      grid=(N // BN,),
      in_specs=[
          pl.BlockSpec((NC, BN, OUT_FEAT), lambda i: (0, i, 0)),
          pl.BlockSpec((BN, IN_FEAT), lambda i: (i, 0)),
          pl.BlockSpec((BN, 1), lambda i: (i, 0)),
          pl.BlockSpec((IN_FEAT, OUT_FEAT), lambda i: (0, 0)),
          pl.BlockSpec((1, OUT_FEAT), lambda i: (0, 0)),
          pl.BlockSpec((1, IN_FEAT), lambda i: (0, 0)),
      ],
      out_specs=[
          pl.BlockSpec((BN, OUT_FEAT), lambda i: (i, 0)),
          pl.BlockSpec((BN, IN_FEAT), lambda i: (i, 0)),
      ],
      out_shape=[
          jax.ShapeDtypeStruct((N, OUT_FEAT), jnp.float32),
          jax.ShapeDtypeStruct((N, IN_FEAT), jnp.float32),
      ],
  )(agg2, x, node_norm, loop_weight, h_bias2, te_row)


@jax.jit
def kernel(x, edge_index, edge_type, edge_norm, node_norm, time_t, weight,
           h_bias, time_embed, loop_weight):
  src = edge_index[0].astype(jnp.int32)
  dst = edge_index[1].astype(jnp.int32)
  et = edge_type.astype(jnp.int32)
  en = edge_norm.reshape(E).astype(jnp.float32)

  xb = x.reshape(N, NUM_BASES, SI).transpose(1, 0, 2).reshape(NUM_BASES * N, SI)
  wb = (weight.reshape(NUM_RELS, NUM_BASES, SI * SO)
             .transpose(1, 0, 2)
             .reshape(-1, 2)
             .astype(jnp.bfloat16))
  wb = jax.lax.bitcast_convert_type(wb, jnp.int32).reshape(-1)

  agg = _sc_aggregate(xb, wb, src, dst, et, en)
  agg2 = (agg.reshape(NC, NS, N, SO)
             .transpose(0, 2, 1, 3)
             .reshape(NC, N, OUT_FEAT))

  te_row = time_embed[time_t[0]].reshape(1, IN_FEAT)
  h_bias2 = h_bias.reshape(1, OUT_FEAT)

  node_repr, time_embedding = _tc_combine(
      agg2, x, node_norm, loop_weight, h_bias2, te_row)
  return node_repr, time_embedding

# --- scband reference (transcript-rebuilt; emitter-appended) ---
"""Pipeline reference for scband-rgcnlayer-26568667693632 (READ-ONLY COPY).

The authoritative reference and input builder live on the scoring server;
editing this copy changes nothing except your own understanding.
"""

import jax, jax.numpy as jnp
import numpy as np

N = 10000
E = 320000
IN_FEAT = 128
OUT_FEAT = 128
NUM_RELS = 230
NUM_BASES = 16
SUBMAT_IN = IN_FEAT // NUM_BASES
SUBMAT_OUT = OUT_FEAT // NUM_BASES
NUM_TIMES = 100


def setup_inputs(seed: int = 0) -> dict:
    key = jax.random.key(seed)
    k_x, k_ei, k_et, k_en, k_nn, k_t, k_w, k_te, k_lw = jax.random.split(key, 9)
    x = jax.random.normal(k_x, (N, IN_FEAT), dtype=jnp.float32)
    edge_index = jax.random.randint(k_ei, (2, E), 0, N, dtype=jnp.int64)
    edge_type = jax.random.randint(k_et, (E,), 0, NUM_RELS, dtype=jnp.int64)
    edge_norm = jax.random.uniform(k_en, (E, 1), dtype=jnp.float32)
    node_norm = jax.random.uniform(k_nn, (N, 1), dtype=jnp.float32)
    time_t = jax.random.randint(k_t, (1,), 0, NUM_TIMES, dtype=jnp.int64)
    # learned parameters (xavier-uniform style scaling)
    w_bound = float(np.sqrt(6.0 / (NUM_RELS + NUM_BASES * SUBMAT_IN * SUBMAT_OUT))) * float(np.sqrt(2.0))
    weight = jax.random.uniform(k_w, (NUM_RELS, NUM_BASES * SUBMAT_IN * SUBMAT_OUT), dtype=jnp.float32, minval=-w_bound, maxval=w_bound)
    h_bias = jnp.zeros((OUT_FEAT,), dtype=jnp.float32)
    te_bound = float(np.sqrt(6.0 / (NUM_TIMES + IN_FEAT))) * float(np.sqrt(2.0))
    time_embed = jax.random.uniform(k_te, (NUM_TIMES, IN_FEAT), dtype=jnp.float32, minval=-te_bound, maxval=te_bound)
    lw_bound = float(np.sqrt(6.0 / (IN_FEAT + OUT_FEAT))) * float(np.sqrt(2.0))
    loop_weight = jax.random.uniform(k_lw, (IN_FEAT, OUT_FEAT), dtype=jnp.float32, minval=-lw_bound, maxval=lw_bound)
    return {
        "x": x,
        "edge_index": edge_index,
        "edge_type": edge_type,
        "edge_norm": edge_norm,
        "node_norm": node_norm,
        "time_t": time_t,
        "weight": weight,
        "h_bias": h_bias,
        "time_embed": time_embed,
        "loop_weight": loop_weight,
    }


def reference(x, edge_index, edge_type, edge_norm, node_norm, time_t, weight, h_bias, time_embed, loop_weight):
    src = edge_index[0]
    dst = edge_index[1]
    # self-loop message
    loop_message = x @ loop_weight  # [N, OUT]
    # msg_func: block-diagonal (basis-decomposed) relation transform per edge
    w = jnp.take(weight, edge_type, axis=0).reshape(-1, SUBMAT_IN, SUBMAT_OUT)  # [E*NB, SI, SO]
    node = jnp.take(x, src, axis=0).reshape(-1, 1, SUBMAT_IN)  # [E*NB, 1, SI]
    msg = jnp.matmul(node, w).reshape(-1, OUT_FEAT)  # [E, OUT]
    msg = msg * edge_norm  # edge norm
    # fn.sum aggregation (scatter-add to dst nodes)
    agg = jnp.zeros((N, OUT_FEAT), dtype=msg.dtype).at[dst].add(msg)
    # apply_func: multiply by node norm
    node_repr = agg * node_norm
    # bias + self-loop (activation is None)
    node_repr = node_repr + h_bias
    node_repr = node_repr + loop_message
    # time embedding expanded over all nodes of the (single) graph
    time_embedding = jnp.broadcast_to(time_embed[time_t[0]][None, :], (N, IN_FEAT))
    return node_repr, time_embedding

if __name__ == "__main__":
    import jax
    _d = setup_inputs()
    print(jax.jit(kernel)(*tuple(_d.values())))

</pallas_src>

<mosaic_0001>
#map = affine_map<(d0, d1) -> (0, 0)>
#map1 = affine_map<(d0, d1) -> (0)>
module attributes {stable_mosaic.version = 14 : i64} {
  func.func @_sc_body(%arg0: i32, %arg1: i32, %arg2: memref<160000x8xf32, #tpu.memory_space<hbm>>, %arg3: memref<117760xi32, #tpu.memory_space<hbm>>, %arg4: memref<320000xi32, #tpu.memory_space<hbm>>, %arg5: memref<320000xi32, #tpu.memory_space<hbm>>, %arg6: memref<320000xi32, #tpu.memory_space<hbm>>, %arg7: memref<320000xf32, #tpu.memory_space<hbm>>, %arg8: memref<32x80000xf32, #tpu.memory_space<hbm>>, %arg9: memref<7360xi32, #tpu.memory_space<vmem>>, %arg10: memref<80000xf32, #tpu.memory_space<vmem>>, %arg11: memref<800xi32, #tpu.memory_space<vmem>>, %arg12: memref<800xi32, #tpu.memory_space<vmem>>, %arg13: memref<800xi32, #tpu.memory_space<vmem>>, %arg14: memref<800xf32, #tpu.memory_space<vmem>>, %arg15: memref<800x8xf32, #tpu.memory_space<vmem>>, %arg16: memref<800xi32, #tpu.memory_space<vmem>>, %arg17: memref<800xi32, #tpu.memory_space<vmem>>, %arg18: memref<800xi32, #tpu.memory_space<vmem>>, %arg19: memref<800xf32, #tpu.memory_space<vmem>>, %arg20: memref<800x8xf32, #tpu.memory_space<vmem>>, %arg21: memref<!tpu.dma_semaphore, #tpu.memory_space<semaphore_mem>>, %arg22: memref<!tpu.dma_semaphore, #tpu.memory_space<semaphore_mem>>, %arg23: memref<!tpu.dma_semaphore, #tpu.memory_space<semaphore_mem>>) attributes {dimension_semantics = [#tpu.dimension_semantics<core_parallel>, #tpu.dimension_semantics<subcore_parallel>], iteration_bounds = array<i64: 2, 16>, scalar_prefetch = 0 : i64, scratch_operands = 15 : i64, tpu.core_type = #tpu.core_type<sc_vector_subcore>, window_params = [{transform_indices = #map}, {transform_indices = #map1}, {transform_indices = #map1}, {transform_indices = #map1}, {transform_indices = #map1}, {transform_indices = #map1}, {transform_indices = #map}]} {
    %mul3A = arith.constant 16 : i32
    %mul3A_0 = arith.muli %arg0, %mul3A : i32
    %add3A = arith.addi %mul3A_0, %arg1 : i32
    %mul3A_1 = arith.constant 7360 : i32
    %mul3A_2 = arith.muli %arg1, %mul3A_1 : i32
    "tpu.region"() ({
      %run_scoped3A = tpu.sem_alloc : memref<!tpu.dma_semaphore, #tpu.memory_space<semaphore_mem>>
      %dma_start3A_145 = tpu.memref_slice %arg3[%mul3A_2] : memref<117760xi32, #tpu.memory_space<hbm>> -> memref<7360xi32, #tpu.memory_space<hbm>>
      %dma_start3A_146 = tpu.memref_slice %arg3[%mul3A_2] : memref<117760xi32, #tpu.memory_space<hbm>> -> memref<7360xi32, #tpu.memory_space<hbm>>
      tpu.enqueue_dma source(%dma_start3A_146 : memref<7360xi32, #tpu.memory_space<hbm>>) target(%arg9 : memref<7360xi32, #tpu.memory_space<vmem>>) target_semaphore(%run_scoped3A : memref<!tpu.dma_semaphore, #tpu.memory_space<semaphore_mem>>)
      %dma_wait3A_147 = tpu.memref_slice %arg3[%mul3A_2] : memref<117760xi32, #tpu.memory_space<hbm>> -> memref<7360xi32, #tpu.memory_space<hbm>>
      %dma_wait3A_148 = tpu.memref_slice %arg3[%mul3A_2] : memref<117760xi32, #tpu.memory_space<hbm>> -> memref<7360xi32, #tpu.memory_space<hbm>>
      tpu.wait_dma2 semaphore(%run_scoped3A : memref<!tpu.dma_semaphore, #tpu.memory_space<semaphore_mem>>) src(%dma_wait3A_148 : memref<7360xi32, #tpu.memory_space<hbm>>) dst(%arg9 : memref<7360xi32, #tpu.memory_space<vmem>>)
      tpu.yield
    }) : () -> ()
    %broadcast_in_dim3A = arith.constant 0.000000e+00 : f32
    %broadcast_in_dim3A_3 = vector.broadcast %broadcast_in_dim3A : f32 to vector<16xf32>
    %parallel_loop3A = arith.constant 0 : i32
    %parallel_loop3A_4 = arith.constant 5000 : i32
    %parallel_loop3A_5 = arith.constant 1 : i32
    scf.for %parallel_loop3A_145 = %parallel_loop3A to %parallel_loop3A_4 step %parallel_loop3A_5  : i32 {
      %parallel_loop3A_146 = arith.constant 16 : i32
      %parallel_loop3A_147 = arith.muli %parallel_loop3A_145, %parallel_loop3A_146 : i32
      %parallel_loop3A_148 = arith.index_cast %parallel_loop3A_147 : i32 to index
      %parallel_loop3A_149 = tpu.vector_load %arg10[%parallel_loop3A_148] {strides = array<i32>} : memref<80000xf32, #tpu.memory_space<vmem>>, vector<16xf32>,
      tpu.vector_store %arg10[%parallel_loop3A_148], %broadcast_in_dim3A_3 {strides = array<i32>} : memref<80000xf32, #tpu.memory_space<vmem>>, vector<16xf32>,
    } {sc.loop_unroll_factor = 4 : i64, sc.parallel_access}
    %broadcast_in_dim3A_6 = arith.constant 0 : i32
    %broadcast_in_dim3A_7 = vector.broadcast %broadcast_in_dim3A_6 : i32 to vector<16xi32>
    %broadcast_in_dim3A_8 = arith.constant 1 : i32
    %broadcast_in_dim3A_9 = vector.broadcast %broadcast_in_dim3A_8 : i32 to vector<16xi32>
    %broadcast_in_dim3A_10 = arith.constant 2 : i32
    %broadcast_in_dim3A_11 = vector.broadcast %broadcast_in_dim3A_10 : i32 to vector<16xi32>
    %broadcast_in_dim3A_12 = arith.constant 3 : i32
    %broadcast_in_dim3A_13 = vector.broadcast %broadcast_in_dim3A_12 : i32 to vector<16xi32>
    %broadcast_in_dim3A_14 = arith.constant 4 : i32
    %broadcast_in_dim3A_15 = vector.broadcast %broadcast_in_dim3A_14 : i32 to vector<16xi32>
    %broadcast_in_dim3A_16 = arith.constant 5 : i32
    %broadcast_in_dim3A_17 = vector.broadcast %broadcast_in_dim3A_16 : i32 to vector<16xi32>
    %broadcast_in_dim3A_18 = arith.constant 6 : i32
    %broadcast_in_dim3A_19 = vector.broadcast %broadcast_in_dim3A_18 : i32 to vector<16xi32>
    %broadcast_in_dim3A_20 = arith.constant 7 : i32
    %broadcast_in_dim3A_21 = vector.broadcast %broadcast_in_dim3A_20 : i32 to vector<16xi32>
    %mul3A_22 = arith.constant 160000 : i32
    %mul3A_23 = arith.muli %arg0, %mul3A_22 : i32
    %add3A_24 = arith.constant 0 : i32
    %add3A_25 = arith.addi %mul3A_23, %add3A_24 : i32
    %dma_start3A = tpu.memref_slice %arg4[%add3A_25] : memref<320000xi32, #tpu.memory_space<hbm>> -> memref<800xi32, #tpu.memory_space<hbm>>
    %dma_start3A_26 = tpu.memref_slice %arg4[%add3A_25] : memref<320000xi32, #tpu.memory_space<hbm>> -> memref<800xi32, #tpu.memory_space<hbm>>
    tpu.enqueue_dma source(%dma_start3A_26 : memref<800xi32, #tpu.memory_space<hbm>>) target(%arg11 : memref<800xi32, #tpu.memory_space<vmem>>) target_semaphore(%arg21 : memref<!tpu.dma_semaphore, #tpu.memory_space<semaphore_mem>>)
    %dma_start3A_27 = tpu.memref_slice %arg5[%add3A_25] : memref<320000xi32, #tpu.memory_space<hbm>> -> memref<800xi32, #tpu.memory_space<hbm>>
    %dma_start3A_28 = tpu.memref_slice %arg5[%add3A_25] : memref<320000xi32, #tpu.memory_space<hbm>> -> memref<800xi32, #tpu.memory_space<hbm>>
    tpu.enqueue_dma source(%dma_start3A_28 : memref<800xi32, #tpu.memory_space<hbm>>) target(%arg12 : memref<800xi32, #tpu.memory_space<vmem>>) target_semaphore(%arg21 : memref<!tpu.dma_semaphore, #tpu.memory_space<semaphore_mem>>)
    %dma_start3A_29 = tpu.memref_slice %arg6[%add3A_25] : memref<320000xi32, #tpu.memory_space<hbm>> -> memref<800xi32, #tpu.memory_space<hbm>>
    %dma_start3A_30 = tpu.memref_slice %arg6[%add3A_25] : memref<320000xi32, #tpu.memory_space<hbm>> -> memref<800xi32, #tpu.memory_space<hbm>>
    tpu.enqueue_dma source(%dma_start3A_30 : memref<800xi32, #tpu.memory_space<hbm>>) target(%arg13 : memref<800xi32, #tpu.memory_space<vmem>>) target_semaphore(%arg21 : memref<!tpu.dma_semaphore, #tpu.memory_space<semaphore_mem>>)
    %dma_start3A_31 = tpu.memref_slice %arg7[%add3A_25] : memref<320000xf32, #tpu.memory_space<hbm>> -> memref<800xf32, #tpu.memory_space<hbm>>
    %dma_start3A_32 = tpu.memref_slice %arg7[%add3A_25] : memref<320000xf32, #tpu.memory_space<hbm>> -> memref<800xf32, #tpu.memory_space<hbm>>
    tpu.enqueue_dma source(%dma_start3A_32 : memref<800xf32, #tpu.memory_space<hbm>>) target(%arg14 : memref<800xf32, #tpu.memory_space<vmem>>) target_semaphore(%arg21 : memref<!tpu.dma_semaphore, #tpu.memory_space<semaphore_mem>>)
    %mul3A_33 = arith.constant 160000 : i32
    %mul3A_34 = arith.muli %arg0, %mul3A_33 : i32
    %add3A_35 = arith.constant 0 : i32
    %add3A_36 = arith.addi %mul3A_34, %add3A_35 : i32
    %dma_wait3A = tpu.memref_slice %arg4[%add3A_36] : memref<320000xi32, #tpu.memory_space<hbm>> -> memref<800xi32, #tpu.memory_space<hbm>>
    %dma_wait3A_37 = tpu.memref_slice %arg4[%add3A_36] : memref<320000xi32, #tpu.memory_space<hbm>> -> memref<800xi32, #tpu.memory_space<hbm>>
    tpu.wait_dma2 semaphore(%arg21 : memref<!tpu.dma_semaphore, #tpu.memory_space<semaphore_mem>>) src(%dma_wait3A_37 : memref<800xi32, #tpu.memory_space<hbm>>) dst(%arg11 : memref<800xi32, #tpu.memory_space<vmem>>)
    %dma_wait3A_38 = tpu.memref_slice %arg5[%add3A_36] : memref<320000xi32, #tpu.memory_space<hbm>> -> memref<800xi32, #tpu.memory_space<hbm>>
    %dma_wait3A_39 = tpu.memref_slice %arg5[%add3A_36] : memref<320000xi32, #tpu.memory_space<hbm>> -> memref<800xi32, #tpu.memory_space<hbm>>
    tpu.wait_dma2 semaphore(%arg21 : memref<!tpu.dma_semaphore, #tpu.memory_space<semaphore_mem>>) src(%dma_wait3A_39 : memref<800xi32, #tpu.memory_space<hbm>>) dst(%arg12 : memref<800xi32, #tpu.memory_space<vmem>>)
    %dma_wait3A_40 = tpu.memref_slice %arg6[%add3A_36] : memref<320000xi32, #tpu.memory_space<hbm>> -> memref<800xi32, #tpu.memory_space<hbm>>
    %dma_wait3A_41 = tpu.memref_slice %arg6[%add3A_36] : memref<320000xi32, #tpu.memory_space<hbm>> -> memref<800xi32, #tpu.memory_space<hbm>>
    tpu.wait_dma2 semaphore(%arg21 : memref<!tpu.dma_semaphore, #tpu.memory_space<semaphore_mem>>) src(%dma_wait3A_41 : memref<800xi32, #tpu.memory_space<hbm>>) dst(%arg13 : memref<800xi32, #tpu.memory_space<vmem>>)
    %dma_wait3A_42 = tpu.memref_slice %arg7[%add3A_36] : memref<320000xf32, #tpu.memory_space<hbm>> -> memref<800xf32, #tpu.memory_space<hbm>>
    %dma_wait3A_43 = tpu.memref_slice %arg7[%add3A_36] : memref<320000xf32, #tpu.memory_space<hbm>> -> memref<800xf32, #tpu.memory_space<hbm>>
    tpu.wait_dma2 semaphore(%arg21 : memref<!tpu.dma_semaphore, #tpu.memory_space<semaphore_mem>>) src(%dma_wait3A_43 : memref<800xf32, #tpu.memory_space<hbm>>) dst(%arg14 : memref<800xf32, #tpu.memory_space<vmem>>)
    %parallel_loop3A_44 = arith.constant 0 : i32
    %parallel_loop3A_45 = arith.constant 50 : i32
    %parallel_loop3A_46 = arith.constant 1 : i32
    scf.for %parallel_loop3A_145 = %parallel_loop3A_44 to %parallel_loop3A_45 step %parallel_loop3A_46  : i32 {
      %parallel_loop3A_146 = arith.constant 16 : i32
      %parallel_loop3A_147 = arith.muli %parallel_loop3A_145, %parallel_loop3A_146 : i32
      %parallel_loop3A_148 = arith.index_cast %parallel_loop3A_147 : i32 to index
      %parallel_loop3A_149 = tpu.vector_load %arg11[%parallel_loop3A_148] {strides = array<i32>} : memref<800xi32, #tpu.memory_space<vmem>>, vector<16xi32>,
      %parallel_loop3A_150 = arith.constant 10000 : i32
      %parallel_loop3A_151 = arith.muli %arg1, %parallel_loop3A_150 : i32
      %parallel_loop3A_152 = vector.broadcast %parallel_loop3A_151 : i32 to vector<16xi32>
      %parallel_loop3A_153 = arith.addi %parallel_loop3A_149, %parallel_loop3A_152 : vector<16xi32>
      %parallel_loop3A_154 = arith.constant 16 : i32
      %parallel_loop3A_155 = arith.muli %parallel_loop3A_145, %parallel_loop3A_154 : i32
      %parallel_loop3A_156 = arith.index_cast %parallel_loop3A_155 : i32 to index
      %parallel_loop3A_157 = tpu.vector_load %arg11[%parallel_loop3A_156] {strides = array<i32>} : memref<800xi32, #tpu.memory_space<vmem>>, vector<16xi32>,
      tpu.vector_store %arg11[%parallel_loop3A_156], %parallel_loop3A_153 {strides = array<i32>} : memref<800xi32, #tpu.memory_space<vmem>>, vector<16xi32>,
    } {sc.loop_unroll_factor = 2 : i64, sc.parallel_access}
    %dma_start3A_47 = arith.constant 0 : i32
    %dma_start3A_48 = arith.constant 0 : i32
    %dma_start3A_49 = tpu.memref_slice %arg15[%dma_start3A_47, %dma_start3A_48] : memref<800x8xf32, #tpu.memory_space<vmem>> -> memref<80x8xf32, #tpu.memory_space<vmem>>
    %dma_start3A_50 = arith.constant 0 : i32
    %dma_start3A_51 = tpu.memref_slice %arg11[%dma_start3A_50] : memref<800xi32, #tpu.memory_space<vmem>> -> memref<80xi32, #tpu.memory_space<vmem>>
    %dma_start3A_52 = arith.constant 0 : i32
    %dma_start3A_53 = arith.constant 0 : i32
    %dma_start3A_54 = tpu.memref_slice %arg2[%dma_start3A_52, %dma_start3A_53] : memref<160000x8xf32, #tpu.memory_space<hbm>> -> memref<160000x8xf32, #tpu.memory_space<hbm>>
    tpu.enqueue_indirect_dma source(%dma_start3A_54 : memref<160000x8xf32, #tpu.memory_space<hbm>>) target(%dma_start3A_49 : memref<80x8xf32, #tpu.memory_space<vmem>>) offsets(%dma_start3A_51 : memref<80xi32, #tpu.memory_space<vmem>>) semaphore(%arg22 : memref<!tpu.dma_semaphore, #tpu.memory_space<semaphore_mem>>)
    %dma_start3A_55 = arith.constant 80 : i32
    %dma_start3A_56 = arith.constant 0 : i32
    %dma_start3A_57 = tpu.memref_slice %arg15[%dma_start3A_55, %dma_start3A_56] : memref<800x8xf32, #tpu.memory_space<vmem>> -> memref<80x8xf32, #tpu.memory_space<vmem>>
    %dma_start3A_58 = arith.constant 80 : i32
    %dma_start3A_59 = tpu.memref_slice %arg11[%dma_start3A_58] : memref<800xi32, #tpu.memory_space<vmem>> -> memref<80xi32, #tpu.memory_space<vmem>>
    %dma_start3A_60 = arith.constant 0 : i32
    %dma_start3A_61 = arith.constant 0 : i32
    %dma_start3A_62 = tpu.memref_slice %arg2[%dma_start3A_60, %dma_start3A_61] : memref<160000x8xf32, #tpu.memory_space<hbm>> -> memref<160000x8xf32, #tpu.memory_space<hbm>>
    tpu.enqueue_indirect_dma source(%dma_start3A_62 : memref<160000x8xf32, #tpu.memory_space<hbm>>) target(%dma_start3A_57 : memref<80x8xf32, #tpu.memory_space<vmem>>) offsets(%dma_start3A_59 : memref<80xi32, #tpu.memory_space<vmem>>) semaphore(%arg22 : memref<!tpu.dma_semaphore, #tpu.memory_space<semaphore_mem>>)
    %dma_start3A_63 = arith.constant 160 : i32
    %dma_start3A_64 = arith.constant 0 : i32
    %dma_start3A_65 = tpu.memref_slice %arg15[%dma_start3A_63, %dma_start3A_64] : memref<800x8xf32, #tpu.memory_space<vmem>> -> memref<80x8xf32, #tpu.memory_space<vmem>>
    %dma_start3A_66 = arith.constant 160 : i32
    %dma_start3A_67 = tpu.memref_slice %arg11[%dma_start3A_66] : memref<800xi32, #tpu.memory_space<vmem>> -> memref<80xi32, #tpu.memory_space<vmem>>
    %dma_start3A_68 = arith.constant 0 : i32
    %dma_start3A_69 = arith.constant 0 : i32
    %dma_start3A_70 = tpu.memref_slice %arg2[%dma_start3A_68, %dma_start3A_69] : memref<160000x8xf32, #tpu.memory_space<hbm>> -> memref<160000x8xf32, #tpu.memory_space<hbm>>
    tpu.enqueue_indirect_dma source(%dma_start3A_70 : memref<160000x8xf32, #tpu.memory_space<hbm>>) target(%dma_start3A_65 : memref<80x8xf32, #tpu.memory_space<vmem>>) offsets(%dma_start3A_67 : memref<80xi32, #tpu.memory_space<vmem>>) semaphore(%arg22 : memref<!tpu.dma_semaphore, #tpu.memory_space<semaphore_mem>>)
    %dma_start3A_71 = arith.constant 240 : i32
    %dma_start3A_72 = arith.constant 0 : i32
    %dma_start3A_73 = tpu.memref_slice %arg15[%dma_start3A_71, %dma_start3A_72] : memref<800x8xf32, #tpu.memory_space<vmem>> -> memref<80x8xf32, #tpu.memory_space<vmem>>
    %dma_start3A_74 = arith.constant 240 : i32
    %dma_start3A_75 = tpu.memref_slice %arg11[%dma_start3A_74] : memref<800xi32, #tpu.memory_space<vmem>> -> memref<80xi32, #tpu.memory_space<vmem>>
    %dma_start3A_76 = arith.constant 0 : i32
    %dma_start3A_77 = arith.constant 0 : i32
    %dma_start3A_78 = tpu.memref_slice %arg2[%dma_start3A_76, %dma_start3A_77] : memref<160000x8xf32, #tpu.memory_space<hbm>> -> memref<160000x8xf32, #tpu.memory_space<hbm>>
    tpu.enqueue_indirect_dma source(%dma_start3A_78 : memref<160000x8xf32, #tpu.memory_space<hbm>>) target(%dma_start3A_73 : memref<80x8xf32, #tpu.memory_space<vmem>>) offsets(%dma_start3A_75 : memref<80xi32, #tpu.memory_space<vmem>>) semaphore(%arg22 : memref<!tpu.dma_semaphore, #tpu.memory_space<semaphore_mem>>)
    %dma_start3A_79 = arith.constant 320 : i32
    %dma_start3A_80 = arith.constant 0 : i32
    %dma_start3A_81 = tpu.memref_slice %arg15[%dma_start3A_79, %dma_start3A_80] : memref<800x8xf32, #tpu.memory_space<vmem>> -> memref<80x8xf32, #tpu.memory_space<vmem>>
    %dma_start3A_82 = arith.constant 320 : i32
    %dma_start3A_83 = tpu.memref_slice %arg11[%dma_start3A_82] : memref<800xi32, #tpu.memory_space<vmem>> -> memref<80xi32, #tpu.memory_space<vmem>>
    %dma_start3A_84 = arith.constant 0 : i32
    %dma_start3A_85 = arith.constant 0 : i32
    %dma_start3A_86 = tpu.memref_slice %arg2[%dma_start3A_84, %dma_start3A_85] : memref<160000x8xf32, #tpu.memory_space<hbm>> -> memref<160000x8xf32, #tpu.memory_space<hbm>>
    tpu.enqueue_indirect_dma source(%dma_start3A_86 : memref<160000x8xf32, #tpu.memory_space<hbm>>) target(%dma_start3A_81 : memref<80x8xf32, #tpu.memory_space<vmem>>) offsets(%dma_start3A_83 : memref<80xi32, #tpu.memory_space<vmem>>) semaphore(%arg22 : memref<!tpu.dma_semaphore, #tpu.memory_space<semaphore_mem>>)
    %dma_start3A_87 = arith.constant 400 : i32
    %dma_start3A_88 = arith.constant 0 : i32
    %dma_start3A_89 = tpu.memref_slice %arg15[%dma_start3A_87, %dma_start3A_88] : memref<800x8xf32, #tpu.memory_space<vmem>> -> memref<80x8xf32, #tpu.memory_space<vmem>>
    %dma_start3A_90 = arith.constant 400 : i32
    %dma_start3A_91 = tpu.memref_slice %arg11[%dma_start3A_90] : memref<800xi32, #tpu.memory_space<vmem>> -> memref<80xi32, #tpu.memory_space<vmem>>
    %dma_start3A_92 = arith.constant 0 : i32
    %dma_start3A_93 = arith.constant 0 : i32
    %dma_start3A_94 = tpu.memref_slice %arg2[%dma_start3A_92, %dma_start3A_93] : memref<160000x8xf32, #tpu.memory_space<hbm>> -> memref<160000x8xf32, #tpu.memory_space<hbm>>
    tpu.enqueue_indirect_dma source(%dma_start3A_94 : memref<160000x8xf32, #tpu.memory_space<hbm>>) target(%dma_start3A_89 : memref<80x8xf32, #tpu.memory_space<vmem>>) offsets(%dma_start3A_91 : memref<80xi32, #tpu.memory_space<vmem>>) semaphore(%arg22 : memref<!tpu.dma_semaphore, #tpu.memory_space<semaphore_mem>>)
    %dma_start3A_95 = arith.constant 480 : i32
    %dma_start3A_96 = arith.constant 0 : i32
    %dma_start3A_97 = tpu.memref_slice %arg15[%dma_start3A_95, %dma_start3A_96] : memref<800x8xf32, #tpu.memory_space<vmem>> -> memref<80x8xf32, #tpu.memory_space<vmem>>
    %dma_start3A_98 = arith.constant 480 : i32
    %dma_start3A_99 = tpu.memref_slice %arg11[%dma_start3A_98] : memref<800xi32, #tpu.memory_space<vmem>> -> memref<80xi32, #tpu.memory_space<vmem>>
    %dma_start3A_100 = arith.constant 0 : i32
    %dma_start3A_101 = arith.constant 0 : i32
    %dma_start3A_102 = tpu.memref_slice %arg2[%dma_start3A_100, %dma_start3A_101] : memref<160000x8xf32, #tpu.memory_space<hbm>> -> memref<160000x8xf32, #tpu.memory_space<hbm>>
    tpu.enqueue_indirect_dma source(%dma_start3A_102 : memref<160000x8xf32, #tpu.memory_space<hbm>>) target(%dma_start3A_97 : memref<80x8xf32, #tpu.memory_space<vmem>>) offsets(%dma_start3A_99 : memref<80xi32, #tpu.memory_space<vmem>>) semaphore(%arg22 : memref<!tpu.dma_semaphore, #tpu.memory_space<semaphore_mem>>)
    %dma_start3A_103 = arith.constant 560 : i32
    %dma_start3A_104 = arith.constant 0 : i32
    %dma_start3A_105 = tpu.memref_slice %arg15[%dma_start3A_103, %dma_start3A_104] : memref<800x8xf32, #tpu.memory_space<vmem>> -> memref<80x8xf32, #tpu.memory_space<vmem>>
    %dma_start3A_106 = arith.constant 560 : i32
    %dma_start3A_107 = tpu.memref_slice %arg11[%dma_start3A_106] : memref<800xi32, #tpu.memory_space<vmem>> -> memref<80xi32, #tpu.memory_space<vmem>>
    %dma_start3A_108 = arith.constant 0 : i32
    %dma_start3A_109 = arith.constant 0 : i32
    %dma_start3A_110 = tpu.memref_slice %arg2[%dma_start3A_108, %dma_start3A_109] : memref<160000x8xf32, #tpu.memory_space<hbm>> -> memref<160000x8xf32, #tpu.memory_space<hbm>>
    tpu.enqueue_indirect_dma source(%dma_start3A_110 : memref<160000x8xf32, #tpu.memory_space<hbm>>) target(%dma_start3A_105 : memref<80x8xf32, #tpu.memory_space<vmem>>) offsets(%dma_start3A_107 : memref<80xi32, #tpu.memory_space<vmem>>) semaphore(%arg22 : memref<!tpu.dma_semaphore, #tpu.memory_space<semaphore_mem>>)
    %dma_start3A_111 = arith.constant 640 : i32
    %dma_start3A_112 = arith.constant 0 : i32
    %dma_start3A_113 = tpu.memref_slice %arg15[%dma_start3A_111, %dma_start3A_112] : memref<800x8xf32, #tpu.memory_space<vmem>> -> memref<80x8xf32, #tpu.memory_space<vmem>>
    %dma_start3A_114 = arith.constant 640 : i32
    %dma_start3A_115 = tpu.memref_slice %arg11[%dma_start3A_114] : memref<800xi32, #tpu.memory_space<vmem>> -> memref<80xi32, #tpu.memory_space<vmem>>
    %dma_start3A_116 = arith.constant 0 : i32
    %dma_start3A_117 = arith.constant 0 : i32
    %dma_start3A_118 = tpu.memref_slice %arg2[%dma_start3A_116, %dma_start3A_117] : memref<160000x8xf32, #tpu.memory_space<hbm>> -> memref<160000x8xf32, #tpu.memory_space<hbm>>
    tpu.enqueue_indirect_dma source(%dma_start3A_118 : memref<160000x8xf32, #tpu.memory_space<hbm>>) target(%dma_start3A_113 : memref<80x8xf32, #tpu.memory_space<vmem>>) offsets(%dma_start3A_115 : memref<80xi32, #tpu.memory_space<vmem>>) semaphore(%arg22 : memref<!tpu.dma_semaphore, #tpu.memory_space<semaphore_mem>>)
    %dma_start3A_119 = arith.constant 720 : i32
    %dma_start3A_120 = arith.constant 0 : i32
    %dma_start3A_121 = tpu.memref_slice %arg15[%dma_start3A_119, %dma_start3A_120] : memref<800x8xf32, #tpu.memory_space<vmem>> -> memref<80x8xf32, #tpu.memory_space<vmem>>
    %dma_start3A_122 = arith.constant 720 : i32
    %dma_start3A_123 = tpu.memref_slice %arg11[%dma_start3A_122] : memref<800xi32, #tpu.memory_space<vmem>> -> memref<80xi32, #tpu.memory_space<vmem>>
    %dma_start3A_124 = arith.constant 0 : i32
    %dma_start3A_125 = arith.constant 0 : i32
    %dma_start3A_126 = tpu.memref_slice %arg2[%dma_start3A_124, %dma_start3A_125] : memref<160000x8xf32, #tpu.memory_space<hbm>> -> memref<160000x8xf32, #tpu.memory_space<hbm>>
    tpu.enqueue_indirect_dma source(%dma_start3A_126 : memref<160000x8xf32, #tpu.memory_space<hbm>>) target(%dma_start3A_121 : memref<80x8xf32, #tpu.memory_space<vmem>>) offsets(%dma_start3A_123 : memref<80xi32, #tpu.memory_space<vmem>>) semaphore(%arg22 : memref<!tpu.dma_semaphore, #tpu.memory_space<semaphore_mem>>)
    %mul3A_127 = arith.constant 160000 : i32
    %mul3A_128 = arith.muli %arg0, %mul3A_127 : i32
    %add3A_129 = arith.constant 800 : i32
    %add3A_130 = arith.addi %mul3A_128, %add3A_129 : i32
    %dma_start3A_131 = tpu.memref_slice %arg4[%add3A_130] : memref<320000xi32, #tpu.memory_space<hbm>> -> memref<800xi32, #tpu.memory_space<hbm>>
    %dma_start3A_132 = tpu.memref_slice %arg4[%add3A_130] : memref<320000xi32, #tpu.memory_space<hbm>> -> memref<800xi32, #tpu.memory_space<hbm>>
    tpu.enqueue_dma source(%dma_start3A_132 : memref<800xi32, #tpu.memory_space<hbm>>) target(%arg16 : memref<800xi32, #tpu.memory_space<vmem>>) target_semaphore(%arg21 : memref<!tpu.dma_semaphore, #tpu.memory_space<semaphore_mem>>)
    %dma_start3A_133 = tpu.memref_slice %arg5[%add3A_130] : memref<320000xi32, #tpu.memory_space<hbm>> -> memref<800xi32, #tpu.memory_space<hbm>>
    %dma_start3A_134 = tpu.memref_slice %arg5[%add3A_130] : memref<320000xi32, #tpu.memory_space<hbm>> -> memref<800xi32, #tpu.memory_space<hbm>>
    tpu.enqueue_dma source(%dma_start3A_134 : memref<800xi32, #tpu.memory_space<hbm>>) target(%arg17 : memref<800xi32, #tpu.memory_space<vmem>>) target_semaphore(%arg21 : memref<!tpu.dma_semaphore, #tpu.memory_space<semaphore_mem>>)
    %dma_start3A_135 = tpu.memref_slice %arg6[%add3A_130] : memref<320000xi32, #tpu.memory_space<hbm>> -> memref<800xi32, #tpu.memory_space<hbm>>
    %dma_start3A_136 = tpu.memref_slice %arg6[%add3A_130] : memref<320000xi32, #tpu.memory_space<hbm>> -> memref<800xi32, #tpu.memory_space<hbm>>
    tpu.enqueue_dma source(%dma_start3A_136 : memref<800xi32, #tpu.memory_space<hbm>>) target(%arg18 : memref<800xi32, #tpu.memory_space<vmem>>) target_semaphore(%arg21 : memref<!tpu.dma_semaphore, #tpu.memory_space<semaphore_mem>>)
    %dma_start3A_137 = tpu.memref_slice %arg7[%add3A_130] : memref<320000xf32, #tpu.memory_space<hbm>> -> memref<800xf32, #tpu.memory_space<hbm>>
    %dma_start3A_138 = tpu.memref_slice %arg7[%add3A_130] : memref<320000xf32, #tpu.memory_space<hbm>> -> memref<800xf32, #tpu.memory_space<hbm>>
    tpu.enqueue_dma source(%dma_start3A_138 : memref<800xf32, #tpu.memory_space<hbm>>) target(%arg19 : memref<800xf32, #tpu.memory_space<vmem>>) target_semaphore(%arg21 : memref<!tpu.dma_semaphore, #tpu.memory_space<semaphore_mem>>)
    %scan3A = arith.constant 0 : i32
    %scan3A_139 = arith.constant 0 : i32
    %scan3A_140 = arith.constant 100 : i32
    %scan3A_141 = arith.addi %scan3A_139, %scan3A_140 : i32
    %scan3A_142 = arith.constant 1 : i32
    %scan3A_143 = scf.for %scan3A_145 = %scan3A_139 to %scan3A_141 step %scan3A_142 iter_args(%scan3A_146 = %scan3A) -> (i32)  : i32 {
      %mul3A_147 = arith.constant 2 : i32
      %mul3A_148 = arith.muli %scan3A_145, %mul3A_147 : i32
      %add3A_149 = arith.constant 0 : i32
      %add3A_150 = arith.addi %mul3A_148, %add3A_149 : i32
      %add3A_151 = arith.constant 1 : i32
      %add3A_152 = arith.addi %add3A_150, %add3A_151 : i32
      %mul3A_153 = arith.constant 160000 : i32
      %mul3A_154 = arith.muli %arg0, %mul3A_153 : i32
      %mul3A_155 = arith.constant 800 : i32
      %mul3A_156 = arith.muli %add3A_152, %mul3A_155 : i32
      %add3A_157 = arith.addi %mul3A_154, %mul3A_156 : i32
      %dma_wait3A_158 = tpu.memref_slice %arg4[%add3A_157] : memref<320000xi32, #tpu.memory_space<hbm>> -> memref<800xi32, #tpu.memory_space<hbm>>
      %dma_wait3A_159 = tpu.memref_slice %arg4[%add3A_157] : memref<320000xi32, #tpu.memory_space<hbm>> -> memref<800xi32, #tpu.memory_space<hbm>>
      tpu.wait_dma2 semaphore(%arg21 : memref<!tpu.dma_semaphore, #tpu.memory_space<semaphore_mem>>) src(%dma_wait3A_159 : memref<800xi32, #tpu.memory_space<hbm>>) dst(%arg16 : memref<800xi32, #tpu.memory_space<vmem>>)
      %dma_wait3A_160 = tpu.memref_slice %arg5[%add3A_157] : memref<320000xi32, #tpu.memory_space<hbm>> -> memref<800xi32, #tpu.memory_space<hbm>>
      %dma_wait3A_161 = tpu.memref_slice %arg5[%add3A_157] : memref<320000xi32, #tpu.memory_space<hbm>> -> memref<800xi32, #tpu.memory_space<hbm>>
      tpu.wait_dma2 semaphore(%arg21 : memref<!tpu.dma_semaphore, #tpu.memory_space<semaphore_mem>>) src(%dma_wait3A_161 : memref<800xi32, #tpu.memory_space<hbm>>) dst(%arg17 : memref<800xi32, #tpu.memory_space<vmem>>)
      %dma_wait3A_162 = tpu.memref_slice %arg6[%add3A_157] : memref<320000xi32, #tpu.memory_space<hbm>> -> memref<800xi32, #tpu.memory_space<hbm>>
      %dma_wait3A_163 = tpu.memref_slice %arg6[%add3A_157] : memref<320000xi32, #tpu.memory_space<hbm>> -> memref<800xi32, #tpu.memory_space<hbm>>
      tpu.wait_dma2 semaphore(%arg21 : memref<!tpu.dma_semaphore, #tpu.memory_space<semaphore_mem>>) src(%dma_wait3A_163 : memref<800xi32, #tpu.memory_space<hbm>>) dst(%arg18 : memref<800xi32, #tpu.memory_space<vmem>>)
      %dma_wait3A_164 = tpu.memref_slice %arg7[%add3A_157] : memref<320000xf32, #tpu.memory_space<hbm>> -> memref<800xf32, #tpu.memory_space<hbm>>
      %dma_wait3A_165 = tpu.memref_slice %arg7[%add3A_157] : memref<320000xf32, #tpu.memory_space<hbm>> -> memref<800xf32, #tpu.memory_space<hbm>>
      tpu.wait_dma2 semaphore(%arg21 : memref<!tpu.dma_semaphore, #tpu.memory_space<semaphore_mem>>) src(%dma_wait3A_165 : memref<800xf32, #tpu.memory_space<hbm>>) dst(%arg19 : memref<800xf32, #tpu.memory_space<vmem>>)
      %parallel_loop3A_166 = arith.constant 0 : i32
      %parallel_loop3A_167 = arith.constant 50 : i32
      %parallel_loop3A_168 = arith.constant 1 : i32
      scf.for %parallel_loop3A_432 = %parallel_loop3A_166 to %parallel_loop3A_167 step %parallel_loop3A_168  : i32 {
        %parallel_loop3A_433 = arith.constant 16 : i32
        %parallel_loop3A_434 = arith.muli %parallel_loop3A_432, %parallel_loop3A_433 : i32
        %parallel_loop3A_435 = arith.index_cast %parallel_loop3A_434 : i32 to index
        %parallel_loop3A_436 = tpu.vector_load %arg16[%parallel_loop3A_435] {strides = array<i32>} : memref<800xi32, #tpu.memory_space<vmem>>, vector<16xi32>,
        %parallel_loop3A_437 = arith.constant 10000 : i32
        %parallel_loop3A_438 = arith.muli %arg1, %parallel_loop3A_437 : i32
        %parallel_loop3A_439 = vector.broadcast %parallel_loop3A_438 : i32 to vector<16xi32>
        %parallel_loop3A_440 = arith.addi %parallel_loop3A_436, %parallel_loop3A_439 : vector<16xi32>
        %parallel_loop3A_441 = arith.constant 16 : i32
        %parallel_loop3A_442 = arith.muli %parallel_loop3A_432, %parallel_loop3A_441 : i32
        %parallel_loop3A_443 = arith.index_cast %parallel_loop3A_442 : i32 to index
        %parallel_loop3A_444 = tpu.vector_load %arg16[%parallel_loop3A_443] {strides = array<i32>} : memref<800xi32, #tpu.memory_space<vmem>>, vector<16xi32>,
        tpu.vector_store %arg16[%parallel_loop3A_443], %parallel_loop3A_440 {strides = array<i32>} : memref<800xi32, #tpu.memory_space<vmem>>, vector<16xi32>,
      } {sc.loop_unroll_factor = 2 : i64, sc.parallel_access}
      %dma_start3A_169 = arith.constant 0 : i32
      %dma_start3A_170 = arith.constant 0 : i32
      %dma_start3A_171 = tpu.memref_slice %arg20[%dma_start3A_169, %dma_start3A_170] : memref<800x8xf32, #tpu.memory_space<vmem>> -> memref<80x8xf32, #tpu.memory_space<vmem>>
      %dma_start3A_172 = arith.constant 0 : i32
      %dma_start3A_173 = tpu.memref_slice %arg16[%dma_start3A_172] : memref<800xi32, #tpu.memory_space<vmem>> -> memref<80xi32, #tpu.memory_space<vmem>>
      %dma_start3A_174 = arith.constant 0 : i32
      %dma_start3A_175 = arith.constant 0 : i32
      %dma_start3A_176 = tpu.memref_slice %arg2[%dma_start3A_174, %dma_start3A_175] : memref<160000x8xf32, #tpu.memory_space<hbm>> -> memref<160000x8xf32, #tpu.memory_space<hbm>>
      tpu.enqueue_indirect_dma source(%dma_start3A_176 : memref<160000x8xf32, #tpu.memory_space<hbm>>) target(%dma_start3A_171 : memref<80x8xf32, #tpu.memory_space<vmem>>) offsets(%dma_start3A_173 : memref<80xi32, #tpu.memory_space<vmem>>) semaphore(%arg23 : memref<!tpu.dma_semaphore, #tpu.memory_space<semaphore_mem>>)
      %dma_start3A_177 = arith.constant 80 : i32
      %dma_start3A_178 = arith.constant 0 : i32
      %dma_start3A_179 = tpu.memref_slice %arg20[%dma_start3A_177, %dma_start3A_178] : memref<800x8xf32, #tpu.memory_space<vmem>> -> memref<80x8xf32, #tpu.memory_space<vmem>>
      %dma_start3A_180 = arith.constant 80 : i32
      %dma_start3A_181 = tpu.memref_slice %arg16[%dma_start3A_180] : memref<800xi32, #tpu.memory_space<vmem>> -> memref<80xi32, #tpu.memory_space<vmem>>
      %dma_start3A_182 = arith.constant 0 : i32
      %dma_start3A_183 = arith.constant 0 : i32
      %dma_start3A_184 = tpu.memref_slice %arg2[%dma_start3A_182, %dma_start3A_183] : memref<160000x8xf32, #tpu.memory_space<hbm>> -> memref<160000x8xf32, #tpu.memory_space<hbm>>
      tpu.enqueue_indirect_dma source(%dma_start3A_184 : memref<160000x8xf32, #tpu.memory_space<hbm>>) target(%dma_start3A_179 : memref<80x8xf32, #tpu.memory_space<vmem>>) offsets(%dma_start3A_181 : memref<80xi32, #tpu.memory_space<vmem>>) semaphore(%arg23 : memref<!tpu.dma_semaphore, #tpu.memory_space<semaphore_mem>>)
      %dma_start3A_185 = arith.constant 160 : i32
      %dma_start3A_186 = arith.constant 0 : i32
      %dma_start3A_187 = tpu.memref_slice %arg20[%dma_start3A_185, %dma_start3A_186] : memref<800x8xf32, #tpu.memory_space<vmem>> -> memref<80x8xf32, #tpu.memory_space<vmem>>
      %dma_start3A_188 = arith.constant 160 : i32
      %dma_start3A_189 = tpu.memref_slice %arg16[%dma_start3A_188] : memref<800xi32, #tpu.memory_space<vmem>> -> memref<80xi32, #tpu.memory_space<vmem>>
      %dma_start3A_190 = arith.constant 0 : i32
      %dma_start3A_191 = arith.constant 0 : i32
      %dma_start3A_192 = tpu.memref_slice %arg2[%dma_start3A_190, %dma_start3A_191] : memref<160000x8xf32, #tpu.memory_space<hbm>> -> memref<160000x8xf32, #tpu.memory_space<hbm>>
      tpu.enqueue_indirect_dma source(%dma_start3A_192 : memref<160000x8xf32, #tpu.memory_space<hbm>>) target(%dma_start3A_187 : memref<80x8xf32, #tpu.memory_space<vmem>>) offsets(%dma_start3A_189 : memref<80xi32, #tpu.memory_space<vmem>>) semaphore(%arg23 : memref<!tpu.dma_semaphore, #tpu.memory_space<semaphore_mem>>)
      %dma_start3A_193 = arith.constant 240 : i32
      %dma_start3A_194 = arith.constant 0 : i32
      %dma_start3A_195 = tpu.memref_slice %arg20[%dma_start3A_193, %dma_start3A_194] : memref<800x8xf32, #tpu.memory_space<vmem>> -> memref<80x8xf32, #tpu.memory_space<vmem>>
      %dma_start3A_196 = arith.constant 240 : i32
      %dma_start3A_197 = tpu.memref_slice %arg16[%dma_start3A_196] : memref<800xi32, #tpu.memory_space<vmem>> -> memref<80xi32, #tpu.memory_space<vmem>>
      %dma_start3A_198 = arith.constant 0 : i32
      %dma_start3A_199 = arith.constant 0 : i32
      %dma_start3A_200 = tpu.memref_slice %arg2[%dma_start3A_198, %dma_start3A_199] : memref<160000x8xf32, #tpu.memory_space<hbm>> -> memref<160000x8xf32, #tpu.memory_space<hbm>>
      tpu.enqueue_indirect_dma source(%dma_start3A_200 : memref<160000x8xf32, #tpu.memory_space<hbm>>) target(%dma_start3A_195 : memref<80x8xf32, #tpu.memory_space<vmem>>) offsets(%dma_start3A_197 : memref<80xi32, #tpu.memory_space<vmem>>) semaphore(%arg23 : memref<!tpu.dma_semaphore, #tpu.memory_space<semaphore_mem>>)
      %dma_start3A_201 = arith.constant 320 : i32
      %dma_start3A_202 = arith.constant 0 : i32
      %dma_start3A_203 = tpu.memref_slice %arg20[%dma_start3A_201, %dma_start3A_202] : memref<800x8xf32, #tpu.memory_space<vmem>> -> memref<80x8xf32, #tpu.memory_space<vmem>>
      %dma_start3A_204 = arith.constant 320 : i32
      %dma_start3A_205 = tpu.memref_slice %arg16[%dma_start3A_204] : memref<800xi32, #tpu.memory_space<vmem>> -> memref<80xi32, #tpu.memory_space<vmem>>
      %dma_start3A_206 = arith.constant 0 : i32
      %dma_start3A_207 = arith.constant 0 : i32
      %dma_start3A_208 = tpu.memref_slice %arg2[%dma_start3A_206, %dma_start3A_207] : memref<160000x8xf32, #tpu.memory_space<hbm>> -> memref<160000x8xf32, #tpu.memory_space<hbm>>
      tpu.enqueue_indirect_dma source(%dma_start3A_208 : memref<160000x8xf32, #tpu.memory_space<hbm>>) target(%dma_start3A_203 : memref<80x8xf32, #tpu.memory_space<vmem>>) offsets(%dma_start3A_205 : memref<80xi32, #tpu.memory_space<vmem>>) semaphore(%arg23 : memref<!tpu.dma_semaphore, #tpu.memory_space<semaphore_mem>>)
      %dma_start3A_209 = arith.constant 400 : i32
      %dma_start3A_210 = arith.constant 0 : i32
      %dma_start3A_211 = tpu.memref_slice %arg20[%dma_start3A_209, %dma_start3A_210] : memref<800x8xf32, #tpu.memory_space<vmem>> -> memref<80x8xf32, #tpu.memory_space<vmem>>
      %dma_start3A_212 = arith.constant 400 : i32
      %dma_start3A_213 = tpu.memref_slice %arg16[%dma_start3A_212] : memref<800xi32, #tpu.memory_space<vmem>> -> memref<80xi32, #tpu.memory_space<vmem>>
      %dma_start3A_214 = arith.constant 0 : i32
      %dma_start3A_215 = arith.constant 0 : i32
      %dma_start3A_216 = tpu.memref_slice %arg2[%dma_start3A_214, %dma_start3A_215] : memref<160000x8xf32, #tpu.memory_space<hbm>> -> memref<160000x8xf32, #tpu.memory_space<hbm>>
      tpu.enqueue_indirect_dma source(%dma_start3A_216 : memref<160000x8xf32, #tpu.memory_space<hbm>>) target(%dma_start3A_211 : memref<80x8xf32, #tpu.memory_space<vmem>>) offsets(%dma_start3A_213 : memref<80xi32, #tpu.memory_space<vmem>>) semaphore(%arg23 : memref<!tpu.dma_semaphore, #tpu.memory_space<semaphore_mem>>)
      %dma_start3A_217 = arith.constant 480 : i32
      %dma_start3A_218 = arith.constant 0 : i32
      %dma_start3A_219 = tpu.memref_slice %arg20[%dma_start3A_217, %dma_start3A_218] : memref<800x8xf32, #tpu.memory_space<vmem>> -> memref<80x8xf32, #tpu.memory_space<vmem>>
      %dma_start3A_220 = arith.constant 480 : i32
      %dma_start3A_221 = tpu.memref_slice %arg16[%dma_start3A_220] : memref<800xi32, #tpu.memory_space<vmem>> -> memref<80xi32, #tpu.memory_space<vmem>>
      %dma_start3A_222 = arith.constant 0 : i32
      %dma_start3A_223 = arith.constant 0 : i32
      %dma_start3A_224 = tpu.memref_slice %arg2[%dma_start3A_222, %dma_start3A_223] : memref<160000x8xf32, #tpu.memory_space<hbm>> -> memref<160000x8xf32, #tpu.memory_space<hbm>>
      tpu.enqueue_indirect_dma source(%dma_start3A_224 : memref<160000x8xf32, #tpu.memory_space<hbm>>) target(%dma_start3A_219 : memref<80x8xf32, #tpu.memory_space<vmem>>) offsets(%dma_start3A_221 : memref<80xi32, #tpu.memory_space<vmem>>) semaphore(%arg23 : memref<!tpu.dma_semaphore, #tpu.memory_space<semaphore_mem>>)
      %dma_start3A_225 = arith.constant 560 : i32
      %dma_start3A_226 = arith.constant 0 : i32
      %dma_start3A_227 = tpu.memref_slice %arg20[%dma_start3A_225, %dma_start3A_226] : memref<800x8xf32, #tpu.memory_space<vmem>> -> memref<80x8xf32, #tpu.memory_space<vmem>>
      %dma_start3A_228 = arith.constant 560 : i32
      %dma_start3A_229 = tpu.memref_slice %arg16[%dma_start3A_228] : memref<800xi32, #tpu.memory_space<vmem>> -> memref<80xi32, #tpu.memory_space<vmem>>
      %dma_start3A_230 = arith.constant 0 : i32
      %dma_start3A_231 = arith.constant 0 : i32
      %dma_start3A_232 = tpu.memref_slice %arg2[%dma_start3A_230, %dma_start3A_231] : memref<160000x8xf32, #tpu.memory_space<hbm>> -> memref<160000x8xf32, #tpu.memory_space<hbm>>
      tpu.enqueue_indirect_dma source(%dma_start3A_232 : memref<160000x8xf32, #tpu.memory_space<hbm>>) target(%dma_start3A_227 : memref<80x8xf32, #tpu.memory_space<vmem>>) offsets(%dma_start3A_229 : memref<80xi32, #tpu.memory_space<vmem>>) semaphore(%arg23 : memref<!tpu.dma_semaphore, #tpu.memory_space<semaphore_mem>>)
      %dma_start3A_233 = arith.constant 640 : i32
      %dma_start3A_234 = arith.constant 0 : i32
      %dma_start3A_235 = tpu.memref_slice %arg20[%dma_start3A_233, %dma_start3A_234] : memref<800x8xf32, #tpu.memory_space<vmem>> -> memref<80x8xf32, #tpu.memory_space<vmem>>
      %dma_start3A_236 = arith.constant 640 : i32
      %dma_start3A_237 = tpu.memref_slice %arg16[%dma_start3A_236] : memref<800xi32, #tpu.memory_space<vmem>> -> memref<80xi32, #tpu.memory_space<vmem>>
      %dma_start3A_238 = arith.constant 0 : i32
      %dma_start3A_239 = arith.constant 0 : i32
      %dma_start3A_240 = tpu.memref_slice %arg2[%dma_start3A_238, %dma_start3A_239] : memref<160000x8xf32, #tpu.memory_space<hbm>> -> memref<160000x8xf32, #tpu.memory_space<hbm>>
      tpu.enqueue_indirect_dma source(%dma_start3A_240 : memref<160000x8xf32, #tpu.memory_space<hbm>>) target(%dma_start3A_235 : memref<80x8xf32, #tpu.memory_space<vmem>>) offsets(%dma_start3A_237 : memref<80xi32, #tpu.memory_space<vmem>>) semaphore(%arg23 : memref<!tpu.dma_semaphore, #tpu.memory_space<semaphore_mem>>)
      %dma_start3A_241 = arith.constant 720 : i32
      %dma_start3A_242 = arith.constant 0 : i32
      %dma_start3A_243 = tpu.memref_slice %arg20[%dma_start3A_241, %dma_start3A_242] : memref<800x8xf32, #tpu.memory_space<vmem>> -> memref<80x8xf32, #tpu.memory_space<vmem>>
      %dma_start3A_244 = arith.constant 720 : i32
      %dma_start3A_245 = tpu.memref_slice %arg16[%dma_start3A_244] : memref<800xi32, #tpu.memory_space<vmem>> -> memref<80xi32, #tpu.memory_space<vmem>>
      %dma_start3A_246 = arith.constant 0 : i32
      %dma_start3A_247 = arith.constant 0 : i32
      %dma_start3A_248 = tpu.memref_slice %arg2[%dma_start3A_246, %dma_start3A_247] : memref<160000x8xf32, #tpu.memory_space<hbm>> -> memref<160000x8xf32, #tpu.memory_space<hbm>>
      tpu.enqueue_indirect_dma source(%dma_start3A_248 : memref<160000x8xf32, #tpu.memory_space<hbm>>) target(%dma_start3A_243 : memref<80x8xf32, #tpu.memory_space<vmem>>) offsets(%dma_start3A_245 : memref<80xi32, #tpu.memory_space<vmem>>) semaphore(%arg23 : memref<!tpu.dma_semaphore, #tpu.memory_space<semaphore_mem>>)
      %dma_wait3A_249 = arith.constant 0 : i32
      %dma_wait3A_250 = arith.constant 0 : i32
      %dma_wait3A_251 = tpu.memref_slice %arg15[%dma_wait3A_249, %dma_wait3A_250] : memref<800x8xf32, #tpu.memory_space<vmem>> -> memref<80x8xf32, #tpu.memory_space<vmem>>
      %dma_wait3A_252 = arith.constant 0 : i32
      %dma_wait3A_253 = tpu.memref_slice %arg11[%dma_wait3A_252] : memref<800xi32, #tpu.memory_space<vmem>> -> memref<80xi32, #tpu.memory_space<vmem>>
      %dma_wait3A_254 = arith.constant 0 : i32
      %dma_wait3A_255 = arith.constant 0 : i32
      %dma_wait3A_256 = tpu.memref_slice %arg2[%dma_wait3A_254, %dma_wait3A_255] : memref<160000x8xf32, #tpu.memory_space<hbm>> -> memref<160000x8xf32, #tpu.memory_space<hbm>>
      tpu.wait_indirect_dma semaphore(%arg22 : memref<!tpu.dma_semaphore, #tpu.memory_space<semaphore_mem>>) src(%dma_wait3A_256 : memref<160000x8xf32, #tpu.memory_space<hbm>>) dst(%dma_wait3A_251 : memref<80x8xf32, #tpu.memory_space<vmem>>)
      %dma_wait3A_257 = arith.constant 80 : i32
      %dma_wait3A_258 = arith.constant 0 : i32
      %dma_wait3A_259 = tpu.memref_slice %arg15[%dma_wait3A_257, %dma_wait3A_258] : memref<800x8xf32, #tpu.memory_space<vmem>> -> memref<80x8xf32, #tpu.memory_space<vmem>>
      %dma_wait3A_260 = arith.constant 80 : i32
      %dma_wait3A_261 = tpu.memref_slice %arg11[%dma_wait3A_260] : memref<800xi32, #tpu.memory_space<vmem>> -> memref<80xi32, #tpu.memory_space<vmem>>
      %dma_wait3A_262 = arith.constant 0 : i32
      %dma_wait3A_263 = arith.constant 0 : i32
      %dma_wait3A_264 = tpu.memref_slice %arg2[%dma_wait3A_262, %dma_wait3A_263] : memref<160000x8xf32, #tpu.memory_space<hbm>> -> memref<160000x8xf32, #tpu.memory_space<hbm>>
      tpu.wait_indirect_dma semaphore(%arg22 : memref<!tpu.dma_semaphore, #tpu.memory_space<semaphore_mem>>) src(%dma_wait3A_264 : memref<160000x8xf32, #tpu.memory_space<hbm>>) dst(%dma_wait3A_259 : memref<80x8xf32, #tpu.memory_space<vmem>>)
      %dma_wait3A_265 = arith.constant 160 : i32
      %dma_wait3A_266 = arith.constant 0 : i32
      %dma_wait3A_267 = tpu.memref_slice %arg15[%dma_wait3A_265, %dma_wait3A_266] : memref<800x8xf32, #tpu.memory_space<vmem>> -> memref<80x8xf32, #tpu.memory_space<vmem>>
      %dma_wait3A_268 = arith.constant 160 : i32
      %dma_wait3A_269 = tpu.memref_slice %arg11[%dma_wait3A_268] : memref<800xi32, #tpu.memory_space<vmem>> -> memref<80xi32, #tpu.memory_space<vmem>>
      %dma_wait3A_270 = arith.constant 0 : i32
      %dma_wait3A_271 = arith.constant 0 : i32
      %dma_wait3A_272 = tpu.memref_slice %arg2[%dma_wait3A_270, %dma_wait3A_271] : memref<160000x8xf32, #tpu.memory_space<hbm>> -> memref<160000x8xf32, #tpu.memory_space<hbm>>
      tpu.wait_indirect_dma semaphore(%arg22 : memref<!tpu.dma_semaphore, #tpu.memory_space<semaphore_mem>>) src(%dma_wait3A_272 : memref<160000x8xf32, #tpu.memory_space<hbm>>) dst(%dma_wait3A_267 : memref<80x8xf32, #tpu.memory_space<vmem>>)
      %dma_wait3A_273 = arith.constant 240 : i32
      %dma_wait3A_274 = arith.constant 0 : i32
      %dma_wait3A_275 = tpu.memref_slice %arg15[%dma_wait3A_273, %dma_wait3A_274] : memref<800x8xf32, #tpu.memory_space<vmem>> -> memref<80x8xf32, #tpu.memory_space<vmem>>
      %dma_wait3A_276 = arith.constant 240 : i32
      %dma_wait3A_277 = tpu.memref_slice %arg11[%dma_wait3A_276] : memref<800xi32, #tpu.memory_space<vmem>> -> memref<80xi32, #tpu.memory_space<vmem>>
      %dma_wait3A_278 = arith.constant 0 : i32
      %dma_wait3A_279 = arith.constant 0 : i32
      %dma_wait3A_280 = tpu.memref_slice %arg2[%dma_wait3A_278, %dma_wait3A_279] : memref<160000x8xf32, #tpu.memory_space<hbm>> -> memref<160000x8xf32, #tpu.memory_space<hbm>>
      tpu.wait_indirect_dma semaphore(%arg22 : memref<!tpu.dma_semaphore, #tpu.memory_space<semaphore_mem>>) src(%dma_wait3A_280 : memref<160000x8xf32, #tpu.memory_space<hbm>>) dst(%dma_wait3A_275 : memref<80x8xf32, #tpu.memory_space<vmem>>)
      %dma_wait3A_281 = arith.constant 320 : i32
      %dma_wait3A_282 = arith.constant 0 : i32
      %dma_wait3A_283 = tpu.memref_slice %arg15[%dma_wait3A_281, %dma_wait3A_282] : memref<800x8xf32, #tpu.memory_space<vmem>> -> memref<80x8xf32, #tpu.memory_space<vmem>>
      %dma_wait3A_284 = arith.constant 320 : i32
      %dma_wait3A_285 = tpu.memref_slice %arg11[%dma_wait3A_284] : memref<800xi32, #tpu.memory_space<vmem>> -> memref<80xi32, #tpu.memory_space<vmem>>
      %dma_wait3A_286 = arith.constant 0 : i32
      %dma_wait3A_287 = arith.constant 0 : i32
      %dma_wait3A_288 = tpu.memref_slice %arg2[%dma_wait3A_286, %dma_wait3A_287] : memref<160000x8xf32, #tpu.memory_space<hbm>> -> memref<160000x8xf32, #tpu.memory_space<hbm>>
      tpu.wait_indirect_dma semaphore(%arg22 : memref<!tpu.dma_semaphore, #tpu.memory_space<semaphore_mem>>) src(%dma_wait3A_288 : memref<160000x8xf32, #tpu.memory_space<hbm>>) dst(%dma_wait3A_283 : memref<80x8xf32, #tpu.memory_space<vmem>>)
      %dma_wait3A_289 = arith.constant 400 : i32
      %dma_wait3A_290 = arith.constant 0 : i32
      %dma_wait3A_291 = tpu.memref_slice %arg15[%dma_wait3A_289, %dma_wait3A_290] : memref<800x8xf32, #tpu.memory_space<vmem>> -> memref<80x8xf32, #tpu.memory_space<vmem>>
      %dma_wait3A_292 = arith.constant 400 : i32
      %dma_wait3A_293 = tpu.memref_slice %arg11[%dma_wait3A_292] : memref<800xi32, #tpu.memory_space<vmem>> -> memref<80xi32, #tpu.memory_space<vmem>>
      %dma_wait3A_294 = arith.constant 0 : i32
      %dma_wait3A_295 = arith.constant 0 : i32
      %dma_wait3A_296 = tpu.memref_slice %arg2[%dma_wait3A_294, %dma_wait3A_295] : memref<160000x8xf32, #tpu.memory_space<hbm>> -> memref<160000x8xf32, #tpu.memory_space<hbm>>
      tpu.wait_indirect_dma semaphore(%arg22 : memref<!tpu.dma_semaphore, #tpu.memory_space<semaphore_mem>>) src(%dma_wait3A_296 : memref<160000x8xf32, #tpu.memory_space<hbm>>) dst(%dma_wait3A_291 : memref<80x8xf32, #tpu.memory_space<vmem>>)
      %dma_wait3A_297 = arith.constant 480 : i32
      %dma_wait3A_298 = arith.constant 0 : i32
      %dma_wait3A_299 = tpu.memref_slice %arg15[%dma_wait3A_297, %dma_wait3A_298] : memref<800x8xf32, #tpu.memory_space<vmem>> -> memref<80x8xf32, #tpu.memory_space<vmem>>
      %dma_wait3A_300 = arith.constant 480 : i32
      %dma_wait3A_301 = tpu.memref_slice %arg11[%dma_wait3A_300] : memref<800xi32, #tpu.memory_space<vmem>> -> memref<80xi32, #tpu.memory_space<vmem>>
      %dma_wait3A_302 = arith.constant 0 : i32
      %dma_wait3A_303 = arith.constant 0 : i32
      %dma_wait3A_304 = tpu.memref_slice %arg2[%dma_wait3A_302, %dma_wait3A_303] : memref<160000x8xf32, #tpu.memory_space<hbm>> -> memref<160000x8xf32, #tpu.memory_space<hbm>>
      tpu.wait_indirect_dma semaphore(%arg22 : memref<!tpu.dma_semaphore, #tpu.memory_space<semaphore_mem>>) src(%dma_wait3A_304 : memref<160000x8xf32, #tpu.memory_space<hbm>>) dst(%dma_wait3A_299 : memref<80x8xf32, #tpu.memory_space<vmem>>)
      %dma_wait3A_305 = arith.constant 560 : i32
      %dma_wait3A_306 = arith.constant 0 : i32
      %dma_wait3A_307 = tpu.memref_slice %arg15[%dma_wait3A_305, %dma_wait3A_306] : memref<800x8xf32, #tpu.memory_space<vmem>> -> memref<80x8xf32, #tpu.memory_space<vmem>>
      %dma_wait3A_308 = arith.constant 560 : i32
      %dma_wait3A_309 = tpu.memref_slice %arg11[%dma_wait3A_308] : memref<800xi32, #tpu.memory_space<vmem>> -> memref<80xi32, #tpu.memory_space<vmem>>
      %dma_wait3A_310 = arith.constant 0 : i32
      %dma_wait3A_311 = arith.constant 0 : i32
      %dma_wait3A_312 = tpu.memref_slice %arg2[%dma_wait3A_310, %dma_wait3A_311] : memref<160000x8xf32, #tpu.memory_space<hbm>> -> memref<160000x8xf32, #tpu.memory_space<hbm>>
      tpu.wait_indirect_dma semaphore(%arg22 : memref<!tpu.dma_semaphore, #tpu.memory_space<semaphore_mem>>) src(%dma_wait3A_312 : memref<160000x8xf32, #tpu.memory_space<hbm>>) dst(%dma_wait3A_307 : memref<80x8xf32, #tpu.memory_space<vmem>>)
      %dma_wait3A_313 = arith.constant 640 : i32
      %dma_wait3A_314 = arith.constant 0 : i32
      %dma_wait3A_315 = tpu.memref_slice %arg15[%dma_wait3A_313, %dma_wait3A_314] : memref<800x8xf32, #tpu.memory_space<vmem>> -> memref<80x8xf32, #tpu.memory_space<vmem>>
      %dma_wait3A_316 = arith.constant 640 : i32
      %dma_wait3A_317 = tpu.memref_slice %arg11[%dma_wait3A_316] : memref<800xi32, #tpu.memory_space<vmem>> -> memref<80xi32, #tpu.memory_space<vmem>>
      %dma_wait3A_318 = arith.constant 0 : i32
      %dma_wait3A_319 = arith.constant 0 : i32
      %dma_wait3A_320 = tpu.memref_slice %arg2[%dma_wait3A_318, %dma_wait3A_319] : memref<160000x8xf32, #tpu.memory_space<hbm>> -> memref<160000x8xf32, #tpu.memory_space<hbm>>
      tpu.wait_indirect_dma semaphore(%arg22 : memref<!tpu.dma_semaphore, #tpu.memory_space<semaphore_mem>>) src(%dma_wait3A_320 : memref<160000x8xf32, #tpu.memory_space<hbm>>) dst(%dma_wait3A_315 : memref<80x8xf32, #tpu.memory_space<vmem>>)
      %dma_wait3A_321 = arith.constant 720 : i32
      %dma_wait3A_322 = arith.constant 0 : i32
      %dma_wait3A_323 = tpu.memref_slice %arg15[%dma_wait3A_321, %dma_wait3A_322] : memref<800x8xf32, #tpu.memory_space<vmem>> -> memref<80x8xf32, #tpu.memory_space<vmem>>
      %dma_wait3A_324 = arith.constant 720 : i32
      %dma_wait3A_325 = tpu.memref_slice %arg11[%dma_wait3A_324] : memref<800xi32, #tpu.memory_space<vmem>> -> memref<80xi32, #tpu.memory_space<vmem>>
      %dma_wait3A_326 = arith.constant 0 : i32
      %dma_wait3A_327 = arith.constant 0 : i32
      %dma_wait3A_328 = tpu.memref_slice %arg2[%dma_wait3A_326, %dma_wait3A_327] : memref<160000x8xf32, #tpu.memory_space<hbm>> -> memref<160000x8xf32, #tpu.memory_space<hbm>>
      tpu.wait_indirect_dma semaphore(%arg22 : memref<!tpu.dma_semaphore, #tpu.memory_space<semaphore_mem>>) src(%dma_wait3A_328 : memref<160000x8xf32, #tpu.memory_space<hbm>>) dst(%dma_wait3A_323 : memref<80x8xf32, #tpu.memory_space<vmem>>)
      %parallel_loop3A_329 = arith.constant 0 : i32
      %parallel_loop3A_330 = arith.constant 50 : i32
      %parallel_loop3A_331 = arith.constant 1 : i32
      scf.for %parallel_loop3A_432 = %parallel_loop3A_329 to %parallel_loop3A_330 step %parallel_loop3A_331  : i32 {
        %parallel_loop3A_433 = arith.constant 16 : i32
        %parallel_loop3A_434 = arith.muli %parallel_loop3A_432, %parallel_loop3A_433 : i32
        %parallel_loop3A_435 = tpu.iota {dimensions = array<i32: 0>} : vector<16xi32>
        %parallel_loop3A_436 = vector.broadcast %parallel_loop3A_434 : i32 to vector<16xi32>
        %parallel_loop3A_437 = arith.addi %parallel_loop3A_436, %parallel_loop3A_435 : vector<16xi32>
        %parallel_loop3A_438 = arith.constant 16 : i32
        %parallel_loop3A_439 = arith.muli %parallel_loop3A_432, %parallel_loop3A_438 : i32
        %parallel_loop3A_440 = arith.index_cast %parallel_loop3A_439 : i32 to index
        %parallel_loop3A_441 = tpu.vector_load %arg13[%parallel_loop3A_440] {strides = array<i32>} : memref<800xi32, #tpu.memory_space<vmem>>, vector<16xi32>,
        %parallel_loop3A_442 = arith.constant 16 : i32
        %parallel_loop3A_443 = arith.muli %parallel_loop3A_432, %parallel_loop3A_442 : i32
        %parallel_loop3A_444 = arith.index_cast %parallel_loop3A_443 : i32 to index
        %parallel_loop3A_445 = tpu.vector_load %arg12[%parallel_loop3A_444] {strides = array<i32>} : memref<800xi32, #tpu.memory_space<vmem>>, vector<16xi32>,
        %parallel_loop3A_446 = arith.constant 16 : i32
        %parallel_loop3A_447 = arith.muli %parallel_loop3A_432, %parallel_loop3A_446 : i32
        %parallel_loop3A_448 = arith.index_cast %parallel_loop3A_447 : i32 to index
        %parallel_loop3A_449 = tpu.vector_load %arg14[%parallel_loop3A_448] {strides = array<i32>} : memref<800xf32, #tpu.memory_space<vmem>>, vector<16xf32>,
        %parallel_loop3A_450 = arith.constant 32 : i32
        %parallel_loop3A_451 = vector.broadcast %parallel_loop3A_450 : i32 to vector<16xi32>
        %parallel_loop3A_452 = arith.muli %parallel_loop3A_441, %parallel_loop3A_451 : vector<16xi32>
        %parallel_loop3A_453 = arith.constant 8 : i32
        %parallel_loop3A_454 = vector.broadcast %parallel_loop3A_453 : i32 to vector<16xi32>
        %parallel_loop3A_455 = arith.muli %parallel_loop3A_445, %parallel_loop3A_454 : vector<16xi32>
        %parallel_loop3A_456 = tpu.vector_load_idx %arg15[%parallel_loop3A_437, %broadcast_in_dim3A_7] : memref<800x8xf32, #tpu.memory_space<vmem>>[vector<16xi32>, vector<16xi32>], vector<16xf32>,
        %parallel_loop3A_457 = tpu.vector_load_idx %arg15[%parallel_loop3A_437, %broadcast_in_dim3A_9] : memref<800x8xf32, #tpu.memory_space<vmem>>[vector<16xi32>, vector<16xi32>], vector<16xf32>,
        %parallel_loop3A_458 = tpu.vector_load_idx %arg15[%parallel_loop3A_437, %broadcast_in_dim3A_11] : memref<800x8xf32, #tpu.memory_space<vmem>>[vector<16xi32>, vector<16xi32>], vector<16xf32>,
        %parallel_loop3A_459 = tpu.vector_load_idx %arg15[%parallel_loop3A_437, %broadcast_in_dim3A_13] : memref<800x8xf32, #tpu.memory_space<vmem>>[vector<16xi32>, vector<16xi32>], vector<16xf32>,
        %parallel_loop3A_460 = tpu.vector_load_idx %arg15[%parallel_loop3A_437, %broadcast_in_dim3A_15] : memref<800x8xf32, #tpu.memory_space<vmem>>[vector<16xi32>, vector<16xi32>], vector<16xf32>,
        %parallel_loop3A_461 = tpu.vector_load_idx %arg15[%parallel_loop3A_437, %broadcast_in_dim3A_17] : memref<800x8xf32, #tpu.memory_space<vmem>>[vector<16xi32>, vector<16xi32>], vector<16xf32>,
        %parallel_loop3A_462 = tpu.vector_load_idx %arg15[%parallel_loop3A_437, %broadcast_in_dim3A_19] : memref<800x8xf32, #tpu.memory_space<vmem>>[vector<16xi32>, vector<16xi32>], vector<16xf32>,
        %parallel_loop3A_463 = tpu.vector_load_idx %arg15[%parallel_loop3A_437, %broadcast_in_dim3A_21] : memref<800x8xf32, #tpu.memory_space<vmem>>[vector<16xi32>, vector<16xi32>], vector<16xf32>,
        %parallel_loop3A_464 = arith.constant 0 : i32
        %parallel_loop3A_465 = vector.broadcast %parallel_loop3A_464 : i32 to vector<16xi32>
        %parallel_loop3A_466 = arith.addi %parallel_loop3A_452, %parallel_loop3A_465 : vector<16xi32>
        %parallel_loop3A_467 = tpu.vector_load_idx %arg9[%parallel_loop3A_466] : memref<7360xi32, #tpu.memory_space<vmem>>[vector<16xi32>], vector<16xi32>,
        %parallel_loop3A_468 = vector.bitcast %parallel_loop3A_467 : vector<16xi32> to vector<32xbf16>
        %parallel_loop3A_469 = tpu.unpack_subelements %parallel_loop3A_468, 0 {pack_format = #tpu.pack_format<interleaved>} : vector<32xbf16> -> vector<16xf32>
        %parallel_loop3A_470 = tpu.unpack_subelements %parallel_loop3A_468, 1 {pack_format = #tpu.pack_format<interleaved>} : vector<32xbf16> -> vector<16xf32>
        %parallel_loop3A_471 = arith.mulf %parallel_loop3A_456, %parallel_loop3A_469 : vector<16xf32>
        %parallel_loop3A_472 = arith.mulf %parallel_loop3A_456, %parallel_loop3A_470 : vector<16xf32>
        %parallel_loop3A_473 = arith.constant 4 : i32
        %parallel_loop3A_474 = vector.broadcast %parallel_loop3A_473 : i32 to vector<16xi32>
        %parallel_loop3A_475 = arith.addi %parallel_loop3A_452, %parallel_loop3A_474 : vector<16xi32>
        %parallel_loop3A_476 = tpu.vector_load_idx %arg9[%parallel_loop3A_475] : memref<7360xi32, #tpu.memory_space<vmem>>[vector<16xi32>], vector<16xi32>,
        %parallel_loop3A_477 = vector.bitcast %parallel_loop3A_476 : vector<16xi32> to vector<32xbf16>
        %parallel_loop3A_478 = tpu.unpack_subelements %parallel_loop3A_477, 0 {pack_format = #tpu.pack_format<interleaved>} : vector<32xbf16> -> vector<16xf32>
        %parallel_loop3A_479 = tpu.unpack_subelements %parallel_loop3A_477, 1 {pack_format = #tpu.pack_format<interleaved>} : vector<32xbf16> -> vector<16xf32>
        %parallel_loop3A_480 = arith.mulf %parallel_loop3A_457, %parallel_loop3A_478 : vector<16xf32>
        %parallel_loop3A_481 = arith.mulf %parallel_loop3A_457, %parallel_loop3A_479 : vector<16xf32>
        %parallel_loop3A_482 = arith.addf %parallel_loop3A_471, %parallel_loop3A_480 : vector<16xf32>
        %parallel_loop3A_483 = arith.addf %parallel_loop3A_472, %parallel_loop3A_481 : vector<16xf32>
        %parallel_loop3A_484 = arith.constant 8 : i32
        %parallel_loop3A_485 = vector.broadcast %parallel_loop3A_484 : i32 to vector<16xi32>
        %parallel_loop3A_486 = arith.addi %parallel_loop3A_452, %parallel_loop3A_485 : vector<16xi32>
        %parallel_loop3A_487 = tpu.vector_load_idx %arg9[%parallel_loop3A_486] : memref<7360xi32, #tpu.memory_space<vmem>>[vector<16xi32>], vector<16xi32>,
        %parallel_loop3A_488 = vector.bitcast %parallel_loop3A_487 : vector<16xi32> to vector<32xbf16>
        %parallel_loop3A_489 = tpu.unpack_subelements %parallel_loop3A_488, 0 {pack_format = #tpu.pack_format<interleaved>} : vector<32xbf16> -> vector<16xf32>
        %parallel_loop3A_490 = tpu.unpack_subelements %parallel_loop3A_488, 1 {pack_format = #tpu.pack_format<interleaved>} : vector<32xbf16> -> vector<16xf32>
        %parallel_loop3A_491 = arith.mulf %parallel_loop3A_458, %parallel_loop3A_489 : vector<16xf32>
        %parallel_loop3A_492 = arith.mulf %parallel_loop3A_458, %parallel_loop3A_490 : vector<16xf32>
        %parallel_loop3A_493 = arith.addf %parallel_loop3A_482, %parallel_loop3A_491 : vector<16xf32>
        %parallel_loop3A_494 = arith.addf %parallel_loop3A_483, %parallel_loop3A_492 : vector<16xf32>
        %parallel_loop3A_495 = arith.constant 12 : i32
        %parallel_loop3A_496 = vector.broadcast %parallel_loop3A_495 : i32 to vector<16xi32>
        %parallel_loop3A_497 = arith.addi %parallel_loop3A_452, %parallel_loop3A_496 : vector<16xi32>
        %parallel_loop3A_498 = tpu.vector_load_idx %arg9[%parallel_loop3A_497] : memref<7360xi32, #tpu.memory_space<vmem>>[vector<16xi32>], vector<16xi32>,
        %parallel_loop3A_499 = vector.bitcast %parallel_loop3A_498 : vector<16xi32> to vector<32xbf16>
        %parallel_loop3A_500 = tpu.unpack_subelements %parallel_loop3A_499, 0 {pack_format = #tpu.pack_format<interleaved>} : vector<32xbf16> -> vector<16xf32>
        %parallel_loop3A_501 = tpu.unpack_subelements %parallel_loop3A_499, 1 {pack_format = #tpu.pack_format<interleaved>} : vector<32xbf16> -> vector<16xf32>
        %parallel_loop3A_502 = arith.mulf %parallel_loop3A_459, %parallel_loop3A_500 : vector<16xf32>
        %parallel_loop3A_503 = arith.mulf %parallel_loop3A_459, %parallel_loop3A_501 : vector<16xf32>
        %parallel_loop3A_504 = arith.addf %parallel_loop3A_493, %parallel_loop3A_502 : vector<16xf32>
        %parallel_loop3A_505 = arith.addf %parallel_loop3A_494, %parallel_loop3A_503 : vector<16xf32>
        %parallel_loop3A_506 = arith.constant 16 : i32
        %parallel_loop3A_507 = vector.broadcast %parallel_loop3A_506 : i32 to vector<16xi32>
        %parallel_loop3A_508 = arith.addi %parallel_loop3A_452, %parallel_loop3A_507 : vector<16xi32>
        %parallel_loop3A_509 = tpu.vector_load_idx %arg9[%parallel_loop3A_508] : memref<7360xi32, #tpu.memory_space<vmem>>[vector<16xi32>], vector<16xi32>,
        %parallel_loop3A_510 = vector.bitcast %parallel_loop3A_509 : vector<16xi32> to vector<32xbf16>
        %parallel_loop3A_511 = tpu.unpack_subelements %parallel_loop3A_510, 0 {pack_format = #tpu.pack_format<interleaved>} : vector<32xbf16> -> vector<16xf32>
        %parallel_loop3A_512 = tpu.unpack_subelements %parallel_loop3A_510, 1 {pack_format = #tpu.pack_format<interleaved>} : vector<32xbf16> -> vector<16xf32>
        %parallel_loop3A_513 = arith.mulf %parallel_loop3A_460, %parallel_loop3A_511 : vector<16xf32>
        %parallel_loop3A_514 = arith.mulf %parallel_loop3A_460, %parallel_loop3A_512 : vector<16xf32>
        %parallel_loop3A_515 = arith.addf %parallel_loop3A_504, %parallel_loop3A_513 : vector<16xf32>
        %parallel_loop3A_516 = arith.addf %parallel_loop3A_505, %parallel_loop3A_514 : vector<16xf32>
        %parallel_loop3A_517 = arith.constant 20 : i32
        %parallel_loop3A_518 = vector.broadcast %parallel_loop3A_517 : i32 to vector<16xi32>
        %parallel_loop3A_519 = arith.addi %parallel_loop3A_452, %parallel_loop3A_518 : vector<16xi32>
        %parallel_loop3A_520 = tpu.vector_load_idx %arg9[%parallel_loop3A_519] : memref<7360xi32, #tpu.memory_space<vmem>>[vector<16xi32>], vector<16xi32>,
        %parallel_loop3A_521 = vector.bitcast %parallel_loop3A_520 : vector<16xi32> to vector<32xbf16>
        %parallel_loop3A_522 = tpu.unpack_subelements %parallel_loop3A_521, 0 {pack_format = #tpu.pack_format<interleaved>} : vector<32xbf16> -> vector<16xf32>
        %parallel_loop3A_523 = tpu.unpack_subelements %parallel_loop3A_521, 1 {pack_format = #tpu.pack_format<interleaved>} : vector<32xbf16> -> vector<16xf32>
        %parallel_loop3A_524 = arith.mulf %parallel_loop3A_461, %parallel_loop3A_522 : vector<16xf32>
        %parallel_loop3A_525 = arith.mulf %parallel_loop3A_461, %parallel_loop3A_523 : vector<16xf32>
        %parallel_loop3A_526 = arith.addf %parallel_loop3A_515, %parallel_loop3A_524 : vector<16xf32>
        %parallel_loop3A_527 = arith.addf %parallel_loop3A_516, %parallel_loop3A_525 : vector<16xf32>
        %parallel_loop3A_528 = arith.constant 24 : i32
        %parallel_loop3A_529 = vector.broadcast %parallel_loop3A_528 : i32 to vector<16xi32>
        %parallel_loop3A_530 = arith.addi %parallel_loop3A_452, %parallel_loop3A_529 : vector<16xi32>
        %parallel_loop3A_531 = tpu.vector_load_idx %arg9[%parallel_loop3A_530] : memref<7360xi32, #tpu.memory_space<vmem>>[vector<16xi32>], vector<16xi32>,
        %parallel_loop3A_532 = vector.bitcast %parallel_loop3A_531 : vector<16xi32> to vector<32xbf16>
        %parallel_loop3A_533 = tpu.unpack_subelements %parallel_loop3A_532, 0 {pack_format = #tpu.pack_format<interleaved>} : vector<32xbf16> -> vector<16xf32>
        %parallel_loop3A_534 = tpu.unpack_subelements %parallel_loop3A_532, 1 {pack_format = #tpu.pack_format<interleaved>} : vector<32xbf16> -> vector<16xf32>
        %parallel_loop3A_535 = arith.mulf %parallel_loop3A_462, %parallel_loop3A_533 : vector<16xf32>
        %parallel_loop3A_536 = arith.mulf %parallel_loop3A_462, %parallel_loop3A_534 : vector<16xf32>
        %parallel_loop3A_537 = arith.addf %parallel_loop3A_526, %parallel_loop3A_535 : vector<16xf32>
        %parallel_loop3A_538 = arith.addf %parallel_loop3A_527, %parallel_loop3A_536 : vector<16xf32>
        %parallel_loop3A_539 = arith.constant 28 : i32
        %parallel_loop3A_540 = vector.broadcast %parallel_loop3A_539 : i32 to vector<16xi32>
        %parallel_loop3A_541 = arith.addi %parallel_loop3A_452, %parallel_loop3A_540 : vector<16xi32>
        %parallel_loop3A_542 = tpu.vector_load_idx %arg9[%parallel_loop3A_541] : memref<7360xi32, #tpu.memory_space<vmem>>[vector<16xi32>], vector<16xi32>,
        %parallel_loop3A_543 = vector.bitcast %parallel_loop3A_542 : vector<16xi32> to vector<32xbf16>
        %parallel_loop3A_544 = tpu.unpack_subelements %parallel_loop3A_543, 0 {pack_format = #tpu.pack_format<interleaved>} : vector<32xbf16> -> vector<16xf32>
        %parallel_loop3A_545 = tpu.unpack_subelements %parallel_loop3A_543, 1 {pack_format = #tpu.pack_format<interleaved>} : vector<32xbf16> -> vector<16xf32>
        %parallel_loop3A_546 = arith.mulf %parallel_loop3A_463, %parallel_loop3A_544 : vector<16xf32>
        %parallel_loop3A_547 = arith.mulf %parallel_loop3A_463, %parallel_loop3A_545 : vector<16xf32>
        %parallel_loop3A_548 = arith.addf %parallel_loop3A_537, %parallel_loop3A_546 : vector<16xf32>
        %parallel_loop3A_549 = arith.addf %parallel_loop3A_538, %parallel_loop3A_547 : vector<16xf32>
        %parallel_loop3A_550 = arith.constant 0 : i32
        %parallel_loop3A_551 = vector.broadcast %parallel_loop3A_550 : i32 to vector<16xi32>
        %parallel_loop3A_552 = arith.addi %parallel_loop3A_455, %parallel_loop3A_551 : vector<16xi32>
        %parallel_loop3A_553 = arith.mulf %parallel_loop3A_548, %parallel_loop3A_449 : vector<16xf32>
        tpu.vector_store_idx %arg10[%parallel_loop3A_552], %parallel_loop3A_553 {add = true} : memref<80000xf32, #tpu.memory_space<vmem>>[vector<16xi32>], vector<16xf32>,
        %parallel_loop3A_554 = arith.constant 1 : i32
        %parallel_loop3A_555 = vector.broadcast %parallel_loop3A_554 : i32 to vector<16xi32>
        %parallel_loop3A_556 = arith.addi %parallel_loop3A_455, %parallel_loop3A_555 : vector<16xi32>
        %parallel_loop3A_557 = arith.mulf %parallel_loop3A_549, %parallel_loop3A_449 : vector<16xf32>
        tpu.vector_store_idx %arg10[%parallel_loop3A_556], %parallel_loop3A_557 {add = true} : memref<80000xf32, #tpu.memory_space<vmem>>[vector<16xi32>], vector<16xf32>,
        %parallel_loop3A_558 = arith.constant 1 : i32
        %parallel_loop3A_559 = vector.broadcast %parallel_loop3A_558 : i32 to vector<16xi32>
        %parallel_loop3A_560 = arith.addi %parallel_loop3A_452, %parallel_loop3A_559 : vector<16xi32>
        %parallel_loop3A_561 = tpu.vector_load_idx %arg9[%parallel_loop3A_560] : memref<7360xi32, #tpu.memory_space<vmem>>[vector<16xi32>], vector<16xi32>,
        %parallel_loop3A_562 = vector.bitcast %parallel_loop3A_561 : vector<16xi32> to vector<32xbf16>
        %parallel_loop3A_563 = tpu.unpack_subelements %parallel_loop3A_562, 0 {pack_format = #tpu.pack_format<interleaved>} : vector<32xbf16> -> vector<16xf32>
        %parallel_loop3A_564 = tpu.unpack_subelements %parallel_loop3A_562, 1 {pack_format = #tpu.pack_format<interleaved>} : vector<32xbf16> -> vector<16xf32>
        %parallel_loop3A_565 = arith.mulf %parallel_loop3A_456, %parallel_loop3A_563 : vector<16xf32>
        %parallel_loop3A_566 = arith.mulf %parallel_loop3A_456, %parallel_loop3A_564 : vector<16xf32>
        %parallel_loop3A_567 = arith.constant 5 : i32
        %parallel_loop3A_568 = vector.broadcast %parallel_loop3A_567 : i32 to vector<16xi32>
        %parallel_loop3A_569 = arith.addi %parallel_loop3A_452, %parallel_loop3A_568 : vector<16xi32>
        %parallel_loop3A_570 = tpu.vector_load_idx %arg9[%parallel_loop3A_569] : memref<7360xi32, #tpu.memory_space<vmem>>[vector<16xi32>], vector<16xi32>,
        %parallel_loop3A_571 = vector.bitcast %parallel_loop3A_570 : vector<16xi32> to vector<32xbf16>
        %parallel_loop3A_572 = tpu.unpack_subelements %parallel_loop3A_571, 0 {pack_format = #tpu.pack_format<interleaved>} : vector<32xbf16> -> vector<16xf32>
        %parallel_loop3A_573 = tpu.unpack_subelements %parallel_loop3A_571, 1 {pack_format = #tpu.pack_format<interleaved>} : vector<32xbf16> -> vector<16xf32>
        %parallel_loop3A_574 = arith.mulf %parallel_loop3A_457, %parallel_loop3A_572 : vector<16xf32>
        %parallel_loop3A_575 = arith.mulf %parallel_loop3A_457, %parallel_loop3A_573 : vector<16xf32>
        %parallel_loop3A_576 = arith.addf %parallel_loop3A_565, %parallel_loop3A_574 : vector<16xf32>
        %parallel_loop3A_577 = arith.addf %parallel_loop3A_566, %parallel_loop3A_575 : vector<16xf32>
        %parallel_loop3A_578 = arith.constant 9 : i32
        %parallel_loop3A_579 = vector.broadcast %parallel_loop3A_578 : i32 to vector<16xi32>
        %parallel_loop3A_580 = arith.addi %parallel_loop3A_452, %parallel_loop3A_579 : vector<16xi32>
        %parallel_loop3A_581 = tpu.vector_load_idx %arg9[%parallel_loop3A_580] : memref<7360xi32, #tpu.memory_space<vmem>>[vector<16xi32>], vector<16xi32>,
        %parallel_loop3A_582 = vector.bitcast %parallel_loop3A_581 : vector<16xi32> to vector<32xbf16>
        %parallel_loop3A_583 = tpu.unpack_subelements %parallel_loop3A_582, 0 {pack_format = #tpu.pack_format<interleaved>} : vector<32xbf16> -> vector<16xf32>
        %parallel_loop3A_584 = tpu.unpack_subelements %parallel_loop3A_582, 1 {pack_format = #tpu.pack_format<interleaved>} : vector<32xbf16> -> vector<16xf32>
        %parallel_loop3A_585 = arith.mulf %parallel_loop3A_458, %parallel_loop3A_583 : vector<16xf32>
        %parallel_loop3A_586 = arith.mulf %parallel_loop3A_458, %parallel_loop3A_584 : vector<16xf32>
        %parallel_loop3A_587 = arith.addf %parallel_loop3A_576, %parallel_loop3A_585 : vector<16xf32>
        %parallel_loop3A_588 = arith.addf %parallel_loop3A_577, %parallel_loop3A_586 : vector<16xf32>
        %parallel_loop3A_589 = arith.constant 13 : i32
        %parallel_loop3A_590 = vector.broadcast %parallel_loop3A_589 : i32 to vector<16xi32>
        %parallel_loop3A_591 = arith.addi %parallel_loop3A_452, %parallel_loop3A_590 : vector<16xi32>
        %parallel_loop3A_592 = tpu.vector_load_idx %arg9[%parallel_loop3A_591] : memref<7360xi32, #tpu.memory_space<vmem>>[vector<16xi32>], vector<16xi32>,
        %parallel_loop3A_593 = vector.bitcast %parallel_loop3A_592 : vector<16xi32> to vector<32xbf16>
        %parallel_loop3A_594 = tpu.unpack_subelements %parallel_loop3A_593, 0 {pack_format = #tpu.pack_format<interleaved>} : vector<32xbf16> -> vector<16xf32>
        %parallel_loop3A_595 = tpu.unpack_subelements %parallel_loop3A_593, 1 {pack_format = #tpu.pack_format<interleaved>} : vector<32xbf16> -> vector<16xf32>
        %parallel_loop3A_596 = arith.mulf %parallel_loop3A_459, %parallel_loop3A_594 : vector<16xf32>
        %parallel_loop3A_597 = arith.mulf %parallel_loop3A_459, %parallel_loop3A_595 : vector<16xf32>
        %parallel_loop3A_598 = arith.addf %parallel_loop3A_587, %parallel_loop3A_596 : vector<16xf32>
        %parallel_loop3A_599 = arith.addf %parallel_loop3A_588, %parallel_loop3A_597 : vector<16xf32>
        %parallel_loop3A_600 = arith.constant 17 : i32
        %parallel_loop3A_601 = vector.broadcast %parallel_loop3A_600 : i32 to vector<16xi32>
        %parallel_loop3A_602 = arith.addi %parallel_loop3A_452, %parallel_loop3A_601 : vector<16xi32>
        %parallel_loop3A_603 = tpu.vector_load_idx %arg9[%parallel_loop3A_602] : memref<7360xi32, #tpu.memory_space<vmem>>[vector<16xi32>], vector<16xi32>,
        %parallel_loop3A_604 = vector.bitcast %parallel_loop3A_603 : vector<16xi32> to vector<32xbf16>
        %parallel_loop3A_605 = tpu.unpack_subelements %parallel_loop3A_604, 0 {pack_format = #tpu.pack_format<interleaved>} : vector<32xbf16> -> vector<16xf32>
        %parallel_loop3A_606 = tpu.unpack_subelements %parallel_loop3A_604, 1 {pack_format = #tpu.pack_format<interleaved>} : vector<32xbf16> -> vector<16xf32>
        %parallel_loop3A_607 = arith.mulf %parallel_loop3A_460, %parallel_loop3A_605 : vector<16xf32>
        %parallel_loop3A_608 = arith.mulf %parallel_loop3A_460, %parallel_loop3A_606 : vector<16xf32>
        %parallel_loop3A_609 = arith.addf %parallel_loop3A_598, %parallel_loop3A_607 : vector<16xf32>
        %parallel_loop3A_610 = arith.addf %parallel_loop3A_599, %parallel_loop3A_608 : vector<16xf32>
        %parallel_loop3A_611 = arith.constant 21 : i32
        %parallel_loop3A_612 = vector.broadcast %parallel_loop3A_611 : i32 to vector<16xi32>
        %parallel_loop3A_613 = arith.addi %parallel_loop3A_452, %parallel_loop3A_612 : vector<16xi32>
        %parallel_loop3A_614 = tpu.vector_load_idx %arg9[%parallel_loop3A_613] : memref<7360xi32, #tpu.memory_space<vmem>>[vector<16xi32>], vector<16xi32>,
        %parallel_loop3A_615 = vector.bitcast %parallel_loop3A_614 : vector<16xi32> to vector<32xbf16>
        %parallel_loop3A_616 = tpu.unpack_subelements %parallel_loop3A_615, 0 {pack_format = #tpu.pack_format<interleaved>} : vector<32xbf16> -> vector<16xf32>
        %parallel_loop3A_617 = tpu.unpack_subelements %parallel_loop3A_615, 1 {pack_format = #tpu.pack_format<interleaved>} : vector<32xbf16> -> vector<16xf32>
        %parallel_loop3A_618 = arith.mulf %parallel_loop3A_461, %parallel_loop3A_616 : vector<16xf32>
        %parallel_loop3A_619 = arith.mulf %parallel_loop3A_461, %parallel_loop3A_617 : vector<16xf32>
        %parallel_loop3A_620 = arith.addf %parallel_loop3A_609, %parallel_loop3A_618 : vector<16xf32>
        %parallel_loop3A_621 = arith.addf %parallel_loop3A_610, %parallel_loop3A_619 : vector<16xf32>
        %parallel_loop3A_622 = arith.constant 25 : i32
        %parallel_loop3A_623 = vector.broadcast %parallel_loop3A_622 : i32 to vector<16xi32>
        %parallel_loop3A_624 = arith.addi %parallel_loop3A_452, %parallel_loop3A_623 : vector<16xi32>
        %parallel_loop3A_625 = tpu.vector_load_idx %arg9[%parallel_loop3A_624] : memref<7360xi32, #tpu.memory_space<vmem>>[vector<16xi32>], vector<16xi32>,
        %parallel_loop3A_626 = vector.bitcast %parallel_loop3A_625 : vector<16xi32> to vector<32xbf16>
        %parallel_loop3A_627 = tpu.unpack_subelements %parallel_loop3A_626, 0 {pack_format = #tpu.pack_format<interleaved>} : vector<32xbf16> -> vector<16xf32>
        %parallel_loop3A_628 = tpu.unpack_subelements %parallel_loop3A_626, 1 {pack_format = #tpu.pack_format<interleaved>} : vector<32xbf16> -> vector<16xf32>
        %parallel_loop3A_629 = arith.mulf %parallel_loop3A_462, %parallel_loop3A_627 : vector<16xf32>
        %parallel_loop3A_630 = arith.mulf %parallel_loop3A_462, %parallel_loop3A_628 : vector<16xf32>
        %parallel_loop3A_631 = arith.addf %parallel_loop3A_620, %parallel_loop3A_629 : vector<16xf32>
        %parallel_loop3A_632 = arith.addf %parallel_loop3A_621, %parallel_loop3A_630 : vector<16xf32>
        %parallel_loop3A_633 = arith.constant 29 : i32
        %parallel_loop3A_634 = vector.broadcast %parallel_loop3A_633 : i32 to vector<16xi32>
        %parallel_loop3A_635 = arith.addi %parallel_loop3A_452, %parallel_loop3A_634 : vector<16xi32>
        %parallel_loop3A_636 = tpu.vector_load_idx %arg9[%parallel_loop3A_635] : memref<7360xi32, #tpu.memory_space<vmem>>[vector<16xi32>], vector<16xi32>,
        %parallel_loop3A_637 = vector.bitcast %parallel_loop3A_636 : vector<16xi32> to vector<32xbf16>
        %parallel_loop3A_638 = tpu.unpack_subelements %parallel_loop3A_637, 0 {pack_format = #tpu.pack_format<interleaved>} : vector<32xbf16> -> vector<16xf32>
        %parallel_loop3A_639 = tpu.unpack_subelements %parallel_loop3A_637, 1 {pack_format = #tpu.pack_format<interleaved>} : vector<32xbf16> -> vector<16xf32>
        %parallel_loop3A_640 = arith.mulf %parallel_loop3A_463, %parallel_loop3A_638 : vector<16xf32>
        %parallel_loop3A_641 = arith.mulf %parallel_loop3A_463, %parallel_loop3A_639 : vector<16xf32>
        %parallel_loop3A_642 = arith.addf %parallel_loop3A_631, %parallel_loop3A_640 : vector<16xf32>
        %parallel_loop3A_643 = arith.addf %parallel_loop3A_632, %parallel_loop3A_641 : vector<16xf32>
        %parallel_loop3A_644 = arith.constant 2 : i32
        %parallel_loop3A_645 = vector.broadcast %parallel_loop3A_644 : i32 to vector<16xi32>
        %parallel_loop3A_646 = arith.addi %parallel_loop3A_455, %parallel_loop3A_645 : vector<16xi32>
        %parallel_loop3A_647 = arith.mulf %parallel_loop3A_642, %parallel_loop3A_449 : vector<16xf32>
        tpu.vector_store_idx %arg10[%parallel_loop3A_646], %parallel_loop3A_647 {add = true} : memref<80000xf32, #tpu.memory_space<vmem>>[vector<16xi32>], vector<16xf32>,
        %parallel_loop3A_648 = arith.constant 3 : i32
        %parallel_loop3A_649 = vector.broadcast %parallel_loop3A_648 : i32 to vector<16xi32>
        %parallel_loop3A_650 = arith.addi %parallel_loop3A_455, %parallel_loop3A_649 : vector<16xi32>
        %parallel_loop3A_651 = arith.mulf %parallel_loop3A_643, %parallel_loop3A_449 : vector<16xf32>
        tpu.vector_store_idx %arg10[%parallel_loop3A_650], %parallel_loop3A_651 {add = true} : memref<80000xf32, #tpu.memory_space<vmem>>[vector<16xi32>], vector<16xf32>,
        %parallel_loop3A_652 = arith.constant 2 : i32
        %parallel_loop3A_653 = vector.broadcast %parallel_loop3A_652 : i32 to vector<16xi32>
        %parallel_loop3A_654 = arith.addi %parallel_loop3A_452, %parallel_loop3A_653 : vector<16xi32>
        %parallel_loop3A_655 = tpu.vector_load_idx %arg9[%parallel_loop3A_654] : memref<7360xi32, #tpu.memory_space<vmem>>[vector<16xi32>], vector<16xi32>,
        %parallel_loop3A_656 = vector.bitcast %parallel_loop3A_655 : vector<16xi32> to vector<32xbf16>
        %parallel_loop3A_657 = tpu.unpack_subelements %parallel_loop3A_656, 0 {pack_format = #tpu.pack_format<interleaved>} : vector<32xbf16> -> vector<16xf32>
        %parallel_loop3A_658 = tpu.unpack_subelements %parallel_loop3A_656, 1 {pack_format = #tpu.pack_format<interleaved>} : vector<32xbf16> -> vector<16xf32>
        %parallel_loop3A_659 = arith.mulf %parallel_loop3A_456, %parallel_loop3A_657 : vector<16xf32>
        %parallel_loop3A_660 = arith.mulf %parallel_loop3A_456, %parallel_loop3A_658 : vector<16xf32>
        %parallel_loop3A_661 = arith.constant 6 : i32
        %parallel_loop3A_662 = vector.broadcast %parallel_loop3A_661 : i32 to vector<16xi32>
        %parallel_loop3A_663 = arith.addi %parallel_loop3A_452, %parallel_loop3A_662 : vector<16xi32>
        %parallel_loop3A_664 = tpu.vector_load_idx %arg9[%parallel_loop3A_663] : memref<7360xi32, #tpu.memory_space<vmem>>[vector<16xi32>], vector<16xi32>,
        %parallel_loop3A_665 = vector.bitcast %parallel_loop3A_664 : vector<16xi32> to vector<32xbf16>
        %parallel_loop3A_666 = tpu.unpack_subelements %parallel_loop3A_665, 0 {pack_format = #tpu.pack_format<interleaved>} : vector<32xbf16> -> vector<16xf32>
        %parallel_loop3A_667 = tpu.unpack_subelements %parallel_loop3A_665, 1 {pack_format = #tpu.pack_format<interleaved>} : vector<32xbf16> -> vector<16xf32>
        %parallel_loop3A_668 = arith.mulf %parallel_loop3A_457, %parallel_loop3A_666 : vector<16xf32>
        %parallel_loop3A_669 = arith.mulf %parallel_loop3A_457, %parallel_loop3A_667 : vector<16xf32>
        %parallel_loop3A_670 = arith.addf %parallel_loop3A_659, %parallel_loop3A_668 : vector<16xf32>
        %parallel_loop3A_671 = arith.addf %parallel_loop3A_660, %parallel_loop3A_669 : vector<16xf32>
        %parallel_loop3A_672 = arith.constant 10 : i32
        %parallel_loop3A_673 = vector.broadcast %parallel_loop3A_672 : i32 to vector<16xi32>
        %parallel_loop3A_674 = arith.addi %parallel_loop3A_452, %parallel_loop3A_673 : vector<16xi32>
        %parallel_loop3A_675 = tpu.vector_load_idx %arg9[%parallel_loop3A_674] : memref<7360xi32, #tpu.memory_space<vmem>>[vector<16xi32>], vector<16xi32>,
        %parallel_loop3A_676 = vector.bitcast %parallel_loop3A_675 : vector<16xi32> to vector<32xbf16>
        %parallel_loop3A_677 = tpu.unpack_subelements %parallel_loop3A_676, 0 {pack_format = #tpu.pack_format<interleaved>} : vector<32xbf16> -> vector<16xf32>
        %parallel_loop3A_678 = tpu.unpack_subelements %parallel_loop3A_676, 1 {pack_format = #tpu.pack_format<interleaved>} : vector<32xbf16> -> vector<16xf32>
        %parallel_loop3A_679 = arith.mulf %parallel_loop3A_458, %parallel_loop3A_677 : vector<16xf32>
        %parallel_loop3A_680 = arith.mulf %parallel_loop3A_458, %parallel_loop3A_678 : vector<16xf32>
        %parallel_loop3A_681 = arith.addf %parallel_loop3A_670, %parallel_loop3A_679 : vector<16xf32>
        %parallel_loop3A_682 = arith.addf %parallel_loop3A_671, %parallel_loop3A_680 : vector<16xf32>
        %parallel_loop3A_683 = arith.constant 14 : i32
        %parallel_loop3A_684 = vector.broadcast %parallel_loop3A_683 : i32 to vector<16xi32>
        %parallel_loop3A_685 = arith.addi %parallel_loop3A_452, %parallel_loop3A_684 : vector<16xi32>
        %parallel_loop3A_686 = tpu.vector_load_idx %arg9[%parallel_loop3A_685] : memref<7360xi32, #tpu.memory_space<vmem>>[vector<16xi32>], vector<16xi32>,
        %parallel_loop3A_687 = vector.bitcast %parallel_loop3A_686 : vector<16xi32> to vector<32xbf16>
        %parallel_loop3A_688 = tpu.unpack_subelements %parallel_loop3A_687, 0 {pack_format = #tpu.pack_format<interleaved>} : vector<32xbf16> -> vector<16xf32>
        %parallel_loop3A_689 = tpu.unpack_subelements %parallel_loop3A_687, 1 {pack_format = #tpu.pack_format<interleaved>} : vector<32xbf16> -> vector<16xf32>
        %parallel_loop3A_690 = arith.mulf %parallel_loop3A_459, %parallel_loop3A_688 : vector<16xf32>
        %parallel_loop3A_691 = arith.mulf %parallel_loop3A_459, %parallel_loop3A_689 : vector<16xf32>
        %parallel_loop3A_692 = arith.addf %parallel_loop3A_681, %parallel_loop3A_690 : vector<16xf32>
        %parallel_loop3A_693 = arith.addf %parallel_loop3A_682, %parallel_loop3A_691 : vector<16xf32>
        %parallel_loop3A_694 = arith.constant 18 : i32
        %parallel_loop3A_695 = vector.broadcast %parallel_loop3A_694 : i32 to vector<16xi32>
        %parallel_loop3A_696 = arith.addi %parallel_loop3A_452, %parallel_loop3A_695 : vector<16xi32>
        %parallel_loop3A_697 = tpu.vector_load_idx %arg9[%parallel_loop3A_696] : memref<7360xi32, #tpu.memory_space<vmem>>[vector<16xi32>], vector<16xi32>,
        %parallel_loop3A_698 = vector.bitcast %parallel_loop3A_697 : vector<16xi32> to vector<32xbf16>
        %parallel_loop3A_699 = tpu.unpack_subelements %parallel_loop3A_698, 0 {pack_format = #tpu.pack_format<interleaved>} : vector<32xbf16> -> vector<16xf32>
        %parallel_loop3A_700 = tpu.unpack_subelements %parallel_loop3A_698, 1 {pack_format = #tpu.pack_format<interleaved>} : vector<32xbf16> -> vector<16xf32>
        %parallel_loop3A_701 = arith.mulf %parallel_loop3A_460, %parallel_loop3A_699 : vector<16xf32>
        %parallel_loop3A_702 = arith.mulf %parallel_loop3A_460, %parallel_loop3A_700 : vector<16xf32>
        %parallel_loop3A_703 = arith.addf %parallel_loop3A_692, %parallel_loop3A_701 : vector<16xf32>
        %parallel_loop3A_704 = arith.addf %parallel_loop3A_693, %parallel_loop3A_702 : vector<16xf32>
        %parallel_loop3A_705 = arith.constant 22 : i32
        %parallel_loop3A_706 = vector.broadcast %parallel_loop3A_705 : i32 to vector<16xi32>
        %parallel_loop3A_707 = arith.addi %parallel_loop3A_452, %parallel_loop3A_706 : vector<16xi32>
        %parallel_loop3A_708 = tpu.vector_load_idx %arg9[%parallel_loop3A_707] : memref<7360xi32, #tpu.memory_space<vmem>>[vector<16xi32>], vector<16xi32>,
        %parallel_loop3A_709 = vector.bitcast %parallel_loop3A_708 : vector<16xi32> to vector<32xbf16>
        %parallel_loop3A_710 = tpu.unpack_subelements %parallel_loop3A_709, 0 {pack_format = #tpu.pack_format<interleaved>} : vector<32xbf16> -> vector<16xf32>
        %parallel_loop3A_711 = tpu.unpack_subelements %parallel_loop3A_709, 1 {pack_format = #tpu.pack_format<interleaved>} : vector<32xbf16> -> vector<16xf32>
        %parallel_loop3A_712 = arith.mulf %parallel_loop3A_461, %parallel_loop3A_710 : vector<16xf32>
        %parallel_loop3A_713 = arith.mulf %parallel_loop3A_461, %parallel_loop3A_711 : vector<16xf32>
        %parallel_loop3A_714 = arith.addf %parallel_loop3A_703, %parallel_loop3A_712 : vector<16xf32>
        %parallel_loop3A_715 = arith.addf %parallel_loop3A_704, %parallel_loop3A_713 : vector<16xf32>
        %parallel_loop3A_716 = arith.constant 26 : i32
        %parallel_loop3A_717 = vector.broadcast %parallel_loop3A_716 : i32 to vector<16xi32>
        %parallel_loop3A_718 = arith.addi %parallel_loop3A_452, %parallel_loop3A_717 : vector<16xi32>
        %parallel_loop3A_719 = tpu.vector_load_idx %arg9[%parallel_loop3A_718] : memref<7360xi32, #tpu.memory_space<vmem>>[vector<16xi32>], vector<16xi32>,
        %parallel_loop3A_720 = vector.bitcast %parallel_loop3A_719 : vector<16xi32> to vector<32xbf16>
        %parallel_loop3A_721 = tpu.unpack_subelements %parallel_loop3A_720, 0 {pack_format = #tpu.pack_format<interleaved>} : vector<32xbf16> -> vector<16xf32>
        %parallel_loop3A_722 = tpu.unpack_subelements %parallel_loop3A_720, 1 {pack_format = #tpu.pack_format<interleaved>} : vector<32xbf16> -> vector<16xf32>
        %parallel_loop3A_723 = arith.mulf %parallel_loop3A_462, %parallel_loop3A_721 : vector<16xf32>
        %parallel_loop3A_724 = arith.mulf %parallel_loop3A_462, %parallel_loop3A_722 : vector<16xf32>
        %parallel_loop3A_725 = arith.addf %parallel_loop3A_714, %parallel_loop3A_723 : vector<16xf32>
        %parallel_loop3A_726 = arith.addf %parallel_loop3A_715, %parallel_loop3A_724 : vector<16xf32>
        %parallel_loop3A_727 = arith.constant 30 : i32
        %parallel_loop3A_728 = vector.broadcast %parallel_loop3A_727 : i32 to vector<16xi32>
        %parallel_loop3A_729 = arith.addi %parallel_loop3A_452, %parallel_loop3A_728 : vector<16xi32>
        %parallel_loop3A_730 = tpu.vector_load_idx %arg9[%parallel_loop3A_729] : memref<7360xi32, #tpu.memory_space<vmem>>[vector<16xi32>], vector<16xi32>,
        %parallel_loop3A_731 = vector.bitcast %parallel_loop3A_730 : vector<16xi32> to vector<32xbf16>
        %parallel_loop3A_732 = tpu.unpack_subelements %parallel_loop3A_731, 0 {pack_format = #tpu.pack_format<interleaved>} : vector<32xbf16> -> vector<16xf32>
        %parallel_loop3A_733 = tpu.unpack_subelements %parallel_loop3A_731, 1 {pack_format = #tpu.pack_format<interleaved>} : vector<32xbf16> -> vector<16xf32>
        %parallel_loop3A_734 = arith.mulf %parallel_loop3A_463, %parallel_loop3A_732 : vector<16xf32>
        %parallel_loop3A_735 = arith.mulf %parallel_loop3A_463, %parallel_loop3A_733 : vector<16xf32>
        %parallel_loop3A_736 = arith.addf %parallel_loop3A_725, %parallel_loop3A_734 : vector<16xf32>
        %parallel_loop3A_737 = arith.addf %parallel_loop3A_726, %parallel_loop3A_735 : vector<16xf32>
        %parallel_loop3A_738 = arith.constant 4 : i32
        %parallel_loop3A_739 = vector.broadcast %parallel_loop3A_738 : i32 to vector<16xi32>
        %parallel_loop3A_740 = arith.addi %parallel_loop3A_455, %parallel_loop3A_739 : vector<16xi32>
        %parallel_loop3A_741 = arith.mulf %parallel_loop3A_736, %parallel_loop3A_449 : vector<16xf32>
        tpu.vector_store_idx %arg10[%parallel_loop3A_740], %parallel_loop3A_741 {add = true} : memref<80000xf32, #tpu.memory_space<vmem>>[vector<16xi32>], vector<16xf32>,
        %parallel_loop3A_742 = arith.constant 5 : i32
        %parallel_loop3A_743 = vector.broadcast %parallel_loop3A_742 : i32 to vector<16xi32>
        %parallel_loop3A_744 = arith.addi %parallel_loop3A_455, %parallel_loop3A_743 : vector<16xi32>
        %parallel_loop3A_745 = arith.mulf %parallel_loop3A_737, %parallel_loop3A_449 : vector<16xf32>
        tpu.vector_store_idx %arg10[%parallel_loop3A_744], %parallel_loop3A_745 {add = true} : memref<80000xf32, #tpu.memory_space<vmem>>[vector<16xi32>], vector<16xf32>,
        %parallel_loop3A_746 = arith.constant 3 : i32
        %parallel_loop3A_747 = vector.broadcast %parallel_loop3A_746 : i32 to vector<16xi32>
        %parallel_loop3A_748 = arith.addi %parallel_loop3A_452, %parallel_loop3A_747 : vector<16xi32>
        %parallel_loop3A_749 = tpu.vector_load_idx %arg9[%parallel_loop3A_748] : memref<7360xi32, #tpu.memory_space<vmem>>[vector<16xi32>], vector<16xi32>,
        %parallel_loop3A_750 = vector.bitcast %parallel_loop3A_749 : vector<16xi32> to vector<32xbf16>
        %parallel_loop3A_751 = tpu.unpack_subelements %parallel_loop3A_750, 0 {pack_format = #tpu.pack_format<interleaved>} : vector<32xbf16> -> vector<16xf32>
        %parallel_loop3A_752 = tpu.unpack_subelements %parallel_loop3A_750, 1 {pack_format = #tpu.pack_format<interleaved>} : vector<32xbf16> -> vector<16xf32>
        %parallel_loop3A_753 = arith.mulf %parallel_loop3A_456, %parallel_loop3A_751 : vector<16xf32>
        %parallel_loop3A_754 = arith.mulf %parallel_loop3A_456, %parallel_loop3A_752 : vector<16xf32>
        %parallel_loop3A_755 = arith.constant 7 : i32
        %parallel_loop3A_756 = vector.broadcast %parallel_loop3A_755 : i32 to vector<16xi32>
        %parallel_loop3A_757 = arith.addi %parallel_loop3A_452, %parallel_loop3A_756 : vector<16xi32>
        %parallel_loop3A_758 = tpu.vector_load_idx %arg9[%parallel_loop3A_757] : memref<7360xi32, #tpu.memory_space<vmem>>[vector<16xi32>], vector<16xi32>,
        %parallel_loop3A_759 = vector.bitcast %parallel_loop3A_758 : vector<16xi32> to vector<32xbf16>
        %parallel_loop3A_760 = tpu.unpack_subelements %parallel_loop3A_759, 0 {pack_format = #tpu.pack_format<interleaved>} : vector<32xbf16> -> vector<16xf32>
        %parallel_loop3A_761 = tpu.unpack_subelements %parallel_loop3A_759, 1 {pack_format = #tpu.pack_format<interleaved>} : vector<32xbf16> -> vector<16xf32>
        %parallel_loop3A_762 = arith.mulf %parallel_loop3A_457, %parallel_loop3A_760 : vector<16xf32>
        %parallel_loop3A_763 = arith.mulf %parallel_loop3A_457, %parallel_loop3A_761 : vector<16xf32>
        %parallel_loop3A_764 = arith.addf %parallel_loop3A_753, %parallel_loop3A_762 : vector<16xf32>
        %parallel_loop3A_765 = arith.addf %parallel_loop3A_754, %parallel_loop3A_763 : vector<16xf32>
        %parallel_loop3A_766 = arith.constant 11 : i32
        %parallel_loop3A_767 = vector.broadcast %parallel_loop3A_766 : i32 to vector<16xi32>
        %parallel_loop3A_768 = arith.addi %parallel_loop3A_452, %parallel_loop3A_767 : vector<16xi32>
        %parallel_loop3A_769 = tpu.vector_load_idx %arg9[%parallel_loop3A_768] : memref<7360xi32, #tpu.memory_space<vmem>>[vector<16xi32>], vector<16xi32>,
        %parallel_loop3A_770 = vector.bitcast %parallel_loop3A_769 : vector<16xi32> to vector<32xbf16>
        %parallel_loop3A_771 = tpu.unpack_subelements %parallel_loop3A_770, 0 {pack_format = #tpu.pack_format<interleaved>} : vector<32xbf16> -> vector<16xf32>
        %parallel_loop3A_772 = tpu.unpack_subelements %parallel_loop3A_770, 1 {pack_format = #tpu.pack_format<interleaved>} : vector<32xbf16> -> vector<16xf32>
        %parallel_loop3A_773 = arith.mulf %parallel_loop3A_458, %parallel_loop3A_771 : vector<16xf32>
        %parallel_loop3A_774 = arith.mulf %parallel_loop3A_458, %parallel_loop3A_772 : vector<16xf32>
        %parallel_loop3A_775 = arith.addf %parallel_loop3A_764, %parallel_loop3A_773 : vector<16xf32>
        %parallel_loop3A_776 = arith.addf %parallel_loop3A_765, %parallel_loop3A_774 : vector<16xf32>
        %parallel_loop3A_777 = arith.constant 15 : i32
        %parallel_loop3A_778 = vector.broadcast %parallel_loop3A_777 : i32 to vector<16xi32>
        %parallel_loop3A_779 = arith.addi %parallel_loop3A_452, %parallel_loop3A_778 : vector<16xi32>
        %parallel_loop3A_780 = tpu.vector_load_idx %arg9[%parallel_loop3A_779] : memref<7360xi32, #tpu.memory_space<vmem>>[vector<16xi32>], vector<16xi32>,
        %parallel_loop3A_781 = vector.bitcast %parallel_loop3A_780 : vector<16xi32> to vector<32xbf16>
        %parallel_loop3A_782 = tpu.unpack_subelements %parallel_loop3A_781, 0 {pack_format = #tpu.pack_format<interleaved>} : vector<32xbf16> -> vector<16xf32>
        %parallel_loop3A_783 = tpu.unpack_subelements %parallel_loop3A_781, 1 {pack_format = #tpu.pack_format<interleaved>} : vector<32xbf16> -> vector<16xf32>
        %parallel_loop3A_784 = arith.mulf %parallel_loop3A_459, %parallel_loop3A_782 : vector<16xf32>
        %parallel_loop3A_785 = arith.mulf %parallel_loop3A_459, %parallel_loop3A_783 : vector<16xf32>
        %parallel_loop3A_786 = arith.addf %parallel_loop3A_775, %parallel_loop3A_784 : vector<16xf32>
        %parallel_loop3A_787 = arith.addf %parallel_loop3A_776, %parallel_loop3A_785 : vector<16xf32>
        %parallel_loop3A_788 = arith.constant 19 : i32
        %parallel_loop3A_789 = vector.broadcast %parallel_loop3A_788 : i32 to vector<16xi32>
        %parallel_loop3A_790 = arith.addi %parallel_loop3A_452, %parallel_loop3A_789 : vector<16xi32>
        %parallel_loop3A_791 = tpu.vector_load_idx %arg9[%parallel_loop3A_790] : memref<7360xi32, #tpu.memory_space<vmem>>[vector<16xi32>], vector<16xi32>,
        %parallel_loop3A_792 = vector.bitcast %parallel_loop3A_791 : vector<16xi32> to vector<32xbf16>
        %parallel_loop3A_793 = tpu.unpack_subelements %parallel_loop3A_792, 0 {pack_format = #tpu.pack_format<interleaved>} : vector<32xbf16> -> vector<16xf32>
        %parallel_loop3A_794 = tpu.unpack_subelements %parallel_loop3A_792, 1 {pack_format = #tpu.pack_format<interleaved>} : vector<32xbf16> -> vector<16xf32>
        %parallel_loop3A_795 = arith.mulf %parallel_loop3A_460, %parallel_loop3A_793 : vector<16xf32>
        %parallel_loop3A_796 = arith.mulf %parallel_loop3A_460, %parallel_loop3A_794 : vector<16xf32>
        %parallel_loop3A_797 = arith.addf %parallel_loop3A_786, %parallel_loop3A_795 : vector<16xf32>
        %parallel_loop3A_798 = arith.addf %parallel_loop3A_787, %parallel_loop3A_796 : vector<16xf32>
        %parallel_loop3A_799 = arith.constant 23 : i32
        %parallel_loop3A_800 = vector.broadcast %parallel_loop3A_799 : i32 to vector<16xi32>
        %parallel_loop3A_801 = arith.addi %parallel_loop3A_452, %parallel_loop3A_800 : vector<16xi32>
        %parallel_loop3A_802 = tpu.vector_load_idx %arg9[%parallel_loop3A_801] : memref<7360xi32, #tpu.memory_space<vmem>>[vector<16xi32>], vector<16xi32>,
        %parallel_loop3A_803 = vector.bitcast %parallel_loop3A_802 : vector<16xi32> to vector<32xbf16>
        %parallel_loop3A_804 = tpu.unpack_subelements %parallel_loop3A_803, 0 {pack_format = #tpu.pack_format<interleaved>} : vector<32xbf16> -> vector<16xf32>
        %parallel_loop3A_805 = tpu.unpack_subelements %parallel_loop3A_803, 1 {pack_format = #tpu.pack_format<interleaved>} : vector<32xbf16> -> vector<16xf32>
        %parallel_loop3A_806 = arith.mulf %parallel_loop3A_461, %parallel_loop3A_804 : vector<16xf32>
        %parallel_loop3A_807 = arith.mulf %parallel_loop3A_461, %parallel_loop3A_805 : vector<16xf32>
        %parallel_loop3A_808 = arith.addf %parallel_loop3A_797, %parallel_loop3A_806 : vector<16xf32>
        %parallel_loop3A_809 = arith.addf %parallel_loop3A_798, %parallel_loop3A_807 : vector<16xf32>
        %parallel_loop3A_810 = arith.constant 27 : i32
        %parallel_loop3A_811 = vector.broadcast %parallel_loop3A_810 : i32 to vector<16xi32>
        %parallel_loop3A_812 = arith.addi %parallel_loop3A_452, %parallel_loop3A_811 : vector<16xi32>
        %parallel_loop3A_813 = tpu.vector_load_idx %arg9[%parallel_loop3A_812] : memref<7360xi32, #tpu.memory_space<vmem>>[vector<16xi32>], vector<16xi32>,
        %parallel_loop3A_814 = vector.bitcast %parallel_loop3A_813 : vector<16xi32> to vector<32xbf16>
        %parallel_loop3A_815 = tpu.unpack_subelements %parallel_loop3A_814, 0 {pack_format = #tpu.pack_format<interleaved>} : vector<32xbf16> -> vector<16xf32>
        %parallel_loop3A_816 = tpu.unpack_subelements %parallel_loop3A_814, 1 {pack_format = #tpu.pack_format<interleaved>} : vector<32xbf16> -> vector<16xf32>
        %parallel_loop3A_817 = arith.mulf %parallel_loop3A_462, %parallel_loop3A_815 : vector<16xf32>
        %parallel_loop3A_818 = arith.mulf %parallel_loop3A_462, %parallel_loop3A_816 : vector<16xf32>
        %parallel_loop3A_819 = arith.addf %parallel_loop3A_808, %parallel_loop3A_817 : vector<16xf32>
        %parallel_loop3A_820 = arith.addf %parallel_loop3A_809, %parallel_loop3A_818 : vector<16xf32>
        %parallel_loop3A_821 = arith.constant 31 : i32
        %parallel_loop3A_822 = vector.broadcast %parallel_loop3A_821 : i32 to vector<16xi32>
        %parallel_loop3A_823 = arith.addi %parallel_loop3A_452, %parallel_loop3A_822 : vector<16xi32>
        %parallel_loop3A_824 = tpu.vector_load_idx %arg9[%parallel_loop3A_823] : memref<7360xi32, #tpu.memory_space<vmem>>[vector<16xi32>], vector<16xi32>,
        %parallel_loop3A_825 = vector.bitcast %parallel_loop3A_824 : vector<16xi32> to vector<32xbf16>
        %parallel_loop3A_826 = tpu.unpack_subelements %parallel_loop3A_825, 0 {pack_format = #tpu.pack_format<interleaved>} : vector<32xbf16> -> vector<16xf32>
        %parallel_loop3A_827 = tpu.unpack_subelements %parallel_loop3A_825, 1 {pack_format = #tpu.pack_format<interleaved>} : vector<32xbf16> -> vector<16xf32>
        %parallel_loop3A_828 = arith.mulf %parallel_loop3A_463, %parallel_loop3A_826 : vector<16xf32>
        %parallel_loop3A_829 = arith.mulf %parallel_loop3A_463, %parallel_loop3A_827 : vector<16xf32>
        %parallel_loop3A_830 = arith.addf %parallel_loop3A_819, %parallel_loop3A_828 : vector<16xf32>
        %parallel_loop3A_831 = arith.addf %parallel_loop3A_820, %parallel_loop3A_829 : vector<16xf32>
        %parallel_loop3A_832 = arith.constant 6 : i32
        %parallel_loop3A_833 = vector.broadcast %parallel_loop3A_832 : i32 to vector<16xi32>
        %parallel_loop3A_834 = arith.addi %parallel_loop3A_455, %parallel_loop3A_833 : vector<16xi32>
        %parallel_loop3A_835 = arith.mulf %parallel_loop3A_830, %parallel_loop3A_449 : vector<16xf32>
        tpu.vector_store_idx %arg10[%parallel_loop3A_834], %parallel_loop3A_835 {add = true} : memref<80000xf32, #tpu.memory_space<vmem>>[vector<16xi32>], vector<16xf32>,
        %parallel_loop3A_836 = arith.constant 7 : i32
        %parallel_loop3A_837 = vector.broadcast %parallel_loop3A_836 : i32 to vector<16xi32>
        %parallel_loop3A_838 = arith.addi %parallel_loop3A_455, %parallel_loop3A_837 : vector<16xi32>
        %parallel_loop3A_839 = arith.mulf %parallel_loop3A_831, %parallel_loop3A_449 : vector<16xf32>
        tpu.vector_store_idx %arg10[%parallel_loop3A_838], %parallel_loop3A_839 {add = true} : memref<80000xf32, #tpu.memory_space<vmem>>[vector<16xi32>], vector<16xf32>,
      } {sc.loop_unroll_factor = 2 : i64, sc.parallel_access}
      %lt3A = arith.constant 99 : i32
      %lt3A_332 = arith.cmpi slt, %scan3A_145, %lt3A : i32
      %convert_element_type3A = arith.extui %lt3A_332 : i1 to i32
      %cond3A = arith.constant 0 : i32
      %cond3A_333 = arith.cmpi ne, %convert_element_type3A, %cond3A : i32
      scf.if %cond3A_333 {
        %add3A_432 = arith.constant 2 : i32
        %add3A_433 = arith.addi %add3A_150, %add3A_432 : i32
        %mul3A_434 = arith.constant 160000 : i32
        %mul3A_435 = arith.muli %arg0, %mul3A_434 : i32
        %mul3A_436 = arith.constant 800 : i32
        %mul3A_437 = arith.muli %add3A_433, %mul3A_436 : i32
        %add3A_438 = arith.addi %mul3A_435, %mul3A_437 : i32
        %dma_start3A_439 = tpu.memref_slice %arg4[%add3A_438] : memref<320000xi32, #tpu.memory_space<hbm>> -> memref<800xi32, #tpu.memory_space<hbm>>
        %dma_start3A_440 = tpu.memref_slice %arg4[%add3A_438] : memref<320000xi32, #tpu.memory_space<hbm>> -> memref<800xi32, #tpu.memory_space<hbm>>
        tpu.enqueue_dma source(%dma_start3A_440 : memref<800xi32, #tpu.memory_space<hbm>>) target(%arg11 : memref<800xi32, #tpu.memory_space<vmem>>) target_semaphore(%arg21 : memref<!tpu.dma_semaphore, #tpu.memory_space<semaphore_mem>>)
        %dma_start3A_441 = tpu.memref_slice %arg5[%add3A_438] : memref<320000xi32, #tpu.memory_space<hbm>> -> memref<800xi32, #tpu.memory_space<hbm>>
        %dma_start3A_442 = tpu.memref_slice %arg5[%add3A_438] : memref<320000xi32, #tpu.memory_space<hbm>> -> memref<800xi32, #tpu.memory_space<hbm>>
        tpu.enqueue_dma source(%dma_start3A_442 : memref<800xi32, #tpu.memory_space<hbm>>) target(%arg12 : memref<800xi32, #tpu.memory_space<vmem>>) target_semaphore(%arg21 : memref<!tpu.dma_semaphore, #tpu.memory_space<semaphore_mem>>)
        %dma_start3A_443 = tpu.memref_slice %arg6[%add3A_438] : memref<320000xi32, #tpu.memory_space<hbm>> -> memref<800xi32, #tpu.memory_space<hbm>>
        %dma_start3A_444 = tpu.memref_slice %arg6[%add3A_438] : memref<320000xi32, #tpu.memory_space<hbm>> -> memref<800xi32, #tpu.memory_space<hbm>>
        tpu.enqueue_dma source(%dma_start3A_444 : memref<800xi32, #tpu.memory_space<hbm>>) target(%arg13 : memref<800xi32, #tpu.memory_space<vmem>>) target_semaphore(%arg21 : memref<!tpu.dma_semaphore, #tpu.memory_space<semaphore_mem>>)
        %dma_start3A_445 = tpu.memref_slice %arg7[%add3A_438] : memref<320000xf32, #tpu.memory_space<hbm>> -> memref<800xf32, #tpu.memory_space<hbm>>
        %dma_start3A_446 = tpu.memref_slice %arg7[%add3A_438] : memref<320000xf32, #tpu.memory_space<hbm>> -> memref<800xf32, #tpu.memory_space<hbm>>
        tpu.enqueue_dma source(%dma_start3A_446 : memref<800xf32, #tpu.memory_space<hbm>>) target(%arg14 : memref<800xf32, #tpu.memory_space<vmem>>) target_semaphore(%arg21 : memref<!tpu.dma_semaphore, #tpu.memory_space<semaphore_mem>>)
      } else {
      }
      %mul3A_334 = arith.constant 2 : i32
      %mul3A_335 = arith.muli %scan3A_145, %mul3A_334 : i32
      %add3A_336 = arith.constant 1 : i32
      %add3A_337 = arith.addi %mul3A_335, %add3A_336 : i32
      %lt3A_338 = arith.constant 99 : i32
      %lt3A_339 = arith.cmpi slt, %scan3A_145, %lt3A_338 : i32
      %convert_element_type3A_340 = arith.extui %lt3A_339 : i1 to i32
      %cond3A_341 = arith.constant 0 : i32
      %cond3A_342 = arith.cmpi ne, %convert_element_type3A_340, %cond3A_341 : i32
      scf.if %cond3A_342 {
        %add3A_432 = arith.constant 1 : i32
        %add3A_433 = arith.addi %add3A_337, %add3A_432 : i32
        %mul3A_434 = arith.constant 160000 : i32
        %mul3A_435 = arith.muli %arg0, %mul3A_434 : i32
        %mul3A_436 = arith.constant 800 : i32
        %mul3A_437 = arith.muli %add3A_433, %mul3A_436 : i32
        %add3A_438 = arith.addi %mul3A_435, %mul3A_437 : i32
        %dma_wait3A_439 = tpu.memref_slice %arg4[%add3A_438] : memref<320000xi32, #tpu.memory_space<hbm>> -> memref<800xi32, #tpu.memory_space<hbm>>
        %dma_wait3A_440 = tpu.memref_slice %arg4[%add3A_438] : memref<320000xi32, #tpu.memory_space<hbm>> -> memref<800xi32, #tpu.memory_space<hbm>>
        tpu.wait_dma2 semaphore(%arg21 : memref<!tpu.dma_semaphore, #tpu.memory_space<semaphore_mem>>) src(%dma_wait3A_440 : memref<800xi32, #tpu.memory_space<hbm>>) dst(%arg11 : memref<800xi32, #tpu.memory_space<vmem>>)
        %dma_wait3A_441 = tpu.memref_slice %arg5[%add3A_438] : memref<320000xi32, #tpu.memory_space<hbm>> -> memref<800xi32, #tpu.memory_space<hbm>>
        %dma_wait3A_442 = tpu.memref_slice %arg5[%add3A_438] : memref<320000xi32, #tpu.memory_space<hbm>> -> memref<800xi32, #tpu.memory_space<hbm>>
        tpu.wait_dma2 semaphore(%arg21 : memref<!tpu.dma_semaphore, #tpu.memory_space<semaphore_mem>>) src(%dma_wait3A_442 : memref<800xi32, #tpu.memory_space<hbm>>) dst(%arg12 : memref<800xi32, #tpu.memory_space<vmem>>)
        %dma_wait3A_443 = tpu.memref_slice %arg6[%add3A_438] : memref<320000xi32, #tpu.memory_space<hbm>> -> memref<800xi32, #tpu.memory_space<hbm>>
        %dma_wait3A_444 = tpu.memref_slice %arg6[%add3A_438] : memref<320000xi32, #tpu.memory_space<hbm>> -> memref<800xi32, #tpu.memory_space<hbm>>
        tpu.wait_dma2 semaphore(%arg21 : memref<!tpu.dma_semaphore, #tpu.memory_space<semaphore_mem>>) src(%dma_wait3A_444 : memref<800xi32, #tpu.memory_space<hbm>>) dst(%arg13 : memref<800xi32, #tpu.memory_space<vmem>>)
        %dma_wait3A_445 = tpu.memref_slice %arg7[%add3A_438] : memref<320000xf32, #tpu.memory_space<hbm>> -> memref<800xf32, #tpu.memory_space<hbm>>
        %dma_wait3A_446 = tpu.memref_slice %arg7[%add3A_438] : memref<320000xf32, #tpu.memory_space<hbm>> -> memref<800xf32, #tpu.memory_space<hbm>>
        tpu.wait_dma2 semaphore(%arg21 : memref<!tpu.dma_semaphore, #tpu.memory_space<semaphore_mem>>) src(%dma_wait3A_446 : memref<800xf32, #tpu.memory_space<hbm>>) dst(%arg14 : memref<800xf32, #tpu.memory_space<vmem>>)
        %parallel_loop3A_447 = arith.constant 0 : i32
        %parallel_loop3A_448 = arith.constant 50 : i32
        %parallel_loop3A_449 = arith.constant 1 : i32
        scf.for %parallel_loop3A_530 = %parallel_loop3A_447 to %parallel_loop3A_448 step %parallel_loop3A_449  : i32 {
          %parallel_loop3A_531 = arith.constant 16 : i32
          %parallel_loop3A_532 = arith.muli %parallel_loop3A_530, %parallel_loop3A_531 : i32
          %parallel_loop3A_533 = arith.index_cast %parallel_loop3A_532 : i32 to index
          %parallel_loop3A_534 = tpu.vector_load %arg11[%parallel_loop3A_533] {strides = array<i32>} : memref<800xi32, #tpu.memory_space<vmem>>, vector<16xi32>,
          %parallel_loop3A_535 = arith.constant 10000 : i32
          %parallel_loop3A_536 = arith.muli %arg1, %parallel_loop3A_535 : i32
          %parallel_loop3A_537 = vector.broadcast %parallel_loop3A_536 : i32 to vector<16xi32>
          %parallel_loop3A_538 = arith.addi %parallel_loop3A_534, %parallel_loop3A_537 : vector<16xi32>
          %parallel_loop3A_539 = arith.constant 16 : i32
          %parallel_loop3A_540 = arith.muli %parallel_loop3A_530, %parallel_loop3A_539 : i32
          %parallel_loop3A_541 = arith.index_cast %parallel_loop3A_540 : i32 to index
          %parallel_loop3A_542 = tpu.vector_load %arg11[%parallel_loop3A_541] {strides = array<i32>} : memref<800xi32, #tpu.memory_space<vmem>>, vector<16xi32>,
          tpu.vector_store %arg11[%parallel_loop3A_541], %parallel_loop3A_538 {strides = array<i32>} : memref<800xi32, #tpu.memory_space<vmem>>, vector<16xi32>,
        } {sc.loop_unroll_factor = 2 : i64, sc.parallel_access}
        %dma_start3A_450 = arith.constant 0 : i32
        %dma_start3A_451 = arith.constant 0 : i32
        %dma_start3A_452 = tpu.memref_slice %arg15[%dma_start3A_450, %dma_start3A_451] : memref<800x8xf32, #tpu.memory_space<vmem>> -> memref<80x8xf32, #tpu.memory_space<vmem>>
        %dma_start3A_453 = arith.constant 0 : i32
        %dma_start3A_454 = tpu.memref_slice %arg11[%dma_start3A_453] : memref<800xi32, #tpu.memory_space<vmem>> -> memref<80xi32, #tpu.memory_space<vmem>>
        %dma_start3A_455 = arith.constant 0 : i32
        %dma_start3A_456 = arith.constant 0 : i32
        %dma_start3A_457 = tpu.memref_slice %arg2[%dma_start3A_455, %dma_start3A_456] : memref<160000x8xf32, #tpu.memory_space<hbm>> -> memref<160000x8xf32, #tpu.memory_space<hbm>>
        tpu.enqueue_indirect_dma source(%dma_start3A_457 : memref<160000x8xf32, #tpu.memory_space<hbm>>) target(%dma_start3A_452 : memref<80x8xf32, #tpu.memory_space<vmem>>) offsets(%dma_start3A_454 : memref<80xi32, #tpu.memory_space<vmem>>) semaphore(%arg22 : memref<!tpu.dma_semaphore, #tpu.memory_space<semaphore_mem>>)
        %dma_start3A_458 = arith.constant 80 : i32
        %dma_start3A_459 = arith.constant 0 : i32
        %dma_start3A_460 = tpu.memref_slice %arg15[%dma_start3A_458, %dma_start3A_459] : memref<800x8xf32, #tpu.memory_space<vmem>> -> memref<80x8xf32, #tpu.memory_space<vmem>>
        %dma_start3A_461 = arith.constant 80 : i32
        %dma_start3A_462 = tpu.memref_slice %arg11[%dma_start3A_461] : memref<800xi32, #tpu.memory_space<vmem>> -> memref<80xi32, #tpu.memory_space<vmem>>
        %dma_start3A_463 = arith.constant 0 : i32
        %dma_start3A_464 = arith.constant 0 : i32
        %dma_start3A_465 = tpu.memref_slice %arg2[%dma_start3A_463, %dma_start3A_464] : memref<160000x8xf32, #tpu.memory_space<hbm>> -> memref<160000x8xf32, #tpu.memory_space<hbm>>
        tpu.enqueue_indirect_dma source(%dma_start3A_465 : memref<160000x8xf32, #tpu.memory_space<hbm>>) target(%dma_start3A_460 : memref<80x8xf32, #tpu.memory_space<vmem>>) offsets(%dma_start3A_462 : memref<80xi32, #tpu.memory_space<vmem>>) semaphore(%arg22 : memref<!tpu.dma_semaphore, #tpu.memory_space<semaphore_mem>>)
        %dma_start3A_466 = arith.constant 160 : i32
        %dma_start3A_467 = arith.constant 0 : i32
        %dma_start3A_468 = tpu.memref_slice %arg15[%dma_start3A_466, %dma_start3A_467] : memref<800x8xf32, #tpu.memory_space<vmem>> -> memref<80x8xf32, #tpu.memory_space<vmem>>
        %dma_start3A_469 = arith.constant 160 : i32
        %dma_start3A_470 = tpu.memref_slice %arg11[%dma_start3A_469] : memref<800xi32, #tpu.memory_space<vmem>> -> memref<80xi32, #tpu.memory_space<vmem>>
        %dma_start3A_471 = arith.constant 0 : i32
        %dma_start3A_472 = arith.constant 0 : i32
        %dma_start3A_473 = tpu.memref_slice %arg2[%dma_start3A_471, %dma_start3A_472] : memref<160000x8xf32, #tpu.memory_space<hbm>> -> memref<160000x8xf32, #tpu.memory_space<hbm>>
        tpu.enqueue_indirect_dma source(%dma_start3A_473 : memref<160000x8xf32, #tpu.memory_space<hbm>>) target(%dma_start3A_468 : memref<80x8xf32, #tpu.memory_space<vmem>>) offsets(%dma_start3A_470 : memref<80xi32, #tpu.memory_space<vmem>>) semaphore(%arg22 : memref<!tpu.dma_semaphore, #tpu.memory_space<semaphore_mem>>)
        %dma_start3A_474 = arith.constant 240 : i32
        %dma_start3A_475 = arith.constant 0 : i32
        %dma_start3A_476 = tpu.memref_slice %arg15[%dma_start3A_474, %dma_start3A_475] : memref<800x8xf32, #tpu.memory_space<vmem>> -> memref<80x8xf32, #tpu.memory_space<vmem>>
        %dma_start3A_477 = arith.constant 240 : i32
        %dma_start3A_478 = tpu.memref_slice %arg11[%dma_start3A_477] : memref<800xi32, #tpu.memory_space<vmem>> -> memref<80xi32, #tpu.memory_space<vmem>>
        %dma_start3A_479 = arith.constant 0 : i32
        %dma_start3A_480 = arith.constant 0 : i32
        %dma_start3A_481 = tpu.memref_slice %arg2[%dma_start3A_479, %dma_start3A_480] : memref<160000x8xf32, #tpu.memory_space<hbm>> -> memref<160000x8xf32, #tpu.memory_space<hbm>>
        tpu.enqueue_indirect_dma source(%dma_start3A_481 : memref<160000x8xf32, #tpu.memory_space<hbm>>) target(%dma_start3A_476 : memref<80x8xf32, #tpu.memory_space<vmem>>) offsets(%dma_start3A_478 : memref<80xi32, #tpu.memory_space<vmem>>) semaphore(%arg22 : memref<!tpu.dma_semaphore, #tpu.memory_space<semaphore_mem>>)
        %dma_start3A_482 = arith.constant 320 : i32
        %dma_start3A_483 = arith.constant 0 : i32
        %dma_start3A_484 = tpu.memref_slice %arg15[%dma_start3A_482, %dma_start3A_483] : memref<800x8xf32, #tpu.memory_space<vmem>> -> memref<80x8xf32, #tpu.memory_space<vmem>>
        %dma_start3A_485 = arith.constant 320 : i32
        %dma_start3A_486 = tpu.memref_slice %arg11[%dma_start3A_485] : memref<800xi32, #tpu.memory_space<vmem>> -> memref<80xi32, #tpu.memory_space<vmem>>
        %dma_start3A_487 = arith.constant 0 : i32
        %dma_start3A_488 = arith.constant 0 : i32
        %dma_start3A_489 = tpu.memref_slice %arg2[%dma_start3A_487, %dma_start3A_488] : memref<160000x8xf32, #tpu.memory_space<hbm>> -> memref<160000x8xf32, #tpu.memory_space<hbm>>
        tpu.enqueue_indirect_dma source(%dma_start3A_489 : memref<160000x8xf32, #tpu.memory_space<hbm>>) target(%dma_start3A_484 : memref<80x8xf32, #tpu.memory_space<vmem>>) offsets(%dma_start3A_486 : memref<80xi32, #tpu.memory_space<vmem>>) semaphore(%arg22 : memref<!tpu.dma_semaphore, #tpu.memory_space<semaphore_mem>>)
        %dma_start3A_490 = arith.constant 400 : i32
        %dma_start3A_491 = arith.constant 0 : i32
        %dma_start3A_492 = tpu.memref_slice %arg15[%dma_start3A_490, %dma_start3A_491] : memref<800x8xf32, #tpu.memory_space<vmem>> -> memref<80x8xf32, #tpu.memory_space<vmem>>
        %dma_start3A_493 = arith.constant 400 : i32
        %dma_start3A_494 = tpu.memref_slice %arg11[%dma_start3A_493] : memref<800xi32, #tpu.memory_space<vmem>> -> memref<80xi32, #tpu.memory_space<vmem>>
        %dma_start3A_495 = arith.constant 0 : i32
        %dma_start3A_496 = arith.constant 0 : i32
        %dma_start3A_497 = tpu.memref_slice %arg2[%dma_start3A_495, %dma_start3A_496] : memref<160000x8xf32, #tpu.memory_space<hbm>> -> memref<160000x8xf32, #tpu.memory_space<hbm>>
        tpu.enqueue_indirect_dma source(%dma_start3A_497 : memref<160000x8xf32, #tpu.memory_space<hbm>>) target(%dma_start3A_492 : memref<80x8xf32, #tpu.memory_space<vmem>>) offsets(%dma_start3A_494 : memref<80xi32, #tpu.memory_space<vmem>>) semaphore(%arg22 : memref<!tpu.dma_semaphore, #tpu.memory_space<semaphore_mem>>)
        %dma_start3A_498 = arith.constant 480 : i32
        %dma_start3A_499 = arith.constant 0 : i32
        %dma_start3A_500 = tpu.memref_slice %arg15[%dma_start3A_498, %dma_start3A_499] : memref<800x8xf32, #tpu.memory_space<vmem>> -> memref<80x8xf32, #tpu.memory_space<vmem>>
        %dma_start3A_501 = arith.constant 480 : i32
        %dma_start3A_502 = tpu.memref_slice %arg11[%dma_start3A_501] : memref<800xi32, #tpu.memory_space<vmem>> -> memref<80xi32, #tpu.memory_space<vmem>>
        %dma_start3A_503 = arith.constant 0 : i32
        %dma_start3A_504 = arith.constant 0 : i32
        %dma_start3A_505 = tpu.memref_slice %arg2[%dma_start3A_503, %dma_start3A_504] : memref<160000x8xf32, #tpu.memory_space<hbm>> -> memref<160000x8xf32, #tpu.memory_space<hbm>>
        tpu.enqueue_indirect_dma source(%dma_start3A_505 : memref<160000x8xf32, #tpu.memory_space<hbm>>) target(%dma_start3A_500 : memref<80x8xf32, #tpu.memory_space<vmem>>) offsets(%dma_start3A_502 : memref<80xi32, #tpu.memory_space<vmem>>) semaphore(%arg22 : memref<!tpu.dma_semaphore, #tpu.memory_space<semaphore_mem>>)
        %dma_start3A_506 = arith.constant 560 : i32
        %dma_start3A_507 = arith.constant 0 : i32
        %dma_start3A_508 = tpu.memref_slice %arg15[%dma_start3A_506, %dma_start3A_507] : memref<800x8xf32, #tpu.memory_space<vmem>> -> memref<80x8xf32, #tpu.memory_space<vmem>>
        %dma_start3A_509 = arith.constant 560 : i32
        %dma_start3A_510 = tpu.memref_slice %arg11[%dma_start3A_509] : memref<800xi32, #tpu.memory_space<vmem>> -> memref<80xi32, #tpu.memory_space<vmem>>
        %dma_start3A_511 = arith.constant 0 : i32
        %dma_start3A_512 = arith.constant 0 : i32
        %dma_start3A_513 = tpu.memref_slice %arg2[%dma_start3A_511, %dma_start3A_512] : memref<160000x8xf32, #tpu.memory_space<hbm>> -> memref<160000x8xf32, #tpu.memory_space<hbm>>
        tpu.enqueue_indirect_dma source(%dma_start3A_513 : memref<160000x8xf32, #tpu.memory_space<hbm>>) target(%dma_start3A_508 : memref<80x8xf32, #tpu.memory_space<vmem>>) offsets(%dma_start3A_510 : memref<80xi32, #tpu.memory_space<vmem>>) semaphore(%arg22 : memref<!tpu.dma_semaphore, #tpu.memory_space<semaphore_mem>>)
        %dma_start3A_514 = arith.constant 640 : i32
        %dma_start3A_515 = arith.constant 0 : i32
        %dma_start3A_516 = tpu.memref_slice %arg15[%dma_start3A_514, %dma_start3A_515] : memref<800x8xf32, #tpu.memory_space<vmem>> -> memref<80x8xf32, #tpu.memory_space<vmem>>
        %dma_start3A_517 = arith.constant 640 : i32
        %dma_start3A_518 = tpu.memref_slice %arg11[%dma_start3A_517] : memref<800xi32, #tpu.memory_space<vmem>> -> memref<80xi32, #tpu.memory_space<vmem>>
        %dma_start3A_519 = arith.constant 0 : i32
        %dma_start3A_520 = arith.constant 0 : i32
        %dma_start3A_521 = tpu.memref_slice %arg2[%dma_start3A_519, %dma_start3A_520] : memref<160000x8xf32, #tpu.memory_space<hbm>> -> memref<160000x8xf32, #tpu.memory_space<hbm>>
        tpu.enqueue_indirect_dma source(%dma_start3A_521 : memref<160000x8xf32, #tpu.memory_space<hbm>>) target(%dma_start3A_516 : memref<80x8xf32, #tpu.memory_space<vmem>>) offsets(%dma_start3A_518 : memref<80xi32, #tpu.memory_space<vmem>>) semaphore(%arg22 : memref<!tpu.dma_semaphore, #tpu.memory_space<semaphore_mem>>)
        %dma_start3A_522 = arith.constant 720 : i32
        %dma_start3A_523 = arith.constant 0 : i32
        %dma_start3A_524 = tpu.memref_slice %arg15[%dma_start3A_522, %dma_start3A_523] : memref<800x8xf32, #tpu.memory_space<vmem>> -> memref<80x8xf32, #tpu.memory_space<vmem>>
        %dma_start3A_525 = arith.constant 720 : i32
        %dma_start3A_526 = tpu.memref_slice %arg11[%dma_start3A_525] : memref<800xi32, #tpu.memory_space<vmem>> -> memref<80xi32, #tpu.memory_space<vmem>>
        %dma_start3A_527 = arith.constant 0 : i32
        %dma_start3A_528 = arith.constant 0 : i32
        %dma_start3A_529 = tpu.memref_slice %arg2[%dma_start3A_527, %dma_start3A_528] : memref<160000x8xf32, #tpu.memory_space<hbm>> -> memref<160000x8xf32, #tpu.memory_space<hbm>>
        tpu.enqueue_indirect_dma source(%dma_start3A_529 : memref<160000x8xf32, #tpu.memory_space<hbm>>) target(%dma_start3A_524 : memref<80x8xf32, #tpu.memory_space<vmem>>) offsets(%dma_start3A_526 : memref<80xi32, #tpu.memory_space<vmem>>) semaphore(%arg22 : memref<!tpu.dma_semaphore, #tpu.memory_space<semaphore_mem>>)
      } else {
      }
      %dma_wait3A_343 = arith.constant 0 : i32
      %dma_wait3A_344 = arith.constant 0 : i32
      %dma_wait3A_345 = tpu.memref_slice %arg20[%dma_wait3A_343, %dma_wait3A_344] : memref<800x8xf32, #tpu.memory_space<vmem>> -> memref<80x8xf32, #tpu.memory_space<vmem>>
      %dma_wait3A_346 = arith.constant 0 : i32
      %dma_wait3A_347 = tpu.memref_slice %arg16[%dma_wait3A_346] : memref<800xi32, #tpu.memory_space<vmem>> -> memref<80xi32, #tpu.memory_space<vmem>>
      %dma_wait3A_348 = arith.constant 0 : i32
      %dma_wait3A_349 = arith.constant 0 : i32
      %dma_wait3A_350 = tpu.memref_slice %arg2[%dma_wait3A_348, %dma_wait3A_349] : memref<160000x8xf32, #tpu.memory_space<hbm>> -> memref<160000x8xf32, #tpu.memory_space<hbm>>
      tpu.wait_indirect_dma semaphore(%arg23 : memref<!tpu.dma_semaphore, #tpu.memory_space<semaphore_mem>>) src(%dma_wait3A_350 : memref<160000x8xf32, #tpu.memory_space<hbm>>) dst(%dma_wait3A_345 : memref<80x8xf32, #tpu.memory_space<vmem>>)
      %dma_wait3A_351 = arith.constant 80 : i32
      %dma_wait3A_352 = arith.constant 0 : i32
      %dma_wait3A_353 = tpu.memref_slice %arg20[%dma_wait3A_351, %dma_wait3A_352] : memref<800x8xf32, #tpu.memory_space<vmem>> -> memref<80x8xf32, #tpu.memory_space<vmem>>
      %dma_wait3A_354 = arith.constant 80 : i32
      %dma_wait3A_355 = tpu.memref_slice %arg16[%dma_wait3A_354] : memref<800xi32, #tpu.memory_space<vmem>> -> memref<80xi32, #tpu.memory_space<vmem>>
      %dma_wait3A_356 = arith.constant 0 : i32
      %dma_wait3A_357 = arith.constant 0 : i32
      %dma_wait3A_358 = tpu.memref_slice %arg2[%dma_wait3A_356, %dma_wait3A_357] : memref<160000x8xf32, #tpu.memory_space<hbm>> -> memref<160000x8xf32, #tpu.memory_space<hbm>>
      tpu.wait_indirect_dma semaphore(%arg23 : memref<!tpu.dma_semaphore, #tpu.memory_space<semaphore_mem>>) src(%dma_wait3A_358 : memref<160000x8xf32, #tpu.memory_space<hbm>>) dst(%dma_wait3A_353 : memref<80x8xf32, #tpu.memory_space<vmem>>)
      %dma_wait3A_359 = arith.constant 160 : i32
      %dma_wait3A_360 = arith.constant 0 : i32
      %dma_wait3A_361 = tpu.memref_slice %arg20[%dma_wait3A_359, %dma_wait3A_360] : memref<800x8xf32, #tpu.memory_space<vmem>> -> memref<80x8xf32, #tpu.memory_space<vmem>>
      %dma_wait3A_362 = arith.constant 160 : i32
      %dma_wait3A_363 = tpu.memref_slice %arg16[%dma_wait3A_362] : memref<800xi32, #tpu.memory_space<vmem>> -> memref<80xi32, #tpu.memory_space<vmem>>
      %dma_wait3A_364 = arith.constant 0 : i32
      %dma_wait3A_365 = arith.constant 0 : i32
      %dma_wait3A_366 = tpu.memref_slice %arg2[%dma_wait3A_364, %dma_wait3A_365] : memref<160000x8xf32, #tpu.memory_space<hbm>> -> memref<160000x8xf32, #tpu.memory_space<hbm>>
      tpu.wait_indirect_dma semaphore(%arg23 : memref<!tpu.dma_semaphore, #tpu.memory_space<semaphore_mem>>) src(%dma_wait3A_366 : memref<160000x8xf32, #tpu.memory_space<hbm>>) dst(%dma_wait3A_361 : memref<80x8xf32, #tpu.memory_space<vmem>>)
      %dma_wait3A_367 = arith.constant 240 : i32
      %dma_wait3A_368 = arith.constant 0 : i32
      %dma_wait3A_369 = tpu.memref_slice %arg20[%dma_wait3A_367, %dma_wait3A_368] : memref<800x8xf32, #tpu.memory_space<vmem>> -> memref<80x8xf32, #tpu.memory_space<vmem>>
      %dma_wait3A_370 = arith.constant 240 : i32
      %dma_wait3A_371 = tpu.memref_slice %arg16[%dma_wait3A_370] : memref<800xi32, #tpu.memory_space<vmem>> -> memref<80xi32, #tpu.memory_space<vmem>>
      %dma_wait3A_372 = arith.constant 0 : i32
      %dma_wait3A_373 = arith.constant 0 : i32
      %dma_wait3A_374 = tpu.memref_slice %arg2[%dma_wait3A_372, %dma_wait3A_373] : memref<160000x8xf32, #tpu.memory_space<hbm>> -> memref<160000x8xf32, #tpu.memory_space<hbm>>
      tpu.wait_indirect_dma semaphore(%arg23 : memref<!tpu.dma_semaphore, #tpu.memory_space<semaphore_mem>>) src(%dma_wait3A_374 : memref<160000x8xf32, #tpu.memory_space<hbm>>) dst(%dma_wait3A_369 : memref<80x8xf32, #tpu.memory_space<vmem>>)
      %dma_wait3A_375 = arith.constant 320 : i32
      %dma_wait3A_376 = arith.constant 0 : i32
      %dma_wait3A_377 = tpu.memref_slice %arg20[%dma_wait3A_375, %dma_wait3A_376] : memref<800x8xf32, #tpu.memory_space<vmem>> -> memref<80x8xf32, #tpu.memory_space<vmem>>
      %dma_wait3A_378 = arith.constant 320 : i32
      %dma_wait3A_379 = tpu.memref_slice %arg16[%dma_wait3A_378] : memref<800xi32, #tpu.memory_space<vmem>> -> memref<80xi32, #tpu.memory_space<vmem>>
      %dma_wait3A_380 = arith.constant 0 : i32
      %dma_wait3A_381 = arith.constant 0 : i32
      %dma_wait3A_382 = tpu.memref_slice %arg2[%dma_wait3A_380, %dma_wait3A_381] : memref<160000x8xf32, #tpu.memory_space<hbm>> -> memref<160000x8xf32, #tpu.memory_space<hbm>>
      tpu.wait_indirect_dma semaphore(%arg23 : memref<!tpu.dma_semaphore, #tpu.memory_space<semaphore_mem>>) src(%dma_wait3A_382 : memref<160000x8xf32, #tpu.memory_space<hbm>>) dst(%dma_wait3A_377 : memref<80x8xf32, #tpu.memory_space<vmem>>)
      %dma_wait3A_383 = arith.constant 400 : i32
      %dma_wait3A_384 = arith.constant 0 : i32
      %dma_wait3A_385 = tpu.memref_slice %arg20[%dma_wait3A_383, %dma_wait3A_384] : memref<800x8xf32, #tpu.memory_space<vmem>> -> memref<80x8xf32, #tpu.memory_space<vmem>>
      %dma_wait3A_386 = arith.constant 400 : i32
      %dma_wait3A_387 = tpu.memref_slice %arg16[%dma_wait3A_386] : memref<800xi32, #tpu.memory_space<vmem>> -> memref<80xi32, #tpu.memory_space<vmem>>
      %dma_wait3A_388 = arith.constant 0 : i32
      %dma_wait3A_389 = arith.constant 0 : i32
      %dma_wait3A_390 = tpu.memref_slice %arg2[%dma_wait3A_388, %dma_wait3A_389] : memref<160000x8xf32, #tpu.memory_space<hbm>> -> memref<160000x8xf32, #tpu.memory_space<hbm>>
      tpu.wait_indirect_dma semaphore(%arg23 : memref<!tpu.dma_semaphore, #tpu.memory_space<semaphore_mem>>) src(%dma_wait3A_390 : memref<160000x8xf32, #tpu.memory_space<hbm>>) dst(%dma_wait3A_385 : memref<80x8xf32, #tpu.memory_space<vmem>>)
      %dma_wait3A_391 = arith.constant 480 : i32
      %dma_wait3A_392 = arith.constant 0 : i32
      %dma_wait3A_393 = tpu.memref_slice %arg20[%dma_wait3A_391, %dma_wait3A_392] : memref<800x8xf32, #tpu.memory_space<vmem>> -> memref<80x8xf32, #tpu.memory_space<vmem>>
      %dma_wait3A_394 = arith.constant 480 : i32
      %dma_wait3A_395 = tpu.memref_slice %arg16[%dma_wait3A_394] : memref<800xi32, #tpu.memory_space<vmem>> -> memref<80xi32, #tpu.memory_space<vmem>>
      %dma_wait3A_396 = arith.constant 0 : i32
      %dma_wait3A_397 = arith.constant 0 : i32
      %dma_wait3A_398 = tpu.memref_slice %arg2[%dma_wait3A_396, %dma_wait3A_397] : memref<160000x8xf32, #tpu.memory_space<hbm>> -> memref<160000x8xf32, #tpu.memory_space<hbm>>
      tpu.wait_indirect_dma semaphore(%arg23 : memref<!tpu.dma_semaphore, #tpu.memory_space<semaphore_mem>>) src(%dma_wait3A_398 : memref<160000x8xf32, #tpu.memory_space<hbm>>) dst(%dma_wait3A_393 : memref<80x8xf32, #tpu.memory_space<vmem>>)
      %dma_wait3A_399 = arith.constant 560 : i32
      %dma_wait3A_400 = arith.constant 0 : i32
      %dma_wait3A_401 = tpu.memref_slice %arg20[%dma_wait3A_399, %dma_wait3A_400] : memref<800x8xf32, #tpu.memory_space<vmem>> -> memref<80x8xf32, #tpu.memory_space<vmem>>
      %dma_wait3A_402 = arith.constant 560 : i32
      %dma_wait3A_403 = tpu.memref_slice %arg16[%dma_wait3A_402] : memref<800xi32, #tpu.memory_space<vmem>> -> memref<80xi32, #tpu.memory_space<vmem>>
      %dma_wait3A_404 = arith.constant 0 : i32
      %dma_wait3A_405 = arith.constant 0 : i32
      %dma_wait3A_406 = tpu.memref_slice %arg2[%dma_wait3A_404, %dma_wait3A_405] : memref<160000x8xf32, #tpu.memory_space<hbm>> -> memref<160000x8xf32, #tpu.memory_space<hbm>>
      tpu.wait_indirect_dma semaphore(%arg23 : memref<!tpu.dma_semaphore, #tpu.memory_space<semaphore_mem>>) src(%dma_wait3A_406 : memref<160000x8xf32, #tpu.memory_space<hbm>>) dst(%dma_wait3A_401 : memref<80x8xf32, #tpu.memory_space<vmem>>)
      %dma_wait3A_407 = arith.constant 640 : i32
      %dma_wait3A_408 = arith.constant 0 : i32
      %dma_wait3A_409 = tpu.memref_slice %arg20[%dma_wait3A_407, %dma_wait3A_408] : memref<800x8xf32, #tpu.memory_space<vmem>> -> memref<80x8xf32, #tpu.memory_space<vmem>>
      %dma_wait3A_410 = arith.constant 640 : i32
      %dma_wait3A_411 = tpu.memref_slice %arg16[%dma_wait3A_410] : memref<800xi32, #tpu.memory_space<vmem>> -> memref<80xi32, #tpu.memory_space<vmem>>
      %dma_wait3A_412 = arith.constant 0 : i32
      %dma_wait3A_413 = arith.constant 0 : i32
      %dma_wait3A_414 = tpu.memref_slice %arg2[%dma_wait3A_412, %dma_wait3A_413] : memref<160000x8xf32, #tpu.memory_space<hbm>> -> memref<160000x8xf32, #tpu.memory_space<hbm>>
      tpu.wait_indirect_dma semaphore(%arg23 : memref<!tpu.dma_semaphore, #tpu.memory_space<semaphore_mem>>) src(%dma_wait3A_414 : memref<160000x8xf32, #tpu.memory_space<hbm>>) dst(%dma_wait3A_409 : memref<80x8xf32, #tpu.memory_space<vmem>>)
      %dma_wait3A_415 = arith.constant 720 : i32
      %dma_wait3A_416 = arith.constant 0 : i32
      %dma_wait3A_417 = tpu.memref_slice %arg20[%dma_wait3A_415, %dma_wait3A_416] : memref<800x8xf32, #tpu.memory_space<vmem>> -> memref<80x8xf32, #tpu.memory_space<vmem>>
      %dma_wait3A_418 = arith.constant 720 : i32
      %dma_wait3A_419 = tpu.memref_slice %arg16[%dma_wait3A_418] : memref<800xi32, #tpu.memory_space<vmem>> -> memref<80xi32, #tpu.memory_space<vmem>>
      %dma_wait3A_420 = arith.constant 0 : i32
      %dma_wait3A_421 = arith.constant 0 : i32
      %dma_wait3A_422 = tpu.memref_slice %arg2[%dma_wait3A_420, %dma_wait3A_421] : memref<160000x8xf32, #tpu.memory_space<hbm>> -> memref<160000x8xf32, #tpu.memory_space<hbm>>
      tpu.wait_indirect_dma semaphore(%arg23 : memref<!tpu.dma_semaphore, #tpu.memory_space<semaphore_mem>>) src(%dma_wait3A_422 : memref<160000x8xf32, #tpu.memory_space<hbm>>) dst(%dma_wait3A_417 : memref<80x8xf32, #tpu.memory_space<vmem>>)
      %parallel_loop3A_423 = arith.constant 0 : i32
      %parallel_loop3A_424 = arith.constant 50 : i32
      %parallel_loop3A_425 = arith.constant 1 : i32
      scf.for %parallel_loop3A_432 = %parallel_loop3A_423 to %parallel_loop3A_424 step %parallel_loop3A_425  : i32 {
        %parallel_loop3A_433 = arith.constant 16 : i32
        %parallel_loop3A_434 = arith.muli %parallel_loop3A_432, %parallel_loop3A_433 : i32
        %parallel_loop3A_435 = tpu.iota {dimensions = array<i32: 0>} : vector<16xi32>
        %parallel_loop3A_436 = vector.broadcast %parallel_loop3A_434 : i32 to vector<16xi32>
        %parallel_loop3A_437 = arith.addi %parallel_loop3A_436, %parallel_loop3A_435 : vector<16xi32>
        %parallel_loop3A_438 = arith.constant 16 : i32
        %parallel_loop3A_439 = arith.muli %parallel_loop3A_432, %parallel_loop3A_438 : i32
        %parallel_loop3A_440 = arith.index_cast %parallel_loop3A_439 : i32 to index
        %parallel_loop3A_441 = tpu.vector_load %arg18[%parallel_loop3A_440] {strides = array<i32>} : memref<800xi32, #tpu.memory_space<vmem>>, vector<16xi32>,
        %parallel_loop3A_442 = arith.constant 16 : i32
        %parallel_loop3A_443 = arith.muli %parallel_loop3A_432, %parallel_loop3A_442 : i32
        %parallel_loop3A_444 = arith.index_cast %parallel_loop3A_443 : i32 to index
        %parallel_loop3A_445 = tpu.vector_load %arg17[%parallel_loop3A_444] {strides = array<i32>} : memref<800xi32, #tpu.memory_space<vmem>>, vector<16xi32>,
        %parallel_loop3A_446 = arith.constant 16 : i32
        %parallel_loop3A_447 = arith.muli %parallel_loop3A_432, %parallel_loop3A_446 : i32
        %parallel_loop3A_448 = arith.index_cast %parallel_loop3A_447 : i32 to index
        %parallel_loop3A_449 = tpu.vector_load %arg19[%parallel_loop3A_448] {strides = array<i32>} : memref<800xf32, #tpu.memory_space<vmem>>, vector<16xf32>,
        %parallel_loop3A_450 = arith.constant 32 : i32
        %parallel_loop3A_451 = vector.broadcast %parallel_loop3A_450 : i32 to vector<16xi32>
        %parallel_loop3A_452 = arith.muli %parallel_loop3A_441, %parallel_loop3A_451 : vector<16xi32>
        %parallel_loop3A_453 = arith.constant 8 : i32
        %parallel_loop3A_454 = vector.broadcast %parallel_loop3A_453 : i32 to vector<16xi32>
        %parallel_loop3A_455 = arith.muli %parallel_loop3A_445, %parallel_loop3A_454 : vector<16xi32>
        %parallel_loop3A_456 = tpu.vector_load_idx %arg20[%parallel_loop3A_437, %broadcast_in_dim3A_7] : memref<800x8xf32, #tpu.memory_space<vmem>>[vector<16xi32>, vector<16xi32>], vector<16xf32>,
        %parallel_loop3A_457 = tpu.vector_load_idx %arg20[%parallel_loop3A_437, %broadcast_in_dim3A_9] : memref<800x8xf32, #tpu.memory_space<vmem>>[vector<16xi32>, vector<16xi32>], vector<16xf32>,
        %parallel_loop3A_458 = tpu.vector_load_idx %arg20[%parallel_loop3A_437, %broadcast_in_dim3A_11] : memref<800x8xf32, #tpu.memory_space<vmem>>[vector<16xi32>, vector<16xi32>], vector<16xf32>,
        %parallel_loop3A_459 = tpu.vector_load_idx %arg20[%parallel_loop3A_437, %broadcast_in_dim3A_13] : memref<800x8xf32, #tpu.memory_space<vmem>>[vector<16xi32>, vector<16xi32>], vector<16xf32>,
        %parallel_loop3A_460 = tpu.vector_load_idx %arg20[%parallel_loop3A_437, %broadcast_in_dim3A_15] : memref<800x8xf32, #tpu.memory_space<vmem>>[vector<16xi32>, vector<16xi32>], vector<16xf32>,
        %parallel_loop3A_461 = tpu.vector_load_idx %arg20[%parallel_loop3A_437, %broadcast_in_dim3A_17] : memref<800x8xf32, #tpu.memory_space<vmem>>[vector<16xi32>, vector<16xi32>], vector<16xf32>,
        %parallel_loop3A_462 = tpu.vector_load_idx %arg20[%parallel_loop3A_437, %broadcast_in_dim3A_19] : memref<800x8xf32, #tpu.memory_space<vmem>>[vector<16xi32>, vector<16xi32>], vector<16xf32>,
        %parallel_loop3A_463 = tpu.vector_load_idx %arg20[%parallel_loop3A_437, %broadcast_in_dim3A_21] : memref<800x8xf32, #tpu.memory_space<vmem>>[vector<16xi32>, vector<16xi32>], vector<16xf32>,
        %parallel_loop3A_464 = arith.constant 0 : i32
        %parallel_loop3A_465 = vector.broadcast %parallel_loop3A_464 : i32 to vector<16xi32>
        %parallel_loop3A_466 = arith.addi %parallel_loop3A_452, %parallel_loop3A_465 : vector<16xi32>
        %parallel_loop3A_467 = tpu.vector_load_idx %arg9[%parallel_loop3A_466] : memref<7360xi32, #tpu.memory_space<vmem>>[vector<16xi32>], vector<16xi32>,
        %parallel_loop3A_468 = vector.bitcast %parallel_loop3A_467 : vector<16xi32> to vector<32xbf16>
        %parallel_loop3A_469 = tpu.unpack_subelements %parallel_loop3A_468, 0 {pack_format = #tpu.pack_format<interleaved>} : vector<32xbf16> -> vector<16xf32>
        %parallel_loop3A_470 = tpu.unpack_subelements %parallel_loop3A_468, 1 {pack_format = #tpu.pack_format<interleaved>} : vector<32xbf16> -> vector<16xf32>
        %parallel_loop3A_471 = arith.mulf %parallel_loop3A_456, %parallel_loop3A_469 : vector<16xf32>
        %parallel_loop3A_472 = arith.mulf %parallel_loop3A_456, %parallel_loop3A_470 : vector<16xf32>
        %parallel_loop3A_473 = arith.constant 4 : i32
        %parallel_loop3A_474 = vector.broadcast %parallel_loop3A_473 : i32 to vector<16xi32>
        %parallel_loop3A_475 = arith.addi %parallel_loop3A_452, %parallel_loop3A_474 : vector<16xi32>
        %parallel_loop3A_476 = tpu.vector_load_idx %arg9[%parallel_loop3A_475] : memref<7360xi32, #tpu.memory_space<vmem>>[vector<16xi32>], vector<16xi32>,
        %parallel_loop3A_477 = vector.bitcast %parallel_loop3A_476 : vector<16xi32> to vector<32xbf16>
        %parallel_loop3A_478 = tpu.unpack_subelements %parallel_loop3A_477, 0 {pack_format = #tpu.pack_format<interleaved>} : vector<32xbf16> -> vector<16xf32>
        %parallel_loop3A_479 = tpu.unpack_subelements %parallel_loop3A_477, 1 {pack_format = #tpu.pack_format<interleaved>} : vector<32xbf16> -> vector<16xf32>
        %parallel_loop3A_480 = arith.mulf %parallel_loop3A_457, %parallel_loop3A_478 : vector<16xf32>
        %parallel_loop3A_481 = arith.mulf %parallel_loop3A_457, %parallel_loop3A_479 : vector<16xf32>
        %parallel_loop3A_482 = arith.addf %parallel_loop3A_471, %parallel_loop3A_480 : vector<16xf32>
        %parallel_loop3A_483 = arith.addf %parallel_loop3A_472, %parallel_loop3A_481 : vector<16xf32>
        %parallel_loop3A_484 = arith.constant 8 : i32
        %parallel_loop3A_485 = vector.broadcast %parallel_loop3A_484 : i32 to vector<16xi32>
        %parallel_loop3A_486 = arith.addi %parallel_loop3A_452, %parallel_loop3A_485 : vector<16xi32>
        %parallel_loop3A_487 = tpu.vector_load_idx %arg9[%parallel_loop3A_486] : memref<7360xi32, #tpu.memory_space<vmem>>[vector<16xi32>], vector<16xi32>,
        %parallel_loop3A_488 = vector.bitcast %parallel_loop3A_487 : vector<16xi32> to vector<32xbf16>
        %parallel_loop3A_489 = tpu.unpack_subelements %parallel_loop3A_488, 0 {pack_format = #tpu.pack_format<interleaved>} : vector<32xbf16> -> vector<16xf32>
        %parallel_loop3A_490 = tpu.unpack_subelements %parallel_loop3A_488, 1 {pack_format = #tpu.pack_format<interleaved>} : vector<32xbf16> -> vector<16xf32>
        %parallel_loop3A_491 = arith.mulf %parallel_loop3A_458, %parallel_loop3A_489 : vector<16xf32>
        %parallel_loop3A_492 = arith.mulf %parallel_loop3A_458, %parallel_loop3A_490 : vector<16xf32>
        %parallel_loop3A_493 = arith.addf %parallel_loop3A_482, %parallel_loop3A_491 : vector<16xf32>
        %parallel_loop3A_494 = arith.addf %parallel_loop3A_483, %parallel_loop3A_492 : vector<16xf32>
        %parallel_loop3A_495 = arith.constant 12 : i32
        %parallel_loop3A_496 = vector.broadcast %parallel_loop3A_495 : i32 to vector<16xi32>
        %parallel_loop3A_497 = arith.addi %parallel_loop3A_452, %parallel_loop3A_496 : vector<16xi32>
        %parallel_loop3A_498 = tpu.vector_load_idx %arg9[%parallel_loop3A_497] : memref<7360xi32, #tpu.memory_space<vmem>>[vector<16xi32>], vector<16xi32>,
        %parallel_loop3A_499 = vector.bitcast %parallel_loop3A_498 : vector<16xi32> to vector<32xbf16>
        %parallel_loop3A_500 = tpu.unpack_subelements %parallel_loop3A_499, 0 {pack_format = #tpu.pack_format<interleaved>} : vector<32xbf16> -> vector<16xf32>
        %parallel_loop3A_501 = tpu.unpack_subelements %parallel_loop3A_499, 1 {pack_format = #tpu.pack_format<interleaved>} : vector<32xbf16> -> vector<16xf32>
        %parallel_loop3A_502 = arith.mulf %parallel_loop3A_459, %parallel_loop3A_500 : vector<16xf32>
        %parallel_loop3A_503 = arith.mulf %parallel_loop3A_459, %parallel_loop3A_501 : vector<16xf32>
        %parallel_loop3A_504 = arith.addf %parallel_loop3A_493, %parallel_loop3A_502 : vector<16xf32>
        %parallel_loop3A_505 = arith.addf %parallel_loop3A_494, %parallel_loop3A_503 : vector<16xf32>
        %parallel_loop3A_506 = arith.constant 16 : i32
        %parallel_loop3A_507 = vector.broadcast %parallel_loop3A_506 : i32 to vector<16xi32>
        %parallel_loop3A_508 = arith.addi %parallel_loop3A_452, %parallel_loop3A_507 : vector<16xi32>
        %parallel_loop3A_509 = tpu.vector_load_idx %arg9[%parallel_loop3A_508] : memref<7360xi32, #tpu.memory_space<vmem>>[vector<16xi32>], vector<16xi32>,
        %parallel_loop3A_510 = vector.bitcast %parallel_loop3A_509 : vector<16xi32> to vector<32xbf16>
        %parallel_loop3A_511 = tpu.unpack_subelements %parallel_loop3A_510, 0 {pack_format = #tpu.pack_format<interleaved>} : vector<32xbf16> -> vector<16xf32>
        %parallel_loop3A_512 = tpu.unpack_subelements %parallel_loop3A_510, 1 {pack_format = #tpu.pack_format<interleaved>} : vector<32xbf16> -> vector<16xf32>
        %parallel_loop3A_513 = arith.mulf %parallel_loop3A_460, %parallel_loop3A_511 : vector<16xf32>
        %parallel_loop3A_514 = arith.mulf %parallel_loop3A_460, %parallel_loop3A_512 : vector<16xf32>
        %parallel_loop3A_515 = arith.addf %parallel_loop3A_504, %parallel_loop3A_513 : vector<16xf32>
        %parallel_loop3A_516 = arith.addf %parallel_loop3A_505, %parallel_loop3A_514 : vector<16xf32>
        %parallel_loop3A_517 = arith.constant 20 : i32
        %parallel_loop3A_518 = vector.broadcast %parallel_loop3A_517 : i32 to vector<16xi32>
        %parallel_loop3A_519 = arith.addi %parallel_loop3A_452, %parallel_loop3A_518 : vector<16xi32>
        %parallel_loop3A_520 = tpu.vector_load_idx %arg9[%parallel_loop3A_519] : memref<7360xi32, #tpu.memory_space<vmem>>[vector<16xi32>], vector<16xi32>,
        %parallel_loop3A_521 = vector.bitcast %parallel_loop3A_520 : vector<16xi32> to vector<32xbf16>
        %parallel_loop3A_522 = tpu.unpack_subelements %parallel_loop3A_521, 0 {pack_format = #tpu.pack_format<interleaved>} : vector<32xbf16> -> vector<16xf32>
        %parallel_loop3A_523 = tpu.unpack_subelements %parallel_loop3A_521, 1 {pack_format = #tpu.pack_format<interleaved>} : vector<32xbf16> -> vector<16xf32>
        %parallel_loop3A_524 = arith.mulf %parallel_loop3A_461, %parallel_loop3A_522 : vector<16xf32>
        %parallel_loop3A_525 = arith.mulf %parallel_loop3A_461, %parallel_loop3A_523 : vector<16xf32>
        %parallel_loop3A_526 = arith.addf %parallel_loop3A_515, %parallel_loop3A_524 : vector<16xf32>
        %parallel_loop3A_527 = arith.addf %parallel_loop3A_516, %parallel_loop3A_525 : vector<16xf32>
        %parallel_loop3A_528 = arith.constant 24 : i32
        %parallel_loop3A_529 = vector.broadcast %parallel_loop3A_528 : i32 to vector<16xi32>
        %parallel_loop3A_530 = arith.addi %parallel_loop3A_452, %parallel_loop3A_529 : vector<16xi32>
        %parallel_loop3A_531 = tpu.vector_load_idx %arg9[%parallel_loop3A_530] : memref<7360xi32, #tpu.memory_space<vmem>>[vector<16xi32>], vector<16xi32>,
        %parallel_loop3A_532 = vector.bitcast %parallel_loop3A_531 : vector<16xi32> to vector<32xbf16>
        %parallel_loop3A_533 = tpu.unpack_subelements %parallel_loop3A_532, 0 {pack_format = #tpu.pack_format<interleaved>} : vector<32xbf16> -> vector<16xf32>
        %parallel_loop3A_534 = tpu.unpack_subelements %parallel_loop3A_532, 1 {pack_format = #tpu.pack_format<interleaved>} : vector<32xbf16> -> vector<16xf32>
        %parallel_loop3A_535 = arith.mulf %parallel_loop3A_462, %parallel_loop3A_533 : vector<16xf32>
        %parallel_loop3A_536 = arith.mulf %parallel_loop3A_462, %parallel_loop3A_534 : vector<16xf32>
        %parallel_loop3A_537 = arith.addf %parallel_loop3A_526, %parallel_loop3A_535 : vector<16xf32>
        %parallel_loop3A_538 = arith.addf %parallel_loop3A_527, %parallel_loop3A_536 : vector<16xf32>
        %parallel_loop3A_539 = arith.constant 28 : i32
        %parallel_loop3A_540 = vector.broadcast %parallel_loop3A_539 : i32 to vector<16xi32>
        %parallel_loop3A_541 = arith.addi %parallel_loop3A_452, %parallel_loop3A_540 : vector<16xi32>
        %parallel_loop3A_542 = tpu.vector_load_idx %arg9[%parallel_loop3A_541] : memref<7360xi32, #tpu.memory_space<vmem>>[vector<16xi32>], vector<16xi32>,
        %parallel_loop3A_543 = vector.bitcast %parallel_loop3A_542 : vector<16xi32> to vector<32xbf16>
        %parallel_loop3A_544 = tpu.unpack_subelements %parallel_loop3A_543, 0 {pack_format = #tpu.pack_format<interleaved>} : vector<32xbf16> -> vector<16xf32>
        %parallel_loop3A_545 = tpu.unpack_subelements %parallel_loop3A_543, 1 {pack_format = #tpu.pack_format<interleaved>} : vector<32xbf16> -> vector<16xf32>
        %parallel_loop3A_546 = arith.mulf %parallel_loop3A_463, %parallel_loop3A_544 : vector<16xf32>
        %parallel_loop3A_547 = arith.mulf %parallel_loop3A_463, %parallel_loop3A_545 : vector<16xf32>
        %parallel_loop3A_548 = arith.addf %parallel_loop3A_537, %parallel_loop3A_546 : vector<16xf32>
        %parallel_loop3A_549 = arith.addf %parallel_loop3A_538, %parallel_loop3A_547 : vector<16xf32>
        %parallel_loop3A_550 = arith.constant 0 : i32
        %parallel_loop3A_551 = vector.broadcast %parallel_loop3A_550 : i32 to vector<16xi32>
        %parallel_loop3A_552 = arith.addi %parallel_loop3A_455, %parallel_loop3A_551 : vector<16xi32>
        %parallel_loop3A_553 = arith.mulf %parallel_loop3A_548, %parallel_loop3A_449 : vector<16xf32>
        tpu.vector_store_idx %arg10[%parallel_loop3A_552], %parallel_loop3A_553 {add = true} : memref<80000xf32, #tpu.memory_space<vmem>>[vector<16xi32>], vector<16xf32>,
        %parallel_loop3A_554 = arith.constant 1 : i32
        %parallel_loop3A_555 = vector.broadcast %parallel_loop3A_554 : i32 to vector<16xi32>
        %parallel_loop3A_556 = arith.addi %parallel_loop3A_455, %parallel_loop3A_555 : vector<16xi32>
        %parallel_loop3A_557 = arith.mulf %parallel_loop3A_549, %parallel_loop3A_449 : vector<16xf32>
        tpu.vector_store_idx %arg10[%parallel_loop3A_556], %parallel_loop3A_557 {add = true} : memref<80000xf32, #tpu.memory_space<vmem>>[vector<16xi32>], vector<16xf32>,
        %parallel_loop3A_558 = arith.constant 1 : i32
        %parallel_loop3A_559 = vector.broadcast %parallel_loop3A_558 : i32 to vector<16xi32>
        %parallel_loop3A_560 = arith.addi %parallel_loop3A_452, %parallel_loop3A_559 : vector<16xi32>
        %parallel_loop3A_561 = tpu.vector_load_idx %arg9[%parallel_loop3A_560] : memref<7360xi32, #tpu.memory_space<vmem>>[vector<16xi32>], vector<16xi32>,
        %parallel_loop3A_562 = vector.bitcast %parallel_loop3A_561 : vector<16xi32> to vector<32xbf16>
        %parallel_loop3A_563 = tpu.unpack_subelements %parallel_loop3A_562, 0 {pack_format = #tpu.pack_format<interleaved>} : vector<32xbf16> -> vector<16xf32>
        %parallel_loop3A_564 = tpu.unpack_subelements %parallel_loop3A_562, 1 {pack_format = #tpu.pack_format<interleaved>} : vector<32xbf16> -> vector<16xf32>
        %parallel_loop3A_565 = arith.mulf %parallel_loop3A_456, %parallel_loop3A_563 : vector<16xf32>
        %parallel_loop3A_566 = arith.mulf %parallel_loop3A_456, %parallel_loop3A_564 : vector<16xf32>
        %parallel_loop3A_567 = arith.constant 5 : i32
        %parallel_loop3A_568 = vector.broadcast %parallel_loop3A_567 : i32 to vector<16xi32>
        %parallel_loop3A_569 = arith.addi %parallel_loop3A_452, %parallel_loop3A_568 : vector<16xi32>
        %parallel_loop3A_570 = tpu.vector_load_idx %arg9[%parallel_loop3A_569] : memref<7360xi32, #tpu.memory_space<vmem>>[vector<16xi32>], vector<16xi32>,
        %parallel_loop3A_571 = vector.bitcast %parallel_loop3A_570 : vector<16xi32> to vector<32xbf16>
        %parallel_loop3A_572 = tpu.unpack_subelements %parallel_loop3A_571, 0 {pack_format = #tpu.pack_format<interleaved>} : vector<32xbf16> -> vector<16xf32>
        %parallel_loop3A_573 = tpu.unpack_subelements %parallel_loop3A_571, 1 {pack_format = #tpu.pack_format<interleaved>} : vector<32xbf16> -> vector<16xf32>
        %parallel_loop3A_574 = arith.mulf %parallel_loop3A_457, %parallel_loop3A_572 : vector<16xf32>
        %parallel_loop3A_575 = arith.mulf %parallel_loop3A_457, %parallel_loop3A_573 : vector<16xf32>
        %parallel_loop3A_576 = arith.addf %parallel_loop3A_565, %parallel_loop3A_574 : vector<16xf32>
        %parallel_loop3A_577 = arith.addf %parallel_loop3A_566, %parallel_loop3A_575 : vector<16xf32>
        %parallel_loop3A_578 = arith.constant 9 : i32
        %parallel_loop3A_579 = vector.broadcast %parallel_loop3A_578 : i32 to vector<16xi32>
        %parallel_loop3A_580 = arith.addi %parallel_loop3A_452, %parallel_loop3A_579 : vector<16xi32>
        %parallel_loop3A_581 = tpu.vector_load_idx %arg9[%parallel_loop3A_580] : memref<7360xi32, #tpu.memory_space<vmem>>[vector<16xi32>], vector<16xi32>,
        %parallel_loop3A_582 = vector.bitcast %parallel_loop3A_581 : vector<16xi32> to vector<32xbf16>
        %parallel_loop3A_583 = tpu.unpack_subelements %parallel_loop3A_582, 0 {pack_format = #tpu.pack_format<interleaved>} : vector<32xbf16> -> vector<16xf32>
        %parallel_loop3A_584 = tpu.unpack_subelements %parallel_loop3A_582, 1 {pack_format = #tpu.pack_format<interleaved>} : vector<32xbf16> -> vector<16xf32>
        %parallel_loop3A_585 = arith.mulf %parallel_loop3A_458, %parallel_loop3A_583 : vector<16xf32>
        %parallel_loop3A_586 = arith.mulf %parallel_loop3A_458, %parallel_loop3A_584 : vector<16xf32>
        %parallel_loop3A_587 = arith.addf %parallel_loop3A_576, %parallel_loop3A_585 : vector<16xf32>
        %parallel_loop3A_588 = arith.addf %parallel_loop3A_577, %parallel_loop3A_586 : vector<16xf32>
        %parallel_loop3A_589 = arith.constant 13 : i32
        %parallel_loop3A_590 = vector.broadcast %parallel_loop3A_589 : i32 to vector<16xi32>
        %parallel_loop3A_591 = arith.addi %parallel_loop3A_452, %parallel_loop3A_590 : vector<16xi32>
        %parallel_loop3A_592 = tpu.vector_load_idx %arg9[%parallel_loop3A_591] : memref<7360xi32, #tpu.memory_space<vmem>>[vector<16xi32>], vector<16xi32>,
        %parallel_loop3A_593 = vector.bitcast %parallel_loop3A_592 : vector<16xi32> to vector<32xbf16>
        %parallel_loop3A_594 = tpu.unpack_subelements %parallel_loop3A_593, 0 {pack_format = #tpu.pack_format<interleaved>} : vector<32xbf16> -> vector<16xf32>
        %parallel_loop3A_595 = tpu.unpack_subelements %parallel_loop3A_593, 1 {pack_format = #tpu.pack_format<interleaved>} : vector<32xbf16> -> vector<16xf32>
        %parallel_loop3A_596 = arith.mulf %parallel_loop3A_459, %parallel_loop3A_594 : vector<16xf32>
        %parallel_loop3A_597 = arith.mulf %parallel_loop3A_459, %parallel_loop3A_595 : vector<16xf32>
        %parallel_loop3A_598 = arith.addf %parallel_loop3A_587, %parallel_loop3A_596 : vector<16xf32>
        %parallel_loop3A_599 = arith.addf %parallel_loop3A_588, %parallel_loop3A_597 : vector<16xf32>
        %parallel_loop3A_600 = arith.constant 17 : i32
        %parallel_loop3A_601 = vector.broadcast %parallel_loop3A_600 : i32 to vector<16xi32>
        %parallel_loop3A_602 = arith.addi %parallel_loop3A_452, %parallel_loop3A_601 : vector<16xi32>
        %parallel_loop3A_603 = tpu.vector_load_idx %arg9[%parallel_loop3A_602] : memref<7360xi32, #tpu.memory_space<vmem>>[vector<16xi32>], vector<16xi32>,
        %parallel_loop3A_604 = vector.bitcast %parallel_loop3A_603 : vector<16xi32> to vector<32xbf16>
        %parallel_loop3A_605 = tpu.unpack_subelements %parallel_loop3A_604, 0 {pack_format = #tpu.pack_format<interleaved>} : vector<32xbf16> -> vector<16xf32>
        %parallel_loop3A_606 = tpu.unpack_subelements %parallel_loop3A_604, 1 {pack_format = #tpu.pack_format<interleaved>} : vector<32xbf16> -> vector<16xf32>
        %parallel_loop3A_607 = arith.mulf %parallel_loop3A_460, %parallel_loop3A_605 : vector<16xf32>
        %parallel_loop3A_608 = arith.mulf %parallel_loop3A_460, %parallel_loop3A_606 : vector<16xf32>
        %parallel_loop3A_609 = arith.addf %parallel_loop3A_598, %parallel_loop3A_607 : vector<16xf32>
        %parallel_loop3A_610 = arith.addf %parallel_loop3A_599, %parallel_loop3A_608 : vector<16xf32>
        %parallel_loop3A_611 = arith.constant 21 : i32
        %parallel_loop3A_612 = vector.broadcast %parallel_loop3A_611 : i32 to vector<16xi32>
        %parallel_loop3A_613 = arith.addi %parallel_loop3A_452, %parallel_loop3A_612 : vector<16xi32>
        %parallel_loop3A_614 = tpu.vector_load_idx %arg9[%parallel_loop3A_613] : memref<7360xi32, #tpu.memory_space<vmem>>[vector<16xi32>], vector<16xi32>,
        %parallel_loop3A_615 = vector.bitcast %parallel_loop3A_614 : vector<16xi32> to vector<32xbf16>
        %parallel_loop3A_616 = tpu.unpack_subelements %parallel_loop3A_615, 0 {pack_format = #tpu.pack_format<interleaved>} : vector<32xbf16> -> vector<16xf32>
        %parallel_loop3A_617 = tpu.unpack_subelements %parallel_loop3A_615, 1 {pack_format = #tpu.pack_format<interleaved>} : vector<32xbf16> -> vector<16xf32>
        %parallel_loop3A_618 = arith.mulf %parallel_loop3A_461, %parallel_loop3A_616 : vector<16xf32>
        %parallel_loop3A_619 = arith.mulf %parallel_loop3A_461, %parallel_loop3A_617 : vector<16xf32>
        %parallel_loop3A_620 = arith.addf %parallel_loop3A_609, %parallel_loop3A_618 : vector<16xf32>
        %parallel_loop3A_621 = arith.addf %parallel_loop3A_610, %parallel_loop3A_619 : vector<16xf32>
        %parallel_loop3A_622 = arith.constant 25 : i32
        %parallel_loop3A_623 = vector.broadcast %parallel_loop3A_622 : i32 to vector<16xi32>
        %parallel_loop3A_624 = arith.addi %parallel_loop3A_452, %parallel_loop3A_623 : vector<16xi32>
        %parallel_loop3A_625 = tpu.vector_load_idx %arg9[%parallel_loop3A_624] : memref<7360xi32, #tpu.memory_space<vmem>>[vector<16xi32>], vector<16xi32>,
        %parallel_loop3A_626 = vector.bitcast %parallel_loop3A_625 : vector<16xi32> to vector<32xbf16>
        %parallel_loop3A_627 = tpu.unpack_subelements %parallel_loop3A_626, 0 {pack_format = #tpu.pack_format<interleaved>} : vector<32xbf16> -> vector<16xf32>
        %parallel_loop3A_628 = tpu.unpack_subelements %parallel_loop3A_626, 1 {pack_format = #tpu.pack_format<interleaved>} : vector<32xbf16> -> vector<16xf32>
        %parallel_loop3A_629 = arith.mulf %parallel_loop3A_462, %parallel_loop3A_627 : vector<16xf32>
        %parallel_loop3A_630 = arith.mulf %parallel_loop3A_462, %parallel_loop3A_628 : vector<16xf32>
        %parallel_loop3A_631 = arith.addf %parallel_loop3A_620, %parallel_loop3A_629 : vector<16xf32>
        %parallel_loop3A_632 = arith.addf %parallel_loop3A_621, %parallel_loop3A_630 : vector<16xf32>
        %parallel_loop3A_633 = arith.constant 29 : i32
        %parallel_loop3A_634 = vector.broadcast %parallel_loop3A_633 : i32 to vector<16xi32>
        %parallel_loop3A_635 = arith.addi %parallel_loop3A_452, %parallel_loop3A_634 : vector<16xi32>
        %parallel_loop3A_636 = tpu.vector_load_idx %arg9[%parallel_loop3A_635] : memref<7360xi32, #tpu.memory_space<vmem>>[vector<16xi32>], vector<16xi32>,
        %parallel_loop3A_637 = vector.bitcast %parallel_loop3A_636 : vector<16xi32> to vector<32xbf16>
        %parallel_loop3A_638 = tpu.unpack_subelements %parallel_loop3A_637, 0 {pack_format = #tpu.pack_format<interleaved>} : vector<32xbf16> -> vector<16xf32>
        %parallel_loop3A_639 = tpu.unpack_subelements %parallel_loop3A_637, 1 {pack_format = #tpu.pack_format<interleaved>} : vector<32xbf16> -> vector<16xf32>
        %parallel_loop3A_640 = arith.mulf %parallel_loop3A_463, %parallel_loop3A_638 : vector<16xf32>
        %parallel_loop3A_641 = arith.mulf %parallel_loop3A_463, %parallel_loop3A_639 : vector<16xf32>
        %parallel_loop3A_642 = arith.addf %parallel_loop3A_631, %parallel_loop3A_640 : vector<16xf32>
        %parallel_loop3A_643 = arith.addf %parallel_loop3A_632, %parallel_loop3A_641 : vector<16xf32>
        %parallel_loop3A_644 = arith.constant 2 : i32
        %parallel_loop3A_645 = vector.broadcast %parallel_loop3A_644 : i32 to vector<16xi32>
        %parallel_loop3A_646 = arith.addi %parallel_loop3A_455, %parallel_loop3A_645 : vector<16xi32>
        %parallel_loop3A_647 = arith.mulf %parallel_loop3A_642, %parallel_loop3A_449 : vector<16xf32>
        tpu.vector_store_idx %arg10[%parallel_loop3A_646], %parallel_loop3A_647 {add = true} : memref<80000xf32, #tpu.memory_space<vmem>>[vector<16xi32>], vector<16xf32>,
        %parallel_loop3A_648 = arith.constant 3 : i32
        %parallel_loop3A_649 = vector.broadcast %parallel_loop3A_648 : i32 to vector<16xi32>
        %parallel_loop3A_650 = arith.addi %parallel_loop3A_455, %parallel_loop3A_649 : vector<16xi32>
        %parallel_loop3A_651 = arith.mulf %parallel_loop3A_643, %parallel_loop3A_449 : vector<16xf32>
        tpu.vector_store_idx %arg10[%parallel_loop3A_650], %parallel_loop3A_651 {add = true} : memref<80000xf32, #tpu.memory_space<vmem>>[vector<16xi32>], vector<16xf32>,
        %parallel_loop3A_652 = arith.constant 2 : i32
        %parallel_loop3A_653 = vector.broadcast %parallel_loop3A_652 : i32 to vector<16xi32>
        %parallel_loop3A_654 = arith.addi %parallel_loop3A_452, %parallel_loop3A_653 : vector<16xi32>
        %parallel_loop3A_655 = tpu.vector_load_idx %arg9[%parallel_loop3A_654] : memref<7360xi32, #tpu.memory_space<vmem>>[vector<16xi32>], vector<16xi32>,
        %parallel_loop3A_656 = vector.bitcast %parallel_loop3A_655 : vector<16xi32> to vector<32xbf16>
        %parallel_loop3A_657 = tpu.unpack_subelements %parallel_loop3A_656, 0 {pack_format = #tpu.pack_format<interleaved>} : vector<32xbf16> -> vector<16xf32>
        %parallel_loop3A_658 = tpu.unpack_subelements %parallel_loop3A_656, 1 {pack_format = #tpu.pack_format<interleaved>} : vector<32xbf16> -> vector<16xf32>
        %parallel_loop3A_659 = arith.mulf %parallel_loop3A_456, %parallel_loop3A_657 : vector<16xf32>
        %parallel_loop3A_660 = arith.mulf %parallel_loop3A_456, %parallel_loop3A_658 : vector<16xf32>
        %parallel_loop3A_661 = arith.constant 6 : i32
        %parallel_loop3A_662 = vector.broadcast %parallel_loop3A_661 : i32 to vector<16xi32>
        %parallel_loop3A_663 = arith.addi %parallel_loop3A_452, %parallel_loop3A_662 : vector<16xi32>
        %parallel_loop3A_664 = tpu.vector_load_idx %arg9[%parallel_loop3A_663] : memref<7360xi32, #tpu.memory_space<vmem>>[vector<16xi32>], vector<16xi32>,
        %parallel_loop3A_665 = vector.bitcast %parallel_loop3A_664 : vector<16xi32> to vector<32xbf16>
        %parallel_loop3A_666 = tpu.unpack_subelements %parallel_loop3A_665, 0 {pack_format = #tpu.pack_format<interleaved>} : vector<32xbf16> -> vector<16xf32>
        %parallel_loop3A_667 = tpu.unpack_subelements %parallel_loop3A_665, 1 {pack_format = #tpu.pack_format<interleaved>} : vector<32xbf16> -> vector<16xf32>
        %parallel_loop3A_668 = arith.mulf %parallel_loop3A_457, %parallel_loop3A_666 : vector<16xf32>
        %parallel_loop3A_669 = arith.mulf %parallel_loop3A_457, %parallel_loop3A_667 : vector<16xf32>
        %parallel_loop3A_670 = arith.addf %parallel_loop3A_659, %parallel_loop3A_668 : vector<16xf32>
        %parallel_loop3A_671 = arith.addf %parallel_loop3A_660, %parallel_loop3A_669 : vector<16xf32>
        %parallel_loop3A_672 = arith.constant 10 : i32
        %parallel_loop3A_673 = vector.broadcast %parallel_loop3A_672 : i32 to vector<16xi32>
        %parallel_loop3A_674 = arith.addi %parallel_loop3A_452, %parallel_loop3A_673 : vector<16xi32>
        %parallel_loop3A_675 = tpu.vector_load_idx %arg9[%parallel_loop3A_674] : memref<7360xi32, #tpu.memory_space<vmem>>[vector<16xi32>], vector<16xi32>,
        %parallel_loop3A_676 = vector.bitcast %parallel_loop3A_675 : vector<16xi32> to vector<32xbf16>
        %parallel_loop3A_677 = tpu.unpack_subelements %parallel_loop3A_676, 0 {pack_format = #tpu.pack_format<interleaved>} : vector<32xbf16> -> vector<16xf32>
        %parallel_loop3A_678 = tpu.unpack_subelements %parallel_loop3A_676, 1 {pack_format = #tpu.pack_format<interleaved>} : vector<32xbf16> -> vector<16xf32>
        %parallel_loop3A_679 = arith.mulf %parallel_loop3A_458, %parallel_loop3A_677 : vector<16xf32>
        %parallel_loop3A_680 = arith.mulf %parallel_loop3A_458, %parallel_loop3A_678 : vector<16xf32>
        %parallel_loop3A_681 = arith.addf %parallel_loop3A_670, %parallel_loop3A_679 : vector<16xf32>
        %parallel_loop3A_682 = arith.addf %parallel_loop3A_671, %parallel_loop3A_680 : vector<16xf32>
        %parallel_loop3A_683 = arith.constant 14 : i32
        %parallel_loop3A_684 = vector.broadcast %parallel_loop3A_683 : i32 to vector<16xi32>
        %parallel_loop3A_685 = arith.addi %parallel_loop3A_452, %parallel_loop3A_684 : vector<16xi32>
        %parallel_loop3A_686 = tpu.vector_load_idx %arg9[%parallel_loop3A_685] : memref<7360xi32, #tpu.memory_space<vmem>>[vector<16xi32>], vector<16xi32>,
        %parallel_loop3A_687 = vector.bitcast %parallel_loop3A_686 : vector<16xi32> to vector<32xbf16>
        %parallel_loop3A_688 = tpu.unpack_subelements %parallel_loop3A_687, 0 {pack_format = #tpu.pack_format<interleaved>} : vector<32xbf16> -> vector<16xf32>
        %parallel_loop3A_689 = tpu.unpack_subelements %parallel_loop3A_687, 1 {pack_format = #tpu.pack_format<interleaved>} : vector<32xbf16> -> vector<16xf32>
        %parallel_loop3A_690 = arith.mulf %parallel_loop3A_459, %parallel_loop3A_688 : vector<16xf32>
        %parallel_loop3A_691 = arith.mulf %parallel_loop3A_459, %parallel_loop3A_689 : vector<16xf32>
        %parallel_loop3A_692 = arith.addf %parallel_loop3A_681, %parallel_loop3A_690 : vector<16xf32>
        %parallel_loop3A_693 = arith.addf %parallel_loop3A_682, %parallel_loop3A_691 : vector<16xf32>
        %parallel_loop3A_694 = arith.constant 18 : i32
        %parallel_loop3A_695 = vector.broadcast %parallel_loop3A_694 : i32 to vector<16xi32>
        %parallel_loop3A_696 = arith.addi %parallel_loop3A_452, %parallel_loop3A_695 : vector<16xi32>
        %parallel_loop3A_697 = tpu.vector_load_idx %arg9[%parallel_loop3A_696] : memref<7360xi32, #tpu.memory_space<vmem>>[vector<16xi32>], vector<16xi32>,
        %parallel_loop3A_698 = vector.bitcast %parallel_loop3A_697 : vector<16xi32> to vector<32xbf16>
        %parallel_loop3A_699 = tpu.unpack_subelements %parallel_loop3A_698, 0 {pack_format = #tpu.pack_format<interleaved>} : vector<32xbf16> -> vector<16xf32>
        %parallel_loop3A_700 = tpu.unpack_subelements %parallel_loop3A_698, 1 {pack_format = #tpu.pack_format<interleaved>} : vector<32xbf16> -> vector<16xf32>
        %parallel_loop3A_701 = arith.mulf %parallel_loop3A_460, %parallel_loop3A_699 : vector<16xf32>
        %parallel_loop3A_702 = arith.mulf %parallel_loop3A_460, %parallel_loop3A_700 : vector<16xf32>
        %parallel_loop3A_703 = arith.addf %parallel_loop3A_692, %parallel_loop3A_701 : vector<16xf32>
        %parallel_loop3A_704 = arith.addf %parallel_loop3A_693, %parallel_loop3A_702 : vector<16xf32>
        %parallel_loop3A_705 = arith.constant 22 : i32
        %parallel_loop3A_706 = vector.broadcast %parallel_loop3A_705 : i32 to vector<16xi32>
        %parallel_loop3A_707 = arith.addi %parallel_loop3A_452, %parallel_loop3A_706 : vector<16xi32>
        %parallel_loop3A_708 = tpu.vector_load_idx %arg9[%parallel_loop3A_707] : memref<7360xi32, #tpu.memory_space<vmem>>[vector<16xi32>], vector<16xi32>,
        %parallel_loop3A_709 = vector.bitcast %parallel_loop3A_708 : vector<16xi32> to vector<32xbf16>
        %parallel_loop3A_710 = tpu.unpack_subelements %parallel_loop3A_709, 0 {pack_format = #tpu.pack_format<interleaved>} : vector<32xbf16> -> vector<16xf32>
        %parallel_loop3A_711 = tpu.unpack_subelements %parallel_loop3A_709, 1 {pack_format = #tpu.pack_format<interleaved>} : vector<32xbf16> -> vector<16xf32>
        %parallel_loop3A_712 = arith.mulf %parallel_loop3A_461, %parallel_loop3A_710 : vector<16xf32>
        %parallel_loop3A_713 = arith.mulf %parallel_loop3A_461, %parallel_loop3A_711 : vector<16xf32>
        %parallel_loop3A_714 = arith.addf %parallel_loop3A_703, %parallel_loop3A_712 : vector<16xf32>
        %parallel_loop3A_715 = arith.addf %parallel_loop3A_704, %parallel_loop3A_713 : vector<16xf32>
        %parallel_loop3A_716 = arith.constant 26 : i32
        %parallel_loop3A_717 = vector.broadcast %parallel_loop3A_716 : i32 to vector<16xi32>
        %parallel_loop3A_718 = arith.addi %parallel_loop3A_452, %parallel_loop3A_717 : vector<16xi32>
        %parallel_loop3A_719 = tpu.vector_load_idx %arg9[%parallel_loop3A_718] : memref<7360xi32, #tpu.memory_space<vmem>>[vector<16xi32>], vector<16xi32>,
        %parallel_loop3A_720 = vector.bitcast %parallel_loop3A_719 : vector<16xi32> to vector<32xbf16>
        %parallel_loop3A_721 = tpu.unpack_subelements %parallel_loop3A_720, 0 {pack_format = #tpu.pack_format<interleaved>} : vector<32xbf16> -> vector<16xf32>
        %parallel_loop3A_722 = tpu.unpack_subelements %parallel_loop3A_720, 1 {pack_format = #tpu.pack_format<interleaved>} : vector<32xbf16> -> vector<16xf32>
        %parallel_loop3A_723 = arith.mulf %parallel_loop3A_462, %parallel_loop3A_721 : vector<16xf32>
        %parallel_loop3A_724 = arith.mulf %parallel_loop3A_462, %parallel_loop3A_722 : vector<16xf32>
        %parallel_loop3A_725 = arith.addf %parallel_loop3A_714, %parallel_loop3A_723 : vector<16xf32>
        %parallel_loop3A_726 = arith.addf %parallel_loop3A_715, %parallel_loop3A_724 : vector<16xf32>
        %parallel_loop3A_727 = arith.constant 30 : i32
        %parallel_loop3A_728 = vector.broadcast %parallel_loop3A_727 : i32 to vector<16xi32>
        %parallel_loop3A_729 = arith.addi %parallel_loop3A_452, %parallel_loop3A_728 : vector<16xi32>
        %parallel_loop3A_730 = tpu.vector_load_idx %arg9[%parallel_loop3A_729] : memref<7360xi32, #tpu.memory_space<vmem>>[vector<16xi32>], vector<16xi32>,
        %parallel_loop3A_731 = vector.bitcast %parallel_loop3A_730 : vector<16xi32> to vector<32xbf16>
        %parallel_loop3A_732 = tpu.unpack_subelements %parallel_loop3A_731, 0 {pack_format = #tpu.pack_format<interleaved>} : vector<32xbf16> -> vector<16xf32>
        %parallel_loop3A_733 = tpu.unpack_subelements %parallel_loop3A_731, 1 {pack_format = #tpu.pack_format<interleaved>} : vector<32xbf16> -> vector<16xf32>
        %parallel_loop3A_734 = arith.mulf %parallel_loop3A_463, %parallel_loop3A_732 : vector<16xf32>
        %parallel_loop3A_735 = arith.mulf %parallel_loop3A_463, %parallel_loop3A_733 : vector<16xf32>
        %parallel_loop3A_736 = arith.addf %parallel_loop3A_725, %parallel_loop3A_734 : vector<16xf32>
        %parallel_loop3A_737 = arith.addf %parallel_loop3A_726, %parallel_loop3A_735 : vector<16xf32>
        %parallel_loop3A_738 = arith.constant 4 : i32
        %parallel_loop3A_739 = vector.broadcast %parallel_loop3A_738 : i32 to vector<16xi32>
        %parallel_loop3A_740 = arith.addi %parallel_loop3A_455, %parallel_loop3A_739 : vector<16xi32>
        %parallel_loop3A_741 = arith.mulf %parallel_loop3A_736, %parallel_loop3A_449 : vector<16xf32>
        tpu.vector_store_idx %arg10[%parallel_loop3A_740], %parallel_loop3A_741 {add = true} : memref<80000xf32, #tpu.memory_space<vmem>>[vector<16xi32>], vector<16xf32>,
        %parallel_loop3A_742 = arith.constant 5 : i32
        %parallel_loop3A_743 = vector.broadcast %parallel_loop3A_742 : i32 to vector<16xi32>
        %parallel_loop3A_744 = arith.addi %parallel_loop3A_455, %parallel_loop3A_743 : vector<16xi32>
        %parallel_loop3A_745 = arith.mulf %parallel_loop3A_737, %parallel_loop3A_449 : vector<16xf32>
        tpu.vector_store_idx %arg10[%parallel_loop3A_744], %parallel_loop3A_745 {add = true} : memref<80000xf32, #tpu.memory_space<vmem>>[vector<16xi32>], vector<16xf32>,
        %parallel_loop3A_746 = arith.constant 3 : i32
        %parallel_loop3A_747 = vector.broadcast %parallel_loop3A_746 : i32 to vector<16xi32>
        %parallel_loop3A_748 = arith.addi %parallel_loop3A_452, %parallel_loop3A_747 : vector<16xi32>
        %parallel_loop3A_749 = tpu.vector_load_idx %arg9[%parallel_loop3A_748] : memref<7360xi32, #tpu.memory_space<vmem>>[vector<16xi32>], vector<16xi32>,
        %parallel_loop3A_750 = vector.bitcast %parallel_loop3A_749 : vector<16xi32> to vector<32xbf16>
        %parallel_loop3A_751 = tpu.unpack_subelements %parallel_loop3A_750, 0 {pack_format = #tpu.pack_format<interleaved>} : vector<32xbf16> -> vector<16xf32>
        %parallel_loop3A_752 = tpu.unpack_subelements %parallel_loop3A_750, 1 {pack_format = #tpu.pack_format<interleaved>} : vector<32xbf16> -> vector<16xf32>
        %parallel_loop3A_753 = arith.mulf %parallel_loop3A_456, %parallel_loop3A_751 : vector<16xf32>
        %parallel_loop3A_754 = arith.mulf %parallel_loop3A_456, %parallel_loop3A_752 : vector<16xf32>
        %parallel_loop3A_755 = arith.constant 7 : i32
        %parallel_loop3A_756 = vector.broadcast %parallel_loop3A_755 : i32 to vector<16xi32>
        %parallel_loop3A_757 = arith.addi %parallel_loop3A_452, %parallel_loop3A_756 : vector<16xi32>
        %parallel_loop3A_758 = tpu.vector_load_idx %arg9[%parallel_loop3A_757] : memref<7360xi32, #tpu.memory_space<vmem>>[vector<16xi32>], vector<16xi32>,
        %parallel_loop3A_759 = vector.bitcast %parallel_loop3A_758 : vector<16xi32> to vector<32xbf16>
        %parallel_loop3A_760 = tpu.unpack_subelements %parallel_loop3A_759, 0 {pack_format = #tpu.pack_format<interleaved>} : vector<32xbf16> -> vector<16xf32>
        %parallel_loop3A_761 = tpu.unpack_subelements %parallel_loop3A_759, 1 {pack_format = #tpu.pack_format<interleaved>} : vector<32xbf16> -> vector<16xf32>
        %parallel_loop3A_762 = arith.mulf %parallel_loop3A_457, %parallel_loop3A_760 : vector<16xf32>
        %parallel_loop3A_763 = arith.mulf %parallel_loop3A_457, %parallel_loop3A_761 : vector<16xf32>
        %parallel_loop3A_764 = arith.addf %parallel_loop3A_753, %parallel_loop3A_762 : vector<16xf32>
        %parallel_loop3A_765 = arith.addf %parallel_loop3A_754, %parallel_loop3A_763 : vector<16xf32>
        %parallel_loop3A_766 = arith.constant 11 : i32
        %parallel_loop3A_767 = vector.broadcast %parallel_loop3A_766 : i32 to vector<16xi32>
        %parallel_loop3A_768 = arith.addi %parallel_loop3A_452, %parallel_loop3A_767 : vector<16xi32>
        %parallel_loop3A_769 = tpu.vector_load_idx %arg9[%parallel_loop3A_768] : memref<7360xi32, #tpu.memory_space<vmem>>[vector<16xi32>], vector<16xi32>,
        %parallel_loop3A_770 = vector.bitcast %parallel_loop3A_769 : vector<16xi32> to vector<32xbf16>
        %parallel_loop3A_771 = tpu.unpack_subelements %parallel_loop3A_770, 0 {pack_format = #tpu.pack_format<interleaved>} : vector<32xbf16> -> vector<16xf32>
        %parallel_loop3A_772 = tpu.unpack_subelements %parallel_loop3A_770, 1 {pack_format = #tpu.pack_format<interleaved>} : vector<32xbf16> -> vector<16xf32>
        %parallel_loop3A_773 = arith.mulf %parallel_loop3A_458, %parallel_loop3A_771 : vector<16xf32>
        %parallel_loop3A_774 = arith.mulf %parallel_loop3A_458, %parallel_loop3A_772 : vector<16xf32>
        %parallel_loop3A_775 = arith.addf %parallel_loop3A_764, %parallel_loop3A_773 : vector<16xf32>
        %parallel_loop3A_776 = arith.addf %parallel_loop3A_765, %parallel_loop3A_774 : vector<16xf32>
        %parallel_loop3A_777 = arith.constant 15 : i32
        %parallel_loop3A_778 = vector.broadcast %parallel_loop3A_777 : i32 to vector<16xi32>
        %parallel_loop3A_779 = arith.addi %parallel_loop3A_452, %parallel_loop3A_778 : vector<16xi32>
        %parallel_loop3A_780 = tpu.vector_load_idx %arg9[%parallel_loop3A_779] : memref<7360xi32, #tpu.memory_space<vmem>>[vector<16xi32>], vector<16xi32>,
        %parallel_loop3A_781 = vector.bitcast %parallel_loop3A_780 : vector<16xi32> to vector<32xbf16>
        %parallel_loop3A_782 = tpu.unpack_subelements %parallel_loop3A_781, 0 {pack_format = #tpu.pack_format<interleaved>} : vector<32xbf16> -> vector<16xf32>
        %parallel_loop3A_783 = tpu.unpack_subelements %parallel_loop3A_781, 1 {pack_format = #tpu.pack_format<interleaved>} : vector<32xbf16> -> vector<16xf32>
        %parallel_loop3A_784 = arith.mulf %parallel_loop3A_459, %parallel_loop3A_782 : vector<16xf32>
        %parallel_loop3A_785 = arith.mulf %parallel_loop3A_459, %parallel_loop3A_783 : vector<16xf32>
        %parallel_loop3A_786 = arith.addf %parallel_loop3A_775, %parallel_loop3A_784 : vector<16xf32>
        %parallel_loop3A_787 = arith.addf %parallel_loop3A_776, %parallel_loop3A_785 : vector<16xf32>
        %parallel_loop3A_788 = arith.constant 19 : i32
        %parallel_loop3A_789 = vector.broadcast %parallel_loop3A_788 : i32 to vector<16xi32>
        %parallel_loop3A_790 = arith.addi %parallel_loop3A_452, %parallel_loop3A_789 : vector<16xi32>
        %parallel_loop3A_791 = tpu.vector_load_idx %arg9[%parallel_loop3A_790] : memref<7360xi32, #tpu.memory_space<vmem>>[vector<16xi32>], vector<16xi32>,
        %parallel_loop3A_792 = vector.bitcast %parallel_loop3A_791 : vector<16xi32> to vector<32xbf16>
        %parallel_loop3A_793 = tpu.unpack_subelements %parallel_loop3A_792, 0 {pack_format = #tpu.pack_format<interleaved>} : vector<32xbf16> -> vector<16xf32>
        %parallel_loop3A_794 = tpu.unpack_subelements %parallel_loop3A_792, 1 {pack_format = #tpu.pack_format<interleaved>} : vector<32xbf16> -> vector<16xf32>
        %parallel_loop3A_795 = arith.mulf %parallel_loop3A_460, %parallel_loop3A_793 : vector<16xf32>
        %parallel_loop3A_796 = arith.mulf %parallel_loop3A_460, %parallel_loop3A_794 : vector<16xf32>
        %parallel_loop3A_797 = arith.addf %parallel_loop3A_786, %parallel_loop3A_795 : vector<16xf32>
        %parallel_loop3A_798 = arith.addf %parallel_loop3A_787, %parallel_loop3A_796 : vector<16xf32>
        %parallel_loop3A_799 = arith.constant 23 : i32
        %parallel_loop3A_800 = vector.broadcast %parallel_loop3A_799 : i32 to vector<16xi32>
        %parallel_loop3A_801 = arith.addi %parallel_loop3A_452, %parallel_loop3A_800 : vector<16xi32>
        %parallel_loop3A_802 = tpu.vector_load_idx %arg9[%parallel_loop3A_801] : memref<7360xi32, #tpu.memory_space<vmem>>[vector<16xi32>], vector<16xi32>,
        %parallel_loop3A_803 = vector.bitcast %parallel_loop3A_802 : vector<16xi32> to vector<32xbf16>
        %parallel_loop3A_804 = tpu.unpack_subelements %parallel_loop3A_803, 0 {pack_format = #tpu.pack_format<interleaved>} : vector<32xbf16> -> vector<16xf32>
        %parallel_loop3A_805 = tpu.unpack_subelements %parallel_loop3A_803, 1 {pack_format = #tpu.pack_format<interleaved>} : vector<32xbf16> -> vector<16xf32>
        %parallel_loop3A_806 = arith.mulf %parallel_loop3A_461, %parallel_loop3A_804 : vector<16xf32>
        %parallel_loop3A_807 = arith.mulf %parallel_loop3A_461, %parallel_loop3A_805 : vector<16xf32>
        %parallel_loop3A_808 = arith.addf %parallel_loop3A_797, %parallel_loop3A_806 : vector<16xf32>
        %parallel_loop3A_809 = arith.addf %parallel_loop3A_798, %parallel_loop3A_807 : vector<16xf32>
        %parallel_loop3A_810 = arith.constant 27 : i32
        %parallel_loop3A_811 = vector.broadcast %parallel_loop3A_810 : i32 to vector<16xi32>
        %parallel_loop3A_812 = arith.addi %parallel_loop3A_452, %parallel_loop3A_811 : vector<16xi32>
        %parallel_loop3A_813 = tpu.vector_load_idx %arg9[%parallel_loop3A_812] : memref<7360xi32, #tpu.memory_space<vmem>>[vector<16xi32>], vector<16xi32>,
        %parallel_loop3A_814 = vector.bitcast %parallel_loop3A_813 : vector<16xi32> to vector<32xbf16>
        %parallel_loop3A_815 = tpu.unpack_subelements %parallel_loop3A_814, 0 {pack_format = #tpu.pack_format<interleaved>} : vector<32xbf16> -> vector<16xf32>
        %parallel_loop3A_816 = tpu.unpack_subelements %parallel_loop3A_814, 1 {pack_format = #tpu.pack_format<interleaved>} : vector<32xbf16> -> vector<16xf32>
        %parallel_loop3A_817 = arith.mulf %parallel_loop3A_462, %parallel_loop3A_815 : vector<16xf32>
        %parallel_loop3A_818 = arith.mulf %parallel_loop3A_462, %parallel_loop3A_816 : vector<16xf32>
        %parallel_loop3A_819 = arith.addf %parallel_loop3A_808, %parallel_loop3A_817 : vector<16xf32>
        %parallel_loop3A_820 = arith.addf %parallel_loop3A_809, %parallel_loop3A_818 : vector<16xf32>
        %parallel_loop3A_821 = arith.constant 31 : i32
        %parallel_loop3A_822 = vector.broadcast %parallel_loop3A_821 : i32 to vector<16xi32>
        %parallel_loop3A_823 = arith.addi %parallel_loop3A_452, %parallel_loop3A_822 : vector<16xi32>
        %parallel_loop3A_824 = tpu.vector_load_idx %arg9[%parallel_loop3A_823] : memref<7360xi32, #tpu.memory_space<vmem>>[vector<16xi32>], vector<16xi32>,
        %parallel_loop3A_825 = vector.bitcast %parallel_loop3A_824 : vector<16xi32> to vector<32xbf16>
        %parallel_loop3A_826 = tpu.unpack_subelements %parallel_loop3A_825, 0 {pack_format = #tpu.pack_format<interleaved>} : vector<32xbf16> -> vector<16xf32>
        %parallel_loop3A_827 = tpu.unpack_subelements %parallel_loop3A_825, 1 {pack_format = #tpu.pack_format<interleaved>} : vector<32xbf16> -> vector<16xf32>
        %parallel_loop3A_828 = arith.mulf %parallel_loop3A_463, %parallel_loop3A_826 : vector<16xf32>
        %parallel_loop3A_829 = arith.mulf %parallel_loop3A_463, %parallel_loop3A_827 : vector<16xf32>
        %parallel_loop3A_830 = arith.addf %parallel_loop3A_819, %parallel_loop3A_828 : vector<16xf32>
        %parallel_loop3A_831 = arith.addf %parallel_loop3A_820, %parallel_loop3A_829 : vector<16xf32>
        %parallel_loop3A_832 = arith.constant 6 : i32
        %parallel_loop3A_833 = vector.broadcast %parallel_loop3A_832 : i32 to vector<16xi32>
        %parallel_loop3A_834 = arith.addi %parallel_loop3A_455, %parallel_loop3A_833 : vector<16xi32>
        %parallel_loop3A_835 = arith.mulf %parallel_loop3A_830, %parallel_loop3A_449 : vector<16xf32>
        tpu.vector_store_idx %arg10[%parallel_loop3A_834], %parallel_loop3A_835 {add = true} : memref<80000xf32, #tpu.memory_space<vmem>>[vector<16xi32>], vector<16xf32>,
        %parallel_loop3A_836 = arith.constant 7 : i32
        %parallel_loop3A_837 = vector.broadcast %parallel_loop3A_836 : i32 to vector<16xi32>
        %parallel_loop3A_838 = arith.addi %parallel_loop3A_455, %parallel_loop3A_837 : vector<16xi32>
        %parallel_loop3A_839 = arith.mulf %parallel_loop3A_831, %parallel_loop3A_449 : vector<16xf32>
        tpu.vector_store_idx %arg10[%parallel_loop3A_838], %parallel_loop3A_839 {add = true} : memref<80000xf32, #tpu.memory_space<vmem>>[vector<16xi32>], vector<16xf32>,
      } {sc.loop_unroll_factor = 2 : i64, sc.parallel_access}
      %lt3A_426 = arith.constant 99 : i32
      %lt3A_427 = arith.cmpi slt, %scan3A_145, %lt3A_426 : i32
      %convert_element_type3A_428 = arith.extui %lt3A_427 : i1 to i32
      %cond3A_429 = arith.constant 0 : i32
      %cond3A_430 = arith.cmpi ne, %convert_element_type3A_428, %cond3A_429 : i32
      scf.if %cond3A_430 {
        %add3A_432 = arith.constant 2 : i32
        %add3A_433 = arith.addi %add3A_337, %add3A_432 : i32
        %mul3A_434 = arith.constant 160000 : i32
        %mul3A_435 = arith.muli %arg0, %mul3A_434 : i32
        %mul3A_436 = arith.constant 800 : i32
        %mul3A_437 = arith.muli %add3A_433, %mul3A_436 : i32
        %add3A_438 = arith.addi %mul3A_435, %mul3A_437 : i32
        %dma_start3A_439 = tpu.memref_slice %arg4[%add3A_438] : memref<320000xi32, #tpu.memory_space<hbm>> -> memref<800xi32, #tpu.memory_space<hbm>>
        %dma_start3A_440 = tpu.memref_slice %arg4[%add3A_438] : memref<320000xi32, #tpu.memory_space<hbm>> -> memref<800xi32, #tpu.memory_space<hbm>>
        tpu.enqueue_dma source(%dma_start3A_440 : memref<800xi32, #tpu.memory_space<hbm>>) target(%arg16 : memref<800xi32, #tpu.memory_space<vmem>>) target_semaphore(%arg21 : memref<!tpu.dma_semaphore, #tpu.memory_space<semaphore_mem>>)
        %dma_start3A_441 = tpu.memref_slice %arg5[%add3A_438] : memref<320000xi32, #tpu.memory_space<hbm>> -> memref<800xi32, #tpu.memory_space<hbm>>
        %dma_start3A_442 = tpu.memref_slice %arg5[%add3A_438] : memref<320000xi32, #tpu.memory_space<hbm>> -> memref<800xi32, #tpu.memory_space<hbm>>
        tpu.enqueue_dma source(%dma_start3A_442 : memref<800xi32, #tpu.memory_space<hbm>>) target(%arg17 : memref<800xi32, #tpu.memory_space<vmem>>) target_semaphore(%arg21 : memref<!tpu.dma_semaphore, #tpu.memory_space<semaphore_mem>>)
        %dma_start3A_443 = tpu.memref_slice %arg6[%add3A_438] : memref<320000xi32, #tpu.memory_space<hbm>> -> memref<800xi32, #tpu.memory_space<hbm>>
        %dma_start3A_444 = tpu.memref_slice %arg6[%add3A_438] : memref<320000xi32, #tpu.memory_space<hbm>> -> memref<800xi32, #tpu.memory_space<hbm>>
        tpu.enqueue_dma source(%dma_start3A_444 : memref<800xi32, #tpu.memory_space<hbm>>) target(%arg18 : memref<800xi32, #tpu.memory_space<vmem>>) target_semaphore(%arg21 : memref<!tpu.dma_semaphore, #tpu.memory_space<semaphore_mem>>)
        %dma_start3A_445 = tpu.memref_slice %arg7[%add3A_438] : memref<320000xf32, #tpu.memory_space<hbm>> -> memref<800xf32, #tpu.memory_space<hbm>>
        %dma_start3A_446 = tpu.memref_slice %arg7[%add3A_438] : memref<320000xf32, #tpu.memory_space<hbm>> -> memref<800xf32, #tpu.memory_space<hbm>>
        tpu.enqueue_dma source(%dma_start3A_446 : memref<800xf32, #tpu.memory_space<hbm>>) target(%arg19 : memref<800xf32, #tpu.memory_space<vmem>>) target_semaphore(%arg21 : memref<!tpu.dma_semaphore, #tpu.memory_space<semaphore_mem>>)
      } else {
      }
      %scan3A_431 = arith.constant 0 : i32
      scf.yield %scan3A_431 : i32
    }
    %scan3A_144 = arith.constant 100 : i32
    "tpu.region"() ({
      %run_scoped3A = tpu.sem_alloc : memref<!tpu.dma_semaphore, #tpu.memory_space<semaphore_mem>>
      %dma_start3A_145 = arith.constant 0 : i32
      %dma_start3A_146 = tpu.memref_slice %arg8[%add3A, %dma_start3A_145] : memref<32x80000xf32, #tpu.memory_space<hbm>> -> memref<1x80000xf32, #tpu.memory_space<hbm>>
      %dma_start3A_147 = tpu.memref_squeeze %dma_start3A_146 : memref<1x80000xf32, #tpu.memory_space<hbm>> -> memref<80000xf32, #tpu.memory_space<hbm>>
      %dma_start3A_148 = arith.constant 0 : i32
      %dma_start3A_149 = tpu.memref_slice %arg8[%add3A, %dma_start3A_148] : memref<32x80000xf32, #tpu.memory_space<hbm>> -> memref<1x80000xf32, #tpu.memory_space<hbm>>
      %dma_start3A_150 = tpu.memref_squeeze %dma_start3A_149 : memref<1x80000xf32, #tpu.memory_space<hbm>> -> memref<80000xf32, #tpu.memory_space<hbm>>
      tpu.enqueue_dma source(%arg10 : memref<80000xf32, #tpu.memory_space<vmem>>) target(%dma_start3A_150 : memref<80000xf32, #tpu.memory_space<hbm>>) target_semaphore(%run_scoped3A : memref<!tpu.dma_semaphore, #tpu.memory_space<semaphore_mem>>)
      %dma_wait3A_151 = arith.constant 0 : i32
      %dma_wait3A_152 = tpu.memref_slice %arg8[%add3A, %dma_wait3A_151] : memref<32x80000xf32, #tpu.memory_space<hbm>> -> memref<1x80000xf32, #tpu.memory_space<hbm>>
      %dma_wait3A_153 = tpu.memref_squeeze %dma_wait3A_152 : memref<1x80000xf32, #tpu.memory_space<hbm>> -> memref<80000xf32, #tpu.memory_space<hbm>>
      %dma_wait3A_154 = arith.constant 0 : i32
      %dma_wait3A_155 = tpu.memref_slice %arg8[%add3A, %dma_wait3A_154] : memref<32x80000xf32, #tpu.memory_space<hbm>> -> memref<1x80000xf32, #tpu.memory_space<hbm>>
      %dma_wait3A_156 = tpu.memref_squeeze %dma_wait3A_155 : memref<1x80000xf32, #tpu.memory_space<hbm>> -> memref<80000xf32, #tpu.memory_space<hbm>>
      tpu.wait_dma2 semaphore(%run_scoped3A : memref<!tpu.dma_semaphore, #tpu.memory_space<semaphore_mem>>) src(%arg10 : memref<80000xf32, #tpu.memory_space<vmem>>) dst(%dma_wait3A_156 : memref<80000xf32, #tpu.memory_space<hbm>>)
      tpu.yield
    }) : () -> ()
    return
  }
}

module attributes {stable_mosaic.version = 14 : i64} {
  func.func @_tc_body(%arg0: i32, %arg1: memref<2x1000x128xf32, #tpu.memory_space<vmem>>, %arg2: memref<1000x128xf32, #tpu.memory_space<vmem>>, %arg3: memref<1000x1xf32, #tpu.memory_space<vmem>>, %arg4: memref<128x128xf32, #tpu.memory_space<vmem>>, %arg5: memref<1x128xf32, #tpu.memory_space<vmem>>, %arg6: memref<1x128xf32, #tpu.memory_space<vmem>>, %arg7: memref<1000x128xf32, #tpu.memory_space<vmem>>, %arg8: memref<1000x128xf32, #tpu.memory_space<vmem>>) attributes {dimension_semantics = [#tpu.dimension_semantics<arbitrary>], iteration_bounds = array<i64: 10>, scalar_prefetch = 0 : i64, scratch_operands = 0 : i64, tpu.core_type = #tpu.core_type<tc>, window_params = [{transform_indices = @transform_0, window_bounds = array<i64: 2, 1000, 128>}, {transform_indices = @transform_1, window_bounds = array<i64: 1000, 128>}, {transform_indices = @transform_2, window_bounds = array<i64: 1000, 1>}, {pipeline_mode = #tpu.pipeline_mode<synchronous>, transform_indices = @transform_3, window_bounds = array<i64: 128, 128>}, {pipeline_mode = #tpu.pipeline_mode<synchronous>, transform_indices = @transform_4, window_bounds = array<i64: 1, 128>}, {pipeline_mode = #tpu.pipeline_mode<synchronous>, transform_indices = @transform_5, window_bounds = array<i64: 1, 128>}, {transform_indices = @transform_6, window_bounds = array<i64: 1000, 128>}, {transform_indices = @transform_7, window_bounds = array<i64: 1000, 128>}]} {
    %get3A = arith.constant 0 : index
    %get3A_0 = arith.constant 0 : index
    %get3A_1 = arith.constant 0 : index
    %get3A_2 = vector.load %arg1[%get3A, %get3A_0, %get3A_1] : memref<2x1000x128xf32, #tpu.memory_space<vmem>>, vector<1x1000x128xf32>
    %get3A_3 = vector.shape_cast %get3A_2 : vector<1x1000x128xf32> to vector<1000x128xf32>
    %get3A_4 = arith.constant 1 : index
    %get3A_5 = arith.constant 0 : index
    %get3A_6 = arith.constant 0 : index
    %get3A_7 = vector.load %arg1[%get3A_4, %get3A_5, %get3A_6] : memref<2x1000x128xf32, #tpu.memory_space<vmem>>, vector<1x1000x128xf32>
    %get3A_8 = vector.shape_cast %get3A_7 : vector<1x1000x128xf32> to vector<1000x128xf32>
    %add3A = arith.addf %get3A_3, %get3A_8 : vector<1000x128xf32>
    %get3A_9 = arith.constant 0 : index
    %get3A_10 = arith.constant 0 : index
    %get3A_11 = vector.load %arg2[%get3A_9, %get3A_10] : memref<1000x128xf32, #tpu.memory_space<vmem>>, vector<1000x128xf32>
    %get3A_12 = arith.constant 0 : index
    %get3A_13 = arith.constant 0 : index
    %get3A_14 = vector.load %arg4[%get3A_12, %get3A_13] : memref<128x128xf32, #tpu.memory_space<vmem>>, vector<128x128xf32>
    %dot_general3A = arith.constant dense<0.000000e+00> : vector<1000x128xf32>
    %dot_general3A_15 = tpu.matmul %get3A_11, %get3A_14, %dot_general3A {dimension_numbers = #tpu.dot_dimension_numbers<[1], [0], [0], [1], [0, 0, 1, 1], [], []>, transpose_lhs_hint = false} : vector<1000x128xf32>, vector<128x128xf32>, vector<1000x128xf32> -> vector<1000x128xf32>
    %get3A_16 = arith.constant 0 : index
    %get3A_17 = arith.constant 0 : index
    %get3A_18 = vector.load %arg3[%get3A_16, %get3A_17] : memref<1000x1xf32, #tpu.memory_space<vmem>>, vector<1000x1xf32>
    %mul3A = vector.broadcast %get3A_18 : vector<1000x1xf32> to vector<1000x128xf32>
    %mul3A_19 = arith.mulf %add3A, %mul3A : vector<1000x128xf32>
    %get3A_20 = arith.constant 0 : index
    %get3A_21 = arith.constant 0 : index
    %get3A_22 = vector.load %arg5[%get3A_20, %get3A_21] : memref<1x128xf32, #tpu.memory_space<vmem>>, vector<1x128xf32>
    %add3A_23 = vector.broadcast %get3A_22 : vector<1x128xf32> to vector<1000x128xf32>
    %add3A_24 = arith.addf %mul3A_19, %add3A_23 : vector<1000x128xf32>
    %add3A_25 = arith.addf %add3A_24, %dot_general3A_15 : vector<1000x128xf32>
    %swap3A = arith.constant 0 : index
    %swap3A_26 = arith.constant 0 : index
    %swap3A_27 = vector.load %arg7[%swap3A, %swap3A_26] : memref<1000x128xf32, #tpu.memory_space<vmem>>, vector<1000x128xf32>
    tpu.vector_store %arg7[%swap3A, %swap3A_26], %add3A_25 {strides = array<i32>} : memref<1000x128xf32, #tpu.memory_space<vmem>>, vector<1000x128xf32>,
    %get3A_28 = arith.constant 0 : index
    %get3A_29 = arith.constant 0 : index
    %get3A_30 = vector.load %arg6[%get3A_28, %get3A_29] : memref<1x128xf32, #tpu.memory_space<vmem>>, vector<1x128xf32>
    %broadcast_in_dim3A = vector.shape_cast %get3A_30 : vector<1x128xf32> to vector<1x128xf32>
    %broadcast_in_dim3A_31 = vector.broadcast %broadcast_in_dim3A : vector<1x128xf32> to vector<1000x128xf32>
    %swap3A_32 = arith.constant 0 : index
    %swap3A_33 = arith.constant 0 : index
    %swap3A_34 = vector.load %arg8[%swap3A_32, %swap3A_33] : memref<1000x128xf32, #tpu.memory_space<vmem>>, vector<1000x128xf32>
    tpu.vector_store %arg8[%swap3A_32, %swap3A_33], %broadcast_in_dim3A_31 {strides = array<i32>} : memref<1000x128xf32, #tpu.memory_space<vmem>>, vector<1000x128xf32>,
    return
  }
  func.func @transform_0(%arg0: i32) -> (i32, i32, i32) {
    %c0_i32 = arith.constant 0 : i32
    %c0_i32_0 = arith.constant 0 : i32
    %c0_i32_1 = arith.constant 0 : i32
    return %c0_i32, %arg0, %c0_i32_0 : i32, i32, i32
  }
  func.func @transform_1(%arg0: i32) -> (i32, i32) {
    %c0_i32 = arith.constant 0 : i32
    %c0_i32_0 = arith.constant 0 : i32
    return %arg0, %c0_i32 : i32, i32
  }
  func.func @transform_2(%arg0: i32) -> (i32, i32) {
    %c0_i32 = arith.constant 0 : i32
    %c0_i32_0 = arith.constant 0 : i32
    return %arg0, %c0_i32 : i32, i32
  }
  func.func @transform_3(%arg0: i32) -> (i32, i32) {
    %c0_i32 = arith.constant 0 : i32
    %c0_i32_0 = arith.constant 0 : i32
    %c0_i32_1 = arith.constant 0 : i32
    return %c0_i32, %c0_i32_0 : i32, i32
  }
  func.func @transform_4(%arg0: i32) -> (i32, i32) {
    %c0_i32 = arith.constant 0 : i32
    %c0_i32_0 = arith.constant 0 : i32
    %c0_i32_1 = arith.constant 0 : i32
    return %c0_i32, %c0_i32_0 : i32, i32
  }
  func.func @transform_5(%arg0: i32) -> (i32, i32) {
    %c0_i32 = arith.constant 0 : i32
    %c0_i32_0 = arith.constant 0 : i32
    %c0_i32_1 = arith.constant 0 : i32
    return %c0_i32, %c0_i32_0 : i32, i32
  }
  func.func @transform_6(%arg0: i32) -> (i32, i32) {
    %c0_i32 = arith.constant 0 : i32
    %c0_i32_0 = arith.constant 0 : i32
    return %arg0, %c0_i32 : i32, i32
  }
  func.func @transform_7(%arg0: i32) -> (i32, i32) {
    %c0_i32 = arith.constant 0 : i32
    %c0_i32_0 = arith.constant 0 : i32
    return %arg0, %c0_i32 : i32, i32
  }
}

</mosaic_0001>

<sc_bundles>
// kernel: kernel.4.cloned.1.call-start
scs
__scs_entry_jumppad:
0x0: {  	(pc) =	sbr.rel $0x88, $3  }
0x1: {  	(tag) =	ssettag $0x0;
	lr =	simm.s32 $0x1  }
0x2: {  	[smem:$0x3F97] =	sst lr;
	_ =	strace $0xD0000000  }
0x3: {  	_ = 	snop  }
0x4: {  	_ = 	snop  }
0x5: {  	_ = 	snop  }
0x6: {  	_ = 	snop  }
0x7: {  	_ = 	snop  }
__scs_overlays_trampoline_lowered:
0x8: {  	[smem:$0x3FA6] =	sst s0  }
0x9: {  	[smem:$0x3FA7] =	sst s1  }
0xa: {  	[smem:$0x3FA8] =	sst s2  }
0xb: {  	[smem:$0x3FA9] =	sst s3  }
0xc: {  	[smem:$0x3FAA] =	sst s4  }
0xd: {  	[smem:$0x3FAB] =	sst s5  }
0xe: {  	[smem:$0x3FAC] =	sst s6  }
0xf: {  	[smem:$0x3FAD] =	sst s7  }
0x10: {  	[smem:$0x3FAE] =	sst s8  }
0x11: {  	[smem:$0x3FAF] =	sst s9;
	s0 =	simm.s32 @!p0 $0x0  }
0x12: {  	s1 =	sld [smem:$0x3F95];
	s0 =	simm.s32 @p0 $0x1  }
0x13: {  	[smem:$0x3FB0] =	sst s0;
	s0 =	simm.s32 @!p1 $0x0  }
0x14: {  	s2 =	sld [smem:$0x3F94];
	s0 =	simm.s32 @p1 $0x1  }
0x15: {  	[smem:$0x3FB1] =	sst s0;
	s0 =	simm.s32 @!p2 $0x0  }
0x16: {  	s3 =	sld [smem:$0x3FDB];
	s0 =	simm.s32 @p2 $0x1  }
0x17: {  	s4 =	simm.s32 $0x1BF5;
	[smem:$0x3FB3] =	sst s0  }
0x18: {  	s0 =	sld [smem:$0x3F96];
	_ =	swait.ge [sflag:s4], $0x0  }
0x19: {  	s7 =	sld [smem:$0x3F97]  }
0x1a: {  	s8 =	sadd.s32 $0xFFFFE003, lr  }
0x1b: {  	s9 =	sadd.s32 $0xFFFFFEF7, lr;
	s5 =	simm.s32 $0xFFFFFFFF;
	p2 =	slt.u32 s8, $0xFFFFF086  }
0x1c: {  	p1 =	slt.u32 s9, $0xF7A;
	s5 =	simm.s32 @!p2 $0x0  }
0x1d: {  	s5 =	simm.s32 @p1 $0x1;
	p0 =	seq.s32 s7, s2  }
0x1e: {  	s7 =	smul.u32 @!p0 $0xF7A, s2;
	p2 =	seq.s32 @!p0 s5, $0x0  }
0x1f: {  	s9 =	smul.u32 $0xF7A, s1;
	s8 =	simm.s32 @!p0 $0x1BF5;
	p2 =	por !p2, p0  }
0x20: {  	[sflag:s8] =	ssyncset.s32 @!p0 $0xFFFFF086;
	s6 =	sadd.s32 @!p0 s3, s7;
	s7 =	simm.s32 @!p0 $0x108  }
0x21: {  	s3 =	sadd.s32 s3, s9;
	s6 =	sadd.s32 @!p0 $0x88, s6;
	s7 =	simm.s32 @p2 $0x1082  }
0x22: {  	[simem:s7], [sflag:s8] =	dma.local @!p0 [hbm:s6], $0xF7A  }
0x23: {  	s9 =	sor.u32 $0xD0000000, s2;
	s6 =	simm.s32 $0x108;
	_ =	swait.ge @!p0 [sflag:s8], $0x0  }
0x24: {  	s3 =	sadd.s32 $0x88, s3;
	s6 =	simm.s32 @!p1 $0x1082;
	[sflag:s4] =	ssyncset.s32 $0xFFFFF086  }
0x25: {  	[simem:s6], [sflag:s4] =	dma.local [hbm:s3], $0xF7A  }
0x26: {  	[smem:$0x3F97] =	sst s1;
	(tag) =	ssettag s2;
	_ =	strace s9  }
0x27: {  	s1 =	sld [smem:$0x3FA7]  }
0x28: {  	s2 =	sld [smem:$0x3FA8]  }
0x29: {  	s4 =	sld [smem:$0x3FAA]  }
0x2a: {  	p0 =	seq.s32 s5, $0x0;
	s5 =	sld [smem:$0x3FAB]  }
0x2b: {  	s6 =	sld [smem:$0x3FAC]  }
0x2c: {  	s7 =	sld [smem:$0x3FAD]  }
0x2d: {  	s3 =	simm.s32 $0x108;
	s8 =	sld [smem:$0x3FAE]  }
0x2e: {  	s3 =	simm.s32 @!p0 $0x1082;
	s9 =	sld [smem:$0x3FAF]  }
0x2f: {  	lr =	sadd.s32 s0, s3;
	s0 =	sld [smem:$0x3FA6]  }
0x30: {  	s3 =	sld [smem:$0x3FA9]  }
0x31: {  	[smem:$0x3FB2] =	sst s10  }
0x32: {  	s10 =	sld [smem:$0x3FB0];
	_ =	sdelay $0x3  }
0x33: {  	p0 =	seq.s32 s10, $0x1;
	s10 =	sld [smem:$0x3FB2];
	_ =	sdelay $0x3  }
0x34: {  	[smem:$0x3FB2] =	sst s10  }
0x35: {  	s10 =	sld [smem:$0x3FB1];
	_ =	sdelay $0x3  }
0x36: {  	p1 =	seq.s32 s10, $0x1;
	s10 =	sld [smem:$0x3FB2];
	_ =	sdelay $0x3  }
0x37: {  	[smem:$0x3FB2] =	sst s10  }
0x38: {  	s10 =	sld [smem:$0x3FB3]  }
0x39: {  	_ = 	snop;
	(pc) =	sbr.ind lr, $3  }
0x3a: {  	_ = 	snop  }
0x3b: {  	_ = 	snop  }
0x3c: {  	p2 =	seq.s32 s10, $0x1;
	s10 =	sld [smem:$0x3FB2]  }
0x3d: {  	_ =	shalt  }
0x3e: {  	_ =	shalt  }
0x3f: {  	_ =	shalt  }
0x40: {  	_ =	shalt  }
0x41: {  	_ =	shalt  }
0x42: {  	_ =	shalt  }
0x43: {  	_ =	shalt  }
0x44: {  	_ =	shalt  }
0x45: {  	_ =	shalt  }
0x46: {  	_ =	shalt  }
0x47: {  	_ =	shalt  }
0x48: {  	_ =	shalt  }
0x49: {  	_ =	shalt  }
0x4a: {  	_ =	shalt  }
0x4b: {  	_ =	shalt  }
0x4c: {  	_ =	shalt  }
0x4d: {  	_ =	shalt  }
0x4e: {  	_ =	shalt  }
0x4f: {  	_ =	shalt  }
0x50: {  	_ =	shalt  }
0x51: {  	_ =	shalt  }
0x52: {  	_ =	shalt  }
0x53: {  	_ =	shalt  }
0x54: {  	_ =	shalt  }
0x55: {  	_ =	shalt  }
0x56: {  	_ =	shalt  }
0x57: {  	_ =	shalt  }
0x58: {  	_ =	shalt  }
0x59: {  	_ =	shalt  }
0x5a: {  	_ =	shalt  }
0x5b: {  	_ =	shalt  }
0x5c: {  	_ =	shalt  }
0x5d: {  	_ =	shalt  }
0x5e: {  	_ =	shalt  }
0x5f: {  	_ =	shalt  }
0x60: {  	_ =	shalt  }
0x61: {  	_ =	shalt  }
0x62: {  	_ =	shalt  }
0x63: {  	_ =	shalt  }
0x64: {  	_ =	shalt  }
0x65: {  	_ =	shalt  }
0x66: {  	_ =	shalt  }
0x67: {  	_ =	shalt  }
0x68: {  	_ =	shalt  }
0x69: {  	_ =	shalt  }
0x6a: {  	_ =	shalt  }
0x6b: {  	_ =	shalt  }
0x6c: {  	_ =	shalt  }
0x6d: {  	_ =	shalt  }
0x6e: {  	_ =	shalt  }
0x6f: {  	_ =	shalt  }
0x70: {  	_ =	shalt  }
0x71: {  	_ =	shalt  }
0x72: {  	_ =	shalt  }
0x73: {  	_ =	shalt  }
0x74: {  	_ =	shalt  }
0x75: {  	_ =	shalt  }
0x76: {  	_ =	shalt  }
0x77: {  	_ =	shalt  }
0x78: {  	_ =	shalt  }
0x79: {  	_ =	shalt  }
0x7a: {  	_ =	shalt  }
0x7b: {  	_ =	shalt  }
0x7c: {  	_ =	shalt  }
0x7d: {  	_ =	shalt  }
0x7e: {  	_ =	shalt  }
0x7f: {  	_ =	shalt  }
0x80: {  	_ =	shalt  }
0x81: {  	_ =	shalt  }
0x82: {  	_ =	shalt  }
0x83: {  	_ =	shalt  }
0x84: {  	_ =	shalt  }
0x85: {  	_ =	shalt  }
0x86: {  	_ =	shalt  }
0x87: {  	_ =	shalt  }
.Lfunc_end0:
.L_simem_size_0:
called_computation_lowered:
.L_overlay_start_0:
0x88: {  	s2 =	sld [smem:$0x3FD9]  }
0x89: {  	s3 =	sld [smem:$0x3FFE];
	_ =	sdelay $0x1  }
0x8a: {  	s1 =	srdreg.scid  }
0x8b: {  	s0 =	sand.u32 $0x1, s1  }
0x8c: {  	s14 =	sshll.u32 s0, $0xA;
	s2 =	sadd.s32 s3, s2  }
0x8d: {  	s2 =	sadd.s32 s2, s14  }
0x8e: {  	[smem:$0x3FBE] =	sst s2  }
0x8f: {  	_ = 	snop  }
0x90: {  	s2 =	sld [smem:$0x3FD0];
	_ =	sdelay $0x2  }
0x91: {  	s4 =	simm.s32 $0xA;
	s5 =	simm.s32 $0x10;
	s15 =	sld [smem:$0x3FC7]  }
0x92: {  	[smem:s5], [sflag:s4] =	dma.local [hbm:s2], $0x1  }
0x93: {  	_ =	swait.eq [sflag:s4], $0x1  }
0x94: {  	[sflag:s4] =	ssyncset.done $0x0  }
0x95: {  	s16 =	sld [smem:$0x10];
	[sflag:s4] =	ssyncadd.s32 $0xFFFFFFFF  }
0x96: {  	s17 =	sld [smem:$0x11];
	(tm) =	ssettm $0x1  }
0x97: {  	s18 =	sld [smem:$0x3FFB];
	_ =	sdelay $0x3  }
0x98: {  	_ =	strace s18  }
0x99: {  	s5 =	sld [smem:$0x3FFC];
	_ =	sdelay $0x3  }
0x9a: {  	_ =	strace s5  }
0x9b: {  	s5 =	sld [smem:$0x3FFD];
	_ =	sdelay $0x3  }
0x9c: {  	_ =	strace s5  }
0x9d: {  	_ =	strace $0x8FFFFFFF  }
0x9e: {  	s19 =	sld [smem:$0x3FDB];
	_ =	sdelay $0x1  }
0x9f: {  	s6 =	simm.s32 $_scs_section_size  }
0xa0: {  	s7 =	simm.s32 $_size__tile_overlayer_lowered;
	s8 =	simm.s32 $_tile_overlayer_lowered  }
0xa1: {  	s22 =	simm.s32 $0x1BFF;
	s21 =	sshll.u32 s8, $0x1;
	s5 =	sadd.s32 s6, s19  }
0xa2: {  	s9 =	simm.s32 $0x0;
	s20 =	sshll.u32 s7, $0x1;
	s7 =	sadd.s32 s21, s5  }
0xa3: {  	[timem:s9], [sflag:s22] =	dma.local [hbm:s7], s20  }
0xa4: {  	_ =	swait.ge [sflag:s22], s20  }
0xa5: {  	s6 =	ssub.s32 $0x0, s20;
	[sflag:s22] =	ssyncset.done $0x0  }
0xa6: {  	[sflag:s22] =	ssyncadd.s32 s6;
	_ =	sdelay $0x1  }
0xa7: {  	s23 =	simm.s32 $0x1B8B  }
0xa8: {  	_ =	swait.ge [sflag:s23], $0x1  }
0xa9: {  	[sflag:s23] =	ssyncset.done $0x0  }
0xaa: {  	s25 =	simm.s32 $0x1B8E;
	s24 =	sld [smem:$0x3FFE];
	[sflag:s23] =	ssyncadd.s32 $0xFFFFFFFF  }
0xab: {  	s26 =	simm.s32 $execute0_lowered;
	[smem:$0x3FD2] =	sst s25  }
0xac: {  	s7 =	sshll.u32 s26, $0x1;
	_ =	strace $0x80000046;
	[dreg:$0x1] =	wrdreg $0xFFFFFFFF  }
0xad: {  	s28 =	simm.s32 $_size_execute0_lowered;
	s5 =	sadd.s32 s5, s7;
	[dreg:$0x0] =	wrdreg $0x0  }
0xae: {  	s7 =	sshll.u32 s28, $0x1;
	[dreg:$0x2] =	wrdreg s5  }
0xaf: {  	[dreg:$0x3] =	wrdreg s7  }
0xb0: {  	[dreg:$0x4] =	wrdreg $0xC0  }
0xb1: {  	_ =	task [dreg:s9], $0x5FFFF  }
0xb2: {  	[dreg:$0x1] =	wrdreg $0xFFFFFFFF  }
0xb3: {  	[dreg:$0x0] =	wrdreg $0x60  }
0xb4: {  	[dreg:$0x2] =	wrdreg s17  }
0xb5: {  	[dreg:$0x3] =	wrdreg s24  }
0xb6: {  	[dreg:$0x4] =	wrdreg s16  }
0xb7: {  	[dreg:$0x5] =	wrdreg s15  }
0xb8: {  	[dreg:$0x6] =	wrdreg $0x9  }
0xb9: {  	_ =	task.clear_ibuf [dreg:s9], $0x7FFFF;
	_ =	strace $0x90000046  }
0xba: {  	s29 =	simm.s32 $0x9;
	_ =	strace $0x80000048  }
0xbb: {  	_ =	swait.ge [sflag:s29], $0x1  }
0xbc: {  	[sflag:s29] =	ssyncadd.s32 $0xFFFFFFFF  }
0xbd: {  	_ =	strace $0x90000048  }
0xbe: {  	_ =	sfence  }
0xbf: {  	s30 =	sld [smem:$0x0];
	_ =	sdelay $0x2  }
0xc0: {  	s31 =	sshll.u32 s1, $0xD;
	s1 =	sshrl.u32 s1, $0x2  }
0xc1: {  	s3 =	sand.u32 $0x4000, s31;
	s1 =	sadd.s32 s1, s30  }
0xc2: {  	s0 =	sor.u32 s3, s0;
	s1 =	sshll.u32 s1, $0x11  }
0xc3: {  	s0 =	sor.u32 s1, s0  }
0xc4: {  	s0 =	sadd.s32 $0x8F2B, s0  }
0xc5: {  	[sflag:s0] =	ssyncadd.remote.s32 $0x1  }
0xc6: {  	_ =	sfence.sel $0xFFFF  }
0xc7: {  	[dreg:$0x0] =	wrdreg $0xFFFFFFFF;
	(pc) =	sbr.abs _section_cstart, $3  }
0xc8: {  	[dreg:$0x1] =	wrdreg $0xFFFFFFFF  }
0xc9: {  	_ =	task.clear_ibuf [dreg:s9], $0x2FFFF;
	_ =	strace $0x9FFFFFFF  }
0xca: {  	(tm) =	ssettm $0x7FFFFFFF  }
0xcb: {  	_ =	shalt  }
tec
execute0_lowered:
.L_overlay_start_1:
0x0: {  	(tag) =	ssettag $0x1  }
0x1: {  	s1 =	rddreg [dreg:$0x0]  }
0x2: {  	s0 =	rddreg [dreg:$0x1]  }
0x3: {  	s2 =	rddreg [dreg:$0x2];
	s3 =	srdreg.scid  }
0x4: {  	s4 =	rddreg [dreg:$0x3];
	s12 =	stileid.u32;
	s5 =	simm.s32 $0x0  }
0x5: {  	s28 =	simm.s32 $0x50;
	s29 =	simm.s32 $0x161C0;
	s20 =	simm.s32 $0x17CA0  }
0x6: {  	s21 =	simm.s32 $0x19640;
	s30 =	simm.s32 $0x19B40;
	s31 =	simm.s32 $0x17D90  }
0x7: {  	s3 =	sand.u32 $0x1, s3;
	s7 =	smul.u32 $0x398, s12;
	[smem:$0x7FF] =	sst s5  }
0x8: {  	s19 =	smul.u32 $0x2710, s12;
	s6 =	sshll.u32 s3, $0x4;
	_ =	strace $0x80000047  }
0x9: {  	s10 =	smul.u32 $0x27100, s3;
	s3 =	ssub.s32 $0x2, s3;
	s6 =	sor.u32 s12, s6  }
0xa: {  	s9 =	sadd.s32 s7, s0;
	s7 =	sadd.s32 $0xE000, s0;
	s26 =	sshrl.u32 s3, $0x1  }
0xb: {  	s12 =	simm.s32 $0x4;
	s8 =	smul.u32 $0x2710, s6;
	s6 =	sadd.s32 $0x4200, s0  }
0xc: {  	s11 =	sshrl.u32 s10, $0x3;
	s3 =	ssub.s32 s3, s26;
	s13 =	sadd.s32 $0x800, s9  }
0xd: {  	s25 =	sadd.s32 $0x640, s10;
	s9 =	simm.s32 $0x1CC0;
	[dreg:$0x5] =	wrdreg s13  }
0xe: {  	s14 =	sadd.s32 s6, s11;
	s15 =	sadd.s32 s2, s11;
	[dreg:$0xe] =	wrdreg s25  }
0xf: {  	s16 =	sadd.s32 s4, s11;
	s17 =	sadd.s32 $0x64, s11;
	[dreg:$0x6] =	wrdreg s14  }
0x10: {  	s18 =	sadd.s32 s7, s11;
	s26 =	smax.u32 s3, $0x1;
	[dreg:$0x7] =	wrdreg s15  }
0x11: {  	s25 =	simm.s32 $0x17AC0;
	s3 =	simm.s32 $0x18740;
	[dreg:$0x8] =	wrdreg s16  }
0x12: {  	s13 =	simm.s32 $0x0;
	s0 =	sadd.s32 s8, s0;
	[dreg:$0x9] =	wrdreg s18  }
0x13: {  	s22 =	sadd.s32 s6, s17;
	s23 =	sadd.s32 s2, s17;
	[dreg:$0x10] =	wrdreg s26  }
0x14: {  	s24 =	sadd.s32 s4, s17;
	s8 =	sadd.s32 s7, s17;
	[dreg:$0xa] =	wrdreg s22  }
.Ltmp0:
0x15: {  	v0 =	vlaneseq.u32;
	s18 =	sadd.s32 $0x960, s10;
	[dreg:$0xb] =	wrdreg s23;
	(pc) =	sbr.rel .LBB2_1-.Ltmp0, $4  }
0x16: {  	v54 =	vmul.u32 $0x8, v0;
	s26 =	simm.s32 $0x1;
	s17 =	simm.s32 $0x17D40;
	[dreg:$0xc] =	wrdreg s24  }
0x17: {  	s10 =	simm.s32 $0x3;
	[dreg:$0xd] =	wrdreg s8;
	s0 =	sadd.s32 $0x17E00, s0  }
0x18: {  	v3 =	vmov s19;
	[tilespmem:$0x1FFF0] =	vst v54;
	s22 =	simm.s32 $0x15540;
	s23 =	simm.s32 $0x17CF0;
	s24 =	simm.s32 $0x198C0  }
0x19: {  	v1 =	vimm.f32 $0.0e+00;
	[tilespmem:$0x1FFE0] =	vst v3;
	s8 =	simm.s32 $0x2;
	[dreg:$0xf] =	wrdreg s0;
	s0 =	simm.s32 $0x19DC0  }
.LBB2_18:
0x1a: {  	s11 =	rddreg [dreg:$0xf];
	s12 =	simm.s32 $0x4  }
0x1b: {  	[hbm4b:s11+s5] =	stream.linear.scatter [tilespmem:s9], [sflag:$0x4], $0x13880, $0x38;
	[tilespmem:$0x1A040] =	vst v63  }
0x1c: {  	_ =	swait.ge [sflag:s12], $0x13880  }
0x1d: {  	s13 =	rddreg [dreg:$0x11]  }
0x1e: {  	s19 =	rddreg [dreg:$0x10];
	s13 =	sadd.s32 $0x1, s13  }
0x1f: {  	p0 =	sne.s32 s13, s19  }
.Ltmp1:
0x20: {  	_ = 	snop;
	(pc) =	sbr.rel @!p0 .LBB2_19-.Ltmp1, $3  }
0x21: {  	_ =	sdelay $0x1  }
0x22: {  	[sflag:s12] =	ssyncset.done $0x0  }
0x23: {  	v1 =	vimm.f32 $0.0e+00;
	v3 =	vld [tilespmem:$0x1FFE0];
	[sflag:s12] =	ssyncadd.s32 $0xFFFEC780  }
.LBB2_1:
0x24: {  	[dreg:$0x11] =	wrdreg s13  }
0x25: {  	s11 =	rddreg [dreg:$0x5]  }
0x26: {  	[tilespmem:s5], [sflag:$0x4] =	stream.linear.gather [hbm4b:s11+s5], $0x1CC0, $0x38;
	[tilespmem:$0x1A040] =	vst v63  }
0x27: {  	_ =	swait.ge [sflag:s12], $0x1CC0  }
0x28: {  	[sflag:s12] =	ssyncset.done $0x0  }
0x29: {  	s11 =	simm.s32 $0x1CE0;
	[sflag:s12] =	ssyncadd.s32 $0xFFFFE340  }
0x2a: {  	[tilespmem:s11+$0xFFFFFFE0] =	vst v1  }
0x2b: {  	[tilespmem:s11+$0x10] =	vst v1  }
0x2c: {  	s12 =	simm.s32 $0x0;
	[tilespmem:s11+$0x0] =	vst v1  }
.LBB2_2:
0x2d: {  	s12 =	sadd.s32 $0x4, s12  }
0x2e: {  	[tilespmem:s11+$0xFFFFFFF0] =	vst v1;
	s11 =	sadd.s32 $0x40, s11;
	p0 =	slt.u32 s12, $0x1384  }
.Ltmp2:
0x2f: {  	[tilespmem:s11+$0xFFFFFFE0] =	vst v1;
	(pc) =	sbr.rel @p0 .LBB2_2-.Ltmp2, $3  }
0x30: {  	_ =	sdelay $0x1  }
0x31: {  	[tilespmem:s11+$0x10] =	vst v1  }
0x32: {  	[tilespmem:s11+$0x0] =	vst v1  }
0x33: {  	[tilespmem:s11+$0xFFFFFFF0] =	vst v1  }
0x34: {  	s11 =	rddreg [dreg:$0x6]  }
0x35: {  	[tilespmem:s22], [sflag:$0x1] =	stream.linear.gather [hbm4b:s11+s5], $0x320, $0x38;
	[tilespmem:$0x1A040] =	vst v63  }
0x36: {  	s12 =	simm.s32 $0x15860;
	s13 =	rddreg [dreg:$0x7]  }
0x37: {  	[tilespmem:s12], [sflag:$0x1] =	stream.linear.gather [hbm4b:s13+s5], $0x320, $0x38;
	[tilespmem:$0x1A040] =	vst v63  }
0x38: {  	s15 =	simm.s32 $0x15B80;
	s14 =	rddreg [dreg:$0x8]  }
0x39: {  	[tilespmem:s15], [sflag:$0x1] =	stream.linear.gather [hbm4b:s14+s5], $0x320, $0x38;
	[tilespmem:$0x1A040] =	vst v63  }
0x3a: {  	s19 =	simm.s32 $0x15EA0;
	s16 =	rddreg [dreg:$0x9]  }
0x3b: {  	[tilespmem:s19], [sflag:$0x1] =	stream.linear.gather [hbm4b:s16+s5], $0x320, $0x38;
	[tilespmem:$0x1A040] =	vst v63  }
0x3c: {  	_ =	swait.ge [sflag:s26], $0x320  }
0x3d: {  	[sflag:s26] =	ssyncset.done $0x0  }
0x3e: {  	[sflag:s26] =	ssyncadd.s32 $0xFFFFFCE0  }
0x3f: {  	_ =	swait.ge [sflag:s26], $0x320  }
0x40: {  	[sflag:s26] =	ssyncset.done $0x0  }
0x41: {  	[sflag:s26] =	ssyncadd.s32 $0xFFFFFCE0  }
0x42: {  	_ =	swait.ge [sflag:s26], $0x320  }
0x43: {  	[sflag:s26] =	ssyncset.done $0x0  }
0x44: {  	[sflag:s26] =	ssyncadd.s32 $0xFFFFFCE0  }
0x45: {  	_ =	swait.ge [sflag:s26], $0x320  }
0x46: {  	[sflag:s26] =	ssyncset.done $0x0  }
0x47: {  	s12 =	simm.s32 $0x15550;
	[sflag:s26] =	ssyncadd.s32 $0xFFFFFCE0  }
0x48: {  	v0 =	vld [tilespmem:s12+$0xFFFFFFF0]  }
0x49: {  	v1 =	vld [tilespmem:s12+$0x0];
	_ =	sdelay $0x3  }
0x4a: {  	s11 =	simm.s32 $0x15570;
	v2 =	vadd.s32 v3, v0  }
0x4b: {  	s13 =	simm.s32 $0x2;
	v0 =	vld [tilespmem:s11+$0xFFFFFFF0];
	v1 =	vadd.s32 v3, v1;
	[tilespmem:s12+$0xFFFFFFF0] =	vst v2  }
.LBB2_4:
0x4c: {  	s13 =	sadd.s32 $0x2, s13  }
0x4d: {  	v2 =	vld [tilespmem:s11+$0x0];
	[tilespmem:s12+$0x0] =	vst v1;
	s12 =	smov.u32 s11;
	p0 =	slt.u32 s13, $0x30  }
.Ltmp3:
0x4e: {  	(pc) =	sbr.rel @p0 .LBB2_4-.Ltmp3, $3  }
0x4f: {  	_ =	sdelay $0x1  }
0x50: {  	s11 =	sadd.s32 $0x20, s11;
	v1 =	vadd.s32 v3, v0  }
0x51: {  	v0 =	vld [tilespmem:s11+$0xFFFFFFF0];
	[tilespmem:s12+$0xFFFFFFF0] =	vst v1;
	v1 =	vadd.s32 v3, v2  }
0x52: {  	v2 =	vld [tilespmem:s11+$0x0];
	_ =	sdelay $0x3  }
0x53: {  	[tilespmem:s12+$0x0] =	vst v1;
	v0 =	vadd.s32 v3, v0  }
0x54: {  	[tilespmem:s11+$0xFFFFFFF0] =	vst v0;
	v0 =	vadd.s32 v3, v2  }
0x55: {  	[tilespmem:s11+$0x0] =	vst v0  }
0x56: {  	[tilespmem:s29], [sflag:$0x2] =	stream.indirect.gather [hbm4b:s1+s28], $0x8, s22, s28, $0xb8;
	[tilespmem:$0x1A040] =	vst v63  }
0x57: {  	s16 =	simm.s32 $0x15590;
	s19 =	simm.s32 $0x16440  }
0x58: {  	[tilespmem:s19], [sflag:$0x2] =	stream.indirect.gather [hbm4b:s1+s28], $0x8, s16, s28, $0xb8;
	[tilespmem:$0x1A040] =	vst v63  }
0x59: {  	s12 =	simm.s32 $0x155E0;
	s13 =	simm.s32 $0x166C0  }
0x5a: {  	[tilespmem:s13], [sflag:$0x2] =	stream.indirect.gather [hbm4b:s1+s28], $0x8, s12, s28, $0xb8;
	[tilespmem:$0x1A040] =	vst v63  }
0x5b: {  	s14 =	simm.s32 $0x15630;
	s15 =	simm.s32 $0x16940  }
0x5c: {  	[tilespmem:s15], [sflag:$0x2] =	stream.indirect.gather [hbm4b:s1+s28], $0x8, s14, s28, $0xb8;
	[tilespmem:$0x1A040] =	vst v63  }
0x5d: {  	s16 =	simm.s32 $0x15680;
	s19 =	simm.s32 $0x16BC0  }
0x5e: {  	[tilespmem:s19], [sflag:$0x2] =	stream.indirect.gather [hbm4b:s1+s28], $0x8, s16, s28, $0xb8;
	[tilespmem:$0x1A040] =	vst v63  }
0x5f: {  	s12 =	simm.s32 $0x156D0;
	s13 =	simm.s32 $0x16E40  }
0x60: {  	[tilespmem:s13], [sflag:$0x2] =	stream.indirect.gather [hbm4b:s1+s28], $0x8, s12, s28, $0xb8;
	[tilespmem:$0x1A040] =	vst v63  }
0x61: {  	s14 =	simm.s32 $0x15720;
	s15 =	simm.s32 $0x170C0  }
0x62: {  	[tilespmem:s15], [sflag:$0x2] =	stream.indirect.gather [hbm4b:s1+s28], $0x8, s14, s28, $0xb8;
	[tilespmem:$0x1A040] =	vst v63  }
0x63: {  	s16 =	simm.s32 $0x15770;
	s19 =	simm.s32 $0x17340  }
0x64: {  	[tilespmem:s19], [sflag:$0x2] =	stream.indirect.gather [hbm4b:s1+s28], $0x8, s16, s28, $0xb8;
	[tilespmem:$0x1A040] =	vst v63  }
0x65: {  	s12 =	simm.s32 $0x157C0;
	s13 =	simm.s32 $0x175C0  }
0x66: {  	[tilespmem:s13], [sflag:$0x2] =	stream.indirect.gather [hbm4b:s1+s28], $0x8, s12, s28, $0xb8;
	[tilespmem:$0x1A040] =	vst v63  }
0x67: {  	s14 =	simm.s32 $0x15810;
	s15 =	simm.s32 $0x17840  }
0x68: {  	[tilespmem:s15], [sflag:$0x2] =	stream.indirect.gather [hbm4b:s1+s28], $0x8, s14, s28, $0xb8;
	[tilespmem:$0x1A040] =	vst v63  }
0x69: {  	s11 =	simm.s32 $0x0;
	s16 =	rddreg [dreg:$0xa]  }
0x6a: {  	[tilespmem:s25], [sflag:$0x1] =	stream.linear.gather [hbm4b:s16+s11], $0x320, $0x38;
	[tilespmem:$0x1A040] =	vst v63  }
0x6b: {  	s19 =	rddreg [dreg:$0xb];
	s13 =	simm.s32 $0x17DE0  }
0x6c: {  	[tilespmem:s13], [sflag:$0x1] =	stream.linear.gather [hbm4b:s19+s11], $0x320, $0x38;
	[tilespmem:$0x1A040] =	vst v63  }
0x6d: {  	s14 =	rddreg [dreg:$0xc];
	s15 =	simm.s32 $0x18100  }
0x6e: {  	[tilespmem:s15], [sflag:$0x1] =	stream.linear.gather [hbm4b:s14+s11], $0x320, $0x38;
	[tilespmem:$0x1A040] =	vst v63  }
0x6f: {  	s16 =	rddreg [dreg:$0xd];
	s19 =	simm.s32 $0x18420  }
0x70: {  	[tilespmem:s19], [sflag:$0x1] =	stream.linear.gather [hbm4b:s16+s11], $0x320, $0x38;
	[tilespmem:$0x1A040] =	vst v63  }
.LBB2_6:
0x71: {  	_ =	swait.ge [sflag:s26], $0x320  }
0x72: {  	[sflag:s26] =	ssyncset.done $0x0  }
0x73: {  	[sflag:s26] =	ssyncadd.s32 $0xFFFFFCE0  }
0x74: {  	_ =	swait.ge [sflag:s26], $0x320  }
0x75: {  	[sflag:s26] =	ssyncset.done $0x0  }
0x76: {  	[sflag:s26] =	ssyncadd.s32 $0xFFFFFCE0  }
0x77: {  	_ =	swait.ge [sflag:s26], $0x320  }
0x78: {  	[sflag:s26] =	ssyncset.done $0x0  }
0x79: {  	[sflag:s26] =	ssyncadd.s32 $0xFFFFFCE0  }
0x7a: {  	_ =	swait.ge [sflag:s26], $0x320  }
0x7b: {  	[sflag:s26] =	ssyncset.done $0x0  }
0x7c: {  	s13 =	simm.s32 $0x17AD0;
	[sflag:s26] =	ssyncadd.s32 $0xFFFFFCE0  }
0x7d: {  	v0 =	vld [tilespmem:s13+$0xFFFFFFF0]  }
0x7e: {  	v1 =	vld [tilespmem:s13+$0x0];
	_ =	sdelay $0x3  }
0x7f: {  	s12 =	simm.s32 $0x17AF0;
	v2 =	vadd.s32 v3, v0  }
0x80: {  	s14 =	simm.s32 $0x2;
	v0 =	vld [tilespmem:s12+$0xFFFFFFF0];
	v1 =	vadd.s32 v3, v1;
	[tilespmem:s13+$0xFFFFFFF0] =	vst v2  }
.LBB2_7:
0x81: {  	s14 =	sadd.s32 $0x2, s14  }
0x82: {  	v2 =	vld [tilespmem:s12+$0x0];
	[tilespmem:s13+$0x0] =	vst v1;
	s13 =	smov.u32 s12;
	p0 =	slt.u32 s14, $0x30  }
.Ltmp4:
0x83: {  	(pc) =	sbr.rel @p0 .LBB2_7-.Ltmp4, $3  }
0x84: {  	_ =	sdelay $0x1  }
0x85: {  	s12 =	sadd.s32 $0x20, s12;
	v1 =	vadd.s32 v3, v0  }
0x86: {  	v0 =	vld [tilespmem:s12+$0xFFFFFFF0];
	[tilespmem:s13+$0xFFFFFFF0] =	vst v1;
	v1 =	vadd.s32 v3, v2  }
0x87: {  	v2 =	vld [tilespmem:s12+$0x0];
	_ =	sdelay $0x3  }
0x88: {  	[tilespmem:s13+$0x0] =	vst v1;
	v0 =	vadd.s32 v3, v0  }
0x89: {  	[tilespmem:s12+$0xFFFFFFF0] =	vst v0;
	v0 =	vadd.s32 v3, v2  }
0x8a: {  	[tilespmem:s12+$0x0] =	vst v0  }
0x8b: {  	[tilespmem:s3], [sflag:$0x3] =	stream.indirect.gather [hbm4b:s1+s28], $0x8, s25, s28, $0xb8;
	[tilespmem:$0x1A040] =	vst v63  }
0x8c: {  	s14 =	simm.s32 $0x17B10;
	s15 =	simm.s32 $0x189C0  }
0x8d: {  	[tilespmem:s15], [sflag:$0x3] =	stream.indirect.gather [hbm4b:s1+s28], $0x8, s14, s28, $0xb8;
	[tilespmem:$0x1A040] =	vst v63  }
0x8e: {  	s16 =	simm.s32 $0x17B60;
	s19 =	simm.s32 $0x18C40  }
0x8f: {  	[tilespmem:s19], [sflag:$0x3] =	stream.indirect.gather [hbm4b:s1+s28], $0x8, s16, s28, $0xb8;
	[tilespmem:$0x1A040] =	vst v63  }
0x90: {  	s14 =	simm.s32 $0x17BB0;
	s15 =	simm.s32 $0x18EC0  }
0x91: {  	[tilespmem:s15], [sflag:$0x3] =	stream.indirect.gather [hbm4b:s1+s28], $0x8, s14, s28, $0xb8;
	[tilespmem:$0x1A040] =	vst v63  }
0x92: {  	s16 =	simm.s32 $0x17C00;
	s19 =	simm.s32 $0x19140  }
0x93: {  	[tilespmem:s19], [sflag:$0x3] =	stream.indirect.gather [hbm4b:s1+s28], $0x8, s16, s28, $0xb8;
	[tilespmem:$0x1A040] =	vst v63  }
0x94: {  	s14 =	simm.s32 $0x17C50;
	s15 =	simm.s32 $0x193C0  }
0x95: {  	[tilespmem:s15], [sflag:$0x3] =	stream.indirect.gather [hbm4b:s1+s28], $0x8, s14, s28, $0xb8;
	[tilespmem:$0x1A040] =	vst v63  }
0x96: {  	_ = 	snop  }
0x97: {  	[tilespmem:s21], [sflag:$0x3] =	stream.indirect.gather [hbm4b:s1+s28], $0x8, s20, s28, $0xb8;
	[tilespmem:$0x1A040] =	vst v63  }
0x98: {  	_ = 	snop  }
0x99: {  	[tilespmem:s24], [sflag:$0x3] =	stream.indirect.gather [hbm4b:s1+s28], $0x8, s23, s28, $0xb8;
	[tilespmem:$0x1A040] =	vst v63  }
0x9a: {  	_ = 	snop  }
0x9b: {  	[tilespmem:s30], [sflag:$0x3] =	stream.indirect.gather [hbm4b:s1+s28], $0x8, s17, s28, $0xb8;
	[tilespmem:$0x1A040] =	vst v63  }
0x9c: {  	_ = 	snop  }
0x9d: {  	[tilespmem:s0], [sflag:$0x3] =	stream.indirect.gather [hbm4b:s1+s28], $0x8, s31, s28, $0xb8;
	[tilespmem:$0x1A040] =	vst v63  }
0x9e: {  	_ =	swait.ge [sflag:s8], $0x280  }
0x9f: {  	[sflag:s8] =	ssyncset.done $0x0  }
0xa0: {  	[sflag:s8] =	ssyncadd.s32 $0xFFFFFD80  }
0xa1: {  	_ =	swait.ge [sflag:s8], $0x280  }
0xa2: {  	[sflag:s8] =	ssyncset.done $0x0  }
0xa3: {  	[sflag:s8] =	ssyncadd.s32 $0xFFFFFD80  }
0xa4: {  	_ =	swait.ge [sflag:s8], $0x280  }
0xa5: {  	[sflag:s8] =	ssyncset.done $0x0  }
0xa6: {  	[sflag:s8] =	ssyncadd.s32 $0xFFFFFD80  }
0xa7: {  	_ =	swait.ge [sflag:s8], $0x280  }
0xa8: {  	[sflag:s8] =	ssyncset.done $0x0  }
0xa9: {  	[sflag:s8] =	ssyncadd.s32 $0xFFFFFD80  }
0xaa: {  	_ =	swait.ge [sflag:s8], $0x280  }
0xab: {  	[sflag:s8] =	ssyncset.done $0x0  }
0xac: {  	[sflag:s8] =	ssyncadd.s32 $0xFFFFFD80  }
0xad: {  	_ =	swait.ge [sflag:s8], $0x280  }
0xae: {  	[sflag:s8] =	ssyncset.done $0x0  }
0xaf: {  	[sflag:s8] =	ssyncadd.s32 $0xFFFFFD80  }
0xb0: {  	_ =	swait.ge [sflag:s8], $0x280  }
0xb1: {  	[sflag:s8] =	ssyncset.done $0x0  }
0xb2: {  	[sflag:s8] =	ssyncadd.s32 $0xFFFFFD80  }
0xb3: {  	_ =	swait.ge [sflag:s8], $0x280  }
0xb4: {  	[sflag:s8] =	ssyncset.done $0x0  }
0xb5: {  	[sflag:s8] =	ssyncadd.s32 $0xFFFFFD80  }
0xb6: {  	_ =	swait.ge [sflag:s8], $0x280  }
0xb7: {  	[sflag:s8] =	ssyncset.done $0x0  }
0xb8: {  	[sflag:s8] =	ssyncadd.s32 $0xFFFFFD80  }
0xb9: {  	_ =	swait.ge [sflag:s8], $0x280  }
0xba: {  	[sflag:s8] =	ssyncset.done $0x0  }
0xbb: {  	s16 =	simm.s32 $0x15B90;
	[sflag:s8] =	ssyncadd.s32 $0xFFFFFD80  }
0xbc: {  	v0 =	vld [tilespmem:s16+$0x0]  }
0xbd: {  	s19 =	simm.s32 $0x10  }
0xbe: {  	v1 =	vmov s19  }
0xbf: {  	v1 =	vshll.u32 v1, $0x3;
	v2 =	vld [tilespmem:s16+$0xFFFFFFF0]  }
0xc0: {  	v1 =	vor.u32 v54, v1  }
0xc1: {  	v9 =	vshll.u32 v0, $0x5  }
0xc2: {  	v3 =	vor.u32 $0x4, v9  }
0xc3: {  	v4 =	vor.u32 $0x1, v1  }
0xc4: {  	v12 =	vshll.u32 v2, $0x5;
	v2 =	vor.u32 $0x8, v9  }
0xc5: {  	s14 =	simm.s32 $0x0;
	v5 =	vor.u32 $0x2, v1;
	v8 =	vor.u32 $0x3, v1;
	v22 =	vor.u32 $0x4, v1;
	v10 =	vld.idx.msk [tilespmem:v1+s29+$0x0], $0xffff  }
0xc6: {  	v26 =	vor.u32 $0x5, v1;
	v0 =	vmov s14;
	v7 =	vor.u32 $0xC, v9;
	v6 =	vld.idx.msk [tilespmem:v9+s5+$0x0], $0xffff  }
0xc7: {  	v27 =	vor.u32 $0x7, v1;
	v1 =	vor.u32 $0x6, v1;
	v0 =	vshll.u32 v0, $0x3;
	v15 =	vld.idx.msk [tilespmem:v3+s5+$0x0], $0xffff  }
0xc8: {  	v16 =	vld.idx.msk [tilespmem:v4+s29+$0x0], $0xffff;
	v14 =	vor.u32 $0x4, v12;
	v21 =	vor.u32 $0x8, v12;
	v4 =	vor.u32 $0x10, v9  }
0xc9: {  	v25 =	vor.u32 $0xC, v12;
	v20 =	vor.u32 $0x10, v12;
	v17 =	vor.u32 $0x14, v12;
	v2 =	vld.idx.msk [tilespmem:v2+s5+$0x0], $0xffff  }
0xca: {  	v11 =	vld.idx.msk [tilespmem:v5+s29+$0x0], $0xffff;
	v23 =	vor.u32 $0x14, v9;
	v28 =	vor.u32 $0x18, v9;
	v0 =	vor.u32 v54, v0  }
0xcb: {  	v29 =	vor.u32 $0x1C, v9;
	v13 =	vor.u32 $0x1, v0;
	v24 =	vor.u32 $0x2, v0;
	v7 =	vld.idx.msk [tilespmem:v7+s5+$0x0], $0xffff  }
0xcc: {  	v8 =	vld.idx.msk [tilespmem:v8+s29+$0x0], $0xffff;
	v30 =	vunpack.i.u.bf16.f32 v6;
	v5 =	vunpack.i.l.bf16.f32 v6;
	v6 =	vunpack.i.l.bf16.f32 v15  }
0xcd: {  	v31 =	vld.idx.msk [tilespmem:v4+s5+$0x0], $0xffff;
	v4 =	vmul.f32 v5, v10;
	v15 =	vunpack.i.u.bf16.f32 v15;
	v6 =	vmul.f32 v6, v16  }
0xce: {  	v5 =	vld.idx.msk [tilespmem:v22+s29+$0x0], $0xffff;
	v22 =	vmul.f32 v30, v10;
	v30 =	vunpack.i.l.bf16.f32 v2;
	v15 =	vmul.f32 v15, v16  }
0xcf: {  	v23 =	vld.idx.msk [tilespmem:v23+s5+$0x0], $0xffff;
	v2 =	vunpack.i.u.bf16.f32 v2;
	v30 =	vmul.f32 v30, v11;
	v4 =	vadd.f32 v6, v4  }
0xd0: {  	v2 =	vmul.f32 v2, v11;
	v6 =	vld.idx.msk [tilespmem:v26+s29+$0x0], $0xffff;
	v15 =	vadd.f32 v15, v22;
	v22 =	vunpack.i.l.bf16.f32 v7  }
0xd1: {  	v26 =	vld.idx.msk [tilespmem:v28+s5+$0x0], $0xffff;
	v7 =	vunpack.i.u.bf16.f32 v7;
	v22 =	vmul.f32 v22, v8;
	v28 =	vadd.f32 v30, v4  }
0xd2: {  	v4 =	vld.idx.msk [tilespmem:v1+s29+$0x0], $0xffff;
	v1 =	vadd.f32 v2, v15;
	v2 =	vmul.f32 v7, v8;
	v7 =	vunpack.i.l.bf16.f32 v31  }
0xd3: {  	v15 =	vld.idx.msk [tilespmem:v29+s5+$0x0], $0xffff;
	v29 =	vmul.f32 v7, v5;
	v22 =	vadd.f32 v22, v28;
	v28 =	vunpack.i.u.bf16.f32 v31  }
0xd4: {  	s15 =	simm.s32 $0x15870;
	v7 =	vld.idx.msk [tilespmem:v27+s29+$0x0], $0xffff;
	v27 =	vunpack.i.l.bf16.f32 v23;
	v1 =	vadd.f32 v2, v1;
	v2 =	vmul.f32 v28, v5  }
0xd5: {  	v23 =	vunpack.i.u.bf16.f32 v23;
	v28 =	vld [tilespmem:s15+$0x0];
	v27 =	vmul.f32 v27, v6;
	v22 =	vadd.f32 v29, v22  }
0xd6: {  	v1 =	vadd.f32 v2, v1;
	v2 =	vmul.f32 v23, v6;
	v23 =	vunpack.i.l.bf16.f32 v26  }
0xd7: {  	s16 =	simm.s32 $0x15EB0;
	v29 =	vld.idx.msk [tilespmem:v14+s5+$0x0], $0xffff;
	v26 =	vunpack.i.u.bf16.f32 v26;
	v14 =	vadd.f32 v27, v22;
	v23 =	vmul.f32 v23, v4  }
0xd8: {  	v22 =	vld [tilespmem:s16+$0x0];
	v1 =	vadd.f32 v2, v1;
	v2 =	vmul.f32 v26, v4;
	v26 =	vunpack.i.l.bf16.f32 v15  }
0xd9: {  	v21 =	vld.idx.msk [tilespmem:v21+s5+$0x0], $0xffff;
	v14 =	vadd.f32 v23, v14;
	v23 =	vunpack.i.u.bf16.f32 v15;
	v26 =	vmul.f32 v26, v7  }
0xda: {  	v27 =	vld.idx.msk [tilespmem:v12+s5+$0x0], $0xffff;
	v1 =	vadd.f32 v2, v1;
	v2 =	vmul.f32 v23, v7;
	v23 =	vshll.u32 v28, $0x3  }
0xdb: {  	v33 =	vor.u32 $0x1, v9;
	v15 =	vld.idx.msk [tilespmem:v13+s29+$0x0], $0xffff;
	v26 =	vadd.f32 v26, v14;
	v30 =	vor.u32 $0x1, v23  }
0xdc: {  	v18 =	vor.u32 $0x3, v0;
	v19 =	vor.u32 $0x4, v0;
	v13 =	vld.idx.msk [tilespmem:v0+s29+$0x0], $0xffff;
	v32 =	vadd.f32 v2, v1  }
0xdd: {  	v3 =	vor.u32 $0x5, v0;
	v14 =	vld.idx.msk [tilespmem:v24+s29+$0x0], $0xffff;
	v24 =	vmul.f32 v26, v22;
	v26 =	vor.u32 $0x5, v9  }
0xde: {  	v25 =	vld.idx.msk [tilespmem:v25+s5+$0x0], $0xffff;
	v31 =	vor.u32 $0x6, v0;
	v2 =	vor.u32 $0x7, v0;
	v0 =	vmul.f32 v32, v22  }
0xdf: {  	v51 =	vor.u32 $0xD, v9;
	v50 =	vunpack.i.u.bf16.f32 v29;
	[tilespmem:v23+s9+$0x0] =	vst.idx.add.f32.msk $0xffff, v24;
	v24 =	vor.u32 $0x9, v9  }
0xe0: {  	v29 =	vunpack.i.l.bf16.f32 v29;
	v35 =	vunpack.i.u.bf16.f32 v27;
	v27 =	vunpack.i.l.bf16.f32 v27;
	[tilespmem:v30+s9+$0x0] =	vst.idx.add.f32.msk $0xffff, v0  }
0xe1: {  	v36 =	vor.u32 $0x11, v9;
	v29 =	vmul.f32 v29, v15;
	v0 =	vmul.f32 v27, v13;
	v30 =	vld.idx.msk [tilespmem:v33+s5+$0x0], $0xffff  }
0xe2: {  	v37 =	vor.u32 $0x19, v9;
	v53 =	vunpack.i.u.bf16.f32 v21;
	v21 =	vunpack.i.l.bf16.f32 v21;
	v26 =	vld.idx.msk [tilespmem:v26+s5+$0x0], $0xffff  }
0xe3: {  	v38 =	vor.u32 $0x1D, v9;
	v21 =	vmul.f32 v21, v14;
	v29 =	vadd.f32 v29, v0  }
0xe4: {  	v56 =	vunpack.i.u.bf16.f32 v25;
	v52 =	vmul.f32 v35, v13;
	v27 =	vmul.f32 v50, v15;
	v24 =	vld.idx.msk [tilespmem:v24+s5+$0x0], $0xffff  }
0xe5: {  	v25 =	vunpack.i.l.bf16.f32 v25;
	v21 =	vadd.f32 v21, v29;
	v29 =	vor.u32 $0x15, v9  }
0xe6: {  	v28 =	vor.u32 $0x18, v12;
	v55 =	vmul.f32 v53, v14;
	v32 =	vld.idx.msk [tilespmem:v51+s5+$0x0], $0xffff;
	v27 =	vadd.f32 v27, v52  }
0xe7: {  	v39 =	vunpack.i.u.bf16.f32 v30;
	v30 =	vunpack.i.l.bf16.f32 v30;
	v40 =	vunpack.i.l.bf16.f32 v26  }
0xe8: {  	v36 =	vld.idx.msk [tilespmem:v36+s5+$0x0], $0xffff;
	v30 =	vmul.f32 v30, v10;
	v26 =	vunpack.i.u.bf16.f32 v26;
	v40 =	vmul.f32 v40, v16  }
0xe9: {  	v39 =	vmul.f32 v39, v10;
	v26 =	vmul.f32 v26, v16;
	v41 =	vunpack.i.l.bf16.f32 v24  }
0xea: {  	v29 =	vld.idx.msk [tilespmem:v29+s5+$0x0], $0xffff;
	v24 =	vunpack.i.u.bf16.f32 v24;
	v30 =	vadd.f32 v40, v30;
	v57 =	vmul.f32 v41, v11  }
0xeb: {  	v58 =	vunpack.i.l.bf16.f32 v32;
	v26 =	vadd.f32 v26, v39;
	v24 =	vmul.f32 v24, v11  }
0xec: {  	v37 =	vld.idx.msk [tilespmem:v37+s5+$0x0], $0xffff;
	v32 =	vunpack.i.u.bf16.f32 v32;
	v39 =	vmul.f32 v58, v8;
	v30 =	vadd.f32 v57, v30  }
0xed: {  	v59 =	vunpack.i.l.bf16.f32 v36;
	v24 =	vadd.f32 v24, v26;
	v26 =	vmul.f32 v32, v8  }
0xee: {  	v38 =	vld.idx.msk [tilespmem:v38+s5+$0x0], $0xffff;
	v36 =	vunpack.i.u.bf16.f32 v36;
	v32 =	vmul.f32 v59, v5;
	v30 =	vadd.f32 v39, v30  }
0xef: {  	v24 =	vadd.f32 v26, v24;
	v26 =	vmul.f32 v36, v5;
	v60 =	vunpack.i.l.bf16.f32 v29  }
0xf0: {  	v29 =	vunpack.i.u.bf16.f32 v29;
	v61 =	vmul.f32 v60, v6;
	v30 =	vadd.f32 v32, v30  }
0xf1: {  	v18 =	vld.idx.msk [tilespmem:v18+s29+$0x0], $0xffff;
	v24 =	vadd.f32 v26, v24;
	v26 =	vmul.f32 v29, v6;
	v29 =	vunpack.i.l.bf16.f32 v37  }
0xf2: {  	v62 =	vunpack.i.u.bf16.f32 v37;
	v29 =	vmul.f32 v29, v4;
	v30 =	vadd.f32 v61, v30  }
0xf3: {  	v63 =	vld.idx.msk [tilespmem:v20+s5+$0x0], $0xffff;
	v39 =	vunpack.i.l.bf16.f32 v38;
	v24 =	vadd.f32 v26, v24;
	v26 =	vmul.f32 v62, v4  }
0xf4: {  	v20 =	vld.idx.msk [tilespmem:v19+s29+$0x0], $0xffff;
	v19 =	vadd.f32 v29, v30;
	v29 =	vunpack.i.u.bf16.f32 v38;
	v30 =	vmul.f32 v39, v7  }
0xf5: {  	v40 =	vld.idx.msk [tilespmem:v17+s5+$0x0], $0xffff;
	v24 =	vadd.f32 v26, v24;
	v26 =	vmul.f32 v29, v7;
	v29 =	vor.u32 $0x2, v23  }
0xf6: {  	v25 =	vmul.f32 v25, v18;
	v17 =	vld.idx.msk [tilespmem:v3+s29+$0x0], $0xffff;
	v3 =	vadd.f32 v30, v19;
	v30 =	vor.u32 $0x3, v23  }
0xf7: {  	v27 =	vadd.f32 v55, v27;
	v24 =	vadd.f32 v26, v24;
	v26 =	vor.u32 $0x2, v9  }
0xf8: {  	v41 =	vmul.f32 v56, v18;
	v19 =	vld.idx.msk [tilespmem:v31+s29+$0x0], $0xffff;
	v31 =	vor.u32 $0x6, v9;
	v3 =	vmul.f32 v3, v22  }
0xf9: {  	v34 =	vor.u32 $0x1C, v12;
	v28 =	vld.idx.msk [tilespmem:v28+s5+$0x0], $0xffff;
	v21 =	vadd.f32 v25, v21;
	v24 =	vmul.f32 v24, v22  }
0xfa: {  	v25 =	vadd.f32 v41, v27;
	v27 =	vor.u32 $0xA, v9;
	v36 =	vunpack.i.l.bf16.f32 v63;
	[tilespmem:v29+s9+$0x0] =	vst.idx.add.f32.msk $0xffff, v3  }
0xfb: {  	v44 =	vor.u32 $0xE, v9;
	v45 =	vor.u32 $0x12, v9;
	v29 =	vmul.f32 v36, v20;
	[tilespmem:v30+s9+$0x0] =	vst.idx.add.f32.msk $0xffff, v24  }
0xfc: {  	v46 =	vor.u32 $0x1A, v9;
	v42 =	vunpack.i.u.bf16.f32 v63;
	v30 =	vunpack.i.l.bf16.f32 v40;
	v26 =	vld.idx.msk [tilespmem:v26+s5+$0x0], $0xffff  }
0xfd: {  	v43 =	vmul.f32 v42, v20;
	v21 =	vadd.f32 v29, v21;
	v29 =	vmul.f32 v30, v17;
	v30 =	vld.idx.msk [tilespmem:v31+s5+$0x0], $0xffff  }
0xfe: {  	v47 =	vor.u32 $0x1E, v9;
	v42 =	vor.u32 $0x1B, v9;
	v1 =	vor.u32 $0x1, v12  }
0xff: {  	v25 =	vadd.f32 v43, v25;
	v61 =	vor.u32 $0x4, v23;
	v29 =	vadd.f32 v29, v21;
	v21 =	vld.idx.msk [tilespmem:v27+s5+$0x0], $0xffff  }
0x100: {  	v62 =	vor.u32 $0x7, v9;
	v24 =	vunpack.i.u.bf16.f32 v40;
	v27 =	vor.u32 $0x16, v9  }
0x101: {  	v24 =	vmul.f32 v24, v17;
	v31 =	vunpack.i.l.bf16.f32 v28;
	v28 =	vunpack.i.u.bf16.f32 v28;
	v32 =	vld.idx.msk [tilespmem:v44+s5+$0x0], $0xffff  }
0x102: {  	v48 =	vunpack.i.u.bf16.f32 v26;
	v26 =	vunpack.i.l.bf16.f32 v26;
	v49 =	vunpack.i.l.bf16.f32 v30  }
0x103: {  	v33 =	vld.idx.msk [tilespmem:v45+s5+$0x0], $0xffff;
	v30 =	vunpack.i.u.bf16.f32 v30;
	v26 =	vmul.f32 v26, v10;
	v38 =	vmul.f32 v49, v16  }
0x104: {  	v37 =	vmul.f32 v48, v10;
	v30 =	vmul.f32 v30, v16;
	v50 =	vunpack.i.l.bf16.f32 v21  }
0x105: {  	v27 =	vld.idx.msk [tilespmem:v27+s5+$0x0], $0xffff;
	v21 =	vunpack.i.u.bf16.f32 v21;
	v26 =	vadd.f32 v38, v26;
	v51 =	vmul.f32 v50, v11  }
0x106: {  	v52 =	vunpack.i.l.bf16.f32 v32;
	v30 =	vadd.f32 v30, v37;
	v21 =	vmul.f32 v21, v11  }
0x107: {  	v35 =	vld.idx.msk [tilespmem:v46+s5+$0x0], $0xffff;
	v32 =	vunpack.i.u.bf16.f32 v32;
	v37 =	vmul.f32 v52, v8;
	v26 =	vadd.f32 v51, v26  }
0x108: {  	v53 =	vunpack.i.l.bf16.f32 v33;
	v21 =	vadd.f32 v21, v30;
	v30 =	vmul.f32 v32, v8  }
0x109: {  	v36 =	vld.idx.msk [tilespmem:v47+s5+$0x0], $0xffff;
	v33 =	vunpack.i.u.bf16.f32 v33;
	v32 =	vmul.f32 v53, v5;
	v26 =	vadd.f32 v37, v26  }
0x10a: {  	v21 =	vadd.f32 v30, v21;
	v30 =	vmul.f32 v33, v5;
	v55 =	vunpack.i.l.bf16.f32 v27  }
0x10b: {  	v27 =	vunpack.i.u.bf16.f32 v27;
	v56 =	vmul.f32 v55, v6;
	v26 =	vadd.f32 v32, v26  }
0x10c: {  	v27 =	vmul.f32 v27, v6;
	v30 =	vadd.f32 v30, v21;
	v21 =	vunpack.i.l.bf16.f32 v35  }
0x10d: {  	v34 =	vld.idx.msk [tilespmem:v34+s5+$0x0], $0xffff;
	v57 =	vunpack.i.u.bf16.f32 v35;
	v58 =	vmul.f32 v21, v4;
	v26 =	vadd.f32 v56, v26  }
0x10e: {  	v21 =	vld.idx.msk [tilespmem:v2+s29+$0x0], $0xffff;
	v2 =	vadd.f32 v27, v30;
	v27 =	vmul.f32 v57, v4;
	v30 =	vunpack.i.l.bf16.f32 v36  }
0x10f: {  	v60 =	vunpack.i.u.bf16.f32 v36;
	v30 =	vmul.f32 v30, v7;
	v26 =	vadd.f32 v58, v26  }
0x110: {  	v59 =	vld [tilespmem:s15+$0xFFFFFFF0];
	v31 =	vmul.f32 v31, v19;
	v2 =	vadd.f32 v27, v2;
	v27 =	vmul.f32 v60, v7  }
0x111: {  	v24 =	vadd.f32 v24, v25;
	v26 =	vadd.f32 v30, v26;
	v30 =	vor.u32 $0x5, v23  }
0x112: {  	v25 =	vmul.f32 v28, v19;
	v2 =	vadd.f32 v27, v2;
	v27 =	vor.u32 $0x3, v9  }
0x113: {  	v29 =	vadd.f32 v31, v29;
	v31 =	vunpack.i.l.bf16.f32 v34;
	v55 =	vld [tilespmem:s16+$0xFFFFFFF0];
	v26 =	vmul.f32 v26, v22  }
0x114: {  	v0 =	vor.u32 $0x5, v12;
	v31 =	vmul.f32 v31, v21;
	v2 =	vmul.f32 v2, v22  }
0x115: {  	v28 =	vunpack.i.u.bf16.f32 v34;
	v24 =	vadd.f32 v25, v24;
	v25 =	vshll.u32 v59, $0x3;
	[tilespmem:v61+s9+$0x0] =	vst.idx.add.f32.msk $0xffff, v26  }
0x116: {  	v28 =	vmul.f32 v28, v21;
	v29 =	vadd.f32 v31, v29;
	v26 =	vor.u32 $0xB, v9;
	[tilespmem:v30+s9+$0x0] =	vst.idx.add.f32.msk $0xffff, v2  }
0x117: {  	v63 =	vor.u32 $0x11, v12;
	v3 =	vor.u32 $0x9, v12;
	v47 =	vor.u32 $0x1, v25;
	v27 =	vld.idx.msk [tilespmem:v27+s5+$0x0], $0xffff  }
0x118: {  	v48 =	vor.u32 $0x1D, v12;
	v2 =	vadd.f32 v28, v24;
	v24 =	vmul.f32 v29, v55;
	v34 =	vld.idx.msk [tilespmem:v62+s5+$0x0], $0xffff  }
0x119: {  	v49 =	vor.u32 $0x3, v25;
	v50 =	vor.u32 $0x2, v12;
	v52 =	vor.u32 $0xA, v12  }
0x11a: {  	v51 =	vor.u32 $0x6, v12;
	v53 =	vor.u32 $0xE, v12;
	v2 =	vmul.f32 v2, v55;
	[tilespmem:v25+s9+$0x0] =	vst.idx.add.f32.msk $0xffff, v24  }
0x11b: {  	v56 =	vor.u32 $0x13, v9;
	v57 =	vor.u32 $0x17, v9;
	v31 =	vor.u32 $0xD, v12;
	v26 =	vld.idx.msk [tilespmem:v26+s5+$0x0], $0xffff  }
0x11c: {  	v28 =	vor.u32 $0xF, v9;
	v29 =	vor.u32 $0x15, v12;
	v30 =	vor.u32 $0x19, v12;
	[tilespmem:v47+s9+$0x0] =	vst.idx.add.f32.msk $0xffff, v2  }
0x11d: {  	v1 =	vld.idx.msk [tilespmem:v1+s5+$0x0], $0xffff;
	v43 =	vunpack.i.u.bf16.f32 v27;
	v27 =	vunpack.i.l.bf16.f32 v27;
	v44 =	vunpack.i.l.bf16.f32 v34  }
0x11e: {  	v0 =	vld.idx.msk [tilespmem:v0+s5+$0x0], $0xffff;
	v34 =	vunpack.i.u.bf16.f32 v34;
	v27 =	vmul.f32 v27, v10;
	v44 =	vmul.f32 v44, v16  }
0x11f: {  	v9 =	vor.u32 $0x1F, v9;
	v3 =	vld.idx.msk [tilespmem:v3+s5+$0x0], $0xffff;
	v10 =	vmul.f32 v43, v10;
	v16 =	vmul.f32 v34, v16  }
0x120: {  	v24 =	vor.u32 $0x2, v25;
	v2 =	vor.u32 $0x12, v12;
	v58 =	vunpack.i.l.bf16.f32 v26  }
0x121: {  	v28 =	vld.idx.msk [tilespmem:v28+s5+$0x0], $0xffff;
	v27 =	vadd.f32 v44, v27;
	v26 =	vunpack.i.u.bf16.f32 v26;
	v10 =	vadd.f32 v16, v10  }
0x122: {  	v34 =	vmul.f32 v58, v11;
	v11 =	vmul.f32 v26, v11;
	v26 =	vld.idx.msk [tilespmem:v31+s5+$0x0], $0xffff;
	v31 =	vunpack.i.u.bf16.f32 v1  }
0x123: {  	v1 =	vunpack.i.l.bf16.f32 v1;
	v59 =	vunpack.i.l.bf16.f32 v0;
	v0 =	vunpack.i.u.bf16.f32 v0  }
0x124: {  	v60 =	vunpack.i.l.bf16.f32 v3;
	v1 =	vmul.f32 v1, v13;
	v31 =	vmul.f32 v31, v13  }
0x125: {  	v32 =	vld.idx.msk [tilespmem:v63+s5+$0x0], $0xffff;
	v0 =	vmul.f32 v0, v15;
	v27 =	vadd.f32 v34, v27;
	v34 =	vmul.f32 v59, v15  }
0x126: {  	v16 =	vunpack.i.l.bf16.f32 v28;
	v3 =	vunpack.i.u.bf16.f32 v3;
	v43 =	vmul.f32 v60, v14  }
0x127: {  	v29 =	vld.idx.msk [tilespmem:v29+s5+$0x0], $0xffff;
	v3 =	vmul.f32 v3, v14;
	v0 =	vadd.f32 v0, v31;
	v1 =	vadd.f32 v34, v1  }
0x128: {  	v61 =	vld.idx.msk [tilespmem:v48+s5+$0x0], $0xffff;
	v28 =	vunpack.i.u.bf16.f32 v28;
	v31 =	vunpack.i.l.bf16.f32 v26;
	v26 =	vunpack.i.u.bf16.f32 v26  }
0x129: {  	v30 =	vld.idx.msk [tilespmem:v30+s5+$0x0], $0xffff;
	v0 =	vadd.f32 v3, v0;
	v31 =	vmul.f32 v31, v18;
	v1 =	vadd.f32 v43, v1  }
0x12a: {  	v3 =	vunpack.i.l.bf16.f32 v32;
	v32 =	vunpack.i.u.bf16.f32 v32;
	v26 =	vmul.f32 v26, v18  }
0x12b: {  	v3 =	vmul.f32 v3, v20;
	v1 =	vadd.f32 v31, v1;
	v31 =	vmul.f32 v32, v20  }
0x12c: {  	v0 =	vadd.f32 v26, v0;
	v26 =	vunpack.i.l.bf16.f32 v29;
	v29 =	vunpack.i.u.bf16.f32 v29  }
0x12d: {  	v62 =	vunpack.i.u.bf16.f32 v61;
	v26 =	vmul.f32 v26, v17;
	v29 =	vmul.f32 v29, v17  }
0x12e: {  	v1 =	vadd.f32 v3, v1;
	v3 =	vld.idx.msk [tilespmem:v56+s5+$0x0], $0xffff;
	v0 =	vadd.f32 v31, v0;
	v31 =	vunpack.i.l.bf16.f32 v30  }
0x12f: {  	v16 =	vmul.f32 v16, v8;
	v30 =	vunpack.i.u.bf16.f32 v30;
	v31 =	vmul.f32 v31, v19  }
0x130: {  	v1 =	vadd.f32 v26, v1;
	v26 =	vmul.f32 v30, v19;
	v0 =	vadd.f32 v29, v0  }
0x131: {  	v10 =	vadd.f32 v11, v10;
	v11 =	vmul.f32 v62, v21;
	v29 =	vunpack.i.l.bf16.f32 v61;
	v30 =	vld.idx.msk [tilespmem:v57+s5+$0x0], $0xffff  }
0x132: {  	v29 =	vmul.f32 v29, v21;
	v1 =	vadd.f32 v31, v1;
	v0 =	vadd.f32 v26, v0  }
0x133: {  	v8 =	vmul.f32 v28, v8;
	v16 =	vadd.f32 v16, v27;
	v26 =	vld.idx.msk [tilespmem:v42+s5+$0x0], $0xffff;
	v28 =	vunpack.i.l.bf16.f32 v3  }
0x134: {  	v3 =	vunpack.i.u.bf16.f32 v3;
	v1 =	vadd.f32 v29, v1;
	v0 =	vadd.f32 v11, v0  }
0x135: {  	v8 =	vadd.f32 v8, v10;
	v11 =	vmul.f32 v28, v5;
	v3 =	vmul.f32 v3, v5  }
0x136: {  	v9 =	vld.idx.msk [tilespmem:v9+s5+$0x0], $0xffff;
	v5 =	vunpack.i.l.bf16.f32 v30;
	v1 =	vmul.f32 v1, v55;
	v0 =	vmul.f32 v0, v55  }
0x137: {  	v10 =	vadd.f32 v11, v16;
	v11 =	vunpack.i.u.bf16.f32 v30;
	v5 =	vmul.f32 v5, v6  }
0x138: {  	[tilespmem:v24+s9+$0x0] =	vst.idx.add.f32.msk $0xffff, v1;
	v1 =	vadd.f32 v3, v8;
	v3 =	vmul.f32 v11, v6;
	v6 =	vunpack.i.l.bf16.f32 v26  }
0x139: {  	s12 =	simm.s32 $0x30;
	[tilespmem:v49+s9+$0x0] =	vst.idx.add.f32.msk $0xffff, v0;
	v0 =	vadd.f32 v5, v10;
	v5 =	vunpack.i.u.bf16.f32 v26;
	v6 =	vmul.f32 v6, v4  }
0x13a: {  	v16 =	vmov s12;
	v8 =	vld.idx.msk [tilespmem:v50+s5+$0x0], $0xffff;
	v1 =	vadd.f32 v3, v1;
	v3 =	vmul.f32 v5, v4  }
0x13b: {  	v4 =	vld.idx.msk [tilespmem:v51+s5+$0x0], $0xffff;
	v5 =	vunpack.i.l.bf16.f32 v9;
	v0 =	vadd.f32 v6, v0;
	v6 =	vunpack.i.u.bf16.f32 v9  }
0x13c: {  	v5 =	vmul.f32 v5, v7;
	v1 =	vadd.f32 v3, v1;
	v3 =	vmul.f32 v6, v7;
	v6 =	vld.idx.msk [tilespmem:v52+s5+$0x0], $0xffff  }
0x13d: {  	v30 =	vor.u32 $0x4, v25;
	v16 =	vshll.u32 v16, $0x3;
	v10 =	vor.u32 $0x16, v12  }
0x13e: {  	v9 =	vor.u32 $0x1E, v12;
	v7 =	vor.u32 $0x1A, v12;
	v29 =	vadd.f32 v5, v0  }
0x13f: {  	v0 =	vld.idx.msk [tilespmem:v53+s5+$0x0], $0xffff;
	v28 =	vadd.f32 v3, v1;
	v1 =	vunpack.i.l.bf16.f32 v8;
	v3 =	vunpack.i.u.bf16.f32 v8  }
0x140: {  	s19 =	simm.s32 $0x15BB0;
	v5 =	vunpack.i.l.bf16.f32 v4;
	v4 =	vunpack.i.u.bf16.f32 v4;
	v1 =	vmul.f32 v1, v13  }
0x141: {  	v8 =	vld [tilespmem:s19+$0x0];
	v3 =	vmul.f32 v3, v13;
	v5 =	vmul.f32 v5, v15;
	v11 =	vunpack.i.u.bf16.f32 v6  }
0x142: {  	v4 =	vmul.f32 v4, v15;
	v6 =	vunpack.i.l.bf16.f32 v6;
	v11 =	vmul.f32 v11, v14  }
0x143: {  	v2 =	vld.idx.msk [tilespmem:v2+s5+$0x0], $0xffff;
	v1 =	vadd.f32 v5, v1;
	v5 =	vmul.f32 v6, v14;
	v6 =	vor.u32 v54, v16  }
0x144: {  	v16 =	vunpack.i.u.bf16.f32 v0;
	v3 =	vadd.f32 v4, v3;
	v0 =	vunpack.i.l.bf16.f32 v0  }
0x145: {  	v0 =	vmul.f32 v0, v18;
	v24 =	vor.u32 $0x1, v6;
	v27 =	vor.u32 $0x2, v6  }
0x146: {  	v52 =	vor.u32 $0x4, v6;
	v53 =	vor.u32 $0x5, v6;
	v31 =	vshll.u32 v8, $0x5  }
0x147: {  	v4 =	vld.idx.msk [tilespmem:v10+s5+$0x0], $0xffff;
	v56 =	vor.u32 $0x7, v6;
	v8 =	vmul.f32 v16, v18;
	v10 =	vor.u32 $0x4, v31  }
0x148: {  	v1 =	vadd.f32 v5, v1;
	v5 =	vld [tilespmem:s19+$0xFFFFFFF0];
	v16 =	vunpack.i.u.bf16.f32 v2;
	v3 =	vadd.f32 v11, v3  }
0x149: {  	v2 =	vunpack.i.l.bf16.f32 v2;
	v11 =	vor.u32 $0x8, v31;
	v63 =	vmul.f32 v16, v20  }
0x14a: {  	v48 =	vor.u32 $0xC, v31;
	v57 =	vor.u32 $0x18, v31;
	v58 =	vor.u32 $0x1C, v31;
	v16 =	vld.idx.msk [tilespmem:v6+s29+$0x0], $0xffff  }
0x14b: {  	v61 =	vor.u32 $0x15, v31;
	v0 =	vadd.f32 v0, v1;
	v1 =	vmul.f32 v2, v20;
	v2 =	vld.idx.msk [tilespmem:v31+s5+$0x0], $0xffff  }
0x14c: {  	v46 =	vor.u32 $0x19, v31;
	v3 =	vadd.f32 v8, v3;
	v8 =	vor.u32 $0x3, v6;
	v10 =	vld.idx.msk [tilespmem:v10+s5+$0x0], $0xffff  }
0x14d: {  	v47 =	vor.u32 $0x1D, v31;
	v38 =	vld.idx.msk [tilespmem:v24+s29+$0x0], $0xffff;
	v26 =	vshll.u32 v5, $0x5;
	v5 =	vor.u32 $0x10, v31  }
0x14e: {  	v49 =	vunpack.i.u.bf16.f32 v4;
	v4 =	vunpack.i.l.bf16.f32 v4;
	v6 =	vor.u32 $0x6, v6;
	v11 =	vld.idx.msk [tilespmem:v11+s5+$0x0], $0xffff  }
0x14f: {  	v50 =	vmul.f32 v49, v17;
	v37 =	vld.idx.msk [tilespmem:v27+s29+$0x0], $0xffff;
	v27 =	vor.u32 $0x14, v31;
	v1 =	vadd.f32 v1, v0  }
0x150: {  	v4 =	vmul.f32 v4, v17;
	v51 =	vor.u32 $0x4, v26;
	v32 =	vld.idx.msk [tilespmem:v48+s5+$0x0], $0xffff;
	v42 =	vor.u32 $0xC, v26  }
0x151: {  	v24 =	vld.idx.msk [tilespmem:v8+s29+$0x0], $0xffff;
	v8 =	vunpack.i.u.bf16.f32 v2;
	v2 =	vunpack.i.l.bf16.f32 v2;
	v59 =	vunpack.i.l.bf16.f32 v10  }
0x152: {  	v5 =	vld.idx.msk [tilespmem:v5+s5+$0x0], $0xffff;
	v2 =	vmul.f32 v2, v16;
	v10 =	vunpack.i.u.bf16.f32 v10;
	v35 =	vmul.f32 v59, v38  }
0x153: {  	v36 =	vld.idx.msk [tilespmem:v52+s29+$0x0], $0xffff;
	v8 =	vmul.f32 v8, v16;
	v60 =	vunpack.i.l.bf16.f32 v11;
	v10 =	vmul.f32 v10, v38  }
0x154: {  	v27 =	vld.idx.msk [tilespmem:v27+s5+$0x0], $0xffff;
	v11 =	vunpack.i.u.bf16.f32 v11;
	v33 =	vmul.f32 v60, v37;
	v2 =	vadd.f32 v35, v2  }
0x155: {  	v35 =	vld.idx.msk [tilespmem:v53+s29+$0x0], $0xffff;
	v8 =	vadd.f32 v10, v8;
	v10 =	vmul.f32 v11, v37;
	v11 =	vunpack.i.l.bf16.f32 v32  }
0x156: {  	v43 =	vld.idx.msk [tilespmem:v57+s5+$0x0], $0xffff;
	v32 =	vunpack.i.u.bf16.f32 v32;
	v11 =	vmul.f32 v11, v24;
	v2 =	vadd.f32 v33, v2  }
0x157: {  	v34 =	vld.idx.msk [tilespmem:v6+s29+$0x0], $0xffff;
	v6 =	vadd.f32 v10, v8;
	v8 =	vmul.f32 v32, v24;
	v10 =	vunpack.i.l.bf16.f32 v5  }
0x158: {  	v44 =	vld.idx.msk [tilespmem:v58+s5+$0x0], $0xffff;
	v5 =	vunpack.i.u.bf16.f32 v5;
	v10 =	vmul.f32 v10, v36;
	v2 =	vadd.f32 v11, v2  }
0x159: {  	s13 =	simm.s32 $0x15890;
	v33 =	vld.idx.msk [tilespmem:v56+s29+$0x0], $0xffff;
	v5 =	vmul.f32 v5, v36;
	v6 =	vadd.f32 v8, v6;
	v8 =	vunpack.i.l.bf16.f32 v27  }
0x15a: {  	v11 =	vld [tilespmem:s13+$0x0];
	v8 =	vmul.f32 v8, v35;
	v2 =	vadd.f32 v10, v2;
	v10 =	vunpack.i.u.bf16.f32 v27  }
0x15b: {  	v5 =	vadd.f32 v5, v6;
	v6 =	vmul.f32 v10, v35;
	v10 =	vunpack.i.l.bf16.f32 v43  }
0x15c: {  	s14 =	simm.s32 $0x15ED0;
	v9 =	vld.idx.msk [tilespmem:v9+s5+$0x0], $0xffff;
	v2 =	vadd.f32 v8, v2;
	v8 =	vunpack.i.u.bf16.f32 v43;
	v10 =	vmul.f32 v10, v34  }
0x15d: {  	v32 =	vld [tilespmem:s14+$0x0];
	v5 =	vadd.f32 v6, v5;
	v6 =	vmul.f32 v8, v34;
	v8 =	vunpack.i.l.bf16.f32 v44  }
0x15e: {  	v7 =	vld.idx.msk [tilespmem:v7+s5+$0x0], $0xffff;
	v2 =	vadd.f32 v10, v2;
	v10 =	vunpack.i.u.bf16.f32 v44;
	v8 =	vmul.f32 v8, v33  }
0x15f: {  	v27 =	vshll.u32 v11, $0x3;
	v5 =	vadd.f32 v6, v5;
	v6 =	vmul.f32 v10, v33  }
0x160: {  	v3 =	vadd.f32 v63, v3;
	v41 =	vld.idx.msk [tilespmem:v51+s5+$0x0], $0xffff;
	v0 =	vadd.f32 v8, v2;
	v2 =	vor.u32 $0x1, v27  }
0x161: {  	v4 =	vadd.f32 v4, v1;
	v5 =	vadd.f32 v6, v5;
	v6 =	vor.u32 $0x1, v31  }
0x162: {  	v1 =	vunpack.i.u.bf16.f32 v9;
	v11 =	vor.u32 $0x5, v31;
	v10 =	vmul.f32 v0, v32  }
0x163: {  	v3 =	vadd.f32 v50, v3;
	v42 =	vld.idx.msk [tilespmem:v42+s5+$0x0], $0xffff;
	v8 =	vunpack.i.u.bf16.f32 v7;
	v5 =	vmul.f32 v5, v32  }
0x164: {  	v7 =	vunpack.i.l.bf16.f32 v7;
	v0 =	vmul.f32 v8, v19;
	v8 =	vor.u32 $0x9, v31;
	[tilespmem:v27+s9+$0x0] =	vst.idx.add.f32.msk $0xffff, v10  }
0x165: {  	s15 =	simm.s32 $0x20;
	v1 =	vmul.f32 v1, v21;
	v45 =	vunpack.i.u.bf16.f32 v41;
	v7 =	vmul.f32 v7, v19;
	[tilespmem:v2+s9+$0x0] =	vst.idx.add.f32.msk $0xffff, v5  }
0x166: {  	v10 =	vor.u32 $0xD, v31;
	v5 =	vunpack.i.l.bf16.f32 v9;
	v9 =	vmov s15;
	v6 =	vld.idx.msk [tilespmem:v6+s5+$0x0], $0xffff  }
0x167: {  	v41 =	vunpack.i.l.bf16.f32 v41;
	v2 =	vadd.f32 v7, v4;
	v4 =	vshll.u32 v9, $0x3;
	v7 =	vld.idx.msk [tilespmem:v11+s5+$0x0], $0xffff  }
0x168: {  	v0 =	vadd.f32 v0, v3;
	v9 =	vor.u32 v54, v4;
	v4 =	vor.u32 $0x11, v31  }
0x169: {  	v51 =	vunpack.i.l.bf16.f32 v42;
	v60 =	vor.u32 $0x2, v27;
	v39 =	vmul.f32 v5, v21;
	v8 =	vld.idx.msk [tilespmem:v8+s5+$0x0], $0xffff  }
0x16a: {  	v11 =	vor.u32 $0x8, v26;
	v44 =	vld.idx.msk [tilespmem:v61+s5+$0x0], $0xffff;
	v61 =	vor.u32 $0x3, v27;
	v0 =	vadd.f32 v1, v0  }
0x16b: {  	v5 =	vor.u32 $0x1, v9;
	v40 =	vor.u32 $0x2, v9;
	v43 =	vor.u32 $0x3, v9;
	v10 =	vld.idx.msk [tilespmem:v10+s5+$0x0], $0xffff  }
0x16c: {  	v48 =	vunpack.i.u.bf16.f32 v6;
	v6 =	vunpack.i.l.bf16.f32 v6;
	v49 =	vunpack.i.l.bf16.f32 v7  }
0x16d: {  	v7 =	vunpack.i.u.bf16.f32 v7;
	v4 =	vld.idx.msk [tilespmem:v4+s5+$0x0], $0xffff;
	v6 =	vmul.f32 v6, v16;
	v49 =	vmul.f32 v49, v38  }
0x16e: {  	v48 =	vmul.f32 v48, v16;
	v7 =	vmul.f32 v7, v38;
	v50 =	vunpack.i.l.bf16.f32 v8  }
0x16f: {  	v8 =	vunpack.i.u.bf16.f32 v8;
	v62 =	vmul.f32 v50, v37;
	v6 =	vadd.f32 v49, v6  }
0x170: {  	v8 =	vmul.f32 v8, v37;
	v7 =	vadd.f32 v7, v48;
	v63 =	vunpack.i.l.bf16.f32 v10  }
0x171: {  	v46 =	vld.idx.msk [tilespmem:v46+s5+$0x0], $0xffff;
	v10 =	vunpack.i.u.bf16.f32 v10;
	v48 =	vmul.f32 v63, v24;
	v6 =	vadd.f32 v62, v6  }
0x172: {  	v7 =	vadd.f32 v8, v7;
	v8 =	vmul.f32 v10, v24;
	v10 =	vunpack.i.l.bf16.f32 v4  }
0x173: {  	v47 =	vld.idx.msk [tilespmem:v47+s5+$0x0], $0xffff;
	v4 =	vunpack.i.u.bf16.f32 v4;
	v6 =	vadd.f32 v48, v6;
	v10 =	vmul.f32 v10, v36  }
0x174: {  	v7 =	vadd.f32 v8, v7;
	v4 =	vmul.f32 v4, v36;
	v8 =	vunpack.i.l.bf16.f32 v44  }
0x175: {  	v8 =	vmul.f32 v8, v35;
	v6 =	vadd.f32 v10, v6;
	v10 =	vunpack.i.u.bf16.f32 v44  }
0x176: {  	v7 =	vadd.f32 v4, v7;
	v4 =	vunpack.i.l.bf16.f32 v46;
	v10 =	vmul.f32 v10, v35  }
0x177: {  	v52 =	vld.idx.msk [tilespmem:v26+s5+$0x0], $0xffff;
	v53 =	vmul.f32 v4, v34;
	v6 =	vadd.f32 v8, v6;
	v8 =	vunpack.i.u.bf16.f32 v46  }
0x178: {  	v11 =	vld.idx.msk [tilespmem:v11+s5+$0x0], $0xffff;
	v7 =	vadd.f32 v10, v7;
	v8 =	vmul.f32 v8, v34;
	v10 =	vunpack.i.l.bf16.f32 v47  }
0x179: {  	v59 =	vunpack.i.u.bf16.f32 v47;
	v57 =	vld.idx.msk [tilespmem:v5+s29+$0x0], $0xffff;
	v6 =	vadd.f32 v53, v6;
	v10 =	vmul.f32 v10, v33  }
0x17a: {  	v2 =	vadd.f32 v39, v2;
	v5 =	vld.idx.msk [tilespmem:v9+s29+$0x0], $0xffff;
	v7 =	vadd.f32 v8, v7;
	v8 =	vmul.f32 v59, v33  }
0x17b: {  	v39 =	vor.u32 $0x7, v12;
	v0 =	vmul.f32 v0, v55;
	v10 =	vadd.f32 v10, v6  }
0x17c: {  	v49 =	vor.u32 $0x6, v31;
	v63 =	vor.u32 $0x2, v31;
	v8 =	vadd.f32 v8, v7  }
0x17d: {  	v62 =	vunpack.i.l.bf16.f32 v52;
	v52 =	vunpack.i.u.bf16.f32 v52;
	v59 =	vld.idx.msk [tilespmem:v40+s29+$0x0], $0xffff;
	v10 =	vmul.f32 v10, v32  }
0x17e: {  	v56 =	vld.idx.msk [tilespmem:v43+s29+$0x0], $0xffff;
	v58 =	vunpack.i.u.bf16.f32 v11;
	v41 =	vmul.f32 v41, v57;
	v8 =	vmul.f32 v8, v32  }
0x17f: {  	v11 =	vunpack.i.l.bf16.f32 v11;
	v43 =	vmul.f32 v52, v5;
	v40 =	vmul.f32 v62, v5;
	[tilespmem:v60+s9+$0x0] =	vst.idx.add.f32.msk $0xffff, v10  }
0x180: {  	v48 =	vor.u32 $0x14, v26;
	v53 =	vmul.f32 v45, v57;
	v10 =	vor.u32 $0xA, v31;
	[tilespmem:v61+s9+$0x0] =	vst.idx.add.f32.msk $0xffff, v8  }
0x181: {  	v44 =	vor.u32 $0x10, v26;
	v62 =	vunpack.i.u.bf16.f32 v42;
	v40 =	vadd.f32 v41, v40;
	v61 =	vld.idx.msk [tilespmem:v63+s5+$0x0], $0xffff  }
0x182: {  	v60 =	vmul.f32 v58, v59;
	v8 =	vmul.f32 v11, v59;
	v11 =	vadd.f32 v53, v43;
	v47 =	vld.idx.msk [tilespmem:v49+s5+$0x0], $0xffff  }
0x183: {  	v4 =	vor.u32 $0x1C, v26;
	v52 =	vmul.f32 v62, v56;
	v63 =	vor.u32 $0xE, v31  }
0x184: {  	v8 =	vadd.f32 v8, v40;
	v11 =	vadd.f32 v60, v11;
	v40 =	vmul.f32 v51, v56  }
0x185: {  	v45 =	vor.u32 $0x4, v9;
	v62 =	vor.u32 $0x1E, v31;
	v53 =	vor.u32 $0x12, v31;
	v10 =	vld.idx.msk [tilespmem:v10+s5+$0x0], $0xffff  }
0x186: {  	v40 =	vadd.f32 v40, v8;
	v41 =	vadd.f32 v52, v11;
	v8 =	vor.u32 $0x16, v31  }
0x187: {  	v58 =	vunpack.i.u.bf16.f32 v61;
	v43 =	vunpack.i.l.bf16.f32 v61;
	v60 =	vunpack.i.l.bf16.f32 v47  }
0x188: {  	v11 =	vld.idx.msk [tilespmem:v63+s5+$0x0], $0xffff;
	v47 =	vunpack.i.u.bf16.f32 v47;
	v43 =	vmul.f32 v43, v16;
	v50 =	vmul.f32 v60, v38  }
0x189: {  	v49 =	vor.u32 $0x5, v9;
	v46 =	vmul.f32 v58, v16;
	v47 =	vmul.f32 v47, v38  }
0x18a: {  	v52 =	vor.u32 $0x1A, v31;
	v42 =	vld.idx.msk [tilespmem:v53+s5+$0x0], $0xffff;
	v53 =	vor.u32 $0x6, v9;
	v51 =	vunpack.i.l.bf16.f32 v10  }
0x18b: {  	v44 =	vld.idx.msk [tilespmem:v44+s5+$0x0], $0xffff;
	v43 =	vadd.f32 v50, v43;
	v10 =	vunpack.i.u.bf16.f32 v10;
	v46 =	vadd.f32 v47, v46  }
0x18c: {  	v63 =	vld.idx.msk [tilespmem:v8+s5+$0x0], $0xffff;
	v50 =	vor.u32 $0x18, v26;
	v61 =	vmul.f32 v51, v37;
	v8 =	vmul.f32 v10, v37  }
0x18d: {  	v51 =	vor.u32 $0x7, v9;
	v10 =	vunpack.i.l.bf16.f32 v11;
	v11 =	vunpack.i.u.bf16.f32 v11  }
0x18e: {  	v45 =	vld.idx.msk [tilespmem:v45+s29+$0x0], $0xffff;
	v43 =	vadd.f32 v61, v43;
	v10 =	vmul.f32 v10, v24;
	v46 =	vadd.f32 v8, v46  }
0x18f: {  	v52 =	vld.idx.msk [tilespmem:v52+s5+$0x0], $0xffff;
	v11 =	vmul.f32 v11, v24;
	v8 =	vunpack.i.l.bf16.f32 v42;
	v42 =	vunpack.i.u.bf16.f32 v42  }
0x190: {  	v61 =	vunpack.i.l.bf16.f32 v44;
	v58 =	vmul.f32 v8, v36;
	v10 =	vadd.f32 v10, v43  }
0x191: {  	v42 =	vmul.f32 v42, v36;
	v11 =	vadd.f32 v11, v46;
	v46 =	vld.idx.msk [tilespmem:v62+s5+$0x0], $0xffff;
	v60 =	vunpack.i.l.bf16.f32 v63  }
0x192: {  	v62 =	vunpack.i.u.bf16.f32 v63;
	v9 =	vmul.f32 v60, v35;
	v10 =	vadd.f32 v58, v10  }
0x193: {  	v48 =	vld.idx.msk [tilespmem:v48+s5+$0x0], $0xffff;
	v43 =	vmul.f32 v61, v45;
	v11 =	vadd.f32 v42, v11;
	v42 =	vunpack.i.u.bf16.f32 v44  }
0x194: {  	v44 =	vmul.f32 v62, v35;
	v10 =	vadd.f32 v9, v10;
	v9 =	vunpack.i.l.bf16.f32 v52  }
0x195: {  	v63 =	vunpack.i.u.bf16.f32 v52;
	v47 =	vld.idx.msk [tilespmem:v50+s5+$0x0], $0xffff;
	v50 =	vor.u32 $0x4, v27;
	v52 =	vmul.f32 v9, v34  }
0x196: {  	v11 =	vadd.f32 v44, v11;
	v44 =	vmul.f32 v63, v34;
	v58 =	vunpack.i.l.bf16.f32 v46  }
0x197: {  	v63 =	vld.idx.msk [tilespmem:v49+s29+$0x0], $0xffff;
	v49 =	vadd.f32 v52, v10;
	v10 =	vunpack.i.u.bf16.f32 v46;
	v52 =	vmul.f32 v58, v33  }
0x198: {  	v60 =	vunpack.i.l.bf16.f32 v48;
	v11 =	vadd.f32 v44, v11;
	v58 =	vmul.f32 v10, v33  }
0x199: {  	v40 =	vadd.f32 v43, v40;
	v46 =	vadd.f32 v52, v49;
	v49 =	vor.u32 $0x5, v27  }
0x19a: {  	v62 =	vld.idx.msk [tilespmem:v53+s29+$0x0], $0xffff;
	v42 =	vmul.f32 v42, v45;
	v44 =	vor.u32 $0x3, v31;
	v43 =	vadd.f32 v58, v11  }
0x19b: {  	v4 =	vld.idx.msk [tilespmem:v4+s5+$0x0], $0xffff;
	v48 =	vunpack.i.u.bf16.f32 v48;
	v53 =	vor.u32 $0x7, v31;
	v46 =	vmul.f32 v46, v32  }
0x19c: {  	v41 =	vadd.f32 v42, v41;
	v48 =	vmul.f32 v48, v63;
	v58 =	vld.idx.msk [tilespmem:v51+s29+$0x0], $0xffff;
	v43 =	vmul.f32 v43, v32  }
0x19d: {  	v2 =	vmul.f32 v2, v55;
	v61 =	vmul.f32 v60, v63;
	v60 =	vor.u32 $0xF, v31;
	[tilespmem:v50+s9+$0x0] =	vst.idx.add.f32.msk $0xffff, v46  }
0x19e: {  	v3 =	vunpack.i.u.bf16.f32 v47;
	v41 =	vadd.f32 v48, v41;
	v48 =	vor.u32 $0x5, v25;
	[tilespmem:v49+s9+$0x0] =	vst.idx.add.f32.msk $0xffff, v43  }
0x19f: {  	v3 =	vmul.f32 v3, v62;
	v50 =	vunpack.i.l.bf16.f32 v47;
	v46 =	vor.u32 $0xB, v31;
	v42 =	vld.idx.msk [tilespmem:v44+s5+$0x0], $0xffff  }
0x1a0: {  	v6 =	vor.u32 $0x6, v25;
	v40 =	vadd.f32 v61, v40;
	v51 =	vmul.f32 v50, v62;
	v61 =	vld.idx.msk [tilespmem:v53+s5+$0x0], $0xffff  }
0x1a1: {  	[tilespmem:v30+s9+$0x0] =	vst.idx.add.f32.msk $0xffff, v2;
	v52 =	vunpack.i.l.bf16.f32 v4;
	v4 =	vunpack.i.u.bf16.f32 v4;
	v1 =	vadd.f32 v3, v41  }
0x1a2: {  	v43 =	vmul.f32 v52, v58;
	v44 =	vld.idx.msk [tilespmem:v60+s5+$0x0], $0xffff;
	v4 =	vmul.f32 v4, v58;
	v40 =	vadd.f32 v51, v40  }
0x1a3: {  	v10 =	vor.u32 $0x13, v26;
	v49 =	vor.u32 $0x3, v12;
	v51 =	vor.u32 $0x13, v31;
	[tilespmem:v48+s9+$0x0] =	vst.idx.add.f32.msk $0xffff, v0  }
0x1a4: {  	v48 =	vor.u32 $0x9, v26;
	v1 =	vadd.f32 v4, v1;
	v3 =	vadd.f32 v43, v40;
	v50 =	vld.idx.msk [tilespmem:v46+s5+$0x0], $0xffff  }
0x1a5: {  	v52 =	vunpack.i.u.bf16.f32 v42;
	v42 =	vunpack.i.l.bf16.f32 v42;
	v53 =	vunpack.i.l.bf16.f32 v61  }
0x1a6: {  	v60 =	vunpack.i.u.bf16.f32 v61;
	v61 =	vor.u32 $0x17, v31;
	v42 =	vmul.f32 v42, v16  }
0x1a7: {  	v4 =	vunpack.i.l.bf16.f32 v44;
	v16 =	vmul.f32 v52, v16;
	v43 =	vmul.f32 v53, v38  }
0x1a8: {  	v38 =	vmul.f32 v60, v38;
	v41 =	vld.idx.msk [tilespmem:v51+s5+$0x0], $0xffff;
	v52 =	vor.u32 $0x1B, v31;
	v31 =	vor.u32 $0x1F, v31  }
0x1a9: {  	v49 =	vld.idx.msk [tilespmem:v49+s5+$0x0], $0xffff;
	v42 =	vadd.f32 v43, v42;
	v47 =	vunpack.i.l.bf16.f32 v50;
	v40 =	vunpack.i.u.bf16.f32 v50  }
0x1aa: {  	v16 =	vadd.f32 v38, v16;
	v50 =	vld [tilespmem:s13+$0xFFFFFFF0];
	v43 =	vmul.f32 v47, v37;
	v37 =	vmul.f32 v40, v37  }
0x1ab: {  	v51 =	vunpack.i.u.bf16.f32 v44;
	v4 =	vmul.f32 v4, v24;
	v60 =	vor.u32 $0x5, v26;
	v46 =	vld.idx.msk [tilespmem:v61+s5+$0x0], $0xffff  }
0x1ac: {  	v40 =	vor.u32 $0xB, v12;
	v47 =	vor.u32 $0xF, v12;
	v37 =	vadd.f32 v37, v16;
	v16 =	vld [tilespmem:s14+$0xFFFFFFF0]  }
0x1ad: {  	v42 =	vadd.f32 v43, v42;
	v43 =	vmul.f32 v51, v24;
	v53 =	vunpack.i.l.bf16.f32 v41;
	v61 =	vld.idx.msk [tilespmem:v52+s5+$0x0], $0xffff  }
0x1ae: {  	v30 =	vunpack.i.u.bf16.f32 v41;
	v31 =	vld.idx.msk [tilespmem:v31+s5+$0x0], $0xffff;
	v52 =	vor.u32 $0x15, v26;
	v38 =	vmul.f32 v53, v36  }
0x1af: {  	v30 =	vmul.f32 v30, v36;
	v42 =	vadd.f32 v4, v42;
	v24 =	vshll.u32 v50, $0x3  }
0x1b0: {  	v53 =	vunpack.i.u.bf16.f32 v49;
	v4 =	vor.u32 $0x1, v26;
	v37 =	vadd.f32 v43, v37  }
0x1b1: {  	v2 =	vor.u32 $0x1, v24;
	v38 =	vadd.f32 v38, v42;
	v0 =	vunpack.i.l.bf16.f32 v46  }
0x1b2: {  	v30 =	vadd.f32 v30, v37;
	v37 =	vor.u32 $0x13, v12;
	v3 =	vmul.f32 v3, v16  }
0x1b3: {  	v1 =	vmul.f32 v1, v16;
	v41 =	vunpack.i.u.bf16.f32 v61;
	v51 =	vunpack.i.l.bf16.f32 v31  }
0x1b4: {  	v31 =	vunpack.i.u.bf16.f32 v31;
	[tilespmem:v24+s9+$0x0] =	vst.idx.add.f32.msk $0xffff, v3;
	v3 =	vunpack.i.u.bf16.f32 v46;
	v46 =	vmul.f32 v0, v35  }
0x1b5: {  	v31 =	vmul.f32 v31, v33;
	v0 =	vor.u32 $0x6, v23;
	v3 =	vmul.f32 v3, v35  }
0x1b6: {  	[tilespmem:v2+s9+$0x0] =	vst.idx.add.f32.msk $0xffff, v1;
	v1 =	vmul.f32 v29, v22;
	v2 =	vor.u32 $0x7, v23;
	v29 =	vadd.f32 v46, v38  }
0x1b7: {  	v23 =	vld.idx.msk [tilespmem:v4+s5+$0x0], $0xffff;
	v38 =	vunpack.i.l.bf16.f32 v49;
	v30 =	vadd.f32 v3, v30;
	v3 =	vunpack.i.l.bf16.f32 v61  }
0x1b8: {  	v36 =	vld.idx.msk [tilespmem:v60+s5+$0x0], $0xffff;
	v60 =	vor.u32 $0x19, v26;
	v38 =	vmul.f32 v38, v13;
	v50 =	vmul.f32 v3, v34  }
0x1b9: {  	v4 =	vor.u32 $0x1F, v12;
	v34 =	vmul.f32 v41, v34;
	v3 =	vmul.f32 v28, v22  }
0x1ba: {  	v22 =	vor.u32 $0xD, v26;
	v41 =	vmul.f32 v51, v33;
	v29 =	vadd.f32 v50, v29  }
0x1bb: {  	v39 =	vld.idx.msk [tilespmem:v39+s5+$0x0], $0xffff;
	v28 =	vor.u32 $0x11, v26;
	v33 =	vmul.f32 v53, v13;
	v30 =	vadd.f32 v34, v30  }
0x1bc: {  	v35 =	vld.idx.msk [tilespmem:v48+s5+$0x0], $0xffff;
	v50 =	vor.u32 $0x1D, v26;
	v13 =	vadd.f32 v41, v29;
	v29 =	vunpack.i.l.bf16.f32 v23  }
0x1bd: {  	v48 =	vld.idx.msk [tilespmem:v52+s5+$0x0], $0xffff;
	v30 =	vadd.f32 v31, v30;
	v31 =	vunpack.i.l.bf16.f32 v36;
	v23 =	vunpack.i.u.bf16.f32 v23  }
0x1be: {  	v36 =	vunpack.i.u.bf16.f32 v36;
	v41 =	vld.idx.msk [tilespmem:v60+s5+$0x0], $0xffff;
	v29 =	vmul.f32 v29, v5;
	v31 =	vmul.f32 v31, v57  }
0x1bf: {  	v60 =	vor.u32 $0x2, v24;
	v61 =	vld.idx.msk [tilespmem:v22+s5+$0x0], $0xffff;
	v23 =	vmul.f32 v23, v5;
	v44 =	vmul.f32 v36, v57  }
0x1c0: {  	v22 =	vmul.f32 v13, v32;
	v13 =	vld.idx.msk [tilespmem:v28+s5+$0x0], $0xffff;
	[tilespmem:$0x1FFC0] =	vst v6;
	v6 =	vor.u32 $0x7, v25;
	v28 =	vadd.f32 v31, v29  }
0x1c1: {  	v29 =	vunpack.i.l.bf16.f32 v35;
	v31 =	vunpack.i.u.bf16.f32 v35;
	v23 =	vadd.f32 v44, v23  }
0x1c2: {  	v46 =	vmul.f32 v29, v59;
	v29 =	vmul.f32 v30, v32;
	v32 =	vunpack.i.u.bf16.f32 v48  }
0x1c3: {  	v30 =	vor.u32 $0x17, v12;
	v31 =	vmul.f32 v31, v59;
	v25 =	vmul.f32 v32, v63  }
0x1c4: {  	v42 =	vunpack.i.u.bf16.f32 v41;
	v32 =	vor.u32 $0x1A, v26;
	v49 =	vunpack.i.l.bf16.f32 v61  }
0x1c5: {  	v28 =	vadd.f32 v46, v28;
	v51 =	vunpack.i.u.bf16.f32 v61;
	v34 =	vmul.f32 v49, v56  }
0x1c6: {  	v23 =	vadd.f32 v31, v23;
	v36 =	vmul.f32 v51, v56;
	v31 =	vunpack.i.l.bf16.f32 v13  }
0x1c7: {  	v13 =	vunpack.i.u.bf16.f32 v13;
	v31 =	vmul.f32 v31, v45;
	v28 =	vadd.f32 v34, v28  }
0x1c8: {  	v61 =	vunpack.i.l.bf16.f32 v41;
	v52 =	vmul.f32 v13, v45;
	v34 =	vor.u32 $0x1B, v12  }
0x1c9: {  	v23 =	vadd.f32 v36, v23;
	v12 =	vunpack.i.l.bf16.f32 v48;
	v28 =	vadd.f32 v31, v28;
	v31 =	vld.idx.msk [tilespmem:v50+s5+$0x0], $0xffff  }
0x1ca: {  	v46 =	vor.u32 $0x3, v24;
	v35 =	vmul.f32 v61, v62;
	v53 =	vmul.f32 v12, v63  }
0x1cb: {  	v36 =	vmul.f32 v42, v62;
	v48 =	vor.u32 $0xA, v26;
	[tilespmem:$0x1FFD0] =	vst v6;
	v23 =	vadd.f32 v52, v23  }
0x1cc: {  	v50 =	vor.u32 $0xE, v26;
	v52 =	vor.u32 $0x12, v26;
	v40 =	vld.idx.msk [tilespmem:v40+s5+$0x0], $0xffff;
	v28 =	vadd.f32 v53, v28  }
0x1cd: {  	v23 =	vadd.f32 v25, v23;
	v25 =	vunpack.i.u.bf16.f32 v39;
	v39 =	vunpack.i.l.bf16.f32 v39  }
0x1ce: {  	v44 =	vld.idx.msk [tilespmem:v47+s5+$0x0], $0xffff;
	v47 =	vor.u32 $0x6, v26;
	v39 =	vmul.f32 v39, v15;
	v43 =	vunpack.i.l.bf16.f32 v31  }
0x1cf: {  	v28 =	vadd.f32 v35, v28;
	v31 =	vunpack.i.u.bf16.f32 v31;
	v35 =	vmul.f32 v43, v58  }
0x1d0: {  	v15 =	vmul.f32 v25, v15;
	v23 =	vadd.f32 v36, v23;
	v31 =	vmul.f32 v31, v58  }
0x1d1: {  	v38 =	vadd.f32 v39, v38;
	v49 =	vunpack.i.l.bf16.f32 v40;
	v28 =	vadd.f32 v35, v28  }
0x1d2: {  	v40 =	vunpack.i.u.bf16.f32 v40;
	v23 =	vadd.f32 v31, v23;
	v31 =	vld.idx.msk [tilespmem:v37+s5+$0x0], $0xffff;
	v37 =	vmul.f32 v49, v14  }
0x1d3: {  	v15 =	vadd.f32 v15, v33;
	v14 =	vmul.f32 v40, v14;
	v28 =	vmul.f32 v28, v16  }
0x1d4: {  	v30 =	vld.idx.msk [tilespmem:v30+s5+$0x0], $0xffff;
	v25 =	vor.u32 $0x2, v26;
	v49 =	vor.u32 $0xB, v26;
	v23 =	vmul.f32 v23, v16  }
0x1d5: {  	v51 =	vadd.f32 v37, v38;
	v14 =	vadd.f32 v14, v15;
	[tilespmem:v60+s9+$0x0] =	vst.idx.add.f32.msk $0xffff, v28;
	v28 =	vunpack.i.l.bf16.f32 v44  }
0x1d6: {  	v15 =	vor.u32 $0x16, v26;
	v28 =	vmul.f32 v28, v18;
	[tilespmem:v46+s9+$0x0] =	vst.idx.add.f32.msk $0xffff, v23;
	v23 =	vunpack.i.u.bf16.f32 v44  }
0x1d7: {  	v34 =	vld.idx.msk [tilespmem:v34+s5+$0x0], $0xffff;
	v60 =	vor.u32 $0x4, v24;
	v18 =	vmul.f32 v23, v18;
	v23 =	vunpack.i.l.bf16.f32 v31  }
0x1d8: {  	v31 =	vunpack.i.u.bf16.f32 v31;
	v28 =	vadd.f32 v28, v51;
	v23 =	vmul.f32 v23, v20  }
0x1d9: {  	v44 =	vor.u32 $0x5, v24;
	v25 =	vld.idx.msk [tilespmem:v25+s5+$0x0], $0xffff;
	v20 =	vmul.f32 v31, v20;
	v14 =	vadd.f32 v18, v14  }
0x1da: {  	v31 =	vor.u32 $0x1E, v26;
	v51 =	vor.u32 $0x7, v26;
	v18 =	vld.idx.msk [tilespmem:v47+s5+$0x0], $0xffff;
	v23 =	vadd.f32 v23, v28  }
0x1db: {  	v28 =	vunpack.i.l.bf16.f32 v30;
	v30 =	vunpack.i.u.bf16.f32 v30;
	v14 =	vadd.f32 v20, v14  }
0x1dc: {  	v20 =	vmul.f32 v28, v17;
	v17 =	vmul.f32 v30, v17;
	v28 =	vunpack.i.u.bf16.f32 v34;
	v30 =	vld.idx.msk [tilespmem:v48+s5+$0x0], $0xffff  }
0x1dd: {  	v47 =	vor.u32 $0x3, v26;
	v34 =	vunpack.i.l.bf16.f32 v34;
	v35 =	vmul.f32 v28, v19  }
0x1de: {  	v19 =	vmul.f32 v34, v19;
	v28 =	vunpack.i.l.bf16.f32 v25;
	v20 =	vadd.f32 v20, v23;
	v23 =	vld.idx.msk [tilespmem:v50+s5+$0x0], $0xffff  }
0x1df: {  	v25 =	vunpack.i.u.bf16.f32 v25;
	v28 =	vmul.f32 v28, v5;
	v53 =	vunpack.i.l.bf16.f32 v18  }
0x1e0: {  	v61 =	vld.idx.msk [tilespmem:v52+s5+$0x0], $0xffff;
	v36 =	vadd.f32 v17, v14;
	v14 =	vunpack.i.u.bf16.f32 v18;
	v33 =	vmul.f32 v53, v57  }
0x1e1: {  	v17 =	vmul.f32 v25, v5;
	v14 =	vmul.f32 v14, v57;
	v18 =	vunpack.i.l.bf16.f32 v30  }
0x1e2: {  	v25 =	vadd.f32 v33, v28;
	v28 =	vunpack.i.u.bf16.f32 v30;
	v18 =	vmul.f32 v18, v59  }
0x1e3: {  	v30 =	vld.idx.msk [tilespmem:v15+s5+$0x0], $0xffff;
	v14 =	vadd.f32 v14, v17;
	v15 =	vmul.f32 v28, v59;
	v17 =	vunpack.i.l.bf16.f32 v23  }
0x1e4: {  	v23 =	vunpack.i.u.bf16.f32 v23;
	v18 =	vadd.f32 v18, v25;
	v17 =	vmul.f32 v17, v56  }
0x1e5: {  	v23 =	vmul.f32 v23, v56;
	v14 =	vadd.f32 v15, v14;
	v15 =	vunpack.i.l.bf16.f32 v61  }
0x1e6: {  	v42 =	vmovc v5;
	v5 =	vor.u32 $0xF, v26;
	v25 =	vld.idx.msk [tilespmem:v32+s5+$0x0], $0xffff;
	v17 =	vadd.f32 v17, v18;
	v18 =	vmul.f32 v15, v45  }
0x1e7: {  	[tilespmem:v0+s9+$0x0] =	vst.idx.add.f32.msk $0xffff, v1;
	v1 =	vadd.f32 v35, v36;
	v23 =	vadd.f32 v23, v14;
	v14 =	vunpack.i.u.bf16.f32 v61  }
0x1e8: {  	v61 =	vld.idx.msk [tilespmem:v4+s5+$0x0], $0xffff;
	v18 =	vadd.f32 v18, v17;
	v17 =	vunpack.i.l.bf16.f32 v30;
	v28 =	vmul.f32 v14, v45  }
0x1e9: {  	v30 =	vunpack.i.u.bf16.f32 v30;
	v14 =	vadd.f32 v19, v20;
	v20 =	vld.idx.msk [tilespmem:v31+s5+$0x0], $0xffff;
	v31 =	vor.u32 $0x7, v27  }
0x1ea: {  	v53 =	vmul.f32 v17, v63;
	v19 =	vmul.f32 v30, v63;
	v30 =	vor.u32 $0x6, v27  }
0x1eb: {  	v23 =	vadd.f32 v28, v23;
	v28 =	vunpack.i.l.bf16.f32 v25;
	v25 =	vunpack.i.u.bf16.f32 v25  }
0x1ec: {  	v18 =	vadd.f32 v53, v18;
	v27 =	vmul.f32 v28, v62;
	v25 =	vmul.f32 v25, v62  }
0x1ed: {  	v28 =	vor.u32 $0x1F, v26;
	v19 =	vadd.f32 v19, v23;
	v23 =	vor.u32 $0x17, v26  }
0x1ee: {  	v0 =	vunpack.i.u.bf16.f32 v61;
	v18 =	vadd.f32 v27, v18;
	v27 =	vor.u32 $0x1B, v26  }
0x1ef: {  	[tilespmem:v2+s9+$0x0] =	vst.idx.add.f32.msk $0xffff, v3;
	v26 =	vunpack.i.l.bf16.f32 v61;
	v2 =	vunpack.i.u.bf16.f32 v20;
	v0 =	vmul.f32 v0, v21  }
0x1f0: {  	v3 =	vadd.f32 v25, v19;
	[tilespmem:v30+s9+$0x0] =	vst.idx.add.f32.msk $0xffff, v22;
	v19 =	vunpack.i.l.bf16.f32 v20;
	v2 =	vmul.f32 v2, v58  }
0x1f1: {  	s16 =	simm.s32 $0x15BD0;
	s15 =	simm.s32 $0x2;
	v50 =	vor.u32 $0x6, v24;
	v20 =	vmul.f32 v26, v21;
	[tilespmem:v31+s9+$0x0] =	vst.idx.add.f32.msk $0xffff, v29;
	v22 =	vmul.f32 v19, v58  }
.LBB2_9:
0x1f2: {  	v19 =	vld [tilespmem:s16+$0x0]  }
0x1f3: {  	s12 =	sadd.s32 $0x20, s12;
	v18 =	vadd.f32 v22, v18  }
0x1f4: {  	v2 =	vadd.f32 v2, v3;
	v3 =	vadd.f32 v20, v14;
	v14 =	vmov s12  }
0x1f5: {  	v0 =	vadd.f32 v0, v1;
	v14 =	vshll.u32 v14, $0x3;
	v18 =	vmul.f32 v18, v16  }
0x1f6: {  	v1 =	vld [tilespmem:s16+$0xFFFFFFF0];
	v2 =	vmul.f32 v2, v16;
	v21 =	vor.u32 v54, v14  }
0x1f7: {  	[tilespmem:v60+s9+$0x0] =	vst.idx.add.f32.msk $0xffff, v18;
	v26 =	vshll.u32 v19, $0x5  }
0x1f8: {  	s19 =	sadd.s32 $0xFFFFFFF0, s12;
	v32 =	vor.u32 $0x1, v21;
	[tilespmem:v44+s9+$0x0] =	vst.idx.add.f32.msk $0xffff, v2  }
0x1f9: {  	[tilespmem:$0x1FF90] =	vst v58;
	v6 =	vmov s19;
	v58 =	vmul.f32 v0, v55;
	v0 =	vmovc v16;
	v36 =	vor.u32 $0x2, v21;
	v33 =	vld.idx.msk [tilespmem:v47+s5+$0x0], $0xffff  }
0x1fa: {  	v4 =	vshll.u32 v6, $0x3;
	[tilespmem:$0x1FF60] =	vst v0;
	v0 =	vor.u32 $0x4, v26;
	v35 =	vld.idx.msk [tilespmem:v51+s5+$0x0], $0xffff  }
0x1fb: {  	v43 =	vmul.f32 v3, v55;
	v20 =	vor.u32 v54, v4;
	v34 =	vor.u32 $0x8, v26;
	v30 =	vld.idx.msk [tilespmem:v21+s29+$0x0], $0xffff  }
0x1fc: {  	v22 =	vor.u32 $0x1, v20;
	v52 =	vor.u32 $0x3, v20;
	v41 =	vor.u32 $0x3, v21;
	v39 =	vld.idx.msk [tilespmem:v26+s5+$0x0], $0xffff  }
0x1fd: {  	v25 =	vor.u32 $0x4, v20;
	v16 =	vor.u32 $0x5, v20;
	v40 =	vor.u32 $0xC, v26;
	v37 =	vld.idx.msk [tilespmem:v32+s29+$0x0], $0xffff  }
0x1fe: {  	v53 =	vor.u32 $0x4, v21;
	v55 =	vor.u32 $0x5, v21;
	v32 =	vor.u32 $0x10, v26;
	v38 =	vld.idx.msk [tilespmem:v36+s29+$0x0], $0xffff  }
0x1ff: {  	[tilespmem:$0x1FF50] =	vst v56;
	v56 =	vor.u32 $0x7, v21;
	v14 =	vshll.u32 v1, $0x5;
	v2 =	vor.u32 $0x6, v20;
	v48 =	vld.idx.msk [tilespmem:v0+s5+$0x0], $0xffff  }
0x200: {  	[tilespmem:$0x1FF00] =	vst v57;
	v57 =	vor.u32 $0x1C, v26;
	v31 =	vor.u32 $0x4, v14;
	v36 =	vor.u32 $0x14, v26;
	v54 =	vld.idx.msk [tilespmem:v34+s5+$0x0], $0xffff  }
0x201: {  	v44 =	vor.u32 $0x8, v14;
	v47 =	vor.u32 $0x2, v20;
	v34 =	vld.idx.msk [tilespmem:v41+s29+$0x0], $0xffff;
	v41 =	vor.u32 $0x18, v26  }
0x202: {  	v51 =	vor.u32 $0xC, v14;
	v29 =	vor.u32 $0x10, v14;
	v4 =	vor.u32 $0x9, v14;
	v40 =	vld.idx.msk [tilespmem:v40+s5+$0x0], $0xffff  }
0x203: {  	v19 =	vor.u32 $0x14, v14;
	[tilespmem:$0x1FEF0] =	vst v4;
	v4 =	vor.u32 $0xD, v14;
	v21 =	vor.u32 $0x6, v21;
	v61 =	vld.idx.msk [tilespmem:v32+s5+$0x0], $0xffff  }
0x204: {  	[tilespmem:$0x1FF40] =	vst v59;
	v59 =	vunpack.i.u.bf16.f32 v39;
	v39 =	vunpack.i.l.bf16.f32 v39;
	v32 =	vld.idx.msk [tilespmem:v53+s29+$0x0], $0xffff;
	v60 =	vunpack.i.l.bf16.f32 v48  }
0x205: {  	[tilespmem:$0x1FF80] =	vst v62;
	v62 =	vld.idx.msk [tilespmem:v36+s5+$0x0], $0xffff;
	v39 =	vmul.f32 v39, v30;
	v48 =	vunpack.i.u.bf16.f32 v48;
	v59 =	vmul.f32 v59, v30  }
0x206: {  	[tilespmem:$0x1FF70] =	vst v63;
	v63 =	vunpack.i.u.bf16.f32 v54;
	v41 =	vld.idx.msk [tilespmem:v41+s5+$0x0], $0xffff;
	v53 =	vmul.f32 v60, v37;
	v48 =	vmul.f32 v48, v37  }
0x207: {  	v36 =	vld.idx.msk [tilespmem:v55+s29+$0x0], $0xffff;
	v60 =	vunpack.i.l.bf16.f32 v54;
	v55 =	vmul.f32 v63, v38;
	v63 =	vunpack.i.l.bf16.f32 v40  }
0x208: {  	v40 =	vunpack.i.u.bf16.f32 v40;
	v60 =	vmul.f32 v60, v38;
	v53 =	vadd.f32 v53, v39  }
0x209: {  	v0 =	vor.u32 $0x7, v20;
	v31 =	vld.idx.msk [tilespmem:v31+s5+$0x0], $0xffff;
	v54 =	vmul.f32 v40, v34;
	v48 =	vadd.f32 v48, v59  }
0x20a: {  	v39 =	vld.idx.msk [tilespmem:v21+s29+$0x0], $0xffff;
	v21 =	vadd.f32 v60, v53;
	v60 =	vmul.f32 v63, v34;
	v63 =	vunpack.i.l.bf16.f32 v61  }
0x20b: {  	v59 =	vld.idx.msk [tilespmem:v57+s5+$0x0], $0xffff;
	v48 =	vadd.f32 v55, v48;
	v55 =	vmul.f32 v63, v32;
	v63 =	vunpack.i.l.bf16.f32 v41  }
0x20c: {  	v40 =	vld.idx.msk [tilespmem:v56+s29+$0x0], $0xffff;
	v21 =	vadd.f32 v60, v21;
	v60 =	vunpack.i.u.bf16.f32 v61;
	v61 =	vunpack.i.l.bf16.f32 v62  }
0x20d: {  	s13 =	sadd.s32 $0x20, s13;
	v44 =	vld.idx.msk [tilespmem:v44+s5+$0x0], $0xffff;
	v48 =	vadd.f32 v54, v48;
	v53 =	vmul.f32 v60, v32;
	v54 =	vmul.f32 v61, v36  }
0x20e: {  	v56 =	vld [tilespmem:s13+$0x0];
	v61 =	vunpack.i.u.bf16.f32 v41;
	v55 =	vadd.f32 v55, v21;
	v21 =	vunpack.i.u.bf16.f32 v62  }
0x20f: {  	v60 =	vld.idx.msk [tilespmem:v14+s5+$0x0], $0xffff;
	v62 =	vmul.f32 v63, v39;
	v48 =	vadd.f32 v53, v48;
	v53 =	vmul.f32 v21, v36  }
0x210: {  	s14 =	sadd.s32 $0x20, s14;
	v63 =	vmul.f32 v61, v39;
	v61 =	vunpack.i.l.bf16.f32 v59;
	v21 =	vld.idx.msk [tilespmem:v22+s29+$0x0], $0xffff;
	v22 =	vadd.f32 v54, v55  }
0x211: {  	v41 =	vld [tilespmem:s14+$0x0];
	v54 =	vmul.f32 v61, v40;
	v55 =	vor.u32 $0x1, v26;
	v48 =	vadd.f32 v53, v48  }
0x212: {  	v57 =	vld.idx.msk [tilespmem:v20+s29+$0x0], $0xffff;
	v20 =	vadd.f32 v62, v22;
	v22 =	vunpack.i.u.bf16.f32 v59;
	v59 =	vor.u32 $0x5, v26  }
0x213: {  	v51 =	vld.idx.msk [tilespmem:v51+s5+$0x0], $0xffff;
	v53 =	vadd.f32 v63, v48;
	v62 =	vmul.f32 v22, v40;
	v48 =	vshll.u32 v56, $0x3  }
0x214: {  	v22 =	vld.idx.msk [tilespmem:v47+s29+$0x0], $0xffff;
	v47 =	vunpack.i.u.bf16.f32 v31;
	v54 =	vadd.f32 v54, v20;
	v56 =	vor.u32 $0x1, v48  }
0x215: {  	v31 =	vunpack.i.l.bf16.f32 v31;
	v20 =	vld.idx.msk [tilespmem:v52+s29+$0x0], $0xffff;
	v52 =	vunpack.i.u.bf16.f32 v60;
	v53 =	vadd.f32 v62, v53  }
0x216: {  	v60 =	vunpack.i.l.bf16.f32 v60;
	v31 =	vmul.f32 v31, v21;
	v54 =	vmul.f32 v54, v41  }
0x217: {  	v29 =	vld.idx.msk [tilespmem:v29+s5+$0x0], $0xffff;
	v61 =	vunpack.i.u.bf16.f32 v44;
	v60 =	vmul.f32 v60, v57;
	v53 =	vmul.f32 v53, v41  }
0x218: {  	v47 =	vmul.f32 v47, v21;
	v52 =	vmul.f32 v52, v57;
	[tilespmem:v48+s9+$0x0] =	vst.idx.add.f32.msk $0xffff, v54;
	v54 =	vor.u32 $0x9, v26  }
0x219: {  	v44 =	vunpack.i.l.bf16.f32 v44;
	v63 =	vunpack.i.l.bf16.f32 v51;
	v31 =	vadd.f32 v31, v60;
	[tilespmem:v56+s9+$0x0] =	vst.idx.add.f32.msk $0xffff, v53  }
0x21a: {  	v47 =	vadd.f32 v47, v52;
	v44 =	vmul.f32 v44, v22;
	v53 =	vld.idx.msk [tilespmem:v55+s5+$0x0], $0xffff;
	v55 =	vor.u32 $0xD, v26  }
0x21b: {  	v52 =	vmul.f32 v61, v22;
	v56 =	vunpack.i.u.bf16.f32 v51;
	v51 =	vor.u32 $0x11, v26;
	v61 =	vld.idx.msk [tilespmem:v59+s5+$0x0], $0xffff  }
0x21c: {  	v3 =	vor.u32 $0x18, v14;
	[tilespmem:$0x1FF10] =	vst v4;
	v4 =	vor.u32 $0x15, v14;
	v12 =	vld.idx.msk [tilespmem:v19+s5+$0x0], $0xffff;
	v19 =	vor.u32 $0x15, v26  }
0x21d: {  	v62 =	vunpack.i.u.bf16.f32 v29;
	v31 =	vadd.f32 v44, v31;
	v44 =	vmul.f32 v63, v20;
	v54 =	vld.idx.msk [tilespmem:v54+s5+$0x0], $0xffff  }
0x21e: {  	v47 =	vadd.f32 v52, v47;
	v59 =	vmul.f32 v56, v20;
	v63 =	vunpack.i.l.bf16.f32 v29;
	v29 =	vld.idx.msk [tilespmem:v16+s29+$0x0], $0xffff  }
0x21f: {  	v16 =	vor.u32 $0x19, v26;
	v44 =	vadd.f32 v44, v31;
	v52 =	vld.idx.msk [tilespmem:v55+s5+$0x0], $0xffff;
	v55 =	vor.u32 $0x1D, v26  }
0x220: {  	v51 =	vld.idx.msk [tilespmem:v51+s5+$0x0], $0xffff;
	v31 =	vunpack.i.u.bf16.f32 v53;
	v53 =	vunpack.i.l.bf16.f32 v53;
	v56 =	vunpack.i.l.bf16.f32 v61  }
0x221: {  	v1 =	vld.idx.msk [tilespmem:v49+s5+$0x0], $0xffff;
	v61 =	vunpack.i.u.bf16.f32 v61;
	v53 =	vmul.f32 v53, v30;
	v56 =	vmul.f32 v56, v37  }
0x222: {  	[tilespmem:$0x1FF20] =	vst v4;
	v4 =	vld.idx.msk [tilespmem:v19+s5+$0x0], $0xffff;
	v13 =	vmul.f32 v31, v30;
	v61 =	vmul.f32 v61, v37;
	v11 =	vunpack.i.l.bf16.f32 v54  }
0x223: {  	v31 =	vld.idx.msk [tilespmem:v2+s29+$0x0], $0xffff;
	v2 =	vadd.f32 v56, v53;
	v19 =	vunpack.i.u.bf16.f32 v54;
	v11 =	vmul.f32 v11, v38  }
0x224: {  	v25 =	vld.idx.msk [tilespmem:v25+s29+$0x0], $0xffff;
	v13 =	vadd.f32 v61, v13;
	v19 =	vmul.f32 v19, v38;
	v60 =	vunpack.i.l.bf16.f32 v52  }
0x225: {  	v54 =	vld.idx.msk [tilespmem:v16+s5+$0x0], $0xffff;
	v61 =	vunpack.i.l.bf16.f32 v51;
	v2 =	vadd.f32 v11, v2;
	v16 =	vmul.f32 v60, v34  }
0x226: {  	[tilespmem:$0x1FF30] =	vst v1;
	v1 =	vor.u32 $0x1C, v14;
	v3 =	vld.idx.msk [tilespmem:v3+s5+$0x0], $0xffff;
	v56 =	vmul.f32 v61, v32  }
0x227: {  	v11 =	vunpack.i.u.bf16.f32 v52;
	v13 =	vadd.f32 v19, v13;
	v19 =	vld.idx.msk [tilespmem:v0+s29+$0x0], $0xffff;
	v0 =	vadd.f32 v16, v2  }
0x228: {  	v53 =	vld.idx.msk [tilespmem:v55+s5+$0x0], $0xffff;
	v11 =	vmul.f32 v11, v34  }
0x229: {  	v2 =	vunpack.i.u.bf16.f32 v51;
	v0 =	vadd.f32 v56, v0;
	v56 =	vld.idx.msk [tilespmem:v5+s5+$0x0], $0xffff  }
0x22a: {  	v11 =	vadd.f32 v11, v13;
	v2 =	vmul.f32 v2, v32;
	v13 =	vunpack.i.l.bf16.f32 v4;
	v5 =	vld [tilespmem:$0x1FFC0]  }
0x22b: {  	v1 =	vld.idx.msk [tilespmem:v1+s5+$0x0], $0xffff;
	v17 =	vmul.f32 v62, v25;
	v4 =	vunpack.i.u.bf16.f32 v4;
	v13 =	vmul.f32 v13, v36  }
0x22c: {  	v61 =	vld [tilespmem:s13+$0xFFFFFFF0];
	v4 =	vmul.f32 v4, v36;
	v2 =	vadd.f32 v2, v11;
	v11 =	vunpack.i.l.bf16.f32 v54  }
0x22d: {  	v55 =	vld.idx.msk [tilespmem:v10+s5+$0x0], $0xffff;
	v0 =	vadd.f32 v13, v0;
	v13 =	vunpack.i.u.bf16.f32 v54;
	v11 =	vmul.f32 v11, v39  }
0x22e: {  	v52 =	vld.idx.msk [tilespmem:v28+s5+$0x0], $0xffff;
	v2 =	vadd.f32 v4, v2;
	v4 =	vmul.f32 v13, v39;
	v13 =	vunpack.i.l.bf16.f32 v53  }
0x22f: {  	v16 =	vld [tilespmem:s14+$0xFFFFFFF0];
	v0 =	vadd.f32 v11, v0;
	v11 =	vunpack.i.u.bf16.f32 v53;
	v13 =	vmul.f32 v13, v40  }
0x230: {  	v54 =	vld.idx.msk [tilespmem:v23+s5+$0x0], $0xffff;
	v2 =	vadd.f32 v4, v2;
	v4 =	vmul.f32 v11, v40;
	v11 =	vor.u32 $0x2, v48  }
0x231: {  	v15 =	vmul.f32 v63, v25;
	v53 =	vld.idx.msk [tilespmem:v27+s5+$0x0], $0xffff;
	v0 =	vadd.f32 v13, v0;
	v13 =	vor.u32 $0x3, v48  }
0x232: {  	v47 =	vadd.f32 v59, v47;
	v2 =	vadd.f32 v4, v2;
	v4 =	vor.u32 $0x2, v26;
	[tilespmem:v5+s9+$0x0] =	vst.idx.add.f32.msk $0xffff, v43  }
0x233: {  	v15 =	vadd.f32 v15, v44;
	v27 =	vor.u32 $0x6, v26;
	v5 =	vld [tilespmem:$0x1FFD0];
	v0 =	vmul.f32 v0, v41  }
0x234: {  	v23 =	vunpack.i.u.bf16.f32 v12;
	v12 =	vunpack.i.l.bf16.f32 v12;
	v2 =	vmul.f32 v2, v41  }
0x235: {  	v17 =	vadd.f32 v17, v47;
	v12 =	vmul.f32 v12, v29;
	[tilespmem:v11+s9+$0x0] =	vst.idx.add.f32.msk $0xffff, v0;
	v0 =	vor.u32 $0xA, v26  }
0x236: {  	v11 =	vmul.f32 v23, v29;
	v23 =	vunpack.i.u.bf16.f32 v3;
	v3 =	vunpack.i.l.bf16.f32 v3;
	[tilespmem:v13+s9+$0x0] =	vst.idx.add.f32.msk $0xffff, v2  }
0x237: {  	v2 =	vadd.f32 v12, v15;
	v3 =	vmul.f32 v3, v31;
	v12 =	vor.u32 $0xE, v26;
	v4 =	vld.idx.msk [tilespmem:v4+s5+$0x0], $0xffff  }
0x238: {  	v13 =	vmul.f32 v23, v31;
	v15 =	vunpack.i.u.bf16.f32 v1;
	v11 =	vadd.f32 v11, v17;
	v17 =	vld.idx.msk [tilespmem:v27+s5+$0x0], $0xffff  }
0x239: {  	v1 =	vunpack.i.l.bf16.f32 v1;
	v2 =	vadd.f32 v3, v2;
	v3 =	vor.u32 $0x12, v26  }
0x23a: {  	v1 =	vmul.f32 v1, v19;
	v11 =	vadd.f32 v13, v11;
	v13 =	vmul.f32 v15, v19;
	v0 =	vld.idx.msk [tilespmem:v0+s5+$0x0], $0xffff  }
0x23b: {  	v24 =	vor.u32 $0x7, v24;
	v28 =	vor.u32 $0x1E, v26;
	v15 =	vor.u32 $0x16, v26;
	[tilespmem:v5+s9+$0x0] =	vst.idx.add.f32.msk $0xffff, v58  }
0x23c: {  	v1 =	vadd.f32 v1, v2;
	v5 =	vmovc v24;
	v2 =	vadd.f32 v13, v11;
	v12 =	vld.idx.msk [tilespmem:v12+s5+$0x0], $0xffff;
	v13 =	vor.u32 $0x1A, v26  }
0x23d: {  	v62 =	vunpack.i.u.bf16.f32 v4;
	v4 =	vunpack.i.l.bf16.f32 v4;
	v63 =	vunpack.i.l.bf16.f32 v17  }
0x23e: {  	v17 =	vunpack.i.u.bf16.f32 v17;
	v3 =	vld.idx.msk [tilespmem:v3+s5+$0x0], $0xffff;
	v4 =	vmul.f32 v4, v30;
	v44 =	vmul.f32 v63, v37  }
0x23f: {  	[tilespmem:$0x1FFD0] =	vst v5;
	v43 =	vmul.f32 v62, v30;
	v17 =	vmul.f32 v17, v37;
	v5 =	vmovc v50;
	v50 =	vunpack.i.l.bf16.f32 v0  }
0x240: {  	v15 =	vld.idx.msk [tilespmem:v15+s5+$0x0], $0xffff;
	v4 =	vadd.f32 v44, v4;
	v0 =	vunpack.i.u.bf16.f32 v0;
	v51 =	vmul.f32 v50, v38  }
0x241: {  	v17 =	vadd.f32 v17, v43;
	v0 =	vmul.f32 v0, v38;
	v58 =	vunpack.i.l.bf16.f32 v12  }
0x242: {  	v13 =	vld.idx.msk [tilespmem:v13+s5+$0x0], $0xffff;
	v12 =	vunpack.i.u.bf16.f32 v12;
	v43 =	vmul.f32 v58, v34;
	v4 =	vadd.f32 v51, v4  }
0x243: {  	v12 =	vmul.f32 v12, v34;
	v0 =	vadd.f32 v0, v17;
	v17 =	vunpack.i.l.bf16.f32 v3  }
0x244: {  	v3 =	vunpack.i.u.bf16.f32 v3;
	v17 =	vmul.f32 v17, v32;
	v4 =	vadd.f32 v43, v4  }
0x245: {  	v28 =	vld.idx.msk [tilespmem:v28+s5+$0x0], $0xffff;
	v3 =	vmul.f32 v3, v32;
	v0 =	vadd.f32 v12, v0;
	v12 =	vunpack.i.l.bf16.f32 v15  }
0x246: {  	v15 =	vunpack.i.u.bf16.f32 v15;
	v12 =	vmul.f32 v12, v36;
	v4 =	vadd.f32 v17, v4  }
0x247: {  	v0 =	vadd.f32 v3, v0;
	v3 =	vmul.f32 v15, v36;
	v15 =	vunpack.i.l.bf16.f32 v13  }
0x248: {  	v4 =	vadd.f32 v12, v4;
	v12 =	vunpack.i.u.bf16.f32 v13;
	v13 =	vmul.f32 v15, v39  }
0x249: {  	v24 =	vshll.u32 v61, $0x3;
	v0 =	vadd.f32 v3, v0;
	v3 =	vmul.f32 v12, v39  }
0x24a: {  	v11 =	vor.u32 $0x1, v24;
	v4 =	vadd.f32 v13, v4;
	v13 =	vunpack.i.u.bf16.f32 v28  }
0x24b: {  	v0 =	vadd.f32 v3, v0;
	v3 =	vmul.f32 v13, v40  }
0x24c: {  	v1 =	vmul.f32 v1, v16  }
0x24d: {  	v2 =	vmul.f32 v2, v16;
	v0 =	vadd.f32 v3, v0  }
0x24e: {  	v46 =	vor.u32 $0x5, v14;
	[tilespmem:v24+s9+$0x0] =	vst.idx.add.f32.msk $0xffff, v1;
	v12 =	vunpack.i.l.bf16.f32 v28  }
0x24f: {  	[tilespmem:v11+s9+$0x0] =	vst.idx.add.f32.msk $0xffff, v2;
	v12 =	vmul.f32 v12, v40;
	v11 =	vmul.f32 v0, v41;
	v0 =	vor.u32 $0xF, v14  }
0x250: {  	v13 =	vor.u32 $0x4, v48;
	[tilespmem:$0x1FFB0] =	vst v0;
	v0 =	vor.u32 $0x13, v14  }
0x251: {  	v4 =	vadd.f32 v12, v4;
	v12 =	vor.u32 $0x5, v48;
	[tilespmem:$0x1FFA0] =	vst v0;
	v0 =	vld [tilespmem:$0x1FEF0]  }
0x252: {  	v15 =	vor.u32 $0x3, v26  }
0x253: {  	v17 =	vor.u32 $0x7, v26;
	v4 =	vmul.f32 v4, v41  }
0x254: {  	[tilespmem:$0x1FFC0] =	vst v5;
	v5 =	vmov v45;
	v45 =	vld.idx.msk [tilespmem:v46+s5+$0x0], $0xffff  }
0x255: {  	[tilespmem:v13+s9+$0x0] =	vst.idx.add.f32.msk $0xffff, v4  }
0x256: {  	[tilespmem:v12+s9+$0x0] =	vst.idx.add.f32.msk $0xffff, v11  }
0x257: {  	v4 =	vor.u32 $0xB, v26;
	v11 =	vld.idx.msk [tilespmem:v15+s5+$0x0], $0xffff  }
0x258: {  	v8 =	vunpack.i.u.bf16.f32 v33;
	v33 =	vunpack.i.l.bf16.f32 v33;
	v10 =	vunpack.i.l.bf16.f32 v35;
	v13 =	vld.idx.msk [tilespmem:v17+s5+$0x0], $0xffff  }
0x259: {  	v46 =	vunpack.i.u.bf16.f32 v35;
	v35 =	vmul.f32 v33, v42;
	v33 =	vmul.f32 v8, v42;
	v8 =	vld.idx.msk [tilespmem:v0+s5+$0x0], $0xffff  }
0x25a: {  	v12 =	vor.u32 $0xF, v26;
	v0 =	vld [tilespmem:$0x1FF00];
	_ =	sdelay $0x1  }
0x25b: {  	v7 =	vor.u32 $0x13, v26;
	v4 =	vld.idx.msk [tilespmem:v4+s5+$0x0], $0xffff  }
0x25c: {  	v9 =	vor.u32 $0x17, v26;
	v42 =	vor.u32 $0x1B, v26;
	v15 =	vunpack.i.l.bf16.f32 v13  }
0x25d: {  	v43 =	vmovc v57;
	v57 =	vor.u32 $0x1F, v26;
	v13 =	vunpack.i.u.bf16.f32 v13;
	v15 =	vmul.f32 v15, v37  }
0x25e: {  	v12 =	vld.idx.msk [tilespmem:v12+s5+$0x0], $0xffff;
	v26 =	vmul.f32 v10, v0;
	v10 =	vunpack.i.u.bf16.f32 v11;
	v11 =	vunpack.i.l.bf16.f32 v11  }
0x25f: {  	v49 =	vor.u32 $0x1, v14;
	v13 =	vmul.f32 v13, v37;
	v11 =	vmul.f32 v11, v30  }
0x260: {  	v7 =	vld.idx.msk [tilespmem:v7+s5+$0x0], $0xffff;
	v10 =	vmul.f32 v10, v30;
	v30 =	vunpack.i.l.bf16.f32 v4;
	v4 =	vunpack.i.u.bf16.f32 v4  }
0x261: {  	v4 =	vmul.f32 v4, v38  }
0x262: {  	v9 =	vld.idx.msk [tilespmem:v9+s5+$0x0], $0xffff;
	v11 =	vadd.f32 v15, v11;
	v15 =	vmul.f32 v30, v38;
	v10 =	vadd.f32 v13, v10  }
0x263: {  	v59 =	vor.u32 $0x11, v14;
	v13 =	vunpack.i.l.bf16.f32 v12;
	v12 =	vunpack.i.u.bf16.f32 v12  }
0x264: {  	v6 =	vld.idx.msk [tilespmem:v49+s5+$0x0], $0xffff;
	v13 =	vmul.f32 v13, v34;
	v11 =	vadd.f32 v15, v11;
	v4 =	vadd.f32 v4, v10  }
0x265: {  	v30 =	vld.idx.msk [tilespmem:v42+s5+$0x0], $0xffff;
	v10 =	vmul.f32 v12, v34;
	v12 =	vunpack.i.l.bf16.f32 v7;
	v7 =	vunpack.i.u.bf16.f32 v7  }
0x266: {  	v23 =	vor.u32 $0x19, v14;
	v17 =	vld [tilespmem:$0x1FF10];
	v12 =	vmul.f32 v12, v32;
	v7 =	vmul.f32 v7, v32  }
0x267: {  	v15 =	vld.idx.msk [tilespmem:v57+s5+$0x0], $0xffff;
	v11 =	vadd.f32 v13, v11;
	v4 =	vadd.f32 v10, v4;
	v10 =	vunpack.i.l.bf16.f32 v9  }
0x268: {  	v27 =	vor.u32 $0x1D, v14;
	v37 =	vld.idx.msk [tilespmem:v59+s5+$0x0], $0xffff;
	v9 =	vunpack.i.u.bf16.f32 v9;
	v10 =	vmul.f32 v10, v36  }
0x269: {  	v59 =	vld [tilespmem:$0x1FF20];
	v11 =	vadd.f32 v12, v11;
	v4 =	vadd.f32 v7, v4;
	v7 =	vmul.f32 v9, v36  }
0x26a: {  	v9 =	vunpack.i.l.bf16.f32 v30;
	v12 =	vunpack.i.u.bf16.f32 v6;
	v6 =	vunpack.i.l.bf16.f32 v6  }
0x26b: {  	v9 =	vmul.f32 v9, v39;
	v10 =	vadd.f32 v10, v11;
	v11 =	vunpack.i.u.bf16.f32 v30  }
0x26c: {  	v4 =	vadd.f32 v7, v4;
	v7 =	vmul.f32 v11, v39;
	v11 =	vunpack.i.l.bf16.f32 v15  }
0x26d: {  	v9 =	vadd.f32 v9, v10;
	v10 =	vunpack.i.u.bf16.f32 v15;
	v11 =	vmul.f32 v11, v40  }
0x26e: {  	v4 =	vadd.f32 v7, v4;
	v7 =	vmul.f32 v10, v40;
	v10 =	vor.u32 $0x6, v48  }
0x26f: {  	v6 =	vmul.f32 v6, v43;
	v9 =	vadd.f32 v11, v9;
	v11 =	vor.u32 $0x7, v48  }
0x270: {  	v17 =	vld.idx.msk [tilespmem:v17+s5+$0x0], $0xffff;
	v12 =	vmul.f32 v12, v43;
	v15 =	vunpack.i.u.bf16.f32 v45;
	v4 =	vadd.f32 v7, v4  }
0x271: {  	v38 =	vld.idx.msk [tilespmem:v59+s5+$0x0], $0xffff;
	v15 =	vmul.f32 v15, v21;
	v7 =	vunpack.i.l.bf16.f32 v45;
	v9 =	vmul.f32 v9, v41  }
0x272: {  	v13 =	vld.idx.msk [tilespmem:v27+s5+$0x0], $0xffff;
	v27 =	vunpack.i.u.bf16.f32 v8;
	v7 =	vmul.f32 v7, v21;
	v4 =	vmul.f32 v4, v41  }
0x273: {  	[tilespmem:v10+s9+$0x0] =	vst.idx.add.f32.msk $0xffff, v9;
	v9 =	vmul.f32 v27, v22  }
0x274: {  	[tilespmem:v11+s9+$0x0] =	vst.idx.add.f32.msk $0xffff, v4;
	v4 =	vadd.f32 v7, v6;
	v6 =	vadd.f32 v15, v12  }
0x275: {  	v10 =	vunpack.i.u.bf16.f32 v17  }
0x276: {  	v23 =	vld.idx.msk [tilespmem:v23+s5+$0x0], $0xffff;
	v8 =	vunpack.i.l.bf16.f32 v8;
	v10 =	vmul.f32 v10, v20;
	v6 =	vadd.f32 v9, v6  }
0x277: {  	v8 =	vmul.f32 v8, v22;
	v11 =	vunpack.i.u.bf16.f32 v37  }
0x278: {  	v7 =	vunpack.i.l.bf16.f32 v17;
	v9 =	vmul.f32 v11, v25;
	v6 =	vadd.f32 v10, v6  }
0x279: {  	v7 =	vmul.f32 v7, v20;
	v4 =	vadd.f32 v8, v4;
	v11 =	vunpack.i.u.bf16.f32 v38  }
0x27a: {  	v8 =	vunpack.i.l.bf16.f32 v37;
	v10 =	vmul.f32 v11, v29;
	v6 =	vadd.f32 v9, v6  }
0x27b: {  	v8 =	vmul.f32 v8, v25;
	v4 =	vadd.f32 v7, v4;
	v11 =	vunpack.i.u.bf16.f32 v23  }
0x27c: {  	v7 =	vunpack.i.l.bf16.f32 v38;
	v9 =	vmul.f32 v11, v31;
	v6 =	vadd.f32 v10, v6  }
0x27d: {  	v7 =	vmul.f32 v7, v29;
	v11 =	vunpack.i.u.bf16.f32 v13  }
0x27e: {  	v12 =	vld [tilespmem:$0x1FF30];
	v4 =	vadd.f32 v8, v4;
	v10 =	vmul.f32 v11, v19;
	v6 =	vadd.f32 v9, v6  }
0x27f: {  	v8 =	vunpack.i.l.bf16.f32 v23  }
0x280: {  	v8 =	vmul.f32 v8, v31;
	v4 =	vadd.f32 v7, v4;
	v6 =	vadd.f32 v10, v6;
	v10 =	vld [tilespmem:$0x1FF40]  }
0x281: {  	v7 =	vunpack.i.l.bf16.f32 v13  }
0x282: {  	v7 =	vmul.f32 v7, v19;
	v4 =	vadd.f32 v8, v4  }
0x283: {  	v28 =	vor.u32 $0x2, v24;
	v3 =	vor.u32 $0x3, v24;
	v11 =	vunpack.i.u.bf16.f32 v12  }
0x284: {  	v12 =	vunpack.i.l.bf16.f32 v12;
	v8 =	vmul.f32 v46, v0;
	v4 =	vadd.f32 v7, v4  }
0x285: {  	v9 =	vadd.f32 v26, v35;
	v7 =	vmul.f32 v12, v10  }
0x286: {  	v8 =	vadd.f32 v8, v33;
	v4 =	vmul.f32 v4, v16  }
0x287: {  	v6 =	vmul.f32 v6, v16;
	v10 =	vmul.f32 v11, v10;
	v7 =	vadd.f32 v7, v9;
	v9 =	vld [tilespmem:$0x1FF50]  }
0x288: {  	[tilespmem:v28+s9+$0x0] =	vst.idx.add.f32.msk $0xffff, v4  }
0x289: {  	[tilespmem:v3+s9+$0x0] =	vst.idx.add.f32.msk $0xffff, v6;
	v3 =	vunpack.i.l.bf16.f32 v55;
	v8 =	vadd.f32 v10, v8;
	v10 =	vunpack.i.u.bf16.f32 v55  }
0x28a: {  	v3 =	vmul.f32 v3, v5;
	v6 =	vmul.f32 v10, v5;
	v5 =	vld [tilespmem:$0x1FF70]  }
0x28b: {  	v11 =	vunpack.i.u.bf16.f32 v56;
	v12 =	vunpack.i.l.bf16.f32 v56  }
0x28c: {  	v1 =	vor.u32 $0x6, v14;
	v4 =	vmul.f32 v12, v9;
	v9 =	vmul.f32 v11, v9  }
0x28d: {  	v18 =	vor.u32 $0xA, v14  }
0x28e: {  	v0 =	vunpack.i.u.bf16.f32 v54;
	v4 =	vadd.f32 v4, v7;
	v7 =	vadd.f32 v9, v8  }
0x28f: {  	v2 =	vor.u32 $0x2, v14;
	v0 =	vmul.f32 v0, v5;
	v9 =	vunpack.i.l.bf16.f32 v54  }
0x290: {  	v3 =	vadd.f32 v3, v4;
	v4 =	vadd.f32 v6, v7;
	v6 =	vmul.f32 v9, v5;
	v5 =	vld [tilespmem:$0x1FF80]  }
0x291: {  	v47 =	vor.u32 $0x3, v14;
	v8 =	vld.idx.msk [tilespmem:v1+s5+$0x0], $0xffff  }
0x292: {  	v61 =	vor.u32 $0x16, v14;
	v60 =	vor.u32 $0x4, v24;
	v63 =	vor.u32 $0xE, v14;
	v1 =	vld.idx.msk [tilespmem:v18+s5+$0x0], $0xffff  }
0x293: {  	v62 =	vor.u32 $0x12, v14;
	v44 =	vor.u32 $0x5, v24;
	v50 =	vor.u32 $0x1E, v14  }
0x294: {  	v58 =	vor.u32 $0x1A, v14;
	v2 =	vld.idx.msk [tilespmem:v2+s5+$0x0], $0xffff;
	v10 =	vunpack.i.u.bf16.f32 v53;
	v9 =	vunpack.i.l.bf16.f32 v53  }
0x295: {  	v3 =	vadd.f32 v6, v3;
	v10 =	vmul.f32 v10, v5;
	v6 =	vmul.f32 v9, v5;
	v5 =	vld [tilespmem:$0x1FF90]  }
0x296: {  	v51 =	vor.u32 $0x7, v14;
	v49 =	vor.u32 $0xB, v14;
	v27 =	vor.u32 $0x1B, v14  }
0x297: {  	v59 =	vmovc v22;
	v23 =	vor.u32 $0x17, v14;
	v13 =	vunpack.i.l.bf16.f32 v52;
	v17 =	vunpack.i.u.bf16.f32 v1  }
0x298: {  	v28 =	vor.u32 $0x1F, v14;
	v4 =	vadd.f32 v0, v4;
	v17 =	vmul.f32 v17, v59  }
0x299: {  	v7 =	vld.idx.msk [tilespmem:v63+s5+$0x0], $0xffff;
	v9 =	vunpack.i.u.bf16.f32 v52;
	v14 =	vadd.f32 v6, v3;
	v6 =	vunpack.i.l.bf16.f32 v8  }
0x29a: {  	v57 =	vmovc v21;
	v0 =	vmul.f32 v9, v5;
	v9 =	vunpack.i.u.bf16.f32 v2;
	v2 =	vunpack.i.l.bf16.f32 v2  }
0x29b: {  	v11 =	vld.idx.msk [tilespmem:v62+s5+$0x0], $0xffff;
	v3 =	vunpack.i.u.bf16.f32 v8;
	v6 =	vmul.f32 v6, v57;
	v2 =	vmul.f32 v2, v43  }
0x29c: {  	v12 =	vld.idx.msk [tilespmem:v61+s5+$0x0], $0xffff;
	v1 =	vunpack.i.l.bf16.f32 v1;
	v3 =	vmul.f32 v3, v57;
	v9 =	vmul.f32 v9, v43  }
0x29d: {  	v1 =	vmul.f32 v1, v59;
	v8 =	vld.idx.msk [tilespmem:v50+s5+$0x0], $0xffff;
	v50 =	vor.u32 $0x6, v24;
	v2 =	vadd.f32 v6, v2  }
0x29e: {  	v56 =	vmovc v20;
	v6 =	vunpack.i.u.bf16.f32 v7;
	v3 =	vadd.f32 v3, v9;
	v7 =	vunpack.i.l.bf16.f32 v7  }
0x29f: {  	v15 =	vld.idx.msk [tilespmem:v58+s5+$0x0], $0xffff;
	v20 =	vmul.f32 v13, v5;
	v1 =	vadd.f32 v1, v2;
	v2 =	vmul.f32 v7, v56  }
0x2a0: {  	v45 =	vmovc v25;
	v9 =	vunpack.i.l.bf16.f32 v11;
	v6 =	vmul.f32 v6, v56;
	v3 =	vadd.f32 v17, v3  }
0x2a1: {  	v7 =	vunpack.i.u.bf16.f32 v11;
	v1 =	vadd.f32 v2, v1;
	v2 =	vmul.f32 v9, v45  }
0x2a2: {  	s15 =	sadd.s32 $0x2, s15;
	v63 =	vmovc v29;
	v7 =	vmul.f32 v7, v45;
	v3 =	vadd.f32 v6, v3;
	v6 =	vunpack.i.l.bf16.f32 v12  }
0x2a3: {  	p0 =	slt.u32 s15, $0x30;
	v9 =	vunpack.i.u.bf16.f32 v12;
	v1 =	vadd.f32 v2, v1;
	v2 =	vmul.f32 v6, v63  }
.Ltmp5:
0x2a4: {  	v62 =	vmovc v31;
	v9 =	vmul.f32 v9, v63;
	v3 =	vadd.f32 v7, v3;
	v7 =	vunpack.i.l.bf16.f32 v15;
	(pc) =	sbr.rel @p0 .LBB2_9-.Ltmp5, $4  }
0x2a5: {  	v55 =	vld [tilespmem:$0x1FF60];
	v6 =	vunpack.i.u.bf16.f32 v15;
	v7 =	vmul.f32 v7, v62;
	v1 =	vadd.f32 v2, v1  }
0x2a6: {  	v54 =	vld [tilespmem:$0x1FFF0];
	v6 =	vmul.f32 v6, v62;
	v2 =	vunpack.i.u.bf16.f32 v8;
	v3 =	vadd.f32 v9, v3  }
0x2a7: {  	v42 =	vmovc v43;
	v5 =	vld [tilespmem:$0x1FFB0];
	v8 =	vunpack.i.l.bf16.f32 v8;
	v2 =	vmul.f32 v2, v19;
	v18 =	vadd.f32 v7, v1  }
0x2a8: {  	s16 =	sadd.s32 $0x20, s16;
	v58 =	vmovc v19;
	v22 =	vmul.f32 v8, v19;
	v1 =	vadd.f32 v10, v4;
	v10 =	vld [tilespmem:$0x1FFA0];
	v3 =	vadd.f32 v6, v3  }
0x2a9: {  	_ = 	snop  }
0x2aa: {  	v4 =	vadd.f32 v22, v18  }
0x2ab: {  	v2 =	vadd.f32 v2, v3  }
0x2ac: {  	v36 =	vmul.f32 v4, v16  }
0x2ad: {  	v2 =	vmul.f32 v2, v16  }
0x2ae: {  	[tilespmem:v60+s9+$0x0] =	vst.idx.add.f32.msk $0xffff, v36  }
0x2af: {  	[tilespmem:v44+s9+$0x0] =	vst.idx.add.f32.msk $0xffff, v2  }
0x2b0: {  	v2 =	vld.idx.msk [tilespmem:v47+s5+$0x0], $0xffff  }
0x2b1: {  	v3 =	vld.idx.msk [tilespmem:v51+s5+$0x0], $0xffff  }
0x2b2: {  	v37 =	vld.idx.msk [tilespmem:v49+s5+$0x0], $0xffff  }
0x2b3: {  	v7 =	vld.idx.msk [tilespmem:v5+s5+$0x0], $0xffff;
	_ =	sdelay $0x1  }
0x2b4: {  	v10 =	vld.idx.msk [tilespmem:v10+s5+$0x0], $0xffff  }
0x2b5: {  	v8 =	vunpack.i.u.bf16.f32 v2  }
0x2b6: {  	v41 =	vld.idx.msk [tilespmem:v27+s5+$0x0], $0xffff;
	v2 =	vunpack.i.l.bf16.f32 v2;
	v9 =	vunpack.i.l.bf16.f32 v3;
	v3 =	vunpack.i.u.bf16.f32 v3  }
0x2b7: {  	v39 =	vunpack.i.l.bf16.f32 v37;
	v4 =	vunpack.i.u.bf16.f32 v37;
	v40 =	vunpack.i.l.bf16.f32 v7  }
0x2b8: {  	v7 =	vunpack.i.u.bf16.f32 v7;
	v38 =	vmul.f32 v8, v42;
	v3 =	vmul.f32 v3, v57  }
0x2b9: {  	v43 =	vunpack.i.l.bf16.f32 v10;
	v2 =	vmul.f32 v2, v42;
	v9 =	vmul.f32 v9, v57  }
0x2ba: {  	v11 =	vld.idx.msk [tilespmem:v23+s5+$0x0], $0xffff;
	v8 =	vmul.f32 v39, v59;
	v4 =	vmul.f32 v4, v59;
	v3 =	vadd.f32 v3, v38  }
0x2bb: {  	v52 =	vunpack.i.l.bf16.f32 v41;
	v5 =	vmul.f32 v40, v56;
	v42 =	vmul.f32 v7, v56  }
0x2bc: {  	v2 =	vadd.f32 v9, v2;
	v9 =	vunpack.i.u.bf16.f32 v41;
	v3 =	vadd.f32 v4, v3  }
0x2bd: {  	v10 =	vunpack.i.u.bf16.f32 v10;
	v53 =	vmul.f32 v52, v62;
	v56 =	vmul.f32 v9, v62;
	v62 =	vld [tilespmem:$0x1FFC0]  }
0x2be: {  	v44 =	vld.idx.msk [tilespmem:v28+s5+$0x0], $0xffff;
	v47 =	vmul.f32 v10, v45;
	v2 =	vadd.f32 v8, v2;
	v3 =	vadd.f32 v42, v3  }
0x2bf: {  	v49 =	vunpack.i.u.bf16.f32 v11;
	v46 =	vmul.f32 v43, v45  }
0x2c0: {  	v51 =	vmul.f32 v49, v63;
	v2 =	vadd.f32 v5, v2;
	v3 =	vadd.f32 v47, v3  }
0x2c1: {  	v6 =	vadd.f32 v20, v14;
	v48 =	vunpack.i.l.bf16.f32 v11  }
0x2c2: {  	v4 =	vmul.f32 v48, v63;
	v2 =	vadd.f32 v46, v2;
	v3 =	vadd.f32 v51, v3  }
0x2c3: {  	v6 =	vmul.f32 v6, v55;
	v8 =	vunpack.i.u.bf16.f32 v44  }
0x2c4: {  	v60 =	vmul.f32 v8, v58;
	v2 =	vadd.f32 v4, v2;
	v3 =	vadd.f32 v56, v3  }
0x2c5: {  	v0 =	vadd.f32 v0, v1;
	v57 =	vunpack.i.l.bf16.f32 v44;
	[tilespmem:v62+s9+$0x0] =	vst.idx.add.f32.msk $0xffff, v6  }
0x2c6: {  	v59 =	vmul.f32 v57, v58;
	v2 =	vadd.f32 v53, v2;
	v1 =	vadd.f32 v60, v3;
	v3 =	vld [tilespmem:$0x1FFD0];
	_ =	sdelay $0x1  }
0x2c7: {  	v61 =	vor.u32 $0x7, v24;
	v2 =	vadd.f32 v59, v2  }
0x2c8: {  	p0 =	seq.s32 s11, $0x63  }
.Ltmp6:
0x2c9: {  	v2 =	vmul.f32 v2, v16;
	(pc) =	sbr.rel @p0 .LBB2_14-.Ltmp6, $4  }
0x2ca: {  	v63 =	vmul.f32 v1, v16  }
0x2cb: {  	v0 =	vmul.f32 v0, v55;
	[tilespmem:v50+s9+$0x0] =	vst.idx.add.f32.msk $0xffff, v2  }
0x2cc: {  	[tilespmem:v61+s9+$0x0] =	vst.idx.add.f32.msk $0xffff, v63  }
0x2cd: {  	[tilespmem:v3+s9+$0x0] =	vst.idx.add.f32.msk $0xffff, v0  }
0x2ce: {  	s12 =	smul.u32 $0x640, s11  }
0x2cf: {  	s13 =	rddreg [dreg:$0xe]  }
0x2d0: {  	s12 =	sadd.s32 s12, s13  }
0x2d1: {  	s12 =	sshrl.u32 s12, $0x3  }
0x2d2: {  	s16 =	sadd.s32 s6, s12  }
0x2d3: {  	[tilespmem:s22], [sflag:$0x1] =	stream.linear.gather [hbm4b:s16+s5], $0x320, $0x38;
	[tilespmem:$0x1A040] =	vst v63  }
0x2d4: {  	s14 =	simm.s32 $0x15860;
	s19 =	sadd.s32 s2, s12  }
0x2d5: {  	[tilespmem:s14], [sflag:$0x1] =	stream.linear.gather [hbm4b:s19+s5], $0x320, $0x38;
	[tilespmem:$0x1A040] =	vst v63  }
0x2d6: {  	s15 =	sadd.s32 s4, s12;
	s16 =	simm.s32 $0x15B80  }
0x2d7: {  	[tilespmem:s16], [sflag:$0x1] =	stream.linear.gather [hbm4b:s15+s5], $0x320, $0x38;
	[tilespmem:$0x1A040] =	vst v63  }
0x2d8: {  	s12 =	sadd.s32 s7, s12;
	s19 =	simm.s32 $0x15EA0  }
0x2d9: {  	[tilespmem:s19], [sflag:$0x1] =	stream.linear.gather [hbm4b:s12+s5], $0x320, $0x38;
	[tilespmem:$0x1A040] =	vst v63  }
0x2da: {  	_ =	swait.ge [sflag:s26], $0x320  }
0x2db: {  	[sflag:s26] =	ssyncset.done $0x0  }
0x2dc: {  	[sflag:s26] =	ssyncadd.s32 $0xFFFFFCE0  }
0x2dd: {  	_ =	swait.ge [sflag:s26], $0x320  }
0x2de: {  	[sflag:s26] =	ssyncset.done $0x0  }
0x2df: {  	[sflag:s26] =	ssyncadd.s32 $0xFFFFFCE0  }
0x2e0: {  	_ =	swait.ge [sflag:s26], $0x320  }
0x2e1: {  	[sflag:s26] =	ssyncset.done $0x0  }
0x2e2: {  	[sflag:s26] =	ssyncadd.s32 $0xFFFFFCE0  }
0x2e3: {  	_ =	swait.ge [sflag:s26], $0x320  }
0x2e4: {  	[sflag:s26] =	ssyncset.done $0x0  }
0x2e5: {  	s13 =	simm.s32 $0x15550;
	v3 =	vld [tilespmem:$0x1FFE0];
	[sflag:s26] =	ssyncadd.s32 $0xFFFFFCE0  }
0x2e6: {  	v0 =	vld [tilespmem:s13+$0xFFFFFFF0]  }
0x2e7: {  	v1 =	vld [tilespmem:s13+$0x0];
	_ =	sdelay $0x3  }
0x2e8: {  	s12 =	simm.s32 $0x15570;
	v2 =	vadd.s32 v3, v0  }
0x2e9: {  	s14 =	simm.s32 $0x2;
	v0 =	vld [tilespmem:s12+$0xFFFFFFF0];
	v1 =	vadd.s32 v3, v1;
	[tilespmem:s13+$0xFFFFFFF0] =	vst v2  }
.LBB2_12:
0x2ea: {  	s14 =	sadd.s32 $0x2, s14  }
0x2eb: {  	v2 =	vld [tilespmem:s12+$0x0];
	[tilespmem:s13+$0x0] =	vst v1;
	s13 =	smov.u32 s12;
	p1 =	slt.u32 s14, $0x30  }
.Ltmp7:
0x2ec: {  	(pc) =	sbr.rel @p1 .LBB2_12-.Ltmp7, $3  }
0x2ed: {  	_ =	sdelay $0x1  }
0x2ee: {  	s12 =	sadd.s32 $0x20, s12;
	v1 =	vadd.s32 v3, v0  }
0x2ef: {  	v0 =	vld [tilespmem:s12+$0xFFFFFFF0];
	[tilespmem:s13+$0xFFFFFFF0] =	vst v1;
	v1 =	vadd.s32 v3, v2  }
0x2f0: {  	v2 =	vld [tilespmem:s12+$0x0];
	_ =	sdelay $0x3  }
0x2f1: {  	[tilespmem:s13+$0x0] =	vst v1;
	v0 =	vadd.s32 v3, v0  }
0x2f2: {  	[tilespmem:s12+$0xFFFFFFF0] =	vst v0;
	v63 =	vadd.s32 v3, v2  }
0x2f3: {  	[tilespmem:s12+$0x0] =	vst v63  }
0x2f4: {  	[tilespmem:s29], [sflag:$0x2] =	stream.indirect.gather [hbm4b:s1+s28], $0x8, s22, s28, $0xb8;
	[tilespmem:$0x1A040] =	vst v63  }
0x2f5: {  	s16 =	simm.s32 $0x15590;
	s19 =	simm.s32 $0x16440  }
0x2f6: {  	[tilespmem:s19], [sflag:$0x2] =	stream.indirect.gather [hbm4b:s1+s28], $0x8, s16, s28, $0xb8;
	[tilespmem:$0x1A040] =	vst v63  }
0x2f7: {  	s14 =	simm.s32 $0x155E0;
	s15 =	simm.s32 $0x166C0  }
0x2f8: {  	[tilespmem:s15], [sflag:$0x2] =	stream.indirect.gather [hbm4b:s1+s28], $0x8, s14, s28, $0xb8;
	[tilespmem:$0x1A040] =	vst v63  }
0x2f9: {  	s16 =	simm.s32 $0x15630;
	s19 =	simm.s32 $0x16940  }
0x2fa: {  	[tilespmem:s19], [sflag:$0x2] =	stream.indirect.gather [hbm4b:s1+s28], $0x8, s16, s28, $0xb8;
	[tilespmem:$0x1A040] =	vst v63  }
0x2fb: {  	s14 =	simm.s32 $0x15680;
	s15 =	simm.s32 $0x16BC0  }
0x2fc: {  	[tilespmem:s15], [sflag:$0x2] =	stream.indirect.gather [hbm4b:s1+s28], $0x8, s14, s28, $0xb8;
	[tilespmem:$0x1A040] =	vst v63  }
0x2fd: {  	s16 =	simm.s32 $0x156D0;
	s19 =	simm.s32 $0x16E40  }
0x2fe: {  	[tilespmem:s19], [sflag:$0x2] =	stream.indirect.gather [hbm4b:s1+s28], $0x8, s16, s28, $0xb8;
	[tilespmem:$0x1A040] =	vst v63  }
0x2ff: {  	s14 =	simm.s32 $0x15720;
	s15 =	simm.s32 $0x170C0  }
0x300: {  	[tilespmem:s15], [sflag:$0x2] =	stream.indirect.gather [hbm4b:s1+s28], $0x8, s14, s28, $0xb8;
	[tilespmem:$0x1A040] =	vst v63  }
0x301: {  	s16 =	simm.s32 $0x15770;
	s19 =	simm.s32 $0x17340  }
0x302: {  	[tilespmem:s19], [sflag:$0x2] =	stream.indirect.gather [hbm4b:s1+s28], $0x8, s16, s28, $0xb8;
	[tilespmem:$0x1A040] =	vst v63  }
0x303: {  	s14 =	simm.s32 $0x157C0;
	s15 =	simm.s32 $0x175C0  }
0x304: {  	[tilespmem:s15], [sflag:$0x2] =	stream.indirect.gather [hbm4b:s1+s28], $0x8, s14, s28, $0xb8;
	[tilespmem:$0x1A040] =	vst v63  }
0x305: {  	s16 =	simm.s32 $0x15810;
	s19 =	simm.s32 $0x17840  }
0x306: {  	[tilespmem:s19], [sflag:$0x2] =	stream.indirect.gather [hbm4b:s1+s28], $0x8, s16, s28, $0xb8;
	[tilespmem:$0x1A040] =	vst v63  }
.LBB2_14:
0x307: {  	_ =	swait.ge [sflag:s10], $0x280  }
0x308: {  	[sflag:s10] =	ssyncset.done $0x0  }
0x309: {  	[sflag:s10] =	ssyncadd.s32 $0xFFFFFD80  }
0x30a: {  	_ =	swait.ge [sflag:s10], $0x280  }
0x30b: {  	[sflag:s10] =	ssyncset.done $0x0  }
0x30c: {  	[sflag:s10] =	ssyncadd.s32 $0xFFFFFD80  }
0x30d: {  	_ =	swait.ge [sflag:s10], $0x280  }
0x30e: {  	[sflag:s10] =	ssyncset.done $0x0  }
0x30f: {  	[sflag:s10] =	ssyncadd.s32 $0xFFFFFD80  }
0x310: {  	_ =	swait.ge [sflag:s10], $0x280  }
0x311: {  	[sflag:s10] =	ssyncset.done $0x0  }
0x312: {  	[sflag:s10] =	ssyncadd.s32 $0xFFFFFD80  }
0x313: {  	_ =	swait.ge [sflag:s10], $0x280  }
0x314: {  	[sflag:s10] =	ssyncset.done $0x0  }
0x315: {  	[sflag:s10] =	ssyncadd.s32 $0xFFFFFD80  }
0x316: {  	_ =	swait.ge [sflag:s10], $0x280  }
0x317: {  	[sflag:s10] =	ssyncset.done $0x0  }
0x318: {  	[sflag:s10] =	ssyncadd.s32 $0xFFFFFD80  }
0x319: {  	_ =	swait.ge [sflag:s10], $0x280  }
0x31a: {  	[sflag:s10] =	ssyncset.done $0x0  }
0x31b: {  	[sflag:s10] =	ssyncadd.s32 $0xFFFFFD80  }
0x31c: {  	_ =	swait.ge [sflag:s10], $0x280  }
0x31d: {  	[sflag:s10] =	ssyncset.done $0x0  }
0x31e: {  	[sflag:s10] =	ssyncadd.s32 $0xFFFFFD80  }
0x31f: {  	_ =	swait.ge [sflag:s10], $0x280  }
0x320: {  	[sflag:s10] =	ssyncset.done $0x0  }
0x321: {  	[sflag:s10] =	ssyncadd.s32 $0xFFFFFD80  }
0x322: {  	_ =	swait.ge [sflag:s10], $0x280  }
0x323: {  	[sflag:s10] =	ssyncset.done $0x0  }
0x324: {  	s12 =	simm.s32 $0x18110;
	[sflag:s10] =	ssyncadd.s32 $0xFFFFFD80  }
0x325: {  	v0 =	vld [tilespmem:s12+$0x0]  }
0x326: {  	s13 =	simm.s32 $0x10  }
0x327: {  	v1 =	vmov s13  }
0x328: {  	v1 =	vshll.u32 v1, $0x3;
	v2 =	vld [tilespmem:s12+$0xFFFFFFF0]  }
0x329: {  	v1 =	vor.u32 v54, v1  }
0x32a: {  	v9 =	vshll.u32 v0, $0x5  }
0x32b: {  	v3 =	vor.u32 $0x4, v9  }
0x32c: {  	v4 =	vor.u32 $0x1, v1  }
0x32d: {  	v12 =	vshll.u32 v2, $0x5;
	v2 =	vor.u32 $0x8, v9  }
0x32e: {  	s14 =	simm.s32 $0x0;
	v5 =	vor.u32 $0x2, v1;
	v8 =	vor.u32 $0x3, v1;
	v22 =	vor.u32 $0x4, v1;
	v10 =	vld.idx.msk [tilespmem:v1+s3+$0x0], $0xffff  }
0x32f: {  	v26 =	vor.u32 $0x5, v1;
	v0 =	vmov s14;
	v7 =	vor.u32 $0xC, v9;
	v6 =	vld.idx.msk [tilespmem:v9+s5+$0x0], $0xffff  }
0x330: {  	v27 =	vor.u32 $0x7, v1;
	v1 =	vor.u32 $0x6, v1;
	v0 =	vshll.u32 v0, $0x3;
	v15 =	vld.idx.msk [tilespmem:v3+s5+$0x0], $0xffff  }
0x331: {  	v16 =	vld.idx.msk [tilespmem:v4+s3+$0x0], $0xffff;
	v14 =	vor.u32 $0x4, v12;
	v21 =	vor.u32 $0x8, v12;
	v4 =	vor.u32 $0x10, v9  }
0x332: {  	v25 =	vor.u32 $0xC, v12;
	v20 =	vor.u32 $0x10, v12;
	v17 =	vor.u32 $0x14, v12;
	v2 =	vld.idx.msk [tilespmem:v2+s5+$0x0], $0xffff  }
0x333: {  	v11 =	vld.idx.msk [tilespmem:v5+s3+$0x0], $0xffff;
	v23 =	vor.u32 $0x14, v9;
	v28 =	vor.u32 $0x18, v9;
	v0 =	vor.u32 v54, v0  }
0x334: {  	v29 =	vor.u32 $0x1C, v9;
	v13 =	vor.u32 $0x1, v0;
	v24 =	vor.u32 $0x2, v0;
	v7 =	vld.idx.msk [tilespmem:v7+s5+$0x0], $0xffff  }
0x335: {  	v8 =	vld.idx.msk [tilespmem:v8+s3+$0x0], $0xffff;
	v30 =	vunpack.i.u.bf16.f32 v6;
	v5 =	vunpack.i.l.bf16.f32 v6;
	v6 =	vunpack.i.l.bf16.f32 v15  }
0x336: {  	v31 =	vld.idx.msk [tilespmem:v4+s5+$0x0], $0xffff;
	v4 =	vmul.f32 v5, v10;
	v15 =	vunpack.i.u.bf16.f32 v15;
	v6 =	vmul.f32 v6, v16  }
0x337: {  	v5 =	vld.idx.msk [tilespmem:v22+s3+$0x0], $0xffff;
	v22 =	vmul.f32 v30, v10;
	v30 =	vunpack.i.l.bf16.f32 v2;
	v15 =	vmul.f32 v15, v16  }
0x338: {  	v23 =	vld.idx.msk [tilespmem:v23+s5+$0x0], $0xffff;
	v2 =	vunpack.i.u.bf16.f32 v2;
	v30 =	vmul.f32 v30, v11;
	v4 =	vadd.f32 v6, v4  }
0x339: {  	v2 =	vmul.f32 v2, v11;
	v6 =	vld.idx.msk [tilespmem:v26+s3+$0x0], $0xffff;
	v15 =	vadd.f32 v15, v22;
	v22 =	vunpack.i.l.bf16.f32 v7  }
0x33a: {  	v26 =	vld.idx.msk [tilespmem:v28+s5+$0x0], $0xffff;
	v7 =	vunpack.i.u.bf16.f32 v7;
	v22 =	vmul.f32 v22, v8;
	v28 =	vadd.f32 v30, v4  }
0x33b: {  	v4 =	vld.idx.msk [tilespmem:v1+s3+$0x0], $0xffff;
	v1 =	vadd.f32 v2, v15;
	v2 =	vmul.f32 v7, v8;
	v7 =	vunpack.i.l.bf16.f32 v31  }
0x33c: {  	v15 =	vld.idx.msk [tilespmem:v29+s5+$0x0], $0xffff;
	v29 =	vmul.f32 v7, v5;
	v22 =	vadd.f32 v22, v28;
	v28 =	vunpack.i.u.bf16.f32 v31  }
0x33d: {  	s15 =	simm.s32 $0x17DF0;
	v7 =	vld.idx.msk [tilespmem:v27+s3+$0x0], $0xffff;
	v27 =	vunpack.i.l.bf16.f32 v23;
	v1 =	vadd.f32 v2, v1;
	v2 =	vmul.f32 v28, v5  }
0x33e: {  	v23 =	vunpack.i.u.bf16.f32 v23;
	v28 =	vld [tilespmem:s15+$0x0];
	v27 =	vmul.f32 v27, v6;
	v22 =	vadd.f32 v29, v22  }
0x33f: {  	v1 =	vadd.f32 v2, v1;
	v2 =	vmul.f32 v23, v6;
	v23 =	vunpack.i.l.bf16.f32 v26  }
0x340: {  	s16 =	simm.s32 $0x18430;
	v29 =	vld.idx.msk [tilespmem:v14+s5+$0x0], $0xffff;
	v26 =	vunpack.i.u.bf16.f32 v26;
	v14 =	vadd.f32 v27, v22;
	v23 =	vmul.f32 v23, v4  }
0x341: {  	v22 =	vld [tilespmem:s16+$0x0];
	v1 =	vadd.f32 v2, v1;
	v2 =	vmul.f32 v26, v4;
	v26 =	vunpack.i.l.bf16.f32 v15  }
0x342: {  	v21 =	vld.idx.msk [tilespmem:v21+s5+$0x0], $0xffff;
	v14 =	vadd.f32 v23, v14;
	v23 =	vunpack.i.u.bf16.f32 v15;
	v26 =	vmul.f32 v26, v7  }
0x343: {  	v27 =	vld.idx.msk [tilespmem:v12+s5+$0x0], $0xffff;
	v1 =	vadd.f32 v2, v1;
	v2 =	vmul.f32 v23, v7;
	v23 =	vshll.u32 v28, $0x3  }
0x344: {  	v33 =	vor.u32 $0x1, v9;
	v15 =	vld.idx.msk [tilespmem:v13+s3+$0x0], $0xffff;
	v26 =	vadd.f32 v26, v14;
	v30 =	vor.u32 $0x1, v23  }
0x345: {  	v18 =	vor.u32 $0x3, v0;
	v19 =	vor.u32 $0x4, v0;
	v13 =	vld.idx.msk [tilespmem:v0+s3+$0x0], $0xffff;
	v32 =	vadd.f32 v2, v1  }
0x346: {  	v3 =	vor.u32 $0x5, v0;
	v14 =	vld.idx.msk [tilespmem:v24+s3+$0x0], $0xffff;
	v24 =	vmul.f32 v26, v22;
	v26 =	vor.u32 $0x5, v9  }
0x347: {  	v25 =	vld.idx.msk [tilespmem:v25+s5+$0x0], $0xffff;
	v31 =	vor.u32 $0x6, v0;
	v2 =	vor.u32 $0x7, v0;
	v0 =	vmul.f32 v32, v22  }
0x348: {  	v51 =	vor.u32 $0xD, v9;
	v50 =	vunpack.i.u.bf16.f32 v29;
	[tilespmem:v23+s9+$0x0] =	vst.idx.add.f32.msk $0xffff, v24;
	v24 =	vor.u32 $0x9, v9  }
0x349: {  	v29 =	vunpack.i.l.bf16.f32 v29;
	v35 =	vunpack.i.u.bf16.f32 v27;
	v27 =	vunpack.i.l.bf16.f32 v27;
	[tilespmem:v30+s9+$0x0] =	vst.idx.add.f32.msk $0xffff, v0  }
0x34a: {  	v36 =	vor.u32 $0x11, v9;
	v29 =	vmul.f32 v29, v15;
	v0 =	vmul.f32 v27, v13;
	v30 =	vld.idx.msk [tilespmem:v33+s5+$0x0], $0xffff  }
0x34b: {  	v37 =	vor.u32 $0x19, v9;
	v53 =	vunpack.i.u.bf16.f32 v21;
	v21 =	vunpack.i.l.bf16.f32 v21;
	v26 =	vld.idx.msk [tilespmem:v26+s5+$0x0], $0xffff  }
0x34c: {  	v38 =	vor.u32 $0x1D, v9;
	v21 =	vmul.f32 v21, v14;
	v29 =	vadd.f32 v29, v0  }
0x34d: {  	v56 =	vunpack.i.u.bf16.f32 v25;
	v52 =	vmul.f32 v35, v13;
	v27 =	vmul.f32 v50, v15;
	v24 =	vld.idx.msk [tilespmem:v24+s5+$0x0], $0xffff  }
0x34e: {  	v25 =	vunpack.i.l.bf16.f32 v25;
	v21 =	vadd.f32 v21, v29;
	v29 =	vor.u32 $0x15, v9  }
0x34f: {  	v28 =	vor.u32 $0x18, v12;
	v55 =	vmul.f32 v53, v14;
	v32 =	vld.idx.msk [tilespmem:v51+s5+$0x0], $0xffff;
	v27 =	vadd.f32 v27, v52  }
0x350: {  	v39 =	vunpack.i.u.bf16.f32 v30;
	v30 =	vunpack.i.l.bf16.f32 v30;
	v40 =	vunpack.i.l.bf16.f32 v26  }
0x351: {  	v36 =	vld.idx.msk [tilespmem:v36+s5+$0x0], $0xffff;
	v30 =	vmul.f32 v30, v10;
	v26 =	vunpack.i.u.bf16.f32 v26;
	v40 =	vmul.f32 v40, v16  }
0x352: {  	v39 =	vmul.f32 v39, v10;
	v26 =	vmul.f32 v26, v16;
	v41 =	vunpack.i.l.bf16.f32 v24  }
0x353: {  	v29 =	vld.idx.msk [tilespmem:v29+s5+$0x0], $0xffff;
	v24 =	vunpack.i.u.bf16.f32 v24;
	v30 =	vadd.f32 v40, v30;
	v57 =	vmul.f32 v41, v11  }
0x354: {  	v58 =	vunpack.i.l.bf16.f32 v32;
	v26 =	vadd.f32 v26, v39;
	v24 =	vmul.f32 v24, v11  }
0x355: {  	v37 =	vld.idx.msk [tilespmem:v37+s5+$0x0], $0xffff;
	v32 =	vunpack.i.u.bf16.f32 v32;
	v39 =	vmul.f32 v58, v8;
	v30 =	vadd.f32 v57, v30  }
0x356: {  	v59 =	vunpack.i.l.bf16.f32 v36;
	v24 =	vadd.f32 v24, v26;
	v26 =	vmul.f32 v32, v8  }
0x357: {  	v38 =	vld.idx.msk [tilespmem:v38+s5+$0x0], $0xffff;
	v36 =	vunpack.i.u.bf16.f32 v36;
	v32 =	vmul.f32 v59, v5;
	v30 =	vadd.f32 v39, v30  }
0x358: {  	v24 =	vadd.f32 v26, v24;
	v26 =	vmul.f32 v36, v5;
	v60 =	vunpack.i.l.bf16.f32 v29  }
0x359: {  	v29 =	vunpack.i.u.bf16.f32 v29;
	v61 =	vmul.f32 v60, v6;
	v30 =	vadd.f32 v32, v30  }
0x35a: {  	v18 =	vld.idx.msk [tilespmem:v18+s3+$0x0], $0xffff;
	v24 =	vadd.f32 v26, v24;
	v26 =	vmul.f32 v29, v6;
	v29 =	vunpack.i.l.bf16.f32 v37  }
0x35b: {  	v62 =	vunpack.i.u.bf16.f32 v37;
	v29 =	vmul.f32 v29, v4;
	v30 =	vadd.f32 v61, v30  }
0x35c: {  	v63 =	vld.idx.msk [tilespmem:v20+s5+$0x0], $0xffff;
	v39 =	vunpack.i.l.bf16.f32 v38;
	v24 =	vadd.f32 v26, v24;
	v26 =	vmul.f32 v62, v4  }
0x35d: {  	v20 =	vld.idx.msk [tilespmem:v19+s3+$0x0], $0xffff;
	v19 =	vadd.f32 v29, v30;
	v29 =	vunpack.i.u.bf16.f32 v38;
	v30 =	vmul.f32 v39, v7  }
0x35e: {  	v40 =	vld.idx.msk [tilespmem:v17+s5+$0x0], $0xffff;
	v24 =	vadd.f32 v26, v24;
	v26 =	vmul.f32 v29, v7;
	v29 =	vor.u32 $0x2, v23  }
0x35f: {  	v25 =	vmul.f32 v25, v18;
	v17 =	vld.idx.msk [tilespmem:v3+s3+$0x0], $0xffff;
	v3 =	vadd.f32 v30, v19;
	v30 =	vor.u32 $0x3, v23  }
0x360: {  	v27 =	vadd.f32 v55, v27;
	v24 =	vadd.f32 v26, v24;
	v26 =	vor.u32 $0x2, v9  }
0x361: {  	v41 =	vmul.f32 v56, v18;
	v19 =	vld.idx.msk [tilespmem:v31+s3+$0x0], $0xffff;
	v31 =	vor.u32 $0x6, v9;
	v3 =	vmul.f32 v3, v22  }
0x362: {  	v34 =	vor.u32 $0x1C, v12;
	v28 =	vld.idx.msk [tilespmem:v28+s5+$0x0], $0xffff;
	v21 =	vadd.f32 v25, v21;
	v24 =	vmul.f32 v24, v22  }
0x363: {  	v25 =	vadd.f32 v41, v27;
	v27 =	vor.u32 $0xA, v9;
	v36 =	vunpack.i.l.bf16.f32 v63;
	[tilespmem:v29+s9+$0x0] =	vst.idx.add.f32.msk $0xffff, v3  }
0x364: {  	v44 =	vor.u32 $0xE, v9;
	v45 =	vor.u32 $0x12, v9;
	v29 =	vmul.f32 v36, v20;
	[tilespmem:v30+s9+$0x0] =	vst.idx.add.f32.msk $0xffff, v24  }
0x365: {  	v46 =	vor.u32 $0x1A, v9;
	v42 =	vunpack.i.u.bf16.f32 v63;
	v30 =	vunpack.i.l.bf16.f32 v40;
	v26 =	vld.idx.msk [tilespmem:v26+s5+$0x0], $0xffff  }
0x366: {  	v43 =	vmul.f32 v42, v20;
	v21 =	vadd.f32 v29, v21;
	v29 =	vmul.f32 v30, v17;
	v30 =	vld.idx.msk [tilespmem:v31+s5+$0x0], $0xffff  }
0x367: {  	v47 =	vor.u32 $0x1E, v9;
	v42 =	vor.u32 $0x1B, v9;
	v1 =	vor.u32 $0x1, v12  }
0x368: {  	v25 =	vadd.f32 v43, v25;
	v61 =	vor.u32 $0x4, v23;
	v29 =	vadd.f32 v29, v21;
	v21 =	vld.idx.msk [tilespmem:v27+s5+$0x0], $0xffff  }
0x369: {  	v62 =	vor.u32 $0x7, v9;
	v24 =	vunpack.i.u.bf16.f32 v40;
	v27 =	vor.u32 $0x16, v9  }
0x36a: {  	v24 =	vmul.f32 v24, v17;
	v31 =	vunpack.i.l.bf16.f32 v28;
	v28 =	vunpack.i.u.bf16.f32 v28;
	v32 =	vld.idx.msk [tilespmem:v44+s5+$0x0], $0xffff  }
0x36b: {  	v48 =	vunpack.i.u.bf16.f32 v26;
	v26 =	vunpack.i.l.bf16.f32 v26;
	v49 =	vunpack.i.l.bf16.f32 v30  }
0x36c: {  	v33 =	vld.idx.msk [tilespmem:v45+s5+$0x0], $0xffff;
	v30 =	vunpack.i.u.bf16.f32 v30;
	v26 =	vmul.f32 v26, v10;
	v38 =	vmul.f32 v49, v16  }
0x36d: {  	v37 =	vmul.f32 v48, v10;
	v30 =	vmul.f32 v30, v16;
	v50 =	vunpack.i.l.bf16.f32 v21  }
0x36e: {  	v27 =	vld.idx.msk [tilespmem:v27+s5+$0x0], $0xffff;
	v21 =	vunpack.i.u.bf16.f32 v21;
	v26 =	vadd.f32 v38, v26;
	v51 =	vmul.f32 v50, v11  }
0x36f: {  	v52 =	vunpack.i.l.bf16.f32 v32;
	v30 =	vadd.f32 v30, v37;
	v21 =	vmul.f32 v21, v11  }
0x370: {  	v35 =	vld.idx.msk [tilespmem:v46+s5+$0x0], $0xffff;
	v32 =	vunpack.i.u.bf16.f32 v32;
	v37 =	vmul.f32 v52, v8;
	v26 =	vadd.f32 v51, v26  }
0x371: {  	v53 =	vunpack.i.l.bf16.f32 v33;
	v21 =	vadd.f32 v21, v30;
	v30 =	vmul.f32 v32, v8  }
0x372: {  	v36 =	vld.idx.msk [tilespmem:v47+s5+$0x0], $0xffff;
	v33 =	vunpack.i.u.bf16.f32 v33;
	v32 =	vmul.f32 v53, v5;
	v26 =	vadd.f32 v37, v26  }
0x373: {  	v21 =	vadd.f32 v30, v21;
	v30 =	vmul.f32 v33, v5;
	v55 =	vunpack.i.l.bf16.f32 v27  }
0x374: {  	v27 =	vunpack.i.u.bf16.f32 v27;
	v56 =	vmul.f32 v55, v6;
	v26 =	vadd.f32 v32, v26  }
0x375: {  	v27 =	vmul.f32 v27, v6;
	v30 =	vadd.f32 v30, v21;
	v21 =	vunpack.i.l.bf16.f32 v35  }
0x376: {  	v34 =	vld.idx.msk [tilespmem:v34+s5+$0x0], $0xffff;
	v57 =	vunpack.i.u.bf16.f32 v35;
	v58 =	vmul.f32 v21, v4;
	v26 =	vadd.f32 v56, v26  }
0x377: {  	v21 =	vld.idx.msk [tilespmem:v2+s3+$0x0], $0xffff;
	v2 =	vadd.f32 v27, v30;
	v27 =	vmul.f32 v57, v4;
	v30 =	vunpack.i.l.bf16.f32 v36  }
0x378: {  	v60 =	vunpack.i.u.bf16.f32 v36;
	v30 =	vmul.f32 v30, v7;
	v26 =	vadd.f32 v58, v26  }
0x379: {  	v59 =	vld [tilespmem:s15+$0xFFFFFFF0];
	v31 =	vmul.f32 v31, v19;
	v2 =	vadd.f32 v27, v2;
	v27 =	vmul.f32 v60, v7  }
0x37a: {  	v24 =	vadd.f32 v24, v25;
	v26 =	vadd.f32 v30, v26;
	v30 =	vor.u32 $0x5, v23  }
0x37b: {  	v25 =	vmul.f32 v28, v19;
	v2 =	vadd.f32 v27, v2;
	v27 =	vor.u32 $0x3, v9  }
0x37c: {  	v29 =	vadd.f32 v31, v29;
	v31 =	vunpack.i.l.bf16.f32 v34;
	v55 =	vld [tilespmem:s16+$0xFFFFFFF0];
	v26 =	vmul.f32 v26, v22  }
0x37d: {  	v0 =	vor.u32 $0x5, v12;
	v31 =	vmul.f32 v31, v21;
	v2 =	vmul.f32 v2, v22  }
0x37e: {  	v28 =	vunpack.i.u.bf16.f32 v34;
	v24 =	vadd.f32 v25, v24;
	v25 =	vshll.u32 v59, $0x3;
	[tilespmem:v61+s9+$0x0] =	vst.idx.add.f32.msk $0xffff, v26  }
0x37f: {  	v28 =	vmul.f32 v28, v21;
	v29 =	vadd.f32 v31, v29;
	v26 =	vor.u32 $0xB, v9;
	[tilespmem:v30+s9+$0x0] =	vst.idx.add.f32.msk $0xffff, v2  }
0x380: {  	v63 =	vor.u32 $0x11, v12;
	v3 =	vor.u32 $0x9, v12;
	v47 =	vor.u32 $0x1, v25;
	v27 =	vld.idx.msk [tilespmem:v27+s5+$0x0], $0xffff  }
0x381: {  	v48 =	vor.u32 $0x1D, v12;
	v2 =	vadd.f32 v28, v24;
	v24 =	vmul.f32 v29, v55;
	v34 =	vld.idx.msk [tilespmem:v62+s5+$0x0], $0xffff  }
0x382: {  	v49 =	vor.u32 $0x3, v25;
	v50 =	vor.u32 $0x2, v12;
	v52 =	vor.u32 $0xA, v12  }
0x383: {  	v51 =	vor.u32 $0x6, v12;
	v53 =	vor.u32 $0xE, v12;
	v2 =	vmul.f32 v2, v55;
	[tilespmem:v25+s9+$0x0] =	vst.idx.add.f32.msk $0xffff, v24  }
0x384: {  	v56 =	vor.u32 $0x13, v9;
	v57 =	vor.u32 $0x17, v9;
	v31 =	vor.u32 $0xD, v12;
	v26 =	vld.idx.msk [tilespmem:v26+s5+$0x0], $0xffff  }
0x385: {  	v28 =	vor.u32 $0xF, v9;
	v29 =	vor.u32 $0x15, v12;
	v30 =	vor.u32 $0x19, v12;
	[tilespmem:v47+s9+$0x0] =	vst.idx.add.f32.msk $0xffff, v2  }
0x386: {  	v1 =	vld.idx.msk [tilespmem:v1+s5+$0x0], $0xffff;
	v43 =	vunpack.i.u.bf16.f32 v27;
	v27 =	vunpack.i.l.bf16.f32 v27;
	v44 =	vunpack.i.l.bf16.f32 v34  }
0x387: {  	v0 =	vld.idx.msk [tilespmem:v0+s5+$0x0], $0xffff;
	v34 =	vunpack.i.u.bf16.f32 v34;
	v27 =	vmul.f32 v27, v10;
	v44 =	vmul.f32 v44, v16  }
0x388: {  	v9 =	vor.u32 $0x1F, v9;
	v3 =	vld.idx.msk [tilespmem:v3+s5+$0x0], $0xffff;
	v10 =	vmul.f32 v43, v10;
	v16 =	vmul.f32 v34, v16  }
0x389: {  	v24 =	vor.u32 $0x2, v25;
	v2 =	vor.u32 $0x12, v12;
	v58 =	vunpack.i.l.bf16.f32 v26  }
0x38a: {  	v28 =	vld.idx.msk [tilespmem:v28+s5+$0x0], $0xffff;
	v27 =	vadd.f32 v44, v27;
	v26 =	vunpack.i.u.bf16.f32 v26;
	v10 =	vadd.f32 v16, v10  }
0x38b: {  	v34 =	vmul.f32 v58, v11;
	v11 =	vmul.f32 v26, v11;
	v26 =	vld.idx.msk [tilespmem:v31+s5+$0x0], $0xffff;
	v31 =	vunpack.i.u.bf16.f32 v1  }
0x38c: {  	v1 =	vunpack.i.l.bf16.f32 v1;
	v59 =	vunpack.i.l.bf16.f32 v0;
	v0 =	vunpack.i.u.bf16.f32 v0  }
0x38d: {  	v60 =	vunpack.i.l.bf16.f32 v3;
	v1 =	vmul.f32 v1, v13;
	v31 =	vmul.f32 v31, v13  }
0x38e: {  	v32 =	vld.idx.msk [tilespmem:v63+s5+$0x0], $0xffff;
	v0 =	vmul.f32 v0, v15;
	v27 =	vadd.f32 v34, v27;
	v34 =	vmul.f32 v59, v15  }
0x38f: {  	v16 =	vunpack.i.l.bf16.f32 v28;
	v3 =	vunpack.i.u.bf16.f32 v3;
	v43 =	vmul.f32 v60, v14  }
0x390: {  	v29 =	vld.idx.msk [tilespmem:v29+s5+$0x0], $0xffff;
	v3 =	vmul.f32 v3, v14;
	v0 =	vadd.f32 v0, v31;
	v1 =	vadd.f32 v34, v1  }
0x391: {  	v61 =	vld.idx.msk [tilespmem:v48+s5+$0x0], $0xffff;
	v28 =	vunpack.i.u.bf16.f32 v28;
	v31 =	vunpack.i.l.bf16.f32 v26;
	v26 =	vunpack.i.u.bf16.f32 v26  }
0x392: {  	v30 =	vld.idx.msk [tilespmem:v30+s5+$0x0], $0xffff;
	v0 =	vadd.f32 v3, v0;
	v31 =	vmul.f32 v31, v18;
	v1 =	vadd.f32 v43, v1  }
0x393: {  	v3 =	vunpack.i.l.bf16.f32 v32;
	v32 =	vunpack.i.u.bf16.f32 v32;
	v26 =	vmul.f32 v26, v18  }
0x394: {  	v3 =	vmul.f32 v3, v20;
	v1 =	vadd.f32 v31, v1;
	v31 =	vmul.f32 v32, v20  }
0x395: {  	v0 =	vadd.f32 v26, v0;
	v26 =	vunpack.i.l.bf16.f32 v29;
	v29 =	vunpack.i.u.bf16.f32 v29  }
0x396: {  	v62 =	vunpack.i.u.bf16.f32 v61;
	v26 =	vmul.f32 v26, v17;
	v29 =	vmul.f32 v29, v17  }
0x397: {  	v1 =	vadd.f32 v3, v1;
	v3 =	vld.idx.msk [tilespmem:v56+s5+$0x0], $0xffff;
	v0 =	vadd.f32 v31, v0;
	v31 =	vunpack.i.l.bf16.f32 v30  }
0x398: {  	v16 =	vmul.f32 v16, v8;
	v30 =	vunpack.i.u.bf16.f32 v30;
	v31 =	vmul.f32 v31, v19  }
0x399: {  	v1 =	vadd.f32 v26, v1;
	v26 =	vmul.f32 v30, v19;
	v0 =	vadd.f32 v29, v0  }
0x39a: {  	v10 =	vadd.f32 v11, v10;
	v11 =	vmul.f32 v62, v21;
	v29 =	vunpack.i.l.bf16.f32 v61;
	v30 =	vld.idx.msk [tilespmem:v57+s5+$0x0], $0xffff  }
0x39b: {  	v29 =	vmul.f32 v29, v21;
	v1 =	vadd.f32 v31, v1;
	v0 =	vadd.f32 v26, v0  }
0x39c: {  	v8 =	vmul.f32 v28, v8;
	v16 =	vadd.f32 v16, v27;
	v26 =	vld.idx.msk [tilespmem:v42+s5+$0x0], $0xffff;
	v28 =	vunpack.i.l.bf16.f32 v3  }
0x39d: {  	v3 =	vunpack.i.u.bf16.f32 v3;
	v1 =	vadd.f32 v29, v1;
	v0 =	vadd.f32 v11, v0  }
0x39e: {  	v8 =	vadd.f32 v8, v10;
	v11 =	vmul.f32 v28, v5;
	v3 =	vmul.f32 v3, v5  }
0x39f: {  	v9 =	vld.idx.msk [tilespmem:v9+s5+$0x0], $0xffff;
	v5 =	vunpack.i.l.bf16.f32 v30;
	v1 =	vmul.f32 v1, v55;
	v0 =	vmul.f32 v0, v55  }
0x3a0: {  	v10 =	vadd.f32 v11, v16;
	v11 =	vunpack.i.u.bf16.f32 v30;
	v5 =	vmul.f32 v5, v6  }
0x3a1: {  	[tilespmem:v24+s9+$0x0] =	vst.idx.add.f32.msk $0xffff, v1;
	v1 =	vadd.f32 v3, v8;
	v3 =	vmul.f32 v11, v6;
	v6 =	vunpack.i.l.bf16.f32 v26  }
0x3a2: {  	s12 =	simm.s32 $0x30;
	[tilespmem:v49+s9+$0x0] =	vst.idx.add.f32.msk $0xffff, v0;
	v0 =	vadd.f32 v5, v10;
	v5 =	vunpack.i.u.bf16.f32 v26;
	v6 =	vmul.f32 v6, v4  }
0x3a3: {  	v16 =	vmov s12;
	v8 =	vld.idx.msk [tilespmem:v50+s5+$0x0], $0xffff;
	v1 =	vadd.f32 v3, v1;
	v3 =	vmul.f32 v5, v4  }
0x3a4: {  	v4 =	vld.idx.msk [tilespmem:v51+s5+$0x0], $0xffff;
	v5 =	vunpack.i.l.bf16.f32 v9;
	v0 =	vadd.f32 v6, v0;
	v6 =	vunpack.i.u.bf16.f32 v9  }
0x3a5: {  	v5 =	vmul.f32 v5, v7;
	v1 =	vadd.f32 v3, v1;
	v3 =	vmul.f32 v6, v7;
	v6 =	vld.idx.msk [tilespmem:v52+s5+$0x0], $0xffff  }
0x3a6: {  	v30 =	vor.u32 $0x4, v25;
	v16 =	vshll.u32 v16, $0x3;
	v10 =	vor.u32 $0x16, v12  }
0x3a7: {  	v9 =	vor.u32 $0x1E, v12;
	v7 =	vor.u32 $0x1A, v12;
	v29 =	vadd.f32 v5, v0  }
0x3a8: {  	v0 =	vld.idx.msk [tilespmem:v53+s5+$0x0], $0xffff;
	v28 =	vadd.f32 v3, v1;
	v1 =	vunpack.i.l.bf16.f32 v8;
	v3 =	vunpack.i.u.bf16.f32 v8  }
0x3a9: {  	s19 =	simm.s32 $0x18130;
	v5 =	vunpack.i.l.bf16.f32 v4;
	v4 =	vunpack.i.u.bf16.f32 v4;
	v1 =	vmul.f32 v1, v13  }
0x3aa: {  	v8 =	vld [tilespmem:s19+$0x0];
	v3 =	vmul.f32 v3, v13;
	v5 =	vmul.f32 v5, v15;
	v11 =	vunpack.i.u.bf16.f32 v6  }
0x3ab: {  	v4 =	vmul.f32 v4, v15;
	v6 =	vunpack.i.l.bf16.f32 v6;
	v11 =	vmul.f32 v11, v14  }
0x3ac: {  	v2 =	vld.idx.msk [tilespmem:v2+s5+$0x0], $0xffff;
	v1 =	vadd.f32 v5, v1;
	v5 =	vmul.f32 v6, v14;
	v6 =	vor.u32 v54, v16  }
0x3ad: {  	v16 =	vunpack.i.u.bf16.f32 v0;
	v3 =	vadd.f32 v4, v3;
	v0 =	vunpack.i.l.bf16.f32 v0  }
0x3ae: {  	v0 =	vmul.f32 v0, v18;
	v24 =	vor.u32 $0x1, v6;
	v27 =	vor.u32 $0x2, v6  }
0x3af: {  	v52 =	vor.u32 $0x4, v6;
	v53 =	vor.u32 $0x5, v6;
	v31 =	vshll.u32 v8, $0x5  }
0x3b0: {  	v4 =	vld.idx.msk [tilespmem:v10+s5+$0x0], $0xffff;
	v56 =	vor.u32 $0x7, v6;
	v8 =	vmul.f32 v16, v18;
	v10 =	vor.u32 $0x4, v31  }
0x3b1: {  	v1 =	vadd.f32 v5, v1;
	v5 =	vld [tilespmem:s19+$0xFFFFFFF0];
	v16 =	vunpack.i.u.bf16.f32 v2;
	v3 =	vadd.f32 v11, v3  }
0x3b2: {  	v2 =	vunpack.i.l.bf16.f32 v2;
	v11 =	vor.u32 $0x8, v31;
	v63 =	vmul.f32 v16, v20  }
0x3b3: {  	v48 =	vor.u32 $0xC, v31;
	v57 =	vor.u32 $0x18, v31;
	v58 =	vor.u32 $0x1C, v31;
	v16 =	vld.idx.msk [tilespmem:v6+s3+$0x0], $0xffff  }
0x3b4: {  	v61 =	vor.u32 $0x15, v31;
	v0 =	vadd.f32 v0, v1;
	v1 =	vmul.f32 v2, v20;
	v2 =	vld.idx.msk [tilespmem:v31+s5+$0x0], $0xffff  }
0x3b5: {  	v46 =	vor.u32 $0x19, v31;
	v3 =	vadd.f32 v8, v3;
	v8 =	vor.u32 $0x3, v6;
	v10 =	vld.idx.msk [tilespmem:v10+s5+$0x0], $0xffff  }
0x3b6: {  	v47 =	vor.u32 $0x1D, v31;
	v38 =	vld.idx.msk [tilespmem:v24+s3+$0x0], $0xffff;
	v26 =	vshll.u32 v5, $0x5;
	v5 =	vor.u32 $0x10, v31  }
0x3b7: {  	v49 =	vunpack.i.u.bf16.f32 v4;
	v4 =	vunpack.i.l.bf16.f32 v4;
	v6 =	vor.u32 $0x6, v6;
	v11 =	vld.idx.msk [tilespmem:v11+s5+$0x0], $0xffff  }
0x3b8: {  	v50 =	vmul.f32 v49, v17;
	v37 =	vld.idx.msk [tilespmem:v27+s3+$0x0], $0xffff;
	v27 =	vor.u32 $0x14, v31;
	v1 =	vadd.f32 v1, v0  }
0x3b9: {  	v4 =	vmul.f32 v4, v17;
	v51 =	vor.u32 $0x4, v26;
	v32 =	vld.idx.msk [tilespmem:v48+s5+$0x0], $0xffff;
	v42 =	vor.u32 $0xC, v26  }
0x3ba: {  	v24 =	vld.idx.msk [tilespmem:v8+s3+$0x0], $0xffff;
	v8 =	vunpack.i.u.bf16.f32 v2;
	v2 =	vunpack.i.l.bf16.f32 v2;
	v59 =	vunpack.i.l.bf16.f32 v10  }
0x3bb: {  	v5 =	vld.idx.msk [tilespmem:v5+s5+$0x0], $0xffff;
	v2 =	vmul.f32 v2, v16;
	v10 =	vunpack.i.u.bf16.f32 v10;
	v35 =	vmul.f32 v59, v38  }
0x3bc: {  	v36 =	vld.idx.msk [tilespmem:v52+s3+$0x0], $0xffff;
	v8 =	vmul.f32 v8, v16;
	v60 =	vunpack.i.l.bf16.f32 v11;
	v10 =	vmul.f32 v10, v38  }
0x3bd: {  	v27 =	vld.idx.msk [tilespmem:v27+s5+$0x0], $0xffff;
	v11 =	vunpack.i.u.bf16.f32 v11;
	v33 =	vmul.f32 v60, v37;
	v2 =	vadd.f32 v35, v2  }
0x3be: {  	v35 =	vld.idx.msk [tilespmem:v53+s3+$0x0], $0xffff;
	v8 =	vadd.f32 v10, v8;
	v10 =	vmul.f32 v11, v37;
	v11 =	vunpack.i.l.bf16.f32 v32  }
0x3bf: {  	v43 =	vld.idx.msk [tilespmem:v57+s5+$0x0], $0xffff;
	v32 =	vunpack.i.u.bf16.f32 v32;
	v11 =	vmul.f32 v11, v24;
	v2 =	vadd.f32 v33, v2  }
0x3c0: {  	v34 =	vld.idx.msk [tilespmem:v6+s3+$0x0], $0xffff;
	v6 =	vadd.f32 v10, v8;
	v8 =	vmul.f32 v32, v24;
	v10 =	vunpack.i.l.bf16.f32 v5  }
0x3c1: {  	v44 =	vld.idx.msk [tilespmem:v58+s5+$0x0], $0xffff;
	v5 =	vunpack.i.u.bf16.f32 v5;
	v10 =	vmul.f32 v10, v36;
	v2 =	vadd.f32 v11, v2  }
0x3c2: {  	s13 =	simm.s32 $0x17E10;
	v33 =	vld.idx.msk [tilespmem:v56+s3+$0x0], $0xffff;
	v5 =	vmul.f32 v5, v36;
	v6 =	vadd.f32 v8, v6;
	v8 =	vunpack.i.l.bf16.f32 v27  }
0x3c3: {  	v11 =	vld [tilespmem:s13+$0x0];
	v8 =	vmul.f32 v8, v35;
	v2 =	vadd.f32 v10, v2;
	v10 =	vunpack.i.u.bf16.f32 v27  }
0x3c4: {  	v5 =	vadd.f32 v5, v6;
	v6 =	vmul.f32 v10, v35;
	v10 =	vunpack.i.l.bf16.f32 v43  }
0x3c5: {  	s14 =	simm.s32 $0x18450;
	v9 =	vld.idx.msk [tilespmem:v9+s5+$0x0], $0xffff;
	v2 =	vadd.f32 v8, v2;
	v8 =	vunpack.i.u.bf16.f32 v43;
	v10 =	vmul.f32 v10, v34  }
0x3c6: {  	v32 =	vld [tilespmem:s14+$0x0];
	v5 =	vadd.f32 v6, v5;
	v6 =	vmul.f32 v8, v34;
	v8 =	vunpack.i.l.bf16.f32 v44  }
0x3c7: {  	v7 =	vld.idx.msk [tilespmem:v7+s5+$0x0], $0xffff;
	v2 =	vadd.f32 v10, v2;
	v10 =	vunpack.i.u.bf16.f32 v44;
	v8 =	vmul.f32 v8, v33  }
0x3c8: {  	v27 =	vshll.u32 v11, $0x3;
	v5 =	vadd.f32 v6, v5;
	v6 =	vmul.f32 v10, v33  }
0x3c9: {  	v3 =	vadd.f32 v63, v3;
	v41 =	vld.idx.msk [tilespmem:v51+s5+$0x0], $0xffff;
	v0 =	vadd.f32 v8, v2;
	v2 =	vor.u32 $0x1, v27  }
0x3ca: {  	v4 =	vadd.f32 v4, v1;
	v5 =	vadd.f32 v6, v5;
	v6 =	vor.u32 $0x1, v31  }
0x3cb: {  	v1 =	vunpack.i.u.bf16.f32 v9;
	v11 =	vor.u32 $0x5, v31;
	v10 =	vmul.f32 v0, v32  }
0x3cc: {  	v3 =	vadd.f32 v50, v3;
	v42 =	vld.idx.msk [tilespmem:v42+s5+$0x0], $0xffff;
	v8 =	vunpack.i.u.bf16.f32 v7;
	v5 =	vmul.f32 v5, v32  }
0x3cd: {  	v7 =	vunpack.i.l.bf16.f32 v7;
	v0 =	vmul.f32 v8, v19;
	v8 =	vor.u32 $0x9, v31;
	[tilespmem:v27+s9+$0x0] =	vst.idx.add.f32.msk $0xffff, v10  }
0x3ce: {  	s15 =	simm.s32 $0x20;
	v1 =	vmul.f32 v1, v21;
	v45 =	vunpack.i.u.bf16.f32 v41;
	v7 =	vmul.f32 v7, v19;
	[tilespmem:v2+s9+$0x0] =	vst.idx.add.f32.msk $0xffff, v5  }
0x3cf: {  	v10 =	vor.u32 $0xD, v31;
	v5 =	vunpack.i.l.bf16.f32 v9;
	v9 =	vmov s15;
	v6 =	vld.idx.msk [tilespmem:v6+s5+$0x0], $0xffff  }
0x3d0: {  	v41 =	vunpack.i.l.bf16.f32 v41;
	v2 =	vadd.f32 v7, v4;
	v4 =	vshll.u32 v9, $0x3;
	v7 =	vld.idx.msk [tilespmem:v11+s5+$0x0], $0xffff  }
0x3d1: {  	v0 =	vadd.f32 v0, v3;
	v9 =	vor.u32 v54, v4;
	v4 =	vor.u32 $0x11, v31  }
0x3d2: {  	v51 =	vunpack.i.l.bf16.f32 v42;
	v60 =	vor.u32 $0x2, v27;
	v39 =	vmul.f32 v5, v21;
	v8 =	vld.idx.msk [tilespmem:v8+s5+$0x0], $0xffff  }
0x3d3: {  	v11 =	vor.u32 $0x8, v26;
	v44 =	vld.idx.msk [tilespmem:v61+s5+$0x0], $0xffff;
	v61 =	vor.u32 $0x3, v27;
	v0 =	vadd.f32 v1, v0  }
0x3d4: {  	v5 =	vor.u32 $0x1, v9;
	v40 =	vor.u32 $0x2, v9;
	v43 =	vor.u32 $0x3, v9;
	v10 =	vld.idx.msk [tilespmem:v10+s5+$0x0], $0xffff  }
0x3d5: {  	v48 =	vunpack.i.u.bf16.f32 v6;
	v6 =	vunpack.i.l.bf16.f32 v6;
	v49 =	vunpack.i.l.bf16.f32 v7  }
0x3d6: {  	v7 =	vunpack.i.u.bf16.f32 v7;
	v4 =	vld.idx.msk [tilespmem:v4+s5+$0x0], $0xffff;
	v6 =	vmul.f32 v6, v16;
	v49 =	vmul.f32 v49, v38  }
0x3d7: {  	v48 =	vmul.f32 v48, v16;
	v7 =	vmul.f32 v7, v38;
	v50 =	vunpack.i.l.bf16.f32 v8  }
0x3d8: {  	v8 =	vunpack.i.u.bf16.f32 v8;
	v62 =	vmul.f32 v50, v37;
	v6 =	vadd.f32 v49, v6  }
0x3d9: {  	v8 =	vmul.f32 v8, v37;
	v7 =	vadd.f32 v7, v48;
	v63 =	vunpack.i.l.bf16.f32 v10  }
0x3da: {  	v46 =	vld.idx.msk [tilespmem:v46+s5+$0x0], $0xffff;
	v10 =	vunpack.i.u.bf16.f32 v10;
	v48 =	vmul.f32 v63, v24;
	v6 =	vadd.f32 v62, v6  }
0x3db: {  	v7 =	vadd.f32 v8, v7;
	v8 =	vmul.f32 v10, v24;
	v10 =	vunpack.i.l.bf16.f32 v4  }
0x3dc: {  	v47 =	vld.idx.msk [tilespmem:v47+s5+$0x0], $0xffff;
	v4 =	vunpack.i.u.bf16.f32 v4;
	v6 =	vadd.f32 v48, v6;
	v10 =	vmul.f32 v10, v36  }
0x3dd: {  	v7 =	vadd.f32 v8, v7;
	v4 =	vmul.f32 v4, v36;
	v8 =	vunpack.i.l.bf16.f32 v44  }
0x3de: {  	v8 =	vmul.f32 v8, v35;
	v6 =	vadd.f32 v10, v6;
	v10 =	vunpack.i.u.bf16.f32 v44  }
0x3df: {  	v7 =	vadd.f32 v4, v7;
	v4 =	vunpack.i.l.bf16.f32 v46;
	v10 =	vmul.f32 v10, v35  }
0x3e0: {  	v52 =	vld.idx.msk [tilespmem:v26+s5+$0x0], $0xffff;
	v53 =	vmul.f32 v4, v34;
	v6 =	vadd.f32 v8, v6;
	v8 =	vunpack.i.u.bf16.f32 v46  }
0x3e1: {  	v11 =	vld.idx.msk [tilespmem:v11+s5+$0x0], $0xffff;
	v7 =	vadd.f32 v10, v7;
	v8 =	vmul.f32 v8, v34;
	v10 =	vunpack.i.l.bf16.f32 v47  }
0x3e2: {  	v59 =	vunpack.i.u.bf16.f32 v47;
	v57 =	vld.idx.msk [tilespmem:v5+s3+$0x0], $0xffff;
	v6 =	vadd.f32 v53, v6;
	v10 =	vmul.f32 v10, v33  }
0x3e3: {  	v2 =	vadd.f32 v39, v2;
	v5 =	vld.idx.msk [tilespmem:v9+s3+$0x0], $0xffff;
	v7 =	vadd.f32 v8, v7;
	v8 =	vmul.f32 v59, v33  }
0x3e4: {  	v39 =	vor.u32 $0x7, v12;
	v0 =	vmul.f32 v0, v55;
	v10 =	vadd.f32 v10, v6  }
0x3e5: {  	v49 =	vor.u32 $0x6, v31;
	v63 =	vor.u32 $0x2, v31;
	v8 =	vadd.f32 v8, v7  }
0x3e6: {  	v62 =	vunpack.i.l.bf16.f32 v52;
	v52 =	vunpack.i.u.bf16.f32 v52;
	v59 =	vld.idx.msk [tilespmem:v40+s3+$0x0], $0xffff;
	v10 =	vmul.f32 v10, v32  }
0x3e7: {  	v56 =	vld.idx.msk [tilespmem:v43+s3+$0x0], $0xffff;
	v58 =	vunpack.i.u.bf16.f32 v11;
	v41 =	vmul.f32 v41, v57;
	v8 =	vmul.f32 v8, v32  }
0x3e8: {  	v11 =	vunpack.i.l.bf16.f32 v11;
	v43 =	vmul.f32 v52, v5;
	v40 =	vmul.f32 v62, v5;
	[tilespmem:v60+s9+$0x0] =	vst.idx.add.f32.msk $0xffff, v10  }
0x3e9: {  	v48 =	vor.u32 $0x14, v26;
	v53 =	vmul.f32 v45, v57;
	v10 =	vor.u32 $0xA, v31;
	[tilespmem:v61+s9+$0x0] =	vst.idx.add.f32.msk $0xffff, v8  }
0x3ea: {  	v44 =	vor.u32 $0x10, v26;
	v62 =	vunpack.i.u.bf16.f32 v42;
	v40 =	vadd.f32 v41, v40;
	v61 =	vld.idx.msk [tilespmem:v63+s5+$0x0], $0xffff  }
0x3eb: {  	v60 =	vmul.f32 v58, v59;
	v8 =	vmul.f32 v11, v59;
	v11 =	vadd.f32 v53, v43;
	v47 =	vld.idx.msk [tilespmem:v49+s5+$0x0], $0xffff  }
0x3ec: {  	v4 =	vor.u32 $0x1C, v26;
	v52 =	vmul.f32 v62, v56;
	v63 =	vor.u32 $0xE, v31  }
0x3ed: {  	v8 =	vadd.f32 v8, v40;
	v11 =	vadd.f32 v60, v11;
	v40 =	vmul.f32 v51, v56  }
0x3ee: {  	v45 =	vor.u32 $0x4, v9;
	v62 =	vor.u32 $0x1E, v31;
	v53 =	vor.u32 $0x12, v31;
	v10 =	vld.idx.msk [tilespmem:v10+s5+$0x0], $0xffff  }
0x3ef: {  	v40 =	vadd.f32 v40, v8;
	v41 =	vadd.f32 v52, v11;
	v8 =	vor.u32 $0x16, v31  }
0x3f0: {  	v58 =	vunpack.i.u.bf16.f32 v61;
	v43 =	vunpack.i.l.bf16.f32 v61;
	v60 =	vunpack.i.l.bf16.f32 v47  }
0x3f1: {  	v11 =	vld.idx.msk [tilespmem:v63+s5+$0x0], $0xffff;
	v47 =	vunpack.i.u.bf16.f32 v47;
	v43 =	vmul.f32 v43, v16;
	v50 =	vmul.f32 v60, v38  }
0x3f2: {  	v49 =	vor.u32 $0x5, v9;
	v46 =	vmul.f32 v58, v16;
	v47 =	vmul.f32 v47, v38  }
0x3f3: {  	v52 =	vor.u32 $0x1A, v31;
	v42 =	vld.idx.msk [tilespmem:v53+s5+$0x0], $0xffff;
	v53 =	vor.u32 $0x6, v9;
	v51 =	vunpack.i.l.bf16.f32 v10  }
0x3f4: {  	v44 =	vld.idx.msk [tilespmem:v44+s5+$0x0], $0xffff;
	v43 =	vadd.f32 v50, v43;
	v10 =	vunpack.i.u.bf16.f32 v10;
	v46 =	vadd.f32 v47, v46  }
0x3f5: {  	v63 =	vld.idx.msk [tilespmem:v8+s5+$0x0], $0xffff;
	v50 =	vor.u32 $0x18, v26;
	v61 =	vmul.f32 v51, v37;
	v8 =	vmul.f32 v10, v37  }
0x3f6: {  	v51 =	vor.u32 $0x7, v9;
	v10 =	vunpack.i.l.bf16.f32 v11;
	v11 =	vunpack.i.u.bf16.f32 v11  }
0x3f7: {  	v45 =	vld.idx.msk [tilespmem:v45+s3+$0x0], $0xffff;
	v43 =	vadd.f32 v61, v43;
	v10 =	vmul.f32 v10, v24;
	v46 =	vadd.f32 v8, v46  }
0x3f8: {  	v52 =	vld.idx.msk [tilespmem:v52+s5+$0x0], $0xffff;
	v11 =	vmul.f32 v11, v24;
	v8 =	vunpack.i.l.bf16.f32 v42;
	v42 =	vunpack.i.u.bf16.f32 v42  }
0x3f9: {  	v61 =	vunpack.i.l.bf16.f32 v44;
	v58 =	vmul.f32 v8, v36;
	v10 =	vadd.f32 v10, v43  }
0x3fa: {  	v42 =	vmul.f32 v42, v36;
	v11 =	vadd.f32 v11, v46;
	v46 =	vld.idx.msk [tilespmem:v62+s5+$0x0], $0xffff;
	v60 =	vunpack.i.l.bf16.f32 v63  }
0x3fb: {  	v62 =	vunpack.i.u.bf16.f32 v63;
	v9 =	vmul.f32 v60, v35;
	v10 =	vadd.f32 v58, v10  }
0x3fc: {  	v48 =	vld.idx.msk [tilespmem:v48+s5+$0x0], $0xffff;
	v43 =	vmul.f32 v61, v45;
	v11 =	vadd.f32 v42, v11;
	v42 =	vunpack.i.u.bf16.f32 v44  }
0x3fd: {  	v44 =	vmul.f32 v62, v35;
	v10 =	vadd.f32 v9, v10;
	v9 =	vunpack.i.l.bf16.f32 v52  }
0x3fe: {  	v63 =	vunpack.i.u.bf16.f32 v52;
	v47 =	vld.idx.msk [tilespmem:v50+s5+$0x0], $0xffff;
	v50 =	vor.u32 $0x4, v27;
	v52 =	vmul.f32 v9, v34  }
0x3ff: {  	v11 =	vadd.f32 v44, v11;
	v44 =	vmul.f32 v63, v34;
	v58 =	vunpack.i.l.bf16.f32 v46  }
0x400: {  	v63 =	vld.idx.msk [tilespmem:v49+s3+$0x0], $0xffff;
	v49 =	vadd.f32 v52, v10;
	v10 =	vunpack.i.u.bf16.f32 v46;
	v52 =	vmul.f32 v58, v33  }
0x401: {  	v60 =	vunpack.i.l.bf16.f32 v48;
	v11 =	vadd.f32 v44, v11;
	v58 =	vmul.f32 v10, v33  }
0x402: {  	v40 =	vadd.f32 v43, v40;
	v46 =	vadd.f32 v52, v49;
	v49 =	vor.u32 $0x5, v27  }
0x403: {  	v62 =	vld.idx.msk [tilespmem:v53+s3+$0x0], $0xffff;
	v42 =	vmul.f32 v42, v45;
	v44 =	vor.u32 $0x3, v31;
	v43 =	vadd.f32 v58, v11  }
0x404: {  	v4 =	vld.idx.msk [tilespmem:v4+s5+$0x0], $0xffff;
	v48 =	vunpack.i.u.bf16.f32 v48;
	v53 =	vor.u32 $0x7, v31;
	v46 =	vmul.f32 v46, v32  }
0x405: {  	v41 =	vadd.f32 v42, v41;
	v48 =	vmul.f32 v48, v63;
	v58 =	vld.idx.msk [tilespmem:v51+s3+$0x0], $0xffff;
	v43 =	vmul.f32 v43, v32  }
0x406: {  	v2 =	vmul.f32 v2, v55;
	v61 =	vmul.f32 v60, v63;
	v60 =	vor.u32 $0xF, v31;
	[tilespmem:v50+s9+$0x0] =	vst.idx.add.f32.msk $0xffff, v46  }
0x407: {  	v3 =	vunpack.i.u.bf16.f32 v47;
	v41 =	vadd.f32 v48, v41;
	v48 =	vor.u32 $0x5, v25;
	[tilespmem:v49+s9+$0x0] =	vst.idx.add.f32.msk $0xffff, v43  }
0x408: {  	v3 =	vmul.f32 v3, v62;
	v50 =	vunpack.i.l.bf16.f32 v47;
	v46 =	vor.u32 $0xB, v31;
	v42 =	vld.idx.msk [tilespmem:v44+s5+$0x0], $0xffff  }
0x409: {  	v6 =	vor.u32 $0x6, v25;
	v40 =	vadd.f32 v61, v40;
	v51 =	vmul.f32 v50, v62;
	v61 =	vld.idx.msk [tilespmem:v53+s5+$0x0], $0xffff  }
0x40a: {  	[tilespmem:v30+s9+$0x0] =	vst.idx.add.f32.msk $0xffff, v2;
	v52 =	vunpack.i.l.bf16.f32 v4;
	v4 =	vunpack.i.u.bf16.f32 v4;
	v1 =	vadd.f32 v3, v41  }
0x40b: {  	v43 =	vmul.f32 v52, v58;
	v44 =	vld.idx.msk [tilespmem:v60+s5+$0x0], $0xffff;
	v4 =	vmul.f32 v4, v58;
	v40 =	vadd.f32 v51, v40  }
0x40c: {  	v10 =	vor.u32 $0x13, v26;
	v49 =	vor.u32 $0x3, v12;
	v51 =	vor.u32 $0x13, v31;
	[tilespmem:v48+s9+$0x0] =	vst.idx.add.f32.msk $0xffff, v0  }
0x40d: {  	v48 =	vor.u32 $0x9, v26;
	v1 =	vadd.f32 v4, v1;
	v3 =	vadd.f32 v43, v40;
	v50 =	vld.idx.msk [tilespmem:v46+s5+$0x0], $0xffff  }
0x40e: {  	v52 =	vunpack.i.u.bf16.f32 v42;
	v42 =	vunpack.i.l.bf16.f32 v42;
	v53 =	vunpack.i.l.bf16.f32 v61  }
0x40f: {  	v60 =	vunpack.i.u.bf16.f32 v61;
	v61 =	vor.u32 $0x17, v31;
	v42 =	vmul.f32 v42, v16  }
0x410: {  	v4 =	vunpack.i.l.bf16.f32 v44;
	v16 =	vmul.f32 v52, v16;
	v43 =	vmul.f32 v53, v38  }
0x411: {  	v38 =	vmul.f32 v60, v38;
	v41 =	vld.idx.msk [tilespmem:v51+s5+$0x0], $0xffff;
	v52 =	vor.u32 $0x1B, v31;
	v31 =	vor.u32 $0x1F, v31  }
0x412: {  	v49 =	vld.idx.msk [tilespmem:v49+s5+$0x0], $0xffff;
	v42 =	vadd.f32 v43, v42;
	v47 =	vunpack.i.l.bf16.f32 v50;
	v40 =	vunpack.i.u.bf16.f32 v50  }
0x413: {  	v16 =	vadd.f32 v38, v16;
	v50 =	vld [tilespmem:s13+$0xFFFFFFF0];
	v43 =	vmul.f32 v47, v37;
	v37 =	vmul.f32 v40, v37  }
0x414: {  	v51 =	vunpack.i.u.bf16.f32 v44;
	v4 =	vmul.f32 v4, v24;
	v60 =	vor.u32 $0x5, v26;
	v46 =	vld.idx.msk [tilespmem:v61+s5+$0x0], $0xffff  }
0x415: {  	v40 =	vor.u32 $0xB, v12;
	v47 =	vor.u32 $0xF, v12;
	v37 =	vadd.f32 v37, v16;
	v16 =	vld [tilespmem:s14+$0xFFFFFFF0]  }
0x416: {  	v42 =	vadd.f32 v43, v42;
	v43 =	vmul.f32 v51, v24;
	v53 =	vunpack.i.l.bf16.f32 v41;
	v61 =	vld.idx.msk [tilespmem:v52+s5+$0x0], $0xffff  }
0x417: {  	v30 =	vunpack.i.u.bf16.f32 v41;
	v31 =	vld.idx.msk [tilespmem:v31+s5+$0x0], $0xffff;
	v52 =	vor.u32 $0x15, v26;
	v38 =	vmul.f32 v53, v36  }
0x418: {  	v30 =	vmul.f32 v30, v36;
	v42 =	vadd.f32 v4, v42;
	v24 =	vshll.u32 v50, $0x3  }
0x419: {  	v53 =	vunpack.i.u.bf16.f32 v49;
	v4 =	vor.u32 $0x1, v26;
	v37 =	vadd.f32 v43, v37  }
0x41a: {  	v2 =	vor.u32 $0x1, v24;
	v38 =	vadd.f32 v38, v42;
	v0 =	vunpack.i.l.bf16.f32 v46  }
0x41b: {  	v30 =	vadd.f32 v30, v37;
	v37 =	vor.u32 $0x13, v12;
	v3 =	vmul.f32 v3, v16  }
0x41c: {  	v1 =	vmul.f32 v1, v16;
	v41 =	vunpack.i.u.bf16.f32 v61;
	v51 =	vunpack.i.l.bf16.f32 v31  }
0x41d: {  	v31 =	vunpack.i.u.bf16.f32 v31;
	[tilespmem:v24+s9+$0x0] =	vst.idx.add.f32.msk $0xffff, v3;
	v3 =	vunpack.i.u.bf16.f32 v46;
	v46 =	vmul.f32 v0, v35  }
0x41e: {  	v31 =	vmul.f32 v31, v33;
	v0 =	vor.u32 $0x6, v23;
	v3 =	vmul.f32 v3, v35  }
0x41f: {  	[tilespmem:v2+s9+$0x0] =	vst.idx.add.f32.msk $0xffff, v1;
	v1 =	vmul.f32 v29, v22;
	v2 =	vor.u32 $0x7, v23;
	v29 =	vadd.f32 v46, v38  }
0x420: {  	v23 =	vld.idx.msk [tilespmem:v4+s5+$0x0], $0xffff;
	v38 =	vunpack.i.l.bf16.f32 v49;
	v30 =	vadd.f32 v3, v30;
	v3 =	vunpack.i.l.bf16.f32 v61  }
0x421: {  	v36 =	vld.idx.msk [tilespmem:v60+s5+$0x0], $0xffff;
	v60 =	vor.u32 $0x19, v26;
	v38 =	vmul.f32 v38, v13;
	v50 =	vmul.f32 v3, v34  }
0x422: {  	v4 =	vor.u32 $0x1F, v12;
	v34 =	vmul.f32 v41, v34;
	v3 =	vmul.f32 v28, v22  }
0x423: {  	v22 =	vor.u32 $0xD, v26;
	v41 =	vmul.f32 v51, v33;
	v29 =	vadd.f32 v50, v29  }
0x424: {  	v39 =	vld.idx.msk [tilespmem:v39+s5+$0x0], $0xffff;
	v28 =	vor.u32 $0x11, v26;
	v33 =	vmul.f32 v53, v13;
	v30 =	vadd.f32 v34, v30  }
0x425: {  	v35 =	vld.idx.msk [tilespmem:v48+s5+$0x0], $0xffff;
	v50 =	vor.u32 $0x1D, v26;
	v13 =	vadd.f32 v41, v29;
	v29 =	vunpack.i.l.bf16.f32 v23  }
0x426: {  	v48 =	vld.idx.msk [tilespmem:v52+s5+$0x0], $0xffff;
	v30 =	vadd.f32 v31, v30;
	v31 =	vunpack.i.l.bf16.f32 v36;
	v23 =	vunpack.i.u.bf16.f32 v23  }
0x427: {  	v36 =	vunpack.i.u.bf16.f32 v36;
	v41 =	vld.idx.msk [tilespmem:v60+s5+$0x0], $0xffff;
	v29 =	vmul.f32 v29, v5;
	v31 =	vmul.f32 v31, v57  }
0x428: {  	v60 =	vor.u32 $0x2, v24;
	v61 =	vld.idx.msk [tilespmem:v22+s5+$0x0], $0xffff;
	v23 =	vmul.f32 v23, v5;
	v44 =	vmul.f32 v36, v57  }
0x429: {  	v22 =	vmul.f32 v13, v32;
	v13 =	vld.idx.msk [tilespmem:v28+s5+$0x0], $0xffff;
	[tilespmem:$0x1FED0] =	vst v6;
	v6 =	vor.u32 $0x7, v25;
	v28 =	vadd.f32 v31, v29  }
0x42a: {  	v29 =	vunpack.i.l.bf16.f32 v35;
	v31 =	vunpack.i.u.bf16.f32 v35;
	v23 =	vadd.f32 v44, v23  }
0x42b: {  	v46 =	vmul.f32 v29, v59;
	v29 =	vmul.f32 v30, v32;
	v32 =	vunpack.i.u.bf16.f32 v48  }
0x42c: {  	v30 =	vor.u32 $0x17, v12;
	v31 =	vmul.f32 v31, v59;
	v25 =	vmul.f32 v32, v63  }
0x42d: {  	v42 =	vunpack.i.u.bf16.f32 v41;
	v32 =	vor.u32 $0x1A, v26;
	v49 =	vunpack.i.l.bf16.f32 v61  }
0x42e: {  	v28 =	vadd.f32 v46, v28;
	v51 =	vunpack.i.u.bf16.f32 v61;
	v34 =	vmul.f32 v49, v56  }
0x42f: {  	v23 =	vadd.f32 v31, v23;
	v36 =	vmul.f32 v51, v56;
	v31 =	vunpack.i.l.bf16.f32 v13  }
0x430: {  	v13 =	vunpack.i.u.bf16.f32 v13;
	v31 =	vmul.f32 v31, v45;
	v28 =	vadd.f32 v34, v28  }
0x431: {  	v61 =	vunpack.i.l.bf16.f32 v41;
	v52 =	vmul.f32 v13, v45;
	v34 =	vor.u32 $0x1B, v12  }
0x432: {  	v23 =	vadd.f32 v36, v23;
	v12 =	vunpack.i.l.bf16.f32 v48;
	v28 =	vadd.f32 v31, v28;
	v31 =	vld.idx.msk [tilespmem:v50+s5+$0x0], $0xffff  }
0x433: {  	v46 =	vor.u32 $0x3, v24;
	v35 =	vmul.f32 v61, v62;
	v53 =	vmul.f32 v12, v63  }
0x434: {  	v36 =	vmul.f32 v42, v62;
	v48 =	vor.u32 $0xA, v26;
	[tilespmem:$0x1FEE0] =	vst v6;
	v23 =	vadd.f32 v52, v23  }
0x435: {  	v50 =	vor.u32 $0xE, v26;
	v52 =	vor.u32 $0x12, v26;
	v40 =	vld.idx.msk [tilespmem:v40+s5+$0x0], $0xffff;
	v28 =	vadd.f32 v53, v28  }
0x436: {  	v23 =	vadd.f32 v25, v23;
	v25 =	vunpack.i.u.bf16.f32 v39;
	v39 =	vunpack.i.l.bf16.f32 v39  }
0x437: {  	v44 =	vld.idx.msk [tilespmem:v47+s5+$0x0], $0xffff;
	v47 =	vor.u32 $0x6, v26;
	v39 =	vmul.f32 v39, v15;
	v43 =	vunpack.i.l.bf16.f32 v31  }
0x438: {  	v28 =	vadd.f32 v35, v28;
	v31 =	vunpack.i.u.bf16.f32 v31;
	v35 =	vmul.f32 v43, v58  }
0x439: {  	v15 =	vmul.f32 v25, v15;
	v23 =	vadd.f32 v36, v23;
	v31 =	vmul.f32 v31, v58  }
0x43a: {  	v38 =	vadd.f32 v39, v38;
	v49 =	vunpack.i.l.bf16.f32 v40;
	v28 =	vadd.f32 v35, v28  }
0x43b: {  	v40 =	vunpack.i.u.bf16.f32 v40;
	v23 =	vadd.f32 v31, v23;
	v31 =	vld.idx.msk [tilespmem:v37+s5+$0x0], $0xffff;
	v37 =	vmul.f32 v49, v14  }
0x43c: {  	v15 =	vadd.f32 v15, v33;
	v14 =	vmul.f32 v40, v14;
	v28 =	vmul.f32 v28, v16  }
0x43d: {  	v30 =	vld.idx.msk [tilespmem:v30+s5+$0x0], $0xffff;
	v25 =	vor.u32 $0x2, v26;
	v49 =	vor.u32 $0xB, v26;
	v23 =	vmul.f32 v23, v16  }
0x43e: {  	v51 =	vadd.f32 v37, v38;
	v14 =	vadd.f32 v14, v15;
	[tilespmem:v60+s9+$0x0] =	vst.idx.add.f32.msk $0xffff, v28;
	v28 =	vunpack.i.l.bf16.f32 v44  }
0x43f: {  	v15 =	vor.u32 $0x16, v26;
	v28 =	vmul.f32 v28, v18;
	[tilespmem:v46+s9+$0x0] =	vst.idx.add.f32.msk $0xffff, v23;
	v23 =	vunpack.i.u.bf16.f32 v44  }
0x440: {  	v34 =	vld.idx.msk [tilespmem:v34+s5+$0x0], $0xffff;
	v60 =	vor.u32 $0x4, v24;
	v18 =	vmul.f32 v23, v18;
	v23 =	vunpack.i.l.bf16.f32 v31  }
0x441: {  	v31 =	vunpack.i.u.bf16.f32 v31;
	v28 =	vadd.f32 v28, v51;
	v23 =	vmul.f32 v23, v20  }
0x442: {  	v44 =	vor.u32 $0x5, v24;
	v25 =	vld.idx.msk [tilespmem:v25+s5+$0x0], $0xffff;
	v20 =	vmul.f32 v31, v20;
	v14 =	vadd.f32 v18, v14  }
0x443: {  	v31 =	vor.u32 $0x1E, v26;
	v51 =	vor.u32 $0x7, v26;
	v18 =	vld.idx.msk [tilespmem:v47+s5+$0x0], $0xffff;
	v23 =	vadd.f32 v23, v28  }
0x444: {  	v28 =	vunpack.i.l.bf16.f32 v30;
	v30 =	vunpack.i.u.bf16.f32 v30;
	v14 =	vadd.f32 v20, v14  }
0x445: {  	v20 =	vmul.f32 v28, v17;
	v17 =	vmul.f32 v30, v17;
	v28 =	vunpack.i.u.bf16.f32 v34;
	v30 =	vld.idx.msk [tilespmem:v48+s5+$0x0], $0xffff  }
0x446: {  	v47 =	vor.u32 $0x3, v26;
	v34 =	vunpack.i.l.bf16.f32 v34;
	v35 =	vmul.f32 v28, v19  }
0x447: {  	v19 =	vmul.f32 v34, v19;
	v28 =	vunpack.i.l.bf16.f32 v25;
	v20 =	vadd.f32 v20, v23;
	v23 =	vld.idx.msk [tilespmem:v50+s5+$0x0], $0xffff  }
0x448: {  	v25 =	vunpack.i.u.bf16.f32 v25;
	v28 =	vmul.f32 v28, v5;
	v53 =	vunpack.i.l.bf16.f32 v18  }
0x449: {  	v61 =	vld.idx.msk [tilespmem:v52+s5+$0x0], $0xffff;
	v36 =	vadd.f32 v17, v14;
	v14 =	vunpack.i.u.bf16.f32 v18;
	v33 =	vmul.f32 v53, v57  }
0x44a: {  	v17 =	vmul.f32 v25, v5;
	v14 =	vmul.f32 v14, v57;
	v18 =	vunpack.i.l.bf16.f32 v30  }
0x44b: {  	v25 =	vadd.f32 v33, v28;
	v28 =	vunpack.i.u.bf16.f32 v30;
	v18 =	vmul.f32 v18, v59  }
0x44c: {  	v30 =	vld.idx.msk [tilespmem:v15+s5+$0x0], $0xffff;
	v14 =	vadd.f32 v14, v17;
	v15 =	vmul.f32 v28, v59;
	v17 =	vunpack.i.l.bf16.f32 v23  }
0x44d: {  	v23 =	vunpack.i.u.bf16.f32 v23;
	v18 =	vadd.f32 v18, v25;
	v17 =	vmul.f32 v17, v56  }
0x44e: {  	v23 =	vmul.f32 v23, v56;
	v14 =	vadd.f32 v15, v14;
	v15 =	vunpack.i.l.bf16.f32 v61  }
0x44f: {  	v42 =	vmovc v5;
	v5 =	vor.u32 $0xF, v26;
	v25 =	vld.idx.msk [tilespmem:v32+s5+$0x0], $0xffff;
	v17 =	vadd.f32 v17, v18;
	v18 =	vmul.f32 v15, v45  }
0x450: {  	[tilespmem:v0+s9+$0x0] =	vst.idx.add.f32.msk $0xffff, v1;
	v1 =	vadd.f32 v35, v36;
	v23 =	vadd.f32 v23, v14;
	v14 =	vunpack.i.u.bf16.f32 v61  }
0x451: {  	v61 =	vld.idx.msk [tilespmem:v4+s5+$0x0], $0xffff;
	v18 =	vadd.f32 v18, v17;
	v17 =	vunpack.i.l.bf16.f32 v30;
	v28 =	vmul.f32 v14, v45  }
0x452: {  	v30 =	vunpack.i.u.bf16.f32 v30;
	v14 =	vadd.f32 v19, v20;
	v20 =	vld.idx.msk [tilespmem:v31+s5+$0x0], $0xffff;
	v31 =	vor.u32 $0x7, v27  }
0x453: {  	v53 =	vmul.f32 v17, v63;
	v19 =	vmul.f32 v30, v63;
	v30 =	vor.u32 $0x6, v27  }
0x454: {  	v23 =	vadd.f32 v28, v23;
	v28 =	vunpack.i.l.bf16.f32 v25;
	v25 =	vunpack.i.u.bf16.f32 v25  }
0x455: {  	v18 =	vadd.f32 v53, v18;
	v27 =	vmul.f32 v28, v62;
	v25 =	vmul.f32 v25, v62  }
0x456: {  	v28 =	vor.u32 $0x1F, v26;
	v19 =	vadd.f32 v19, v23;
	v23 =	vor.u32 $0x17, v26  }
0x457: {  	v0 =	vunpack.i.u.bf16.f32 v61;
	v18 =	vadd.f32 v27, v18;
	v27 =	vor.u32 $0x1B, v26  }
0x458: {  	[tilespmem:v2+s9+$0x0] =	vst.idx.add.f32.msk $0xffff, v3;
	v26 =	vunpack.i.l.bf16.f32 v61;
	v2 =	vunpack.i.u.bf16.f32 v20;
	v0 =	vmul.f32 v0, v21  }
0x459: {  	v3 =	vadd.f32 v25, v19;
	[tilespmem:v30+s9+$0x0] =	vst.idx.add.f32.msk $0xffff, v22;
	v19 =	vunpack.i.l.bf16.f32 v20;
	v2 =	vmul.f32 v2, v58  }
0x45a: {  	s16 =	simm.s32 $0x18150;
	s15 =	simm.s32 $0x2;
	v50 =	vor.u32 $0x6, v24;
	v20 =	vmul.f32 v26, v21;
	[tilespmem:v31+s9+$0x0] =	vst.idx.add.f32.msk $0xffff, v29;
	v22 =	vmul.f32 v19, v58  }
.LBB2_15:
0x45b: {  	v19 =	vld [tilespmem:s16+$0x0]  }
0x45c: {  	s12 =	sadd.s32 $0x20, s12;
	v18 =	vadd.f32 v22, v18  }
0x45d: {  	v2 =	vadd.f32 v2, v3;
	v3 =	vadd.f32 v20, v14;
	v14 =	vmov s12  }
0x45e: {  	v0 =	vadd.f32 v0, v1;
	v14 =	vshll.u32 v14, $0x3;
	v18 =	vmul.f32 v18, v16  }
0x45f: {  	v1 =	vld [tilespmem:s16+$0xFFFFFFF0];
	v2 =	vmul.f32 v2, v16;
	v21 =	vor.u32 v54, v14  }
0x460: {  	[tilespmem:v60+s9+$0x0] =	vst.idx.add.f32.msk $0xffff, v18;
	v26 =	vshll.u32 v19, $0x5  }
0x461: {  	s19 =	sadd.s32 $0xFFFFFFF0, s12;
	v32 =	vor.u32 $0x1, v21;
	[tilespmem:v44+s9+$0x0] =	vst.idx.add.f32.msk $0xffff, v2  }
0x462: {  	[tilespmem:$0x1FEA0] =	vst v58;
	v6 =	vmov s19;
	v58 =	vmul.f32 v0, v55;
	v0 =	vmovc v16;
	v36 =	vor.u32 $0x2, v21;
	v33 =	vld.idx.msk [tilespmem:v47+s5+$0x0], $0xffff  }
0x463: {  	v4 =	vshll.u32 v6, $0x3;
	[tilespmem:$0x1FE70] =	vst v0;
	v0 =	vor.u32 $0x4, v26;
	v35 =	vld.idx.msk [tilespmem:v51+s5+$0x0], $0xffff  }
0x464: {  	v43 =	vmul.f32 v3, v55;
	v20 =	vor.u32 v54, v4;
	v34 =	vor.u32 $0x8, v26;
	v30 =	vld.idx.msk [tilespmem:v21+s3+$0x0], $0xffff  }
0x465: {  	v22 =	vor.u32 $0x1, v20;
	v52 =	vor.u32 $0x3, v20;
	v41 =	vor.u32 $0x3, v21;
	v39 =	vld.idx.msk [tilespmem:v26+s5+$0x0], $0xffff  }
0x466: {  	v25 =	vor.u32 $0x4, v20;
	v16 =	vor.u32 $0x5, v20;
	v40 =	vor.u32 $0xC, v26;
	v37 =	vld.idx.msk [tilespmem:v32+s3+$0x0], $0xffff  }
0x467: {  	v53 =	vor.u32 $0x4, v21;
	v55 =	vor.u32 $0x5, v21;
	v32 =	vor.u32 $0x10, v26;
	v38 =	vld.idx.msk [tilespmem:v36+s3+$0x0], $0xffff  }
0x468: {  	[tilespmem:$0x1FE60] =	vst v56;
	v56 =	vor.u32 $0x7, v21;
	v14 =	vshll.u32 v1, $0x5;
	v2 =	vor.u32 $0x6, v20;
	v48 =	vld.idx.msk [tilespmem:v0+s5+$0x0], $0xffff  }
0x469: {  	[tilespmem:$0x1FE10] =	vst v57;
	v57 =	vor.u32 $0x1C, v26;
	v31 =	vor.u32 $0x4, v14;
	v36 =	vor.u32 $0x14, v26;
	v54 =	vld.idx.msk [tilespmem:v34+s5+$0x0], $0xffff  }
0x46a: {  	v44 =	vor.u32 $0x8, v14;
	v47 =	vor.u32 $0x2, v20;
	v34 =	vld.idx.msk [tilespmem:v41+s3+$0x0], $0xffff;
	v41 =	vor.u32 $0x18, v26  }
0x46b: {  	v51 =	vor.u32 $0xC, v14;
	v29 =	vor.u32 $0x10, v14;
	v4 =	vor.u32 $0x9, v14;
	v40 =	vld.idx.msk [tilespmem:v40+s5+$0x0], $0xffff  }
0x46c: {  	v19 =	vor.u32 $0x14, v14;
	[tilespmem:$0x1FE00] =	vst v4;
	v4 =	vor.u32 $0xD, v14;
	v21 =	vor.u32 $0x6, v21;
	v61 =	vld.idx.msk [tilespmem:v32+s5+$0x0], $0xffff  }
0x46d: {  	[tilespmem:$0x1FE50] =	vst v59;
	v59 =	vunpack.i.u.bf16.f32 v39;
	v39 =	vunpack.i.l.bf16.f32 v39;
	v32 =	vld.idx.msk [tilespmem:v53+s3+$0x0], $0xffff;
	v60 =	vunpack.i.l.bf16.f32 v48  }
0x46e: {  	[tilespmem:$0x1FE90] =	vst v62;
	v62 =	vld.idx.msk [tilespmem:v36+s5+$0x0], $0xffff;
	v39 =	vmul.f32 v39, v30;
	v48 =	vunpack.i.u.bf16.f32 v48;
	v59 =	vmul.f32 v59, v30  }
0x46f: {  	[tilespmem:$0x1FE80] =	vst v63;
	v63 =	vunpack.i.u.bf16.f32 v54;
	v41 =	vld.idx.msk [tilespmem:v41+s5+$0x0], $0xffff;
	v53 =	vmul.f32 v60, v37;
	v48 =	vmul.f32 v48, v37  }
0x470: {  	v36 =	vld.idx.msk [tilespmem:v55+s3+$0x0], $0xffff;
	v60 =	vunpack.i.l.bf16.f32 v54;
	v55 =	vmul.f32 v63, v38;
	v63 =	vunpack.i.l.bf16.f32 v40  }
0x471: {  	v40 =	vunpack.i.u.bf16.f32 v40;
	v60 =	vmul.f32 v60, v38;
	v53 =	vadd.f32 v53, v39  }
0x472: {  	v0 =	vor.u32 $0x7, v20;
	v31 =	vld.idx.msk [tilespmem:v31+s5+$0x0], $0xffff;
	v54 =	vmul.f32 v40, v34;
	v48 =	vadd.f32 v48, v59  }
0x473: {  	v39 =	vld.idx.msk [tilespmem:v21+s3+$0x0], $0xffff;
	v21 =	vadd.f32 v60, v53;
	v60 =	vmul.f32 v63, v34;
	v63 =	vunpack.i.l.bf16.f32 v61  }
0x474: {  	v59 =	vld.idx.msk [tilespmem:v57+s5+$0x0], $0xffff;
	v48 =	vadd.f32 v55, v48;
	v55 =	vmul.f32 v63, v32;
	v63 =	vunpack.i.l.bf16.f32 v41  }
0x475: {  	v40 =	vld.idx.msk [tilespmem:v56+s3+$0x0], $0xffff;
	v21 =	vadd.f32 v60, v21;
	v60 =	vunpack.i.u.bf16.f32 v61;
	v61 =	vunpack.i.l.bf16.f32 v62  }
0x476: {  	s13 =	sadd.s32 $0x20, s13;
	v44 =	vld.idx.msk [tilespmem:v44+s5+$0x0], $0xffff;
	v48 =	vadd.f32 v54, v48;
	v53 =	vmul.f32 v60, v32;
	v54 =	vmul.f32 v61, v36  }
0x477: {  	v56 =	vld [tilespmem:s13+$0x0];
	v61 =	vunpack.i.u.bf16.f32 v41;
	v55 =	vadd.f32 v55, v21;
	v21 =	vunpack.i.u.bf16.f32 v62  }
0x478: {  	v60 =	vld.idx.msk [tilespmem:v14+s5+$0x0], $0xffff;
	v62 =	vmul.f32 v63, v39;
	v48 =	vadd.f32 v53, v48;
	v53 =	vmul.f32 v21, v36  }
0x479: {  	s14 =	sadd.s32 $0x20, s14;
	v63 =	vmul.f32 v61, v39;
	v61 =	vunpack.i.l.bf16.f32 v59;
	v21 =	vld.idx.msk [tilespmem:v22+s3+$0x0], $0xffff;
	v22 =	vadd.f32 v54, v55  }
0x47a: {  	v41 =	vld [tilespmem:s14+$0x0];
	v54 =	vmul.f32 v61, v40;
	v55 =	vor.u32 $0x1, v26;
	v48 =	vadd.f32 v53, v48  }
0x47b: {  	v57 =	vld.idx.msk [tilespmem:v20+s3+$0x0], $0xffff;
	v20 =	vadd.f32 v62, v22;
	v22 =	vunpack.i.u.bf16.f32 v59;
	v59 =	vor.u32 $0x5, v26  }
0x47c: {  	v51 =	vld.idx.msk [tilespmem:v51+s5+$0x0], $0xffff;
	v53 =	vadd.f32 v63, v48;
	v62 =	vmul.f32 v22, v40;
	v48 =	vshll.u32 v56, $0x3  }
0x47d: {  	v22 =	vld.idx.msk [tilespmem:v47+s3+$0x0], $0xffff;
	v47 =	vunpack.i.u.bf16.f32 v31;
	v54 =	vadd.f32 v54, v20;
	v56 =	vor.u32 $0x1, v48  }
0x47e: {  	v31 =	vunpack.i.l.bf16.f32 v31;
	v20 =	vld.idx.msk [tilespmem:v52+s3+$0x0], $0xffff;
	v52 =	vunpack.i.u.bf16.f32 v60;
	v53 =	vadd.f32 v62, v53  }
0x47f: {  	v60 =	vunpack.i.l.bf16.f32 v60;
	v31 =	vmul.f32 v31, v21;
	v54 =	vmul.f32 v54, v41  }
0x480: {  	v29 =	vld.idx.msk [tilespmem:v29+s5+$0x0], $0xffff;
	v61 =	vunpack.i.u.bf16.f32 v44;
	v60 =	vmul.f32 v60, v57;
	v53 =	vmul.f32 v53, v41  }
0x481: {  	v47 =	vmul.f32 v47, v21;
	v52 =	vmul.f32 v52, v57;
	[tilespmem:v48+s9+$0x0] =	vst.idx.add.f32.msk $0xffff, v54;
	v54 =	vor.u32 $0x9, v26  }
0x482: {  	v44 =	vunpack.i.l.bf16.f32 v44;
	v63 =	vunpack.i.l.bf16.f32 v51;
	v31 =	vadd.f32 v31, v60;
	[tilespmem:v56+s9+$0x0] =	vst.idx.add.f32.msk $0xffff, v53  }
0x483: {  	v47 =	vadd.f32 v47, v52;
	v44 =	vmul.f32 v44, v22;
	v53 =	vld.idx.msk [tilespmem:v55+s5+$0x0], $0xffff;
	v55 =	vor.u32 $0xD, v26  }
0x484: {  	v52 =	vmul.f32 v61, v22;
	v56 =	vunpack.i.u.bf16.f32 v51;
	v51 =	vor.u32 $0x11, v26;
	v61 =	vld.idx.msk [tilespmem:v59+s5+$0x0], $0xffff  }
0x485: {  	v3 =	vor.u32 $0x18, v14;
	[tilespmem:$0x1FE20] =	vst v4;
	v4 =	vor.u32 $0x15, v14;
	v12 =	vld.idx.msk [tilespmem:v19+s5+$0x0], $0xffff;
	v19 =	vor.u32 $0x15, v26  }
0x486: {  	v62 =	vunpack.i.u.bf16.f32 v29;
	v31 =	vadd.f32 v44, v31;
	v44 =	vmul.f32 v63, v20;
	v54 =	vld.idx.msk [tilespmem:v54+s5+$0x0], $0xffff  }
0x487: {  	v47 =	vadd.f32 v52, v47;
	v59 =	vmul.f32 v56, v20;
	v63 =	vunpack.i.l.bf16.f32 v29;
	v29 =	vld.idx.msk [tilespmem:v16+s3+$0x0], $0xffff  }
0x488: {  	v16 =	vor.u32 $0x19, v26;
	v44 =	vadd.f32 v44, v31;
	v52 =	vld.idx.msk [tilespmem:v55+s5+$0x0], $0xffff;
	v55 =	vor.u32 $0x1D, v26  }
0x489: {  	v51 =	vld.idx.msk [tilespmem:v51+s5+$0x0], $0xffff;
	v31 =	vunpack.i.u.bf16.f32 v53;
	v53 =	vunpack.i.l.bf16.f32 v53;
	v56 =	vunpack.i.l.bf16.f32 v61  }
0x48a: {  	v1 =	vld.idx.msk [tilespmem:v49+s5+$0x0], $0xffff;
	v61 =	vunpack.i.u.bf16.f32 v61;
	v53 =	vmul.f32 v53, v30;
	v56 =	vmul.f32 v56, v37  }
0x48b: {  	[tilespmem:$0x1FE30] =	vst v4;
	v4 =	vld.idx.msk [tilespmem:v19+s5+$0x0], $0xffff;
	v13 =	vmul.f32 v31, v30;
	v61 =	vmul.f32 v61, v37;
	v11 =	vunpack.i.l.bf16.f32 v54  }
0x48c: {  	v31 =	vld.idx.msk [tilespmem:v2+s3+$0x0], $0xffff;
	v2 =	vadd.f32 v56, v53;
	v19 =	vunpack.i.u.bf16.f32 v54;
	v11 =	vmul.f32 v11, v38  }
0x48d: {  	v25 =	vld.idx.msk [tilespmem:v25+s3+$0x0], $0xffff;
	v13 =	vadd.f32 v61, v13;
	v19 =	vmul.f32 v19, v38;
	v60 =	vunpack.i.l.bf16.f32 v52  }
0x48e: {  	v54 =	vld.idx.msk [tilespmem:v16+s5+$0x0], $0xffff;
	v61 =	vunpack.i.l.bf16.f32 v51;
	v2 =	vadd.f32 v11, v2;
	v16 =	vmul.f32 v60, v34  }
0x48f: {  	[tilespmem:$0x1FE40] =	vst v1;
	v1 =	vor.u32 $0x1C, v14;
	v3 =	vld.idx.msk [tilespmem:v3+s5+$0x0], $0xffff;
	v56 =	vmul.f32 v61, v32  }
0x490: {  	v11 =	vunpack.i.u.bf16.f32 v52;
	v13 =	vadd.f32 v19, v13;
	v19 =	vld.idx.msk [tilespmem:v0+s3+$0x0], $0xffff;
	v0 =	vadd.f32 v16, v2  }
0x491: {  	v53 =	vld.idx.msk [tilespmem:v55+s5+$0x0], $0xffff;
	v11 =	vmul.f32 v11, v34  }
0x492: {  	v2 =	vunpack.i.u.bf16.f32 v51;
	v0 =	vadd.f32 v56, v0;
	v56 =	vld.idx.msk [tilespmem:v5+s5+$0x0], $0xffff  }
0x493: {  	v11 =	vadd.f32 v11, v13;
	v2 =	vmul.f32 v2, v32;
	v13 =	vunpack.i.l.bf16.f32 v4;
	v5 =	vld [tilespmem:$0x1FED0]  }
0x494: {  	v1 =	vld.idx.msk [tilespmem:v1+s5+$0x0], $0xffff;
	v17 =	vmul.f32 v62, v25;
	v4 =	vunpack.i.u.bf16.f32 v4;
	v13 =	vmul.f32 v13, v36  }
0x495: {  	v61 =	vld [tilespmem:s13+$0xFFFFFFF0];
	v4 =	vmul.f32 v4, v36;
	v2 =	vadd.f32 v2, v11;
	v11 =	vunpack.i.l.bf16.f32 v54  }
0x496: {  	v55 =	vld.idx.msk [tilespmem:v10+s5+$0x0], $0xffff;
	v0 =	vadd.f32 v13, v0;
	v13 =	vunpack.i.u.bf16.f32 v54;
	v11 =	vmul.f32 v11, v39  }
0x497: {  	v52 =	vld.idx.msk [tilespmem:v28+s5+$0x0], $0xffff;
	v2 =	vadd.f32 v4, v2;
	v4 =	vmul.f32 v13, v39;
	v13 =	vunpack.i.l.bf16.f32 v53  }
0x498: {  	v16 =	vld [tilespmem:s14+$0xFFFFFFF0];
	v0 =	vadd.f32 v11, v0;
	v11 =	vunpack.i.u.bf16.f32 v53;
	v13 =	vmul.f32 v13, v40  }
0x499: {  	v54 =	vld.idx.msk [tilespmem:v23+s5+$0x0], $0xffff;
	v2 =	vadd.f32 v4, v2;
	v4 =	vmul.f32 v11, v40;
	v11 =	vor.u32 $0x2, v48  }
0x49a: {  	v15 =	vmul.f32 v63, v25;
	v53 =	vld.idx.msk [tilespmem:v27+s5+$0x0], $0xffff;
	v0 =	vadd.f32 v13, v0;
	v13 =	vor.u32 $0x3, v48  }
0x49b: {  	v47 =	vadd.f32 v59, v47;
	v2 =	vadd.f32 v4, v2;
	v4 =	vor.u32 $0x2, v26;
	[tilespmem:v5+s9+$0x0] =	vst.idx.add.f32.msk $0xffff, v43  }
0x49c: {  	v15 =	vadd.f32 v15, v44;
	v27 =	vor.u32 $0x6, v26;
	v5 =	vld [tilespmem:$0x1FEE0];
	v0 =	vmul.f32 v0, v41  }
0x49d: {  	v23 =	vunpack.i.u.bf16.f32 v12;
	v12 =	vunpack.i.l.bf16.f32 v12;
	v2 =	vmul.f32 v2, v41  }
0x49e: {  	v17 =	vadd.f32 v17, v47;
	v12 =	vmul.f32 v12, v29;
	[tilespmem:v11+s9+$0x0] =	vst.idx.add.f32.msk $0xffff, v0;
	v0 =	vor.u32 $0xA, v26  }
0x49f: {  	v11 =	vmul.f32 v23, v29;
	v23 =	vunpack.i.u.bf16.f32 v3;
	v3 =	vunpack.i.l.bf16.f32 v3;
	[tilespmem:v13+s9+$0x0] =	vst.idx.add.f32.msk $0xffff, v2  }
0x4a0: {  	v2 =	vadd.f32 v12, v15;
	v3 =	vmul.f32 v3, v31;
	v12 =	vor.u32 $0xE, v26;
	v4 =	vld.idx.msk [tilespmem:v4+s5+$0x0], $0xffff  }
0x4a1: {  	v13 =	vmul.f32 v23, v31;
	v15 =	vunpack.i.u.bf16.f32 v1;
	v11 =	vadd.f32 v11, v17;
	v17 =	vld.idx.msk [tilespmem:v27+s5+$0x0], $0xffff  }
0x4a2: {  	v1 =	vunpack.i.l.bf16.f32 v1;
	v2 =	vadd.f32 v3, v2;
	v3 =	vor.u32 $0x12, v26  }
0x4a3: {  	v1 =	vmul.f32 v1, v19;
	v11 =	vadd.f32 v13, v11;
	v13 =	vmul.f32 v15, v19;
	v0 =	vld.idx.msk [tilespmem:v0+s5+$0x0], $0xffff  }
0x4a4: {  	v24 =	vor.u32 $0x7, v24;
	v28 =	vor.u32 $0x1E, v26;
	v15 =	vor.u32 $0x16, v26;
	[tilespmem:v5+s9+$0x0] =	vst.idx.add.f32.msk $0xffff, v58  }
0x4a5: {  	v1 =	vadd.f32 v1, v2;
	v5 =	vmovc v24;
	v2 =	vadd.f32 v13, v11;
	v12 =	vld.idx.msk [tilespmem:v12+s5+$0x0], $0xffff;
	v13 =	vor.u32 $0x1A, v26  }
0x4a6: {  	v62 =	vunpack.i.u.bf16.f32 v4;
	v4 =	vunpack.i.l.bf16.f32 v4;
	v63 =	vunpack.i.l.bf16.f32 v17  }
0x4a7: {  	v17 =	vunpack.i.u.bf16.f32 v17;
	v3 =	vld.idx.msk [tilespmem:v3+s5+$0x0], $0xffff;
	v4 =	vmul.f32 v4, v30;
	v44 =	vmul.f32 v63, v37  }
0x4a8: {  	[tilespmem:$0x1FEE0] =	vst v5;
	v43 =	vmul.f32 v62, v30;
	v17 =	vmul.f32 v17, v37;
	v5 =	vmovc v50;
	v50 =	vunpack.i.l.bf16.f32 v0  }
0x4a9: {  	v15 =	vld.idx.msk [tilespmem:v15+s5+$0x0], $0xffff;
	v4 =	vadd.f32 v44, v4;
	v0 =	vunpack.i.u.bf16.f32 v0;
	v51 =	vmul.f32 v50, v38  }
0x4aa: {  	v17 =	vadd.f32 v17, v43;
	v0 =	vmul.f32 v0, v38;
	v58 =	vunpack.i.l.bf16.f32 v12  }
0x4ab: {  	v13 =	vld.idx.msk [tilespmem:v13+s5+$0x0], $0xffff;
	v12 =	vunpack.i.u.bf16.f32 v12;
	v43 =	vmul.f32 v58, v34;
	v4 =	vadd.f32 v51, v4  }
0x4ac: {  	v12 =	vmul.f32 v12, v34;
	v0 =	vadd.f32 v0, v17;
	v17 =	vunpack.i.l.bf16.f32 v3  }
0x4ad: {  	v3 =	vunpack.i.u.bf16.f32 v3;
	v17 =	vmul.f32 v17, v32;
	v4 =	vadd.f32 v43, v4  }
0x4ae: {  	v28 =	vld.idx.msk [tilespmem:v28+s5+$0x0], $0xffff;
	v3 =	vmul.f32 v3, v32;
	v0 =	vadd.f32 v12, v0;
	v12 =	vunpack.i.l.bf16.f32 v15  }
0x4af: {  	v15 =	vunpack.i.u.bf16.f32 v15;
	v12 =	vmul.f32 v12, v36;
	v4 =	vadd.f32 v17, v4  }
0x4b0: {  	v0 =	vadd.f32 v3, v0;
	v3 =	vmul.f32 v15, v36;
	v15 =	vunpack.i.l.bf16.f32 v13  }
0x4b1: {  	v4 =	vadd.f32 v12, v4;
	v12 =	vunpack.i.u.bf16.f32 v13;
	v13 =	vmul.f32 v15, v39  }
0x4b2: {  	v24 =	vshll.u32 v61, $0x3;
	v0 =	vadd.f32 v3, v0;
	v3 =	vmul.f32 v12, v39  }
0x4b3: {  	v11 =	vor.u32 $0x1, v24;
	v4 =	vadd.f32 v13, v4;
	v13 =	vunpack.i.u.bf16.f32 v28  }
0x4b4: {  	v0 =	vadd.f32 v3, v0;
	v3 =	vmul.f32 v13, v40  }
0x4b5: {  	v1 =	vmul.f32 v1, v16  }
0x4b6: {  	v2 =	vmul.f32 v2, v16;
	v0 =	vadd.f32 v3, v0  }
0x4b7: {  	v46 =	vor.u32 $0x5, v14;
	[tilespmem:v24+s9+$0x0] =	vst.idx.add.f32.msk $0xffff, v1;
	v12 =	vunpack.i.l.bf16.f32 v28  }
0x4b8: {  	[tilespmem:v11+s9+$0x0] =	vst.idx.add.f32.msk $0xffff, v2;
	v12 =	vmul.f32 v12, v40;
	v11 =	vmul.f32 v0, v41;
	v0 =	vor.u32 $0xF, v14  }
0x4b9: {  	v13 =	vor.u32 $0x4, v48;
	[tilespmem:$0x1FEC0] =	vst v0;
	v0 =	vor.u32 $0x13, v14  }
0x4ba: {  	v4 =	vadd.f32 v12, v4;
	v12 =	vor.u32 $0x5, v48;
	[tilespmem:$0x1FEB0] =	vst v0;
	v0 =	vld [tilespmem:$0x1FE00]  }
0x4bb: {  	v15 =	vor.u32 $0x3, v26  }
0x4bc: {  	v17 =	vor.u32 $0x7, v26;
	v4 =	vmul.f32 v4, v41  }
0x4bd: {  	[tilespmem:$0x1FED0] =	vst v5;
	v5 =	vmov v45;
	v45 =	vld.idx.msk [tilespmem:v46+s5+$0x0], $0xffff  }
0x4be: {  	[tilespmem:v13+s9+$0x0] =	vst.idx.add.f32.msk $0xffff, v4  }
0x4bf: {  	[tilespmem:v12+s9+$0x0] =	vst.idx.add.f32.msk $0xffff, v11  }
0x4c0: {  	v4 =	vor.u32 $0xB, v26;
	v11 =	vld.idx.msk [tilespmem:v15+s5+$0x0], $0xffff  }
0x4c1: {  	v8 =	vunpack.i.u.bf16.f32 v33;
	v33 =	vunpack.i.l.bf16.f32 v33;
	v10 =	vunpack.i.l.bf16.f32 v35;
	v13 =	vld.idx.msk [tilespmem:v17+s5+$0x0], $0xffff  }
0x4c2: {  	v46 =	vunpack.i.u.bf16.f32 v35;
	v35 =	vmul.f32 v33, v42;
	v33 =	vmul.f32 v8, v42;
	v8 =	vld.idx.msk [tilespmem:v0+s5+$0x0], $0xffff  }
0x4c3: {  	v12 =	vor.u32 $0xF, v26;
	v0 =	vld [tilespmem:$0x1FE10];
	_ =	sdelay $0x1  }
0x4c4: {  	v7 =	vor.u32 $0x13, v26;
	v4 =	vld.idx.msk [tilespmem:v4+s5+$0x0], $0xffff  }
0x4c5: {  	v9 =	vor.u32 $0x17, v26;
	v42 =	vor.u32 $0x1B, v26;
	v15 =	vunpack.i.l.bf16.f32 v13  }
0x4c6: {  	v43 =	vmovc v57;
	v57 =	vor.u32 $0x1F, v26;
	v13 =	vunpack.i.u.bf16.f32 v13;
	v15 =	vmul.f32 v15, v37  }
0x4c7: {  	v12 =	vld.idx.msk [tilespmem:v12+s5+$0x0], $0xffff;
	v26 =	vmul.f32 v10, v0;
	v10 =	vunpack.i.u.bf16.f32 v11;
	v11 =	vunpack.i.l.bf16.f32 v11  }
0x4c8: {  	v49 =	vor.u32 $0x1, v14;
	v13 =	vmul.f32 v13, v37;
	v11 =	vmul.f32 v11, v30  }
0x4c9: {  	v7 =	vld.idx.msk [tilespmem:v7+s5+$0x0], $0xffff;
	v10 =	vmul.f32 v10, v30;
	v30 =	vunpack.i.l.bf16.f32 v4;
	v4 =	vunpack.i.u.bf16.f32 v4  }
0x4ca: {  	v4 =	vmul.f32 v4, v38  }
0x4cb: {  	v9 =	vld.idx.msk [tilespmem:v9+s5+$0x0], $0xffff;
	v11 =	vadd.f32 v15, v11;
	v15 =	vmul.f32 v30, v38;
	v10 =	vadd.f32 v13, v10  }
0x4cc: {  	v59 =	vor.u32 $0x11, v14;
	v13 =	vunpack.i.l.bf16.f32 v12;
	v12 =	vunpack.i.u.bf16.f32 v12  }
0x4cd: {  	v6 =	vld.idx.msk [tilespmem:v49+s5+$0x0], $0xffff;
	v13 =	vmul.f32 v13, v34;
	v11 =	vadd.f32 v15, v11;
	v4 =	vadd.f32 v4, v10  }
0x4ce: {  	v30 =	vld.idx.msk [tilespmem:v42+s5+$0x0], $0xffff;
	v10 =	vmul.f32 v12, v34;
	v12 =	vunpack.i.l.bf16.f32 v7;
	v7 =	vunpack.i.u.bf16.f32 v7  }
0x4cf: {  	v23 =	vor.u32 $0x19, v14;
	v17 =	vld [tilespmem:$0x1FE20];
	v12 =	vmul.f32 v12, v32;
	v7 =	vmul.f32 v7, v32  }
0x4d0: {  	v15 =	vld.idx.msk [tilespmem:v57+s5+$0x0], $0xffff;
	v11 =	vadd.f32 v13, v11;
	v4 =	vadd.f32 v10, v4;
	v10 =	vunpack.i.l.bf16.f32 v9  }
0x4d1: {  	v27 =	vor.u32 $0x1D, v14;
	v37 =	vld.idx.msk [tilespmem:v59+s5+$0x0], $0xffff;
	v9 =	vunpack.i.u.bf16.f32 v9;
	v10 =	vmul.f32 v10, v36  }
0x4d2: {  	v59 =	vld [tilespmem:$0x1FE30];
	v11 =	vadd.f32 v12, v11;
	v4 =	vadd.f32 v7, v4;
	v7 =	vmul.f32 v9, v36  }
0x4d3: {  	v9 =	vunpack.i.l.bf16.f32 v30;
	v12 =	vunpack.i.u.bf16.f32 v6;
	v6 =	vunpack.i.l.bf16.f32 v6  }
0x4d4: {  	v9 =	vmul.f32 v9, v39;
	v10 =	vadd.f32 v10, v11;
	v11 =	vunpack.i.u.bf16.f32 v30  }
0x4d5: {  	v4 =	vadd.f32 v7, v4;
	v7 =	vmul.f32 v11, v39;
	v11 =	vunpack.i.l.bf16.f32 v15  }
0x4d6: {  	v9 =	vadd.f32 v9, v10;
	v10 =	vunpack.i.u.bf16.f32 v15;
	v11 =	vmul.f32 v11, v40  }
0x4d7: {  	v4 =	vadd.f32 v7, v4;
	v7 =	vmul.f32 v10, v40;
	v10 =	vor.u32 $0x6, v48  }
0x4d8: {  	v6 =	vmul.f32 v6, v43;
	v9 =	vadd.f32 v11, v9;
	v11 =	vor.u32 $0x7, v48  }
0x4d9: {  	v17 =	vld.idx.msk [tilespmem:v17+s5+$0x0], $0xffff;
	v12 =	vmul.f32 v12, v43;
	v15 =	vunpack.i.u.bf16.f32 v45;
	v4 =	vadd.f32 v7, v4  }
0x4da: {  	v38 =	vld.idx.msk [tilespmem:v59+s5+$0x0], $0xffff;
	v15 =	vmul.f32 v15, v21;
	v7 =	vunpack.i.l.bf16.f32 v45;
	v9 =	vmul.f32 v9, v41  }
0x4db: {  	v13 =	vld.idx.msk [tilespmem:v27+s5+$0x0], $0xffff;
	v27 =	vunpack.i.u.bf16.f32 v8;
	v7 =	vmul.f32 v7, v21;
	v4 =	vmul.f32 v4, v41  }
0x4dc: {  	[tilespmem:v10+s9+$0x0] =	vst.idx.add.f32.msk $0xffff, v9;
	v9 =	vmul.f32 v27, v22  }
0x4dd: {  	[tilespmem:v11+s9+$0x0] =	vst.idx.add.f32.msk $0xffff, v4;
	v4 =	vadd.f32 v7, v6;
	v6 =	vadd.f32 v15, v12  }
0x4de: {  	v10 =	vunpack.i.u.bf16.f32 v17  }
0x4df: {  	v23 =	vld.idx.msk [tilespmem:v23+s5+$0x0], $0xffff;
	v8 =	vunpack.i.l.bf16.f32 v8;
	v10 =	vmul.f32 v10, v20;
	v6 =	vadd.f32 v9, v6  }
0x4e0: {  	v8 =	vmul.f32 v8, v22;
	v11 =	vunpack.i.u.bf16.f32 v37  }
0x4e1: {  	v7 =	vunpack.i.l.bf16.f32 v17;
	v9 =	vmul.f32 v11, v25;
	v6 =	vadd.f32 v10, v6  }
0x4e2: {  	v7 =	vmul.f32 v7, v20;
	v4 =	vadd.f32 v8, v4;
	v11 =	vunpack.i.u.bf16.f32 v38  }
0x4e3: {  	v8 =	vunpack.i.l.bf16.f32 v37;
	v10 =	vmul.f32 v11, v29;
	v6 =	vadd.f32 v9, v6  }
0x4e4: {  	v8 =	vmul.f32 v8, v25;
	v4 =	vadd.f32 v7, v4;
	v11 =	vunpack.i.u.bf16.f32 v23  }
0x4e5: {  	v7 =	vunpack.i.l.bf16.f32 v38;
	v9 =	vmul.f32 v11, v31;
	v6 =	vadd.f32 v10, v6  }
0x4e6: {  	v7 =	vmul.f32 v7, v29;
	v11 =	vunpack.i.u.bf16.f32 v13  }
0x4e7: {  	v12 =	vld [tilespmem:$0x1FE40];
	v4 =	vadd.f32 v8, v4;
	v10 =	vmul.f32 v11, v19;
	v6 =	vadd.f32 v9, v6  }
0x4e8: {  	v8 =	vunpack.i.l.bf16.f32 v23  }
0x4e9: {  	v8 =	vmul.f32 v8, v31;
	v4 =	vadd.f32 v7, v4;
	v6 =	vadd.f32 v10, v6;
	v10 =	vld [tilespmem:$0x1FE50]  }
0x4ea: {  	v7 =	vunpack.i.l.bf16.f32 v13  }
0x4eb: {  	v7 =	vmul.f32 v7, v19;
	v4 =	vadd.f32 v8, v4  }
0x4ec: {  	v28 =	vor.u32 $0x2, v24;
	v3 =	vor.u32 $0x3, v24;
	v11 =	vunpack.i.u.bf16.f32 v12  }
0x4ed: {  	v12 =	vunpack.i.l.bf16.f32 v12;
	v8 =	vmul.f32 v46, v0;
	v4 =	vadd.f32 v7, v4  }
0x4ee: {  	v9 =	vadd.f32 v26, v35;
	v7 =	vmul.f32 v12, v10  }
0x4ef: {  	v8 =	vadd.f32 v8, v33;
	v4 =	vmul.f32 v4, v16  }
0x4f0: {  	v6 =	vmul.f32 v6, v16;
	v10 =	vmul.f32 v11, v10;
	v7 =	vadd.f32 v7, v9;
	v9 =	vld [tilespmem:$0x1FE60]  }
0x4f1: {  	[tilespmem:v28+s9+$0x0] =	vst.idx.add.f32.msk $0xffff, v4  }
0x4f2: {  	[tilespmem:v3+s9+$0x0] =	vst.idx.add.f32.msk $0xffff, v6;
	v3 =	vunpack.i.l.bf16.f32 v55;
	v8 =	vadd.f32 v10, v8;
	v10 =	vunpack.i.u.bf16.f32 v55  }
0x4f3: {  	v3 =	vmul.f32 v3, v5;
	v6 =	vmul.f32 v10, v5;
	v5 =	vld [tilespmem:$0x1FE80]  }
0x4f4: {  	v11 =	vunpack.i.u.bf16.f32 v56;
	v12 =	vunpack.i.l.bf16.f32 v56  }
0x4f5: {  	v1 =	vor.u32 $0x6, v14;
	v4 =	vmul.f32 v12, v9;
	v9 =	vmul.f32 v11, v9  }
0x4f6: {  	v18 =	vor.u32 $0xA, v14  }
0x4f7: {  	v0 =	vunpack.i.u.bf16.f32 v54;
	v4 =	vadd.f32 v4, v7;
	v7 =	vadd.f32 v9, v8  }
0x4f8: {  	v2 =	vor.u32 $0x2, v14;
	v0 =	vmul.f32 v0, v5;
	v9 =	vunpack.i.l.bf16.f32 v54  }
0x4f9: {  	v3 =	vadd.f32 v3, v4;
	v4 =	vadd.f32 v6, v7;
	v6 =	vmul.f32 v9, v5;
	v5 =	vld [tilespmem:$0x1FE90]  }
0x4fa: {  	v47 =	vor.u32 $0x3, v14;
	v8 =	vld.idx.msk [tilespmem:v1+s5+$0x0], $0xffff  }
0x4fb: {  	v61 =	vor.u32 $0x16, v14;
	v60 =	vor.u32 $0x4, v24;
	v63 =	vor.u32 $0xE, v14;
	v1 =	vld.idx.msk [tilespmem:v18+s5+$0x0], $0xffff  }
0x4fc: {  	v62 =	vor.u32 $0x12, v14;
	v44 =	vor.u32 $0x5, v24;
	v50 =	vor.u32 $0x1E, v14  }
0x4fd: {  	v58 =	vor.u32 $0x1A, v14;
	v2 =	vld.idx.msk [tilespmem:v2+s5+$0x0], $0xffff;
	v10 =	vunpack.i.u.bf16.f32 v53;
	v9 =	vunpack.i.l.bf16.f32 v53  }
0x4fe: {  	v3 =	vadd.f32 v6, v3;
	v10 =	vmul.f32 v10, v5;
	v6 =	vmul.f32 v9, v5;
	v5 =	vld [tilespmem:$0x1FEA0]  }
0x4ff: {  	v51 =	vor.u32 $0x7, v14;
	v49 =	vor.u32 $0xB, v14;
	v27 =	vor.u32 $0x1B, v14  }
0x500: {  	v59 =	vmovc v22;
	v23 =	vor.u32 $0x17, v14;
	v13 =	vunpack.i.l.bf16.f32 v52;
	v17 =	vunpack.i.u.bf16.f32 v1  }
0x501: {  	v28 =	vor.u32 $0x1F, v14;
	v4 =	vadd.f32 v0, v4;
	v17 =	vmul.f32 v17, v59  }
0x502: {  	v7 =	vld.idx.msk [tilespmem:v63+s5+$0x0], $0xffff;
	v9 =	vunpack.i.u.bf16.f32 v52;
	v14 =	vadd.f32 v6, v3;
	v6 =	vunpack.i.l.bf16.f32 v8  }
0x503: {  	v57 =	vmovc v21;
	v0 =	vmul.f32 v9, v5;
	v9 =	vunpack.i.u.bf16.f32 v2;
	v2 =	vunpack.i.l.bf16.f32 v2  }
0x504: {  	v11 =	vld.idx.msk [tilespmem:v62+s5+$0x0], $0xffff;
	v3 =	vunpack.i.u.bf16.f32 v8;
	v6 =	vmul.f32 v6, v57;
	v2 =	vmul.f32 v2, v43  }
0x505: {  	v12 =	vld.idx.msk [tilespmem:v61+s5+$0x0], $0xffff;
	v1 =	vunpack.i.l.bf16.f32 v1;
	v3 =	vmul.f32 v3, v57;
	v9 =	vmul.f32 v9, v43  }
0x506: {  	v1 =	vmul.f32 v1, v59;
	v8 =	vld.idx.msk [tilespmem:v50+s5+$0x0], $0xffff;
	v50 =	vor.u32 $0x6, v24;
	v2 =	vadd.f32 v6, v2  }
0x507: {  	v56 =	vmovc v20;
	v6 =	vunpack.i.u.bf16.f32 v7;
	v3 =	vadd.f32 v3, v9;
	v7 =	vunpack.i.l.bf16.f32 v7  }
0x508: {  	v15 =	vld.idx.msk [tilespmem:v58+s5+$0x0], $0xffff;
	v20 =	vmul.f32 v13, v5;
	v1 =	vadd.f32 v1, v2;
	v2 =	vmul.f32 v7, v56  }
0x509: {  	v45 =	vmovc v25;
	v9 =	vunpack.i.l.bf16.f32 v11;
	v6 =	vmul.f32 v6, v56;
	v3 =	vadd.f32 v17, v3  }
0x50a: {  	v7 =	vunpack.i.u.bf16.f32 v11;
	v1 =	vadd.f32 v2, v1;
	v2 =	vmul.f32 v9, v45  }
0x50b: {  	s15 =	sadd.s32 $0x2, s15;
	v63 =	vmovc v29;
	v7 =	vmul.f32 v7, v45;
	v3 =	vadd.f32 v6, v3;
	v6 =	vunpack.i.l.bf16.f32 v12  }
0x50c: {  	p1 =	slt.u32 s15, $0x30;
	v9 =	vunpack.i.u.bf16.f32 v12;
	v1 =	vadd.f32 v2, v1;
	v2 =	vmul.f32 v6, v63  }
.Ltmp8:
0x50d: {  	v62 =	vmovc v31;
	v9 =	vmul.f32 v9, v63;
	v3 =	vadd.f32 v7, v3;
	v7 =	vunpack.i.l.bf16.f32 v15;
	(pc) =	sbr.rel @p1 .LBB2_15-.Ltmp8, $4  }
0x50e: {  	v55 =	vld [tilespmem:$0x1FE70];
	v6 =	vunpack.i.u.bf16.f32 v15;
	v7 =	vmul.f32 v7, v62;
	v1 =	vadd.f32 v2, v1  }
0x50f: {  	v54 =	vld [tilespmem:$0x1FFF0];
	v6 =	vmul.f32 v6, v62;
	v2 =	vunpack.i.u.bf16.f32 v8;
	v3 =	vadd.f32 v9, v3  }
0x510: {  	v42 =	vmovc v43;
	v5 =	vld [tilespmem:$0x1FEC0];
	v8 =	vunpack.i.l.bf16.f32 v8;
	v2 =	vmul.f32 v2, v19;
	v18 =	vadd.f32 v7, v1  }
0x511: {  	s16 =	sadd.s32 $0x20, s16;
	v58 =	vmovc v19;
	v22 =	vmul.f32 v8, v19;
	v1 =	vadd.f32 v10, v4;
	v10 =	vld [tilespmem:$0x1FEB0];
	v3 =	vadd.f32 v6, v3  }
0x512: {  	_ = 	snop  }
0x513: {  	v4 =	vadd.f32 v22, v18  }
0x514: {  	v2 =	vadd.f32 v2, v3  }
0x515: {  	v36 =	vmul.f32 v4, v16  }
0x516: {  	v2 =	vmul.f32 v2, v16  }
0x517: {  	[tilespmem:v60+s9+$0x0] =	vst.idx.add.f32.msk $0xffff, v36  }
0x518: {  	[tilespmem:v44+s9+$0x0] =	vst.idx.add.f32.msk $0xffff, v2  }
0x519: {  	v2 =	vld.idx.msk [tilespmem:v47+s5+$0x0], $0xffff  }
0x51a: {  	v3 =	vld.idx.msk [tilespmem:v51+s5+$0x0], $0xffff  }
0x51b: {  	v37 =	vld.idx.msk [tilespmem:v49+s5+$0x0], $0xffff  }
0x51c: {  	v7 =	vld.idx.msk [tilespmem:v5+s5+$0x0], $0xffff;
	_ =	sdelay $0x1  }
0x51d: {  	v10 =	vld.idx.msk [tilespmem:v10+s5+$0x0], $0xffff  }
0x51e: {  	v8 =	vunpack.i.u.bf16.f32 v2  }
0x51f: {  	v41 =	vld.idx.msk [tilespmem:v27+s5+$0x0], $0xffff;
	v2 =	vunpack.i.l.bf16.f32 v2;
	v9 =	vunpack.i.l.bf16.f32 v3;
	v3 =	vunpack.i.u.bf16.f32 v3  }
0x520: {  	v39 =	vunpack.i.l.bf16.f32 v37;
	v4 =	vunpack.i.u.bf16.f32 v37;
	v40 =	vunpack.i.l.bf16.f32 v7  }
0x521: {  	v7 =	vunpack.i.u.bf16.f32 v7;
	v38 =	vmul.f32 v8, v42;
	v3 =	vmul.f32 v3, v57  }
0x522: {  	v43 =	vunpack.i.l.bf16.f32 v10;
	v2 =	vmul.f32 v2, v42;
	v9 =	vmul.f32 v9, v57  }
0x523: {  	v11 =	vld.idx.msk [tilespmem:v23+s5+$0x0], $0xffff;
	v8 =	vmul.f32 v39, v59;
	v4 =	vmul.f32 v4, v59;
	v3 =	vadd.f32 v3, v38  }
0x524: {  	v52 =	vunpack.i.l.bf16.f32 v41;
	v5 =	vmul.f32 v40, v56;
	v42 =	vmul.f32 v7, v56  }
0x525: {  	v2 =	vadd.f32 v9, v2;
	v9 =	vunpack.i.u.bf16.f32 v41;
	v3 =	vadd.f32 v4, v3  }
0x526: {  	v10 =	vunpack.i.u.bf16.f32 v10;
	v53 =	vmul.f32 v52, v62;
	v56 =	vmul.f32 v9, v62;
	v62 =	vld [tilespmem:$0x1FED0]  }
0x527: {  	v44 =	vld.idx.msk [tilespmem:v28+s5+$0x0], $0xffff;
	v47 =	vmul.f32 v10, v45;
	v2 =	vadd.f32 v8, v2;
	v3 =	vadd.f32 v42, v3  }
0x528: {  	v49 =	vunpack.i.u.bf16.f32 v11;
	v46 =	vmul.f32 v43, v45  }
0x529: {  	v51 =	vmul.f32 v49, v63;
	v2 =	vadd.f32 v5, v2;
	v3 =	vadd.f32 v47, v3  }
0x52a: {  	v6 =	vadd.f32 v20, v14;
	v48 =	vunpack.i.l.bf16.f32 v11  }
0x52b: {  	v4 =	vmul.f32 v48, v63;
	v2 =	vadd.f32 v46, v2;
	v3 =	vadd.f32 v51, v3  }
0x52c: {  	v6 =	vmul.f32 v6, v55;
	v8 =	vunpack.i.u.bf16.f32 v44  }
0x52d: {  	v60 =	vmul.f32 v8, v58;
	v2 =	vadd.f32 v4, v2;
	v3 =	vadd.f32 v56, v3  }
0x52e: {  	v0 =	vadd.f32 v0, v1;
	v57 =	vunpack.i.l.bf16.f32 v44;
	[tilespmem:v62+s9+$0x0] =	vst.idx.add.f32.msk $0xffff, v6  }
0x52f: {  	v59 =	vmul.f32 v57, v58;
	v2 =	vadd.f32 v53, v2;
	v1 =	vadd.f32 v60, v3;
	v3 =	vld [tilespmem:$0x1FEE0];
	_ =	sdelay $0x1  }
0x530: {  	v61 =	vor.u32 $0x7, v24;
	v2 =	vadd.f32 v59, v2;
	_ =	sdelay $0x1  }
.Ltmp9:
0x531: {  	v2 =	vmul.f32 v2, v16;
	(pc) =	sbr.rel @p0 .LBB2_18-.Ltmp9, $4  }
0x532: {  	v63 =	vmul.f32 v1, v16  }
0x533: {  	v0 =	vmul.f32 v0, v55;
	[tilespmem:v50+s9+$0x0] =	vst.idx.add.f32.msk $0xffff, v2  }
0x534: {  	[tilespmem:v61+s9+$0x0] =	vst.idx.add.f32.msk $0xffff, v63  }
0x535: {  	[tilespmem:v3+s9+$0x0] =	vst.idx.add.f32.msk $0xffff, v0  }
0x536: {  	s12 =	smul.u32 $0x640, s11;
	_ =	sdelay $0x1  }
0x537: {  	s12 =	sadd.s32 s12, s18  }
0x538: {  	s12 =	sshrl.u32 s12, $0x3  }
0x539: {  	s13 =	sadd.s32 s6, s12  }
0x53a: {  	[tilespmem:s25], [sflag:$0x1] =	stream.linear.gather [hbm4b:s13+s5], $0x320, $0x38;
	[tilespmem:$0x1A040] =	vst v63  }
0x53b: {  	s14 =	simm.s32 $0x17DE0;
	s19 =	sadd.s32 s2, s12  }
0x53c: {  	[tilespmem:s14], [sflag:$0x1] =	stream.linear.gather [hbm4b:s19+s5], $0x320, $0x38;
	[tilespmem:$0x1A040] =	vst v63  }
.Ltmp10:
0x53d: {  	_ = 	snop;
	(pc) =	sbr.rel .LBB2_6-.Ltmp10, $4  }
0x53e: {  	s16 =	simm.s32 $0x18100;
	s15 =	sadd.s32 s4, s12  }
0x53f: {  	[tilespmem:s16], [sflag:$0x1] =	stream.linear.gather [hbm4b:s15+s5], $0x320, $0x38;
	[tilespmem:$0x1A040] =	vst v63  }
0x540: {  	s11 =	sadd.s32 $0x1, s11;
	s12 =	sadd.s32 s7, s12;
	s19 =	simm.s32 $0x18420  }
0x541: {  	v3 =	vld [tilespmem:$0x1FFE0];
	[tilespmem:s19], [sflag:$0x1] =	stream.linear.gather [hbm4b:s12+s5], $0x320, $0x38  }
.LBB2_19:
0x542: {  	_ =	sfence.sel $0x180000  }
0x543: {  	[bflag:$0x0] =	sbarrier.arrive $0xFFFF  }
0x544: {  	_ =	strace $0x90000047  }
0x545: {  	s0 =	stileid.u32;
	[bflag:$0x2] =	sbarrier.arrive $0xFFFF  }
0x546: {  	p0 =	sne.s32 s0, $0x0;
	s0 =	rddreg [dreg:$0x4]  }
0x547: {  	s0 =	sadd.s32 @!p0 $0x100000, s0  }
0x548: {  	[sflag:s0] =	ssyncadd.tile.s32 @!p0 $0x1;
	_ =	shalt  }
.Lfunc_end2:
_tile_overlayer_lowered:
.L_overlay_start_2:
0x549: {  	(tag) =	ssettag $0x2  }
0x54a: {  	s0 =	rddreg [dreg:$0x0];
	s2 =	stileid.u32  }
0x54b: {  	s1 =	rddreg [dreg:$0x1];
	p0 =	sne.s32 s2, $0x0  }
0x54c: {  	s3 =	rddreg [dreg:$0x2];
	[bflag:$0x3] =	sbarrier.arrive $0xFFFF;
	s2 =	simm.s32 @!p0 $0x1C04  }
0x54d: {  	[timem:s3], [sflag:s2] =	dma.local @!p0 [hbm:s0], s1  }
0x54e: {  	s0 =	simm.s32 @!p0 $0x4  }
0x54f: {  	_ =	swait.ge @!p0 [sflag:s0], s1  }
0x550: {  	s1 =	ssub.s32 @!p0 $0x0, s1;
	[sflag:s0] =	ssyncset.done @!p0 $0x0  }
0x551: {  	[sflag:s0] =	ssyncadd.s32 @!p0 s1  }
0x552: {  	[bflag:$0x3] =	sbarrier.arrive $0xFFFF  }
0x553: {  	_ =	shalt  }

</sc_bundles>
